<compile_context>
chip_gen: v7x
topology: tpu7x:2x2x1
jax: 0.10.2.dev20260603
libtpu: 0.0.44.dev20260713+nightly
codegen_flags: <defaults>
</compile_context>

<pallas_src>
import functools

import jax
import jax.numpy as jnp
from jax import lax
from jax.experimental import pallas as pl
from jax.experimental.pallas import tpu as pltpu
from jax.experimental.pallas import tpu_sc as plsc

N = 10000
E = 160000
D = 256
DE = 16
HALF = 128
NC = 2
NS = 16
NW = NC * NS

C1 = 80
K1 = E // NS // C1
NB1 = 2

EPT = E // NW
C2 = 40
K2 = EPT // C2

NP = 10240
RPT = NP // NS
SR = 64
RB = 1000

_MESH = plsc.VectorSubcoreMesh(core_axis_name="c", subcore_axis_name="s")


def _sc_segment_sum_x(x2, src3, dst3, z_s):

  @functools.partial(
      pl.kernel,
      mesh=_MESH,
      out_type=jax.ShapeDtypeStruct((NC, NP, HALF), jnp.float32),
      scratch_types=[
          pltpu.VMEM((E // NS,), jnp.int32),
          pltpu.VMEM((K1, C1), jnp.int32),
          pltpu.VMEM_SHARED((NP, HALF), jnp.float32),
      ] + [pltpu.VMEM((C1,), jnp.int32) for _ in range(NB1)]
        + [pltpu.VMEM((C1, HALF), jnp.float32) for _ in range(NB1)]
        + [pltpu.SemaphoreType.DMA for _ in range(NB1)],
  )
  def k(xf_hbm, src_hbm, dst_hbm, zs_hbm, s_out,
        src_all, dst_all, s_sh, *rest):
    cidx = rest[:NB1]
    bufs = rest[NB1:2 * NB1]
    sems = rest[2 * NB1:]
    c = lax.axis_index("c")
    s = lax.axis_index("s")
    r0 = s * RPT

    pltpu.sync_copy(src_hbm.at[s], src_all)
    pltpu.sync_copy(dst_hbm.at[s], dst_all)

    pltpu.sync_copy(zs_hbm.at[pl.ds(0, C1)], bufs[0])
    for j in range(RPT // C1):
      pltpu.sync_copy(bufs[0], s_sh.at[pl.ds(r0 + j * C1, C1)])
    plsc.subcore_barrier()

    def comp_idx(k_, b):
      for g in range(C1 // 16):
        v = src_all[pl.ds(k_ * C1 + g * 16, 16)]
        cidx[b][pl.ds(g * 16, 16)] = v + v + c

    for b in range(NB1):
      comp_idx(b, b)
      pltpu.async_copy(xf_hbm.at[cidx[b]], bufs[b], sems[b])

    def outer(kk, carry):
      for b in range(NB1):
        k_ = kk * NB1 + b
        pltpu.make_async_copy(xf_hbm.at[cidx[b]], bufs[b], sems[b]).wait()
        pltpu.sync_copy(bufs[b], s_sh.at[dst_all.at[k_]], add=True)

        @pl.when(k_ + NB1 < K1)
        def _():
          comp_idx(k_ + NB1, b)
          pltpu.async_copy(xf_hbm.at[cidx[b]], bufs[b], sems[b])

      return carry

    lax.fori_loop(0, K1 // NB1, outer, 0)
    for k_ in range(NB1 * (K1 // NB1), K1):
      b = k_ % NB1
      pltpu.make_async_copy(xf_hbm.at[cidx[b]], bufs[b], sems[b]).wait()
      pltpu.sync_copy(bufs[b], s_sh.at[dst_all.at[k_]], add=True)
    plsc.subcore_barrier()

    for j in range(RPT // C1):
      rj = r0 + j * C1
      pltpu.sync_copy(s_sh.at[pl.ds(rj, C1)], bufs[0])
      pltpu.sync_copy(bufs[0], s_out.at[c].at[pl.ds(rj, C1)])

  return k(x2, src3, dst3, z_s)


def _sc_segment_sum_ea(ea3, dst3, z_s):

  @functools.partial(
      pl.kernel,
      mesh=_MESH,
      out_type=jax.ShapeDtypeStruct((NC, NP, HALF), jnp.float32),
      scratch_types=[
          pltpu.VMEM((K2, C2), jnp.int32),
          pltpu.VMEM((C2, DE), jnp.float32),
          pltpu.VMEM((C2, DE), jnp.float32),
          pltpu.VMEM((C2, HALF), jnp.float32),
          pltpu.VMEM((C2, HALF), jnp.float32),
          pltpu.VMEM_SHARED((NP, HALF), jnp.float32),
          pltpu.SemaphoreType.DMA,
          pltpu.SemaphoreType.DMA,
          pltpu.SemaphoreType.DMA,
          pltpu.SemaphoreType.DMA,
      ],
  )
  def k(ea_hbm, dst_hbm, zs_hbm, t_out,
        dst_all, ea_a, ea_b, rows_a, rows_b, t_sh, sem_a, sem_b,
        ssem_a, ssem_b):
    c = lax.axis_index("c")
    s = lax.axis_index("s")
    w = c * NS + s
    r0 = s * RPT
    ea_bufs = (ea_a, ea_b)
    rows = (rows_a, rows_b)
    sems = (sem_a, sem_b)
    ssems = (ssem_a, ssem_b)

    pltpu.sync_copy(dst_hbm.at[w], dst_all)
    pltpu.sync_copy(zs_hbm.at[pl.ds(0, C2)], rows_a)
    pltpu.sync_copy(zs_hbm.at[pl.ds(0, C2)], rows_b)
    for j in range(RPT // C2):
      pltpu.sync_copy(rows_a, t_sh.at[pl.ds(r0 + j * C2, C2)])
    plsc.subcore_barrier()

    for b in range(2):
      pltpu.async_copy(ea_hbm.at[w].at[pl.ds(b * C2, C2)],
                       ea_bufs[b], sems[b])

    def outer(kk, carry):
      for b in range(2):
        k_ = kk * 2 + b
        pltpu.make_async_copy(ea_hbm.at[w].at[pl.ds(k_ * C2, C2)],
                              ea_bufs[b], sems[b]).wait()
        @pl.when(k_ >= 2)
        def _():
          pltpu.make_async_copy(rows[b], t_sh.at[dst_all.at[k_ - 2]],
                                ssems[b]).wait()

        for j in range(C2):
          rows[b][j, pl.ds(0, DE)] = ea_bufs[b][j]
        pltpu.async_copy(rows[b], t_sh.at[dst_all.at[k_]], ssems[b],
                         add=True)

        @pl.when(k_ + 2 < K2)
        def _():
          pltpu.async_copy(ea_hbm.at[w].at[pl.ds((k_ + 2) * C2, C2)],
                           ea_bufs[b], sems[b])

      return carry

    lax.fori_loop(0, K2 // 2, outer, 0)
    for k_ in range(2 * (K2 // 2), K2):
      b = k_ % 2
      pltpu.make_async_copy(ea_hbm.at[w].at[pl.ds(k_ * C2, C2)],
                            ea_bufs[b], sems[b]).wait()
      pltpu.make_async_copy(rows[b], t_sh.at[dst_all.at[k_ - 2]],
                            ssems[b]).wait()
      for j in range(C2):
        rows[b][j, pl.ds(0, DE)] = ea_bufs[b][j]
      pltpu.sync_copy(rows[b], t_sh.at[dst_all.at[k_]], add=True)
    for k_ in ([K2 - 2] if K2 % 2 else [K2 - 2, K2 - 1]):
      pltpu.make_async_copy(rows[k_ % 2], t_sh.at[dst_all.at[k_]],
                            ssems[k_ % 2]).wait()
    plsc.subcore_barrier()

    for j in range(RPT // C2):
      rj = r0 + j * C2
      pltpu.sync_copy(t_sh.at[pl.ds(rj, C2)], rows_a)
      pltpu.sync_copy(rows_a, t_out.at[c].at[pl.ds(rj, C2)])

  return k(ea3, dst3, z_s)


def _tc_body(x_ref, s_ref, t_ref, w_ref, ws_ref, we_ref, b_ref, g_ref,
             be_ref, o_ref):
  w = w_ref[...]
  out = jnp.dot(s_ref[0], w[:HALF, :], preferred_element_type=jnp.float32)
  out += jnp.dot(s_ref[1], w[HALF:, :], preferred_element_type=jnp.float32)
  t = t_ref[0] + t_ref[1]
  out += jnp.dot(t[:, :DE], we_ref[...], preferred_element_type=jnp.float32)
  out += jnp.dot(x_ref[...], ws_ref[...], preferred_element_type=jnp.float32)
  out += b_ref[...]
  mu = jnp.mean(out, axis=-1, keepdims=True)
  var = jnp.mean(jnp.square(out - mu), axis=-1, keepdims=True)
  y = (out - mu) * lax.rsqrt(var + 1e-5) * g_ref[...] + be_ref[...]
  o_ref[...] = jnp.maximum(y, 0.0)


def _tc_combine(x, s_acc, t_acc, w, w_self, we, b, gamma, beta):
  return pl.pallas_call(
      _tc_body,
      grid=(N // RB,),
      in_specs=[
          pl.BlockSpec((RB, D), lambda i: (i, 0)),
          pl.BlockSpec((NC, RB, HALF), lambda i: (0, i, 0)),
          pl.BlockSpec((NC, RB, HALF), lambda i: (0, i, 0)),
          pl.BlockSpec((D, D), lambda i: (0, 0)),
          pl.BlockSpec((D, D), lambda i: (0, 0)),
          pl.BlockSpec((DE, D), lambda i: (0, 0)),
          pl.BlockSpec((1, D), lambda i: (0, 0)),
          pl.BlockSpec((1, D), lambda i: (0, 0)),
          pl.BlockSpec((1, D), lambda i: (0, 0)),
      ],
      out_specs=pl.BlockSpec((RB, D), lambda i: (i, 0)),
      out_shape=jax.ShapeDtypeStruct((N, D), jnp.float32),
  )(x, s_acc, t_acc, w, w_self, we, b.reshape(1, D), gamma.reshape(1, D),
    beta.reshape(1, D))


@jax.jit
def kernel(x, edge_index, edge_attr, W, W_self, We, b, gamma, beta):
  src = edge_index[0]
  dst = edge_index[1]
  xf = x.reshape(NC * N, HALF)
  z_s = jnp.zeros((HALF, HALF), jnp.float32)

  src3 = src.reshape(NS, E // NS)
  dst3 = dst.reshape(NS, K1, C1)
  s_acc = _sc_segment_sum_x(xf, src3, dst3, z_s)

  dst_t = dst.reshape(NW, K2, C2)
  ea_t = edge_attr.reshape(NW, EPT, DE)
  t_acc = _sc_segment_sum_ea(ea_t, dst_t, z_s)

  return _tc_combine(x, s_acc, t_acc, W, W_self, We, b, gamma, beta)

# --- scband reference (transcript-rebuilt; emitter-appended) ---
"""Pipeline reference for scband-graph-layer-54013508714682 (READ-ONLY COPY).

The authoritative reference and input builder live on the scoring server;
editing this copy changes nothing except your own understanding.
"""

import jax, jax.numpy as jnp
import numpy as np

N = 10000
E = 160000
D = 256
DE = 16


def setup_inputs(seed: int = 0) -> dict:
    key = jax.random.key(seed)
    ks = jax.random.split(key, 10)
    x = jax.random.normal(ks[0], (N, D), dtype=jnp.float32)
    edge_index = jax.random.randint(ks[1], (2, E), 0, N, dtype=jnp.int32)
    edge_attr = jax.random.normal(ks[2], (E, DE), dtype=jnp.float32)
    # learned parameters of the graph conv (GCN-like with edge features) + LayerNorm
    W = jax.random.normal(ks[3], (D, D), dtype=jnp.float32) * (1.0 / np.sqrt(D))
    W_self = jax.random.normal(ks[4], (D, D), dtype=jnp.float32) * (1.0 / np.sqrt(D))
    We = jax.random.normal(ks[5], (DE, D), dtype=jnp.float32) * (1.0 / np.sqrt(DE))
    b = jnp.zeros((D,), dtype=jnp.float32)
    gamma = jnp.ones((D,), dtype=jnp.float32)
    beta = jnp.zeros((D,), dtype=jnp.float32)
    return {"x": x, "edge_index": edge_index, "edge_attr": edge_attr,
            "W": W, "W_self": W_self, "We": We, "b": b,
            "gamma": gamma, "beta": beta}


def reference(x, edge_index, edge_attr, W, W_self, We, b, gamma, beta):
    # graph_layer: edge-conditioned message passing (GCNConv-style with edge_attr)
    src = edge_index[0]
    dst = edge_index[1]
    h = x @ W                                   # node transform [N, D]
    e = edge_attr @ We                          # edge feature projection [E, D]
    msg = jnp.take(h, src, axis=0) + e          # gather + edge conditioning [E, D]
    agg = jax.ops.segment_sum(msg, dst, num_segments=N)  # scatter-add [N, D]
    out = agg + x @ W_self + b                  # self loop + bias
    # norm_layer: LayerNorm over feature dim
    mean = jnp.mean(out, axis=-1, keepdims=True)
    var = jnp.var(out, axis=-1, keepdims=True)
    y = (out - mean) / jnp.sqrt(var + 1e-5) * gamma + beta
    # relu then dropout (identity in eval mode)
    return jax.nn.relu(y)

if __name__ == "__main__":
    import jax
    _d = setup_inputs()
    print(jax.jit(kernel)(*tuple(_d.values())))

</pallas_src>

<mosaic_0001>
#map = affine_map<(d0, d1) -> (0, 0, 0)>
#map1 = affine_map<(d0, d1) -> (0, 0)>
module attributes {stable_mosaic.version = 14 : i64} {
  func.func @k(%arg0: i32, %arg1: i32, %arg2: memref<32x5000x16xf32, #tpu.memory_space<hbm>>, %arg3: memref<32x125x40xi32, #tpu.memory_space<hbm>>, %arg4: memref<128x128xf32, #tpu.memory_space<hbm>>, %arg5: memref<2x10240x128xf32, #tpu.memory_space<hbm>>, %arg6: memref<125x40xi32, #tpu.memory_space<vmem>>, %arg7: memref<40x16xf32, #tpu.memory_space<vmem>>, %arg8: memref<40x16xf32, #tpu.memory_space<vmem>>, %arg9: memref<40x128xf32, #tpu.memory_space<vmem>>, %arg10: memref<40x128xf32, #tpu.memory_space<vmem>>, %arg11: memref<10240x128xf32, #tpu.memory_space<vmem_shared>>, %arg12: memref<!tpu.dma_semaphore, #tpu.memory_space<semaphore_mem>>, %arg13: memref<!tpu.dma_semaphore, #tpu.memory_space<semaphore_mem>>, %arg14: memref<!tpu.dma_semaphore, #tpu.memory_space<semaphore_mem>>, %arg15: memref<!tpu.dma_semaphore, #tpu.memory_space<semaphore_mem>>) attributes {dimension_semantics = [#tpu.dimension_semantics<core_parallel>, #tpu.dimension_semantics<subcore_parallel>], iteration_bounds = array<i64: 2, 16>, scalar_prefetch = 0 : i64, scratch_operands = 10 : i64, tpu.core_type = #tpu.core_type<sc_vector_subcore>, window_params = [{transform_indices = #map}, {transform_indices = #map}, {transform_indices = #map1}, {transform_indices = #map}]} {
    %mul3A = arith.constant 16 : i32
    %mul3A_0 = arith.muli %arg0, %mul3A : i32
    %add3A = arith.addi %mul3A_0, %arg1 : i32
    %mul3A_1 = arith.constant 640 : i32
    %mul3A_2 = arith.muli %arg1, %mul3A_1 : i32
    "tpu.region"() ({
      %run_scoped3A_565 = tpu.sem_alloc : memref<!tpu.dma_semaphore, #tpu.memory_space<semaphore_mem>>
      %dma_start3A_566 = arith.constant 0 : i32
      %dma_start3A_567 = arith.constant 0 : i32
      %dma_start3A_568 = tpu.memref_slice %arg3[%add3A, %dma_start3A_566, %dma_start3A_567] : memref<32x125x40xi32, #tpu.memory_space<hbm>> -> memref<1x125x40xi32, #tpu.memory_space<hbm>>
      %dma_start3A_569 = tpu.memref_squeeze %dma_start3A_568 : memref<1x125x40xi32, #tpu.memory_space<hbm>> -> memref<125x40xi32, #tpu.memory_space<hbm>>
      %dma_start3A_570 = arith.constant 0 : i32
      %dma_start3A_571 = arith.constant 0 : i32
      %dma_start3A_572 = tpu.memref_slice %arg3[%add3A, %dma_start3A_570, %dma_start3A_571] : memref<32x125x40xi32, #tpu.memory_space<hbm>> -> memref<1x125x40xi32, #tpu.memory_space<hbm>>
      %dma_start3A_573 = tpu.memref_squeeze %dma_start3A_572 : memref<1x125x40xi32, #tpu.memory_space<hbm>> -> memref<125x40xi32, #tpu.memory_space<hbm>>
      tpu.enqueue_dma source(%dma_start3A_573 : memref<125x40xi32, #tpu.memory_space<hbm>>) target(%arg6 : memref<125x40xi32, #tpu.memory_space<vmem>>) target_semaphore(%run_scoped3A_565 : memref<!tpu.dma_semaphore, #tpu.memory_space<semaphore_mem>>)
      %dma_wait3A_574 = arith.constant 0 : i32
      %dma_wait3A_575 = arith.constant 0 : i32
      %dma_wait3A_576 = tpu.memref_slice %arg3[%add3A, %dma_wait3A_574, %dma_wait3A_575] : memref<32x125x40xi32, #tpu.memory_space<hbm>> -> memref<1x125x40xi32, #tpu.memory_space<hbm>>
      %dma_wait3A_577 = tpu.memref_squeeze %dma_wait3A_576 : memref<1x125x40xi32, #tpu.memory_space<hbm>> -> memref<125x40xi32, #tpu.memory_space<hbm>>
      %dma_wait3A_578 = arith.constant 0 : i32
      %dma_wait3A_579 = arith.constant 0 : i32
      %dma_wait3A_580 = tpu.memref_slice %arg3[%add3A, %dma_wait3A_578, %dma_wait3A_579] : memref<32x125x40xi32, #tpu.memory_space<hbm>> -> memref<1x125x40xi32, #tpu.memory_space<hbm>>
      %dma_wait3A_581 = tpu.memref_squeeze %dma_wait3A_580 : memref<1x125x40xi32, #tpu.memory_space<hbm>> -> memref<125x40xi32, #tpu.memory_space<hbm>>
      tpu.wait_dma2 semaphore(%run_scoped3A_565 : memref<!tpu.dma_semaphore, #tpu.memory_space<semaphore_mem>>) src(%dma_wait3A_581 : memref<125x40xi32, #tpu.memory_space<hbm>>) dst(%arg6 : memref<125x40xi32, #tpu.memory_space<vmem>>)
      tpu.yield
    }) : () -> ()
    "tpu.region"() ({
      %run_scoped3A_565 = tpu.sem_alloc : memref<!tpu.dma_semaphore, #tpu.memory_space<semaphore_mem>>
      %dma_start3A_566 = arith.constant 0 : i32
      %dma_start3A_567 = arith.constant 0 : i32
      %dma_start3A_568 = tpu.memref_slice %arg4[%dma_start3A_566, %dma_start3A_567] : memref<128x128xf32, #tpu.memory_space<hbm>> -> memref<40x128xf32, #tpu.memory_space<hbm>>
      %dma_start3A_569 = arith.constant 0 : i32
      %dma_start3A_570 = arith.constant 0 : i32
      %dma_start3A_571 = tpu.memref_slice %arg4[%dma_start3A_569, %dma_start3A_570] : memref<128x128xf32, #tpu.memory_space<hbm>> -> memref<40x128xf32, #tpu.memory_space<hbm>>
      tpu.enqueue_dma source(%dma_start3A_571 : memref<40x128xf32, #tpu.memory_space<hbm>>) target(%arg9 : memref<40x128xf32, #tpu.memory_space<vmem>>) target_semaphore(%run_scoped3A_565 : memref<!tpu.dma_semaphore, #tpu.memory_space<semaphore_mem>>)
      %dma_wait3A_572 = arith.constant 0 : i32
      %dma_wait3A_573 = arith.constant 0 : i32
      %dma_wait3A_574 = tpu.memref_slice %arg4[%dma_wait3A_572, %dma_wait3A_573] : memref<128x128xf32, #tpu.memory_space<hbm>> -> memref<40x128xf32, #tpu.memory_space<hbm>>
      %dma_wait3A_575 = arith.constant 0 : i32
      %dma_wait3A_576 = arith.constant 0 : i32
      %dma_wait3A_577 = tpu.memref_slice %arg4[%dma_wait3A_575, %dma_wait3A_576] : memref<128x128xf32, #tpu.memory_space<hbm>> -> memref<40x128xf32, #tpu.memory_space<hbm>>
      tpu.wait_dma2 semaphore(%run_scoped3A_565 : memref<!tpu.dma_semaphore, #tpu.memory_space<semaphore_mem>>) src(%dma_wait3A_577 : memref<40x128xf32, #tpu.memory_space<hbm>>) dst(%arg9 : memref<40x128xf32, #tpu.memory_space<vmem>>)
      tpu.yield
    }) : () -> ()
    "tpu.region"() ({
      %run_scoped3A_565 = tpu.sem_alloc : memref<!tpu.dma_semaphore, #tpu.memory_space<semaphore_mem>>
      %dma_start3A_566 = arith.constant 0 : i32
      %dma_start3A_567 = arith.constant 0 : i32
      %dma_start3A_568 = tpu.memref_slice %arg4[%dma_start3A_566, %dma_start3A_567] : memref<128x128xf32, #tpu.memory_space<hbm>> -> memref<40x128xf32, #tpu.memory_space<hbm>>
      %dma_start3A_569 = arith.constant 0 : i32
      %dma_start3A_570 = arith.constant 0 : i32
      %dma_start3A_571 = tpu.memref_slice %arg4[%dma_start3A_569, %dma_start3A_570] : memref<128x128xf32, #tpu.memory_space<hbm>> -> memref<40x128xf32, #tpu.memory_space<hbm>>
      tpu.enqueue_dma source(%dma_start3A_571 : memref<40x128xf32, #tpu.memory_space<hbm>>) target(%arg10 : memref<40x128xf32, #tpu.memory_space<vmem>>) target_semaphore(%run_scoped3A_565 : memref<!tpu.dma_semaphore, #tpu.memory_space<semaphore_mem>>)
      %dma_wait3A_572 = arith.constant 0 : i32
      %dma_wait3A_573 = arith.constant 0 : i32
      %dma_wait3A_574 = tpu.memref_slice %arg4[%dma_wait3A_572, %dma_wait3A_573] : memref<128x128xf32, #tpu.memory_space<hbm>> -> memref<40x128xf32, #tpu.memory_space<hbm>>
      %dma_wait3A_575 = arith.constant 0 : i32
      %dma_wait3A_576 = arith.constant 0 : i32
      %dma_wait3A_577 = tpu.memref_slice %arg4[%dma_wait3A_575, %dma_wait3A_576] : memref<128x128xf32, #tpu.memory_space<hbm>> -> memref<40x128xf32, #tpu.memory_space<hbm>>
      tpu.wait_dma2 semaphore(%run_scoped3A_565 : memref<!tpu.dma_semaphore, #tpu.memory_space<semaphore_mem>>) src(%dma_wait3A_577 : memref<40x128xf32, #tpu.memory_space<hbm>>) dst(%arg10 : memref<40x128xf32, #tpu.memory_space<vmem>>)
      tpu.yield
    }) : () -> ()
    %add3A_3 = arith.constant 0 : i32
    %add3A_4 = arith.addi %mul3A_2, %add3A_3 : i32
    "tpu.region"() ({
      %run_scoped3A_565 = tpu.sem_alloc : memref<!tpu.dma_semaphore, #tpu.memory_space<semaphore_mem>>
      %dma_start3A_566 = arith.constant 0 : i32
      %dma_start3A_567 = tpu.memref_slice %arg11[%add3A_4, %dma_start3A_566] : memref<10240x128xf32, #tpu.memory_space<vmem_shared>> -> memref<40x128xf32, #tpu.memory_space<vmem_shared>>
      %dma_start3A_568 = arith.constant 0 : i32
      %dma_start3A_569 = tpu.memref_slice %arg11[%add3A_4, %dma_start3A_568] : memref<10240x128xf32, #tpu.memory_space<vmem_shared>> -> memref<40x128xf32, #tpu.memory_space<vmem_shared>>
      tpu.enqueue_dma source(%arg9 : memref<40x128xf32, #tpu.memory_space<vmem>>) target(%dma_start3A_569 : memref<40x128xf32, #tpu.memory_space<vmem_shared>>) target_semaphore(%run_scoped3A_565 : memref<!tpu.dma_semaphore, #tpu.memory_space<semaphore_mem>>)
      %dma_wait3A_570 = arith.constant 0 : i32
      %dma_wait3A_571 = tpu.memref_slice %arg11[%add3A_4, %dma_wait3A_570] : memref<10240x128xf32, #tpu.memory_space<vmem_shared>> -> memref<40x128xf32, #tpu.memory_space<vmem_shared>>
      %dma_wait3A_572 = arith.constant 0 : i32
      %dma_wait3A_573 = tpu.memref_slice %arg11[%add3A_4, %dma_wait3A_572] : memref<10240x128xf32, #tpu.memory_space<vmem_shared>> -> memref<40x128xf32, #tpu.memory_space<vmem_shared>>
      tpu.wait_dma2 semaphore(%run_scoped3A_565 : memref<!tpu.dma_semaphore, #tpu.memory_space<semaphore_mem>>) src(%arg9 : memref<40x128xf32, #tpu.memory_space<vmem>>) dst(%dma_wait3A_573 : memref<40x128xf32, #tpu.memory_space<vmem_shared>>)
      tpu.yield
    }) : () -> ()
    %add3A_5 = arith.constant 40 : i32
    %add3A_6 = arith.addi %mul3A_2, %add3A_5 : i32
    "tpu.region"() ({
      %run_scoped3A_565 = tpu.sem_alloc : memref<!tpu.dma_semaphore, #tpu.memory_space<semaphore_mem>>
      %dma_start3A_566 = arith.constant 0 : i32
      %dma_start3A_567 = tpu.memref_slice %arg11[%add3A_6, %dma_start3A_566] : memref<10240x128xf32, #tpu.memory_space<vmem_shared>> -> memref<40x128xf32, #tpu.memory_space<vmem_shared>>
      %dma_start3A_568 = arith.constant 0 : i32
      %dma_start3A_569 = tpu.memref_slice %arg11[%add3A_6, %dma_start3A_568] : memref<10240x128xf32, #tpu.memory_space<vmem_shared>> -> memref<40x128xf32, #tpu.memory_space<vmem_shared>>
      tpu.enqueue_dma source(%arg9 : memref<40x128xf32, #tpu.memory_space<vmem>>) target(%dma_start3A_569 : memref<40x128xf32, #tpu.memory_space<vmem_shared>>) target_semaphore(%run_scoped3A_565 : memref<!tpu.dma_semaphore, #tpu.memory_space<semaphore_mem>>)
      %dma_wait3A_570 = arith.constant 0 : i32
      %dma_wait3A_571 = tpu.memref_slice %arg11[%add3A_6, %dma_wait3A_570] : memref<10240x128xf32, #tpu.memory_space<vmem_shared>> -> memref<40x128xf32, #tpu.memory_space<vmem_shared>>
      %dma_wait3A_572 = arith.constant 0 : i32
      %dma_wait3A_573 = tpu.memref_slice %arg11[%add3A_6, %dma_wait3A_572] : memref<10240x128xf32, #tpu.memory_space<vmem_shared>> -> memref<40x128xf32, #tpu.memory_space<vmem_shared>>
      tpu.wait_dma2 semaphore(%run_scoped3A_565 : memref<!tpu.dma_semaphore, #tpu.memory_space<semaphore_mem>>) src(%arg9 : memref<40x128xf32, #tpu.memory_space<vmem>>) dst(%dma_wait3A_573 : memref<40x128xf32, #tpu.memory_space<vmem_shared>>)
      tpu.yield
    }) : () -> ()
    %add3A_7 = arith.constant 80 : i32
    %add3A_8 = arith.addi %mul3A_2, %add3A_7 : i32
    "tpu.region"() ({
      %run_scoped3A_565 = tpu.sem_alloc : memref<!tpu.dma_semaphore, #tpu.memory_space<semaphore_mem>>
      %dma_start3A_566 = arith.constant 0 : i32
      %dma_start3A_567 = tpu.memref_slice %arg11[%add3A_8, %dma_start3A_566] : memref<10240x128xf32, #tpu.memory_space<vmem_shared>> -> memref<40x128xf32, #tpu.memory_space<vmem_shared>>
      %dma_start3A_568 = arith.constant 0 : i32
      %dma_start3A_569 = tpu.memref_slice %arg11[%add3A_8, %dma_start3A_568] : memref<10240x128xf32, #tpu.memory_space<vmem_shared>> -> memref<40x128xf32, #tpu.memory_space<vmem_shared>>
      tpu.enqueue_dma source(%arg9 : memref<40x128xf32, #tpu.memory_space<vmem>>) target(%dma_start3A_569 : memref<40x128xf32, #tpu.memory_space<vmem_shared>>) target_semaphore(%run_scoped3A_565 : memref<!tpu.dma_semaphore, #tpu.memory_space<semaphore_mem>>)
      %dma_wait3A_570 = arith.constant 0 : i32
      %dma_wait3A_571 = tpu.memref_slice %arg11[%add3A_8, %dma_wait3A_570] : memref<10240x128xf32, #tpu.memory_space<vmem_shared>> -> memref<40x128xf32, #tpu.memory_space<vmem_shared>>
      %dma_wait3A_572 = arith.constant 0 : i32
      %dma_wait3A_573 = tpu.memref_slice %arg11[%add3A_8, %dma_wait3A_572] : memref<10240x128xf32, #tpu.memory_space<vmem_shared>> -> memref<40x128xf32, #tpu.memory_space<vmem_shared>>
      tpu.wait_dma2 semaphore(%run_scoped3A_565 : memref<!tpu.dma_semaphore, #tpu.memory_space<semaphore_mem>>) src(%arg9 : memref<40x128xf32, #tpu.memory_space<vmem>>) dst(%dma_wait3A_573 : memref<40x128xf32, #tpu.memory_space<vmem_shared>>)
      tpu.yield
    }) : () -> ()
    %add3A_9 = arith.constant 120 : i32
    %add3A_10 = arith.addi %mul3A_2, %add3A_9 : i32
    "tpu.region"() ({
      %run_scoped3A_565 = tpu.sem_alloc : memref<!tpu.dma_semaphore, #tpu.memory_space<semaphore_mem>>
      %dma_start3A_566 = arith.constant 0 : i32
      %dma_start3A_567 = tpu.memref_slice %arg11[%add3A_10, %dma_start3A_566] : memref<10240x128xf32, #tpu.memory_space<vmem_shared>> -> memref<40x128xf32, #tpu.memory_space<vmem_shared>>
      %dma_start3A_568 = arith.constant 0 : i32
      %dma_start3A_569 = tpu.memref_slice %arg11[%add3A_10, %dma_start3A_568] : memref<10240x128xf32, #tpu.memory_space<vmem_shared>> -> memref<40x128xf32, #tpu.memory_space<vmem_shared>>
      tpu.enqueue_dma source(%arg9 : memref<40x128xf32, #tpu.memory_space<vmem>>) target(%dma_start3A_569 : memref<40x128xf32, #tpu.memory_space<vmem_shared>>) target_semaphore(%run_scoped3A_565 : memref<!tpu.dma_semaphore, #tpu.memory_space<semaphore_mem>>)
      %dma_wait3A_570 = arith.constant 0 : i32
      %dma_wait3A_571 = tpu.memref_slice %arg11[%add3A_10, %dma_wait3A_570] : memref<10240x128xf32, #tpu.memory_space<vmem_shared>> -> memref<40x128xf32, #tpu.memory_space<vmem_shared>>
      %dma_wait3A_572 = arith.constant 0 : i32
      %dma_wait3A_573 = tpu.memref_slice %arg11[%add3A_10, %dma_wait3A_572] : memref<10240x128xf32, #tpu.memory_space<vmem_shared>> -> memref<40x128xf32, #tpu.memory_space<vmem_shared>>
      tpu.wait_dma2 semaphore(%run_scoped3A_565 : memref<!tpu.dma_semaphore, #tpu.memory_space<semaphore_mem>>) src(%arg9 : memref<40x128xf32, #tpu.memory_space<vmem>>) dst(%dma_wait3A_573 : memref<40x128xf32, #tpu.memory_space<vmem_shared>>)
      tpu.yield
    }) : () -> ()
    %add3A_11 = arith.constant 160 : i32
    %add3A_12 = arith.addi %mul3A_2, %add3A_11 : i32
    "tpu.region"() ({
      %run_scoped3A_565 = tpu.sem_alloc : memref<!tpu.dma_semaphore, #tpu.memory_space<semaphore_mem>>
      %dma_start3A_566 = arith.constant 0 : i32
      %dma_start3A_567 = tpu.memref_slice %arg11[%add3A_12, %dma_start3A_566] : memref<10240x128xf32, #tpu.memory_space<vmem_shared>> -> memref<40x128xf32, #tpu.memory_space<vmem_shared>>
      %dma_start3A_568 = arith.constant 0 : i32
      %dma_start3A_569 = tpu.memref_slice %arg11[%add3A_12, %dma_start3A_568] : memref<10240x128xf32, #tpu.memory_space<vmem_shared>> -> memref<40x128xf32, #tpu.memory_space<vmem_shared>>
      tpu.enqueue_dma source(%arg9 : memref<40x128xf32, #tpu.memory_space<vmem>>) target(%dma_start3A_569 : memref<40x128xf32, #tpu.memory_space<vmem_shared>>) target_semaphore(%run_scoped3A_565 : memref<!tpu.dma_semaphore, #tpu.memory_space<semaphore_mem>>)
      %dma_wait3A_570 = arith.constant 0 : i32
      %dma_wait3A_571 = tpu.memref_slice %arg11[%add3A_12, %dma_wait3A_570] : memref<10240x128xf32, #tpu.memory_space<vmem_shared>> -> memref<40x128xf32, #tpu.memory_space<vmem_shared>>
      %dma_wait3A_572 = arith.constant 0 : i32
      %dma_wait3A_573 = tpu.memref_slice %arg11[%add3A_12, %dma_wait3A_572] : memref<10240x128xf32, #tpu.memory_space<vmem_shared>> -> memref<40x128xf32, #tpu.memory_space<vmem_shared>>
      tpu.wait_dma2 semaphore(%run_scoped3A_565 : memref<!tpu.dma_semaphore, #tpu.memory_space<semaphore_mem>>) src(%arg9 : memref<40x128xf32, #tpu.memory_space<vmem>>) dst(%dma_wait3A_573 : memref<40x128xf32, #tpu.memory_space<vmem_shared>>)
      tpu.yield
    }) : () -> ()
    %add3A_13 = arith.constant 200 : i32
    %add3A_14 = arith.addi %mul3A_2, %add3A_13 : i32
    "tpu.region"() ({
      %run_scoped3A_565 = tpu.sem_alloc : memref<!tpu.dma_semaphore, #tpu.memory_space<semaphore_mem>>
      %dma_start3A_566 = arith.constant 0 : i32
      %dma_start3A_567 = tpu.memref_slice %arg11[%add3A_14, %dma_start3A_566] : memref<10240x128xf32, #tpu.memory_space<vmem_shared>> -> memref<40x128xf32, #tpu.memory_space<vmem_shared>>
      %dma_start3A_568 = arith.constant 0 : i32
      %dma_start3A_569 = tpu.memref_slice %arg11[%add3A_14, %dma_start3A_568] : memref<10240x128xf32, #tpu.memory_space<vmem_shared>> -> memref<40x128xf32, #tpu.memory_space<vmem_shared>>
      tpu.enqueue_dma source(%arg9 : memref<40x128xf32, #tpu.memory_space<vmem>>) target(%dma_start3A_569 : memref<40x128xf32, #tpu.memory_space<vmem_shared>>) target_semaphore(%run_scoped3A_565 : memref<!tpu.dma_semaphore, #tpu.memory_space<semaphore_mem>>)
      %dma_wait3A_570 = arith.constant 0 : i32
      %dma_wait3A_571 = tpu.memref_slice %arg11[%add3A_14, %dma_wait3A_570] : memref<10240x128xf32, #tpu.memory_space<vmem_shared>> -> memref<40x128xf32, #tpu.memory_space<vmem_shared>>
      %dma_wait3A_572 = arith.constant 0 : i32
      %dma_wait3A_573 = tpu.memref_slice %arg11[%add3A_14, %dma_wait3A_572] : memref<10240x128xf32, #tpu.memory_space<vmem_shared>> -> memref<40x128xf32, #tpu.memory_space<vmem_shared>>
      tpu.wait_dma2 semaphore(%run_scoped3A_565 : memref<!tpu.dma_semaphore, #tpu.memory_space<semaphore_mem>>) src(%arg9 : memref<40x128xf32, #tpu.memory_space<vmem>>) dst(%dma_wait3A_573 : memref<40x128xf32, #tpu.memory_space<vmem_shared>>)
      tpu.yield
    }) : () -> ()
    %add3A_15 = arith.constant 240 : i32
    %add3A_16 = arith.addi %mul3A_2, %add3A_15 : i32
    "tpu.region"() ({
      %run_scoped3A_565 = tpu.sem_alloc : memref<!tpu.dma_semaphore, #tpu.memory_space<semaphore_mem>>
      %dma_start3A_566 = arith.constant 0 : i32
      %dma_start3A_567 = tpu.memref_slice %arg11[%add3A_16, %dma_start3A_566] : memref<10240x128xf32, #tpu.memory_space<vmem_shared>> -> memref<40x128xf32, #tpu.memory_space<vmem_shared>>
      %dma_start3A_568 = arith.constant 0 : i32
      %dma_start3A_569 = tpu.memref_slice %arg11[%add3A_16, %dma_start3A_568] : memref<10240x128xf32, #tpu.memory_space<vmem_shared>> -> memref<40x128xf32, #tpu.memory_space<vmem_shared>>
      tpu.enqueue_dma source(%arg9 : memref<40x128xf32, #tpu.memory_space<vmem>>) target(%dma_start3A_569 : memref<40x128xf32, #tpu.memory_space<vmem_shared>>) target_semaphore(%run_scoped3A_565 : memref<!tpu.dma_semaphore, #tpu.memory_space<semaphore_mem>>)
      %dma_wait3A_570 = arith.constant 0 : i32
      %dma_wait3A_571 = tpu.memref_slice %arg11[%add3A_16, %dma_wait3A_570] : memref<10240x128xf32, #tpu.memory_space<vmem_shared>> -> memref<40x128xf32, #tpu.memory_space<vmem_shared>>
      %dma_wait3A_572 = arith.constant 0 : i32
      %dma_wait3A_573 = tpu.memref_slice %arg11[%add3A_16, %dma_wait3A_572] : memref<10240x128xf32, #tpu.memory_space<vmem_shared>> -> memref<40x128xf32, #tpu.memory_space<vmem_shared>>
      tpu.wait_dma2 semaphore(%run_scoped3A_565 : memref<!tpu.dma_semaphore, #tpu.memory_space<semaphore_mem>>) src(%arg9 : memref<40x128xf32, #tpu.memory_space<vmem>>) dst(%dma_wait3A_573 : memref<40x128xf32, #tpu.memory_space<vmem_shared>>)
      tpu.yield
    }) : () -> ()
    %add3A_17 = arith.constant 280 : i32
    %add3A_18 = arith.addi %mul3A_2, %add3A_17 : i32
    "tpu.region"() ({
      %run_scoped3A_565 = tpu.sem_alloc : memref<!tpu.dma_semaphore, #tpu.memory_space<semaphore_mem>>
      %dma_start3A_566 = arith.constant 0 : i32
      %dma_start3A_567 = tpu.memref_slice %arg11[%add3A_18, %dma_start3A_566] : memref<10240x128xf32, #tpu.memory_space<vmem_shared>> -> memref<40x128xf32, #tpu.memory_space<vmem_shared>>
      %dma_start3A_568 = arith.constant 0 : i32
      %dma_start3A_569 = tpu.memref_slice %arg11[%add3A_18, %dma_start3A_568] : memref<10240x128xf32, #tpu.memory_space<vmem_shared>> -> memref<40x128xf32, #tpu.memory_space<vmem_shared>>
      tpu.enqueue_dma source(%arg9 : memref<40x128xf32, #tpu.memory_space<vmem>>) target(%dma_start3A_569 : memref<40x128xf32, #tpu.memory_space<vmem_shared>>) target_semaphore(%run_scoped3A_565 : memref<!tpu.dma_semaphore, #tpu.memory_space<semaphore_mem>>)
      %dma_wait3A_570 = arith.constant 0 : i32
      %dma_wait3A_571 = tpu.memref_slice %arg11[%add3A_18, %dma_wait3A_570] : memref<10240x128xf32, #tpu.memory_space<vmem_shared>> -> memref<40x128xf32, #tpu.memory_space<vmem_shared>>
      %dma_wait3A_572 = arith.constant 0 : i32
      %dma_wait3A_573 = tpu.memref_slice %arg11[%add3A_18, %dma_wait3A_572] : memref<10240x128xf32, #tpu.memory_space<vmem_shared>> -> memref<40x128xf32, #tpu.memory_space<vmem_shared>>
      tpu.wait_dma2 semaphore(%run_scoped3A_565 : memref<!tpu.dma_semaphore, #tpu.memory_space<semaphore_mem>>) src(%arg9 : memref<40x128xf32, #tpu.memory_space<vmem>>) dst(%dma_wait3A_573 : memref<40x128xf32, #tpu.memory_space<vmem_shared>>)
      tpu.yield
    }) : () -> ()
    %add3A_19 = arith.constant 320 : i32
    %add3A_20 = arith.addi %mul3A_2, %add3A_19 : i32
    "tpu.region"() ({
      %run_scoped3A_565 = tpu.sem_alloc : memref<!tpu.dma_semaphore, #tpu.memory_space<semaphore_mem>>
      %dma_start3A_566 = arith.constant 0 : i32
      %dma_start3A_567 = tpu.memref_slice %arg11[%add3A_20, %dma_start3A_566] : memref<10240x128xf32, #tpu.memory_space<vmem_shared>> -> memref<40x128xf32, #tpu.memory_space<vmem_shared>>
      %dma_start3A_568 = arith.constant 0 : i32
      %dma_start3A_569 = tpu.memref_slice %arg11[%add3A_20, %dma_start3A_568] : memref<10240x128xf32, #tpu.memory_space<vmem_shared>> -> memref<40x128xf32, #tpu.memory_space<vmem_shared>>
      tpu.enqueue_dma source(%arg9 : memref<40x128xf32, #tpu.memory_space<vmem>>) target(%dma_start3A_569 : memref<40x128xf32, #tpu.memory_space<vmem_shared>>) target_semaphore(%run_scoped3A_565 : memref<!tpu.dma_semaphore, #tpu.memory_space<semaphore_mem>>)
      %dma_wait3A_570 = arith.constant 0 : i32
      %dma_wait3A_571 = tpu.memref_slice %arg11[%add3A_20, %dma_wait3A_570] : memref<10240x128xf32, #tpu.memory_space<vmem_shared>> -> memref<40x128xf32, #tpu.memory_space<vmem_shared>>
      %dma_wait3A_572 = arith.constant 0 : i32
      %dma_wait3A_573 = tpu.memref_slice %arg11[%add3A_20, %dma_wait3A_572] : memref<10240x128xf32, #tpu.memory_space<vmem_shared>> -> memref<40x128xf32, #tpu.memory_space<vmem_shared>>
      tpu.wait_dma2 semaphore(%run_scoped3A_565 : memref<!tpu.dma_semaphore, #tpu.memory_space<semaphore_mem>>) src(%arg9 : memref<40x128xf32, #tpu.memory_space<vmem>>) dst(%dma_wait3A_573 : memref<40x128xf32, #tpu.memory_space<vmem_shared>>)
      tpu.yield
    }) : () -> ()
    %add3A_21 = arith.constant 360 : i32
    %add3A_22 = arith.addi %mul3A_2, %add3A_21 : i32
    "tpu.region"() ({
      %run_scoped3A_565 = tpu.sem_alloc : memref<!tpu.dma_semaphore, #tpu.memory_space<semaphore_mem>>
      %dma_start3A_566 = arith.constant 0 : i32
      %dma_start3A_567 = tpu.memref_slice %arg11[%add3A_22, %dma_start3A_566] : memref<10240x128xf32, #tpu.memory_space<vmem_shared>> -> memref<40x128xf32, #tpu.memory_space<vmem_shared>>
      %dma_start3A_568 = arith.constant 0 : i32
      %dma_start3A_569 = tpu.memref_slice %arg11[%add3A_22, %dma_start3A_568] : memref<10240x128xf32, #tpu.memory_space<vmem_shared>> -> memref<40x128xf32, #tpu.memory_space<vmem_shared>>
      tpu.enqueue_dma source(%arg9 : memref<40x128xf32, #tpu.memory_space<vmem>>) target(%dma_start3A_569 : memref<40x128xf32, #tpu.memory_space<vmem_shared>>) target_semaphore(%run_scoped3A_565 : memref<!tpu.dma_semaphore, #tpu.memory_space<semaphore_mem>>)
      %dma_wait3A_570 = arith.constant 0 : i32
      %dma_wait3A_571 = tpu.memref_slice %arg11[%add3A_22, %dma_wait3A_570] : memref<10240x128xf32, #tpu.memory_space<vmem_shared>> -> memref<40x128xf32, #tpu.memory_space<vmem_shared>>
      %dma_wait3A_572 = arith.constant 0 : i32
      %dma_wait3A_573 = tpu.memref_slice %arg11[%add3A_22, %dma_wait3A_572] : memref<10240x128xf32, #tpu.memory_space<vmem_shared>> -> memref<40x128xf32, #tpu.memory_space<vmem_shared>>
      tpu.wait_dma2 semaphore(%run_scoped3A_565 : memref<!tpu.dma_semaphore, #tpu.memory_space<semaphore_mem>>) src(%arg9 : memref<40x128xf32, #tpu.memory_space<vmem>>) dst(%dma_wait3A_573 : memref<40x128xf32, #tpu.memory_space<vmem_shared>>)
      tpu.yield
    }) : () -> ()
    %add3A_23 = arith.constant 400 : i32
    %add3A_24 = arith.addi %mul3A_2, %add3A_23 : i32
    "tpu.region"() ({
      %run_scoped3A_565 = tpu.sem_alloc : memref<!tpu.dma_semaphore, #tpu.memory_space<semaphore_mem>>
      %dma_start3A_566 = arith.constant 0 : i32
      %dma_start3A_567 = tpu.memref_slice %arg11[%add3A_24, %dma_start3A_566] : memref<10240x128xf32, #tpu.memory_space<vmem_shared>> -> memref<40x128xf32, #tpu.memory_space<vmem_shared>>
      %dma_start3A_568 = arith.constant 0 : i32
      %dma_start3A_569 = tpu.memref_slice %arg11[%add3A_24, %dma_start3A_568] : memref<10240x128xf32, #tpu.memory_space<vmem_shared>> -> memref<40x128xf32, #tpu.memory_space<vmem_shared>>
      tpu.enqueue_dma source(%arg9 : memref<40x128xf32, #tpu.memory_space<vmem>>) target(%dma_start3A_569 : memref<40x128xf32, #tpu.memory_space<vmem_shared>>) target_semaphore(%run_scoped3A_565 : memref<!tpu.dma_semaphore, #tpu.memory_space<semaphore_mem>>)
      %dma_wait3A_570 = arith.constant 0 : i32
      %dma_wait3A_571 = tpu.memref_slice %arg11[%add3A_24, %dma_wait3A_570] : memref<10240x128xf32, #tpu.memory_space<vmem_shared>> -> memref<40x128xf32, #tpu.memory_space<vmem_shared>>
      %dma_wait3A_572 = arith.constant 0 : i32
      %dma_wait3A_573 = tpu.memref_slice %arg11[%add3A_24, %dma_wait3A_572] : memref<10240x128xf32, #tpu.memory_space<vmem_shared>> -> memref<40x128xf32, #tpu.memory_space<vmem_shared>>
      tpu.wait_dma2 semaphore(%run_scoped3A_565 : memref<!tpu.dma_semaphore, #tpu.memory_space<semaphore_mem>>) src(%arg9 : memref<40x128xf32, #tpu.memory_space<vmem>>) dst(%dma_wait3A_573 : memref<40x128xf32, #tpu.memory_space<vmem_shared>>)
      tpu.yield
    }) : () -> ()
    %add3A_25 = arith.constant 440 : i32
    %add3A_26 = arith.addi %mul3A_2, %add3A_25 : i32
    "tpu.region"() ({
      %run_scoped3A_565 = tpu.sem_alloc : memref<!tpu.dma_semaphore, #tpu.memory_space<semaphore_mem>>
      %dma_start3A_566 = arith.constant 0 : i32
      %dma_start3A_567 = tpu.memref_slice %arg11[%add3A_26, %dma_start3A_566] : memref<10240x128xf32, #tpu.memory_space<vmem_shared>> -> memref<40x128xf32, #tpu.memory_space<vmem_shared>>
      %dma_start3A_568 = arith.constant 0 : i32
      %dma_start3A_569 = tpu.memref_slice %arg11[%add3A_26, %dma_start3A_568] : memref<10240x128xf32, #tpu.memory_space<vmem_shared>> -> memref<40x128xf32, #tpu.memory_space<vmem_shared>>
      tpu.enqueue_dma source(%arg9 : memref<40x128xf32, #tpu.memory_space<vmem>>) target(%dma_start3A_569 : memref<40x128xf32, #tpu.memory_space<vmem_shared>>) target_semaphore(%run_scoped3A_565 : memref<!tpu.dma_semaphore, #tpu.memory_space<semaphore_mem>>)
      %dma_wait3A_570 = arith.constant 0 : i32
      %dma_wait3A_571 = tpu.memref_slice %arg11[%add3A_26, %dma_wait3A_570] : memref<10240x128xf32, #tpu.memory_space<vmem_shared>> -> memref<40x128xf32, #tpu.memory_space<vmem_shared>>
      %dma_wait3A_572 = arith.constant 0 : i32
      %dma_wait3A_573 = tpu.memref_slice %arg11[%add3A_26, %dma_wait3A_572] : memref<10240x128xf32, #tpu.memory_space<vmem_shared>> -> memref<40x128xf32, #tpu.memory_space<vmem_shared>>
      tpu.wait_dma2 semaphore(%run_scoped3A_565 : memref<!tpu.dma_semaphore, #tpu.memory_space<semaphore_mem>>) src(%arg9 : memref<40x128xf32, #tpu.memory_space<vmem>>) dst(%dma_wait3A_573 : memref<40x128xf32, #tpu.memory_space<vmem_shared>>)
      tpu.yield
    }) : () -> ()
    %add3A_27 = arith.constant 480 : i32
    %add3A_28 = arith.addi %mul3A_2, %add3A_27 : i32
    "tpu.region"() ({
      %run_scoped3A_565 = tpu.sem_alloc : memref<!tpu.dma_semaphore, #tpu.memory_space<semaphore_mem>>
      %dma_start3A_566 = arith.constant 0 : i32
      %dma_start3A_567 = tpu.memref_slice %arg11[%add3A_28, %dma_start3A_566] : memref<10240x128xf32, #tpu.memory_space<vmem_shared>> -> memref<40x128xf32, #tpu.memory_space<vmem_shared>>
      %dma_start3A_568 = arith.constant 0 : i32
      %dma_start3A_569 = tpu.memref_slice %arg11[%add3A_28, %dma_start3A_568] : memref<10240x128xf32, #tpu.memory_space<vmem_shared>> -> memref<40x128xf32, #tpu.memory_space<vmem_shared>>
      tpu.enqueue_dma source(%arg9 : memref<40x128xf32, #tpu.memory_space<vmem>>) target(%dma_start3A_569 : memref<40x128xf32, #tpu.memory_space<vmem_shared>>) target_semaphore(%run_scoped3A_565 : memref<!tpu.dma_semaphore, #tpu.memory_space<semaphore_mem>>)
      %dma_wait3A_570 = arith.constant 0 : i32
      %dma_wait3A_571 = tpu.memref_slice %arg11[%add3A_28, %dma_wait3A_570] : memref<10240x128xf32, #tpu.memory_space<vmem_shared>> -> memref<40x128xf32, #tpu.memory_space<vmem_shared>>
      %dma_wait3A_572 = arith.constant 0 : i32
      %dma_wait3A_573 = tpu.memref_slice %arg11[%add3A_28, %dma_wait3A_572] : memref<10240x128xf32, #tpu.memory_space<vmem_shared>> -> memref<40x128xf32, #tpu.memory_space<vmem_shared>>
      tpu.wait_dma2 semaphore(%run_scoped3A_565 : memref<!tpu.dma_semaphore, #tpu.memory_space<semaphore_mem>>) src(%arg9 : memref<40x128xf32, #tpu.memory_space<vmem>>) dst(%dma_wait3A_573 : memref<40x128xf32, #tpu.memory_space<vmem_shared>>)
      tpu.yield
    }) : () -> ()
    %add3A_29 = arith.constant 520 : i32
    %add3A_30 = arith.addi %mul3A_2, %add3A_29 : i32
    "tpu.region"() ({
      %run_scoped3A_565 = tpu.sem_alloc : memref<!tpu.dma_semaphore, #tpu.memory_space<semaphore_mem>>
      %dma_start3A_566 = arith.constant 0 : i32
      %dma_start3A_567 = tpu.memref_slice %arg11[%add3A_30, %dma_start3A_566] : memref<10240x128xf32, #tpu.memory_space<vmem_shared>> -> memref<40x128xf32, #tpu.memory_space<vmem_shared>>
      %dma_start3A_568 = arith.constant 0 : i32
      %dma_start3A_569 = tpu.memref_slice %arg11[%add3A_30, %dma_start3A_568] : memref<10240x128xf32, #tpu.memory_space<vmem_shared>> -> memref<40x128xf32, #tpu.memory_space<vmem_shared>>
      tpu.enqueue_dma source(%arg9 : memref<40x128xf32, #tpu.memory_space<vmem>>) target(%dma_start3A_569 : memref<40x128xf32, #tpu.memory_space<vmem_shared>>) target_semaphore(%run_scoped3A_565 : memref<!tpu.dma_semaphore, #tpu.memory_space<semaphore_mem>>)
      %dma_wait3A_570 = arith.constant 0 : i32
      %dma_wait3A_571 = tpu.memref_slice %arg11[%add3A_30, %dma_wait3A_570] : memref<10240x128xf32, #tpu.memory_space<vmem_shared>> -> memref<40x128xf32, #tpu.memory_space<vmem_shared>>
      %dma_wait3A_572 = arith.constant 0 : i32
      %dma_wait3A_573 = tpu.memref_slice %arg11[%add3A_30, %dma_wait3A_572] : memref<10240x128xf32, #tpu.memory_space<vmem_shared>> -> memref<40x128xf32, #tpu.memory_space<vmem_shared>>
      tpu.wait_dma2 semaphore(%run_scoped3A_565 : memref<!tpu.dma_semaphore, #tpu.memory_space<semaphore_mem>>) src(%arg9 : memref<40x128xf32, #tpu.memory_space<vmem>>) dst(%dma_wait3A_573 : memref<40x128xf32, #tpu.memory_space<vmem_shared>>)
      tpu.yield
    }) : () -> ()
    %add3A_31 = arith.constant 560 : i32
    %add3A_32 = arith.addi %mul3A_2, %add3A_31 : i32
    "tpu.region"() ({
      %run_scoped3A_565 = tpu.sem_alloc : memref<!tpu.dma_semaphore, #tpu.memory_space<semaphore_mem>>
      %dma_start3A_566 = arith.constant 0 : i32
      %dma_start3A_567 = tpu.memref_slice %arg11[%add3A_32, %dma_start3A_566] : memref<10240x128xf32, #tpu.memory_space<vmem_shared>> -> memref<40x128xf32, #tpu.memory_space<vmem_shared>>
      %dma_start3A_568 = arith.constant 0 : i32
      %dma_start3A_569 = tpu.memref_slice %arg11[%add3A_32, %dma_start3A_568] : memref<10240x128xf32, #tpu.memory_space<vmem_shared>> -> memref<40x128xf32, #tpu.memory_space<vmem_shared>>
      tpu.enqueue_dma source(%arg9 : memref<40x128xf32, #tpu.memory_space<vmem>>) target(%dma_start3A_569 : memref<40x128xf32, #tpu.memory_space<vmem_shared>>) target_semaphore(%run_scoped3A_565 : memref<!tpu.dma_semaphore, #tpu.memory_space<semaphore_mem>>)
      %dma_wait3A_570 = arith.constant 0 : i32
      %dma_wait3A_571 = tpu.memref_slice %arg11[%add3A_32, %dma_wait3A_570] : memref<10240x128xf32, #tpu.memory_space<vmem_shared>> -> memref<40x128xf32, #tpu.memory_space<vmem_shared>>
      %dma_wait3A_572 = arith.constant 0 : i32
      %dma_wait3A_573 = tpu.memref_slice %arg11[%add3A_32, %dma_wait3A_572] : memref<10240x128xf32, #tpu.memory_space<vmem_shared>> -> memref<40x128xf32, #tpu.memory_space<vmem_shared>>
      tpu.wait_dma2 semaphore(%run_scoped3A_565 : memref<!tpu.dma_semaphore, #tpu.memory_space<semaphore_mem>>) src(%arg9 : memref<40x128xf32, #tpu.memory_space<vmem>>) dst(%dma_wait3A_573 : memref<40x128xf32, #tpu.memory_space<vmem_shared>>)
      tpu.yield
    }) : () -> ()
    %add3A_33 = arith.constant 600 : i32
    %add3A_34 = arith.addi %mul3A_2, %add3A_33 : i32
    "tpu.region"() ({
      %run_scoped3A_565 = tpu.sem_alloc : memref<!tpu.dma_semaphore, #tpu.memory_space<semaphore_mem>>
      %dma_start3A_566 = arith.constant 0 : i32
      %dma_start3A_567 = tpu.memref_slice %arg11[%add3A_34, %dma_start3A_566] : memref<10240x128xf32, #tpu.memory_space<vmem_shared>> -> memref<40x128xf32, #tpu.memory_space<vmem_shared>>
      %dma_start3A_568 = arith.constant 0 : i32
      %dma_start3A_569 = tpu.memref_slice %arg11[%add3A_34, %dma_start3A_568] : memref<10240x128xf32, #tpu.memory_space<vmem_shared>> -> memref<40x128xf32, #tpu.memory_space<vmem_shared>>
      tpu.enqueue_dma source(%arg9 : memref<40x128xf32, #tpu.memory_space<vmem>>) target(%dma_start3A_569 : memref<40x128xf32, #tpu.memory_space<vmem_shared>>) target_semaphore(%run_scoped3A_565 : memref<!tpu.dma_semaphore, #tpu.memory_space<semaphore_mem>>)
      %dma_wait3A_570 = arith.constant 0 : i32
      %dma_wait3A_571 = tpu.memref_slice %arg11[%add3A_34, %dma_wait3A_570] : memref<10240x128xf32, #tpu.memory_space<vmem_shared>> -> memref<40x128xf32, #tpu.memory_space<vmem_shared>>
      %dma_wait3A_572 = arith.constant 0 : i32
      %dma_wait3A_573 = tpu.memref_slice %arg11[%add3A_34, %dma_wait3A_572] : memref<10240x128xf32, #tpu.memory_space<vmem_shared>> -> memref<40x128xf32, #tpu.memory_space<vmem_shared>>
      tpu.wait_dma2 semaphore(%run_scoped3A_565 : memref<!tpu.dma_semaphore, #tpu.memory_space<semaphore_mem>>) src(%arg9 : memref<40x128xf32, #tpu.memory_space<vmem>>) dst(%dma_wait3A_573 : memref<40x128xf32, #tpu.memory_space<vmem_shared>>)
      tpu.yield
    }) : () -> ()
    %barrier3A = arith.constant 0 : index
    tpu.barrier barrier_id(%barrier3A)
    %dma_start3A = arith.constant 0 : i32
    %dma_start3A_35 = arith.constant 0 : i32
    %dma_start3A_36 = tpu.memref_slice %arg2[%add3A, %dma_start3A, %dma_start3A_35] : memref<32x5000x16xf32, #tpu.memory_space<hbm>> -> memref<1x5000x16xf32, #tpu.memory_space<hbm>>
    %dma_start3A_37 = tpu.memref_squeeze %dma_start3A_36 : memref<1x5000x16xf32, #tpu.memory_space<hbm>> -> memref<5000x16xf32, #tpu.memory_space<hbm>>
    %dma_start3A_38 = arith.constant 0 : i32
    %dma_start3A_39 = arith.constant 0 : i32
    %dma_start3A_40 = tpu.memref_slice %dma_start3A_37[%dma_start3A_38, %dma_start3A_39] : memref<5000x16xf32, #tpu.memory_space<hbm>> -> memref<40x16xf32, #tpu.memory_space<hbm>>
    %dma_start3A_41 = arith.constant 0 : i32
    %dma_start3A_42 = arith.constant 0 : i32
    %dma_start3A_43 = tpu.memref_slice %arg2[%add3A, %dma_start3A_41, %dma_start3A_42] : memref<32x5000x16xf32, #tpu.memory_space<hbm>> -> memref<1x5000x16xf32, #tpu.memory_space<hbm>>
    %dma_start3A_44 = tpu.memref_squeeze %dma_start3A_43 : memref<1x5000x16xf32, #tpu.memory_space<hbm>> -> memref<5000x16xf32, #tpu.memory_space<hbm>>
    %dma_start3A_45 = arith.constant 0 : i32
    %dma_start3A_46 = arith.constant 0 : i32
    %dma_start3A_47 = tpu.memref_slice %dma_start3A_44[%dma_start3A_45, %dma_start3A_46] : memref<5000x16xf32, #tpu.memory_space<hbm>> -> memref<40x16xf32, #tpu.memory_space<hbm>>
    tpu.enqueue_dma source(%dma_start3A_47 : memref<40x16xf32, #tpu.memory_space<hbm>>) target(%arg7 : memref<40x16xf32, #tpu.memory_space<vmem>>) target_semaphore(%arg12 : memref<!tpu.dma_semaphore, #tpu.memory_space<semaphore_mem>>)
    %dma_start3A_48 = arith.constant 0 : i32
    %dma_start3A_49 = arith.constant 0 : i32
    %dma_start3A_50 = tpu.memref_slice %arg2[%add3A, %dma_start3A_48, %dma_start3A_49] : memref<32x5000x16xf32, #tpu.memory_space<hbm>> -> memref<1x5000x16xf32, #tpu.memory_space<hbm>>
    %dma_start3A_51 = tpu.memref_squeeze %dma_start3A_50 : memref<1x5000x16xf32, #tpu.memory_space<hbm>> -> memref<5000x16xf32, #tpu.memory_space<hbm>>
    %dma_start3A_52 = arith.constant 40 : i32
    %dma_start3A_53 = arith.constant 0 : i32
    %dma_start3A_54 = tpu.memref_slice %dma_start3A_51[%dma_start3A_52, %dma_start3A_53] : memref<5000x16xf32, #tpu.memory_space<hbm>> -> memref<40x16xf32, #tpu.memory_space<hbm>>
    %dma_start3A_55 = arith.constant 0 : i32
    %dma_start3A_56 = arith.constant 0 : i32
    %dma_start3A_57 = tpu.memref_slice %arg2[%add3A, %dma_start3A_55, %dma_start3A_56] : memref<32x5000x16xf32, #tpu.memory_space<hbm>> -> memref<1x5000x16xf32, #tpu.memory_space<hbm>>
    %dma_start3A_58 = tpu.memref_squeeze %dma_start3A_57 : memref<1x5000x16xf32, #tpu.memory_space<hbm>> -> memref<5000x16xf32, #tpu.memory_space<hbm>>
    %dma_start3A_59 = arith.constant 40 : i32
    %dma_start3A_60 = arith.constant 0 : i32
    %dma_start3A_61 = tpu.memref_slice %dma_start3A_58[%dma_start3A_59, %dma_start3A_60] : memref<5000x16xf32, #tpu.memory_space<hbm>> -> memref<40x16xf32, #tpu.memory_space<hbm>>
    tpu.enqueue_dma source(%dma_start3A_61 : memref<40x16xf32, #tpu.memory_space<hbm>>) target(%arg8 : memref<40x16xf32, #tpu.memory_space<vmem>>) target_semaphore(%arg13 : memref<!tpu.dma_semaphore, #tpu.memory_space<semaphore_mem>>)
    %scan3A = arith.constant 0 : i32
    %scan3A_62 = arith.constant 0 : i32
    %scan3A_63 = arith.constant 62 : i32
    %scan3A_64 = arith.addi %scan3A_62, %scan3A_63 : i32
    %scan3A_65 = arith.constant 1 : i32
    scf.for %scan3A_565 = %scan3A_62 to %scan3A_64 step %scan3A_65  : i32 {
      %mul3A_566 = arith.constant 2 : i32
      %mul3A_567 = arith.muli %scan3A_565, %mul3A_566 : i32
      %add3A_568 = arith.constant 0 : i32
      %add3A_569 = arith.addi %mul3A_567, %add3A_568 : i32
      %mul3A_570 = arith.constant 40 : i32
      %mul3A_571 = arith.muli %add3A_569, %mul3A_570 : i32
      %dma_wait3A_572 = arith.constant 0 : i32
      %dma_wait3A_573 = arith.constant 0 : i32
      %dma_wait3A_574 = tpu.memref_slice %arg2[%add3A, %dma_wait3A_572, %dma_wait3A_573] : memref<32x5000x16xf32, #tpu.memory_space<hbm>> -> memref<1x5000x16xf32, #tpu.memory_space<hbm>>
      %dma_wait3A_575 = tpu.memref_squeeze %dma_wait3A_574 : memref<1x5000x16xf32, #tpu.memory_space<hbm>> -> memref<5000x16xf32, #tpu.memory_space<hbm>>
      %dma_wait3A_576 = arith.constant 0 : i32
      %dma_wait3A_577 = tpu.memref_slice %dma_wait3A_575[%mul3A_571, %dma_wait3A_576] : memref<5000x16xf32, #tpu.memory_space<hbm>> -> memref<40x16xf32, #tpu.memory_space<hbm>>
      %dma_wait3A_578 = arith.constant 0 : i32
      %dma_wait3A_579 = arith.constant 0 : i32
      %dma_wait3A_580 = tpu.memref_slice %arg2[%add3A, %dma_wait3A_578, %dma_wait3A_579] : memref<32x5000x16xf32, #tpu.memory_space<hbm>> -> memref<1x5000x16xf32, #tpu.memory_space<hbm>>
      %dma_wait3A_581 = tpu.memref_squeeze %dma_wait3A_580 : memref<1x5000x16xf32, #tpu.memory_space<hbm>> -> memref<5000x16xf32, #tpu.memory_space<hbm>>
      %dma_wait3A_582 = arith.constant 0 : i32
      %dma_wait3A_583 = tpu.memref_slice %dma_wait3A_581[%mul3A_571, %dma_wait3A_582] : memref<5000x16xf32, #tpu.memory_space<hbm>> -> memref<40x16xf32, #tpu.memory_space<hbm>>
      tpu.wait_dma2 semaphore(%arg12 : memref<!tpu.dma_semaphore, #tpu.memory_space<semaphore_mem>>) src(%dma_wait3A_583 : memref<40x16xf32, #tpu.memory_space<hbm>>) dst(%arg7 : memref<40x16xf32, #tpu.memory_space<vmem>>)
      %ge3A = arith.constant 2 : i32
      %ge3A_584 = arith.cmpi sge, %add3A_569, %ge3A : i32
      %convert_element_type3A = arith.extui %ge3A_584 : i1 to i32
      %cond3A = arith.constant 0 : i32
      %cond3A_585 = arith.cmpi ne, %convert_element_type3A, %cond3A : i32
      scf.if %cond3A_585 {
        %sub3A = arith.constant 2 : i32
        %sub3A_1514 = arith.subi %add3A_569, %sub3A : i32
        %dma_wait3A_1515 = arith.constant 0 : i32
        %dma_wait3A_1516 = tpu.memref_slice %arg6[%sub3A_1514, %dma_wait3A_1515] : memref<125x40xi32, #tpu.memory_space<vmem>> -> memref<1x40xi32, #tpu.memory_space<vmem>>
        %dma_wait3A_1517 = tpu.memref_squeeze %dma_wait3A_1516 : memref<1x40xi32, #tpu.memory_space<vmem>> -> memref<40xi32, #tpu.memory_space<vmem>>
        %dma_wait3A_1518 = arith.constant 0 : i32
        %dma_wait3A_1519 = arith.constant 0 : i32
        %dma_wait3A_1520 = tpu.memref_slice %arg11[%dma_wait3A_1518, %dma_wait3A_1519] : memref<10240x128xf32, #tpu.memory_space<vmem_shared>> -> memref<10240x128xf32, #tpu.memory_space<vmem_shared>>
        tpu.wait_indirect_dma semaphore(%arg14 : memref<!tpu.dma_semaphore, #tpu.memory_space<semaphore_mem>>) src(%arg9 : memref<40x128xf32, #tpu.memory_space<vmem>>) dst(%dma_wait3A_1520 : memref<10240x128xf32, #tpu.memory_space<vmem_shared>>)
      } else {
      }
      %get3A_586 = arith.constant 0 : i32
      %get3A_587 = arith.index_cast %get3A_586 : i32 to index
      %get3A_588 = arith.constant 0 : index
      %get3A_589 = tpu.vector_load %arg7[%get3A_587, %get3A_588] {strides = array<i32>} : memref<40x16xf32, #tpu.memory_space<vmem>>, vector<1x16xf32>,
      %get3A_590 = vector.shape_cast %get3A_589 : vector<1x16xf32> to vector<16xf32>
      %swap3A_591 = arith.constant 0 : i32
      %swap3A_592 = arith.index_cast %swap3A_591 : i32 to index
      %swap3A_593 = arith.constant 0 : index
      %swap3A_594 = tpu.vector_load %arg9[%swap3A_592, %swap3A_593] {strides = array<i32>} : memref<40x128xf32, #tpu.memory_space<vmem>>, vector<1x16xf32>,
      %swap3A_595 = vector.shape_cast %swap3A_594 : vector<1x16xf32> to vector<16xf32>
      %swap3A_596 = vector.shape_cast %get3A_590 : vector<16xf32> to vector<1x16xf32>
      tpu.vector_store %arg9[%swap3A_592, %swap3A_593], %swap3A_596 {strides = array<i32>} : memref<40x128xf32, #tpu.memory_space<vmem>>, vector<1x16xf32>,
      %get3A_597 = arith.constant 1 : i32
      %get3A_598 = arith.index_cast %get3A_597 : i32 to index
      %get3A_599 = arith.constant 0 : index
      %get3A_600 = tpu.vector_load %arg7[%get3A_598, %get3A_599] {strides = array<i32>} : memref<40x16xf32, #tpu.memory_space<vmem>>, vector<1x16xf32>,
      %get3A_601 = vector.shape_cast %get3A_600 : vector<1x16xf32> to vector<16xf32>
      %swap3A_602 = arith.constant 1 : i32
      %swap3A_603 = arith.index_cast %swap3A_602 : i32 to index
      %swap3A_604 = arith.constant 0 : index
      %swap3A_605 = tpu.vector_load %arg9[%swap3A_603, %swap3A_604] {strides = array<i32>} : memref<40x128xf32, #tpu.memory_space<vmem>>, vector<1x16xf32>,
      %swap3A_606 = vector.shape_cast %swap3A_605 : vector<1x16xf32> to vector<16xf32>
      %swap3A_607 = vector.shape_cast %get3A_601 : vector<16xf32> to vector<1x16xf32>
      tpu.vector_store %arg9[%swap3A_603, %swap3A_604], %swap3A_607 {strides = array<i32>} : memref<40x128xf32, #tpu.memory_space<vmem>>, vector<1x16xf32>,
      %get3A_608 = arith.constant 2 : i32
      %get3A_609 = arith.index_cast %get3A_608 : i32 to index
      %get3A_610 = arith.constant 0 : index
      %get3A_611 = tpu.vector_load %arg7[%get3A_609, %get3A_610] {strides = array<i32>} : memref<40x16xf32, #tpu.memory_space<vmem>>, vector<1x16xf32>,
      %get3A_612 = vector.shape_cast %get3A_611 : vector<1x16xf32> to vector<16xf32>
      %swap3A_613 = arith.constant 2 : i32
      %swap3A_614 = arith.index_cast %swap3A_613 : i32 to index
      %swap3A_615 = arith.constant 0 : index
      %swap3A_616 = tpu.vector_load %arg9[%swap3A_614, %swap3A_615] {strides = array<i32>} : memref<40x128xf32, #tpu.memory_space<vmem>>, vector<1x16xf32>,
      %swap3A_617 = vector.shape_cast %swap3A_616 : vector<1x16xf32> to vector<16xf32>
      %swap3A_618 = vector.shape_cast %get3A_612 : vector<16xf32> to vector<1x16xf32>
      tpu.vector_store %arg9[%swap3A_614, %swap3A_615], %swap3A_618 {strides = array<i32>} : memref<40x128xf32, #tpu.memory_space<vmem>>, vector<1x16xf32>,
      %get3A_619 = arith.constant 3 : i32
      %get3A_620 = arith.index_cast %get3A_619 : i32 to index
      %get3A_621 = arith.constant 0 : index
      %get3A_622 = tpu.vector_load %arg7[%get3A_620, %get3A_621] {strides = array<i32>} : memref<40x16xf32, #tpu.memory_space<vmem>>, vector<1x16xf32>,
      %get3A_623 = vector.shape_cast %get3A_622 : vector<1x16xf32> to vector<16xf32>
      %swap3A_624 = arith.constant 3 : i32
      %swap3A_625 = arith.index_cast %swap3A_624 : i32 to index
      %swap3A_626 = arith.constant 0 : index
      %swap3A_627 = tpu.vector_load %arg9[%swap3A_625, %swap3A_626] {strides = array<i32>} : memref<40x128xf32, #tpu.memory_space<vmem>>, vector<1x16xf32>,
      %swap3A_628 = vector.shape_cast %swap3A_627 : vector<1x16xf32> to vector<16xf32>
      %swap3A_629 = vector.shape_cast %get3A_623 : vector<16xf32> to vector<1x16xf32>
      tpu.vector_store %arg9[%swap3A_625, %swap3A_626], %swap3A_629 {strides = array<i32>} : memref<40x128xf32, #tpu.memory_space<vmem>>, vector<1x16xf32>,
      %get3A_630 = arith.constant 4 : i32
      %get3A_631 = arith.index_cast %get3A_630 : i32 to index
      %get3A_632 = arith.constant 0 : index
      %get3A_633 = tpu.vector_load %arg7[%get3A_631, %get3A_632] {strides = array<i32>} : memref<40x16xf32, #tpu.memory_space<vmem>>, vector<1x16xf32>,
      %get3A_634 = vector.shape_cast %get3A_633 : vector<1x16xf32> to vector<16xf32>
      %swap3A_635 = arith.constant 4 : i32
      %swap3A_636 = arith.index_cast %swap3A_635 : i32 to index
      %swap3A_637 = arith.constant 0 : index
      %swap3A_638 = tpu.vector_load %arg9[%swap3A_636, %swap3A_637] {strides = array<i32>} : memref<40x128xf32, #tpu.memory_space<vmem>>, vector<1x16xf32>,
      %swap3A_639 = vector.shape_cast %swap3A_638 : vector<1x16xf32> to vector<16xf32>
      %swap3A_640 = vector.shape_cast %get3A_634 : vector<16xf32> to vector<1x16xf32>
      tpu.vector_store %arg9[%swap3A_636, %swap3A_637], %swap3A_640 {strides = array<i32>} : memref<40x128xf32, #tpu.memory_space<vmem>>, vector<1x16xf32>,
      %get3A_641 = arith.constant 5 : i32
      %get3A_642 = arith.index_cast %get3A_641 : i32 to index
      %get3A_643 = arith.constant 0 : index
      %get3A_644 = tpu.vector_load %arg7[%get3A_642, %get3A_643] {strides = array<i32>} : memref<40x16xf32, #tpu.memory_space<vmem>>, vector<1x16xf32>,
      %get3A_645 = vector.shape_cast %get3A_644 : vector<1x16xf32> to vector<16xf32>
      %swap3A_646 = arith.constant 5 : i32
      %swap3A_647 = arith.index_cast %swap3A_646 : i32 to index
      %swap3A_648 = arith.constant 0 : index
      %swap3A_649 = tpu.vector_load %arg9[%swap3A_647, %swap3A_648] {strides = array<i32>} : memref<40x128xf32, #tpu.memory_space<vmem>>, vector<1x16xf32>,
      %swap3A_650 = vector.shape_cast %swap3A_649 : vector<1x16xf32> to vector<16xf32>
      %swap3A_651 = vector.shape_cast %get3A_645 : vector<16xf32> to vector<1x16xf32>
      tpu.vector_store %arg9[%swap3A_647, %swap3A_648], %swap3A_651 {strides = array<i32>} : memref<40x128xf32, #tpu.memory_space<vmem>>, vector<1x16xf32>,
      %get3A_652 = arith.constant 6 : i32
      %get3A_653 = arith.index_cast %get3A_652 : i32 to index
      %get3A_654 = arith.constant 0 : index
      %get3A_655 = tpu.vector_load %arg7[%get3A_653, %get3A_654] {strides = array<i32>} : memref<40x16xf32, #tpu.memory_space<vmem>>, vector<1x16xf32>,
      %get3A_656 = vector.shape_cast %get3A_655 : vector<1x16xf32> to vector<16xf32>
      %swap3A_657 = arith.constant 6 : i32
      %swap3A_658 = arith.index_cast %swap3A_657 : i32 to index
      %swap3A_659 = arith.constant 0 : index
      %swap3A_660 = tpu.vector_load %arg9[%swap3A_658, %swap3A_659] {strides = array<i32>} : memref<40x128xf32, #tpu.memory_space<vmem>>, vector<1x16xf32>,
      %swap3A_661 = vector.shape_cast %swap3A_660 : vector<1x16xf32> to vector<16xf32>
      %swap3A_662 = vector.shape_cast %get3A_656 : vector<16xf32> to vector<1x16xf32>
      tpu.vector_store %arg9[%swap3A_658, %swap3A_659], %swap3A_662 {strides = array<i32>} : memref<40x128xf32, #tpu.memory_space<vmem>>, vector<1x16xf32>,
      %get3A_663 = arith.constant 7 : i32
      %get3A_664 = arith.index_cast %get3A_663 : i32 to index
      %get3A_665 = arith.constant 0 : index
      %get3A_666 = tpu.vector_load %arg7[%get3A_664, %get3A_665] {strides = array<i32>} : memref<40x16xf32, #tpu.memory_space<vmem>>, vector<1x16xf32>,
      %get3A_667 = vector.shape_cast %get3A_666 : vector<1x16xf32> to vector<16xf32>
      %swap3A_668 = arith.constant 7 : i32
      %swap3A_669 = arith.index_cast %swap3A_668 : i32 to index
      %swap3A_670 = arith.constant 0 : index
      %swap3A_671 = tpu.vector_load %arg9[%swap3A_669, %swap3A_670] {strides = array<i32>} : memref<40x128xf32, #tpu.memory_space<vmem>>, vector<1x16xf32>,
      %swap3A_672 = vector.shape_cast %swap3A_671 : vector<1x16xf32> to vector<16xf32>
      %swap3A_673 = vector.shape_cast %get3A_667 : vector<16xf32> to vector<1x16xf32>
      tpu.vector_store %arg9[%swap3A_669, %swap3A_670], %swap3A_673 {strides = array<i32>} : memref<40x128xf32, #tpu.memory_space<vmem>>, vector<1x16xf32>,
      %get3A_674 = arith.constant 8 : i32
      %get3A_675 = arith.index_cast %get3A_674 : i32 to index
      %get3A_676 = arith.constant 0 : index
      %get3A_677 = tpu.vector_load %arg7[%get3A_675, %get3A_676] {strides = array<i32>} : memref<40x16xf32, #tpu.memory_space<vmem>>, vector<1x16xf32>,
      %get3A_678 = vector.shape_cast %get3A_677 : vector<1x16xf32> to vector<16xf32>
      %swap3A_679 = arith.constant 8 : i32
      %swap3A_680 = arith.index_cast %swap3A_679 : i32 to index
      %swap3A_681 = arith.constant 0 : index
      %swap3A_682 = tpu.vector_load %arg9[%swap3A_680, %swap3A_681] {strides = array<i32>} : memref<40x128xf32, #tpu.memory_space<vmem>>, vector<1x16xf32>,
      %swap3A_683 = vector.shape_cast %swap3A_682 : vector<1x16xf32> to vector<16xf32>
      %swap3A_684 = vector.shape_cast %get3A_678 : vector<16xf32> to vector<1x16xf32>
      tpu.vector_store %arg9[%swap3A_680, %swap3A_681], %swap3A_684 {strides = array<i32>} : memref<40x128xf32, #tpu.memory_space<vmem>>, vector<1x16xf32>,
      %get3A_685 = arith.constant 9 : i32
      %get3A_686 = arith.index_cast %get3A_685 : i32 to index
      %get3A_687 = arith.constant 0 : index
      %get3A_688 = tpu.vector_load %arg7[%get3A_686, %get3A_687] {strides = array<i32>} : memref<40x16xf32, #tpu.memory_space<vmem>>, vector<1x16xf32>,
      %get3A_689 = vector.shape_cast %get3A_688 : vector<1x16xf32> to vector<16xf32>
      %swap3A_690 = arith.constant 9 : i32
      %swap3A_691 = arith.index_cast %swap3A_690 : i32 to index
      %swap3A_692 = arith.constant 0 : index
      %swap3A_693 = tpu.vector_load %arg9[%swap3A_691, %swap3A_692] {strides = array<i32>} : memref<40x128xf32, #tpu.memory_space<vmem>>, vector<1x16xf32>,
      %swap3A_694 = vector.shape_cast %swap3A_693 : vector<1x16xf32> to vector<16xf32>
      %swap3A_695 = vector.shape_cast %get3A_689 : vector<16xf32> to vector<1x16xf32>
      tpu.vector_store %arg9[%swap3A_691, %swap3A_692], %swap3A_695 {strides = array<i32>} : memref<40x128xf32, #tpu.memory_space<vmem>>, vector<1x16xf32>,
      %get3A_696 = arith.constant 10 : i32
      %get3A_697 = arith.index_cast %get3A_696 : i32 to index
      %get3A_698 = arith.constant 0 : index
      %get3A_699 = tpu.vector_load %arg7[%get3A_697, %get3A_698] {strides = array<i32>} : memref<40x16xf32, #tpu.memory_space<vmem>>, vector<1x16xf32>,
      %get3A_700 = vector.shape_cast %get3A_699 : vector<1x16xf32> to vector<16xf32>
      %swap3A_701 = arith.constant 10 : i32
      %swap3A_702 = arith.index_cast %swap3A_701 : i32 to index
      %swap3A_703 = arith.constant 0 : index
      %swap3A_704 = tpu.vector_load %arg9[%swap3A_702, %swap3A_703] {strides = array<i32>} : memref<40x128xf32, #tpu.memory_space<vmem>>, vector<1x16xf32>,
      %swap3A_705 = vector.shape_cast %swap3A_704 : vector<1x16xf32> to vector<16xf32>
      %swap3A_706 = vector.shape_cast %get3A_700 : vector<16xf32> to vector<1x16xf32>
      tpu.vector_store %arg9[%swap3A_702, %swap3A_703], %swap3A_706 {strides = array<i32>} : memref<40x128xf32, #tpu.memory_space<vmem>>, vector<1x16xf32>,
      %get3A_707 = arith.constant 11 : i32
      %get3A_708 = arith.index_cast %get3A_707 : i32 to index
      %get3A_709 = arith.constant 0 : index
      %get3A_710 = tpu.vector_load %arg7[%get3A_708, %get3A_709] {strides = array<i32>} : memref<40x16xf32, #tpu.memory_space<vmem>>, vector<1x16xf32>,
      %get3A_711 = vector.shape_cast %get3A_710 : vector<1x16xf32> to vector<16xf32>
      %swap3A_712 = arith.constant 11 : i32
      %swap3A_713 = arith.index_cast %swap3A_712 : i32 to index
      %swap3A_714 = arith.constant 0 : index
      %swap3A_715 = tpu.vector_load %arg9[%swap3A_713, %swap3A_714] {strides = array<i32>} : memref<40x128xf32, #tpu.memory_space<vmem>>, vector<1x16xf32>,
      %swap3A_716 = vector.shape_cast %swap3A_715 : vector<1x16xf32> to vector<16xf32>
      %swap3A_717 = vector.shape_cast %get3A_711 : vector<16xf32> to vector<1x16xf32>
      tpu.vector_store %arg9[%swap3A_713, %swap3A_714], %swap3A_717 {strides = array<i32>} : memref<40x128xf32, #tpu.memory_space<vmem>>, vector<1x16xf32>,
      %get3A_718 = arith.constant 12 : i32
      %get3A_719 = arith.index_cast %get3A_718 : i32 to index
      %get3A_720 = arith.constant 0 : index
      %get3A_721 = tpu.vector_load %arg7[%get3A_719, %get3A_720] {strides = array<i32>} : memref<40x16xf32, #tpu.memory_space<vmem>>, vector<1x16xf32>,
      %get3A_722 = vector.shape_cast %get3A_721 : vector<1x16xf32> to vector<16xf32>
      %swap3A_723 = arith.constant 12 : i32
      %swap3A_724 = arith.index_cast %swap3A_723 : i32 to index
      %swap3A_725 = arith.constant 0 : index
      %swap3A_726 = tpu.vector_load %arg9[%swap3A_724, %swap3A_725] {strides = array<i32>} : memref<40x128xf32, #tpu.memory_space<vmem>>, vector<1x16xf32>,
      %swap3A_727 = vector.shape_cast %swap3A_726 : vector<1x16xf32> to vector<16xf32>
      %swap3A_728 = vector.shape_cast %get3A_722 : vector<16xf32> to vector<1x16xf32>
      tpu.vector_store %arg9[%swap3A_724, %swap3A_725], %swap3A_728 {strides = array<i32>} : memref<40x128xf32, #tpu.memory_space<vmem>>, vector<1x16xf32>,
      %get3A_729 = arith.constant 13 : i32
      %get3A_730 = arith.index_cast %get3A_729 : i32 to index
      %get3A_731 = arith.constant 0 : index
      %get3A_732 = tpu.vector_load %arg7[%get3A_730, %get3A_731] {strides = array<i32>} : memref<40x16xf32, #tpu.memory_space<vmem>>, vector<1x16xf32>,
      %get3A_733 = vector.shape_cast %get3A_732 : vector<1x16xf32> to vector<16xf32>
      %swap3A_734 = arith.constant 13 : i32
      %swap3A_735 = arith.index_cast %swap3A_734 : i32 to index
      %swap3A_736 = arith.constant 0 : index
      %swap3A_737 = tpu.vector_load %arg9[%swap3A_735, %swap3A_736] {strides = array<i32>} : memref<40x128xf32, #tpu.memory_space<vmem>>, vector<1x16xf32>,
      %swap3A_738 = vector.shape_cast %swap3A_737 : vector<1x16xf32> to vector<16xf32>
      %swap3A_739 = vector.shape_cast %get3A_733 : vector<16xf32> to vector<1x16xf32>
      tpu.vector_store %arg9[%swap3A_735, %swap3A_736], %swap3A_739 {strides = array<i32>} : memref<40x128xf32, #tpu.memory_space<vmem>>, vector<1x16xf32>,
      %get3A_740 = arith.constant 14 : i32
      %get3A_741 = arith.index_cast %get3A_740 : i32 to index
      %get3A_742 = arith.constant 0 : index
      %get3A_743 = tpu.vector_load %arg7[%get3A_741, %get3A_742] {strides = array<i32>} : memref<40x16xf32, #tpu.memory_space<vmem>>, vector<1x16xf32>,
      %get3A_744 = vector.shape_cast %get3A_743 : vector<1x16xf32> to vector<16xf32>
      %swap3A_745 = arith.constant 14 : i32
      %swap3A_746 = arith.index_cast %swap3A_745 : i32 to index
      %swap3A_747 = arith.constant 0 : index
      %swap3A_748 = tpu.vector_load %arg9[%swap3A_746, %swap3A_747] {strides = array<i32>} : memref<40x128xf32, #tpu.memory_space<vmem>>, vector<1x16xf32>,
      %swap3A_749 = vector.shape_cast %swap3A_748 : vector<1x16xf32> to vector<16xf32>
      %swap3A_750 = vector.shape_cast %get3A_744 : vector<16xf32> to vector<1x16xf32>
      tpu.vector_store %arg9[%swap3A_746, %swap3A_747], %swap3A_750 {strides = array<i32>} : memref<40x128xf32, #tpu.memory_space<vmem>>, vector<1x16xf32>,
      %get3A_751 = arith.constant 15 : i32
      %get3A_752 = arith.index_cast %get3A_751 : i32 to index
      %get3A_753 = arith.constant 0 : index
      %get3A_754 = tpu.vector_load %arg7[%get3A_752, %get3A_753] {strides = array<i32>} : memref<40x16xf32, #tpu.memory_space<vmem>>, vector<1x16xf32>,
      %get3A_755 = vector.shape_cast %get3A_754 : vector<1x16xf32> to vector<16xf32>
      %swap3A_756 = arith.constant 15 : i32
      %swap3A_757 = arith.index_cast %swap3A_756 : i32 to index
      %swap3A_758 = arith.constant 0 : index
      %swap3A_759 = tpu.vector_load %arg9[%swap3A_757, %swap3A_758] {strides = array<i32>} : memref<40x128xf32, #tpu.memory_space<vmem>>, vector<1x16xf32>,
      %swap3A_760 = vector.shape_cast %swap3A_759 : vector<1x16xf32> to vector<16xf32>
      %swap3A_761 = vector.shape_cast %get3A_755 : vector<16xf32> to vector<1x16xf32>
      tpu.vector_store %arg9[%swap3A_757, %swap3A_758], %swap3A_761 {strides = array<i32>} : memref<40x128xf32, #tpu.memory_space<vmem>>, vector<1x16xf32>,
      %get3A_762 = arith.constant 16 : i32
      %get3A_763 = arith.index_cast %get3A_762 : i32 to index
      %get3A_764 = arith.constant 0 : index
      %get3A_765 = tpu.vector_load %arg7[%get3A_763, %get3A_764] {strides = array<i32>} : memref<40x16xf32, #tpu.memory_space<vmem>>, vector<1x16xf32>,
      %get3A_766 = vector.shape_cast %get3A_765 : vector<1x16xf32> to vector<16xf32>
      %swap3A_767 = arith.constant 16 : i32
      %swap3A_768 = arith.index_cast %swap3A_767 : i32 to index
      %swap3A_769 = arith.constant 0 : index
      %swap3A_770 = tpu.vector_load %arg9[%swap3A_768, %swap3A_769] {strides = array<i32>} : memref<40x128xf32, #tpu.memory_space<vmem>>, vector<1x16xf32>,
      %swap3A_771 = vector.shape_cast %swap3A_770 : vector<1x16xf32> to vector<16xf32>
      %swap3A_772 = vector.shape_cast %get3A_766 : vector<16xf32> to vector<1x16xf32>
      tpu.vector_store %arg9[%swap3A_768, %swap3A_769], %swap3A_772 {strides = array<i32>} : memref<40x128xf32, #tpu.memory_space<vmem>>, vector<1x16xf32>,
      %get3A_773 = arith.constant 17 : i32
      %get3A_774 = arith.index_cast %get3A_773 : i32 to index
      %get3A_775 = arith.constant 0 : index
      %get3A_776 = tpu.vector_load %arg7[%get3A_774, %get3A_775] {strides = array<i32>} : memref<40x16xf32, #tpu.memory_space<vmem>>, vector<1x16xf32>,
      %get3A_777 = vector.shape_cast %get3A_776 : vector<1x16xf32> to vector<16xf32>
      %swap3A_778 = arith.constant 17 : i32
      %swap3A_779 = arith.index_cast %swap3A_778 : i32 to index
      %swap3A_780 = arith.constant 0 : index
      %swap3A_781 = tpu.vector_load %arg9[%swap3A_779, %swap3A_780] {strides = array<i32>} : memref<40x128xf32, #tpu.memory_space<vmem>>, vector<1x16xf32>,
      %swap3A_782 = vector.shape_cast %swap3A_781 : vector<1x16xf32> to vector<16xf32>
      %swap3A_783 = vector.shape_cast %get3A_777 : vector<16xf32> to vector<1x16xf32>
      tpu.vector_store %arg9[%swap3A_779, %swap3A_780], %swap3A_783 {strides = array<i32>} : memref<40x128xf32, #tpu.memory_space<vmem>>, vector<1x16xf32>,
      %get3A_784 = arith.constant 18 : i32
      %get3A_785 = arith.index_cast %get3A_784 : i32 to index
      %get3A_786 = arith.constant 0 : index
      %get3A_787 = tpu.vector_load %arg7[%get3A_785, %get3A_786] {strides = array<i32>} : memref<40x16xf32, #tpu.memory_space<vmem>>, vector<1x16xf32>,
      %get3A_788 = vector.shape_cast %get3A_787 : vector<1x16xf32> to vector<16xf32>
      %swap3A_789 = arith.constant 18 : i32
      %swap3A_790 = arith.index_cast %swap3A_789 : i32 to index
      %swap3A_791 = arith.constant 0 : index
      %swap3A_792 = tpu.vector_load %arg9[%swap3A_790, %swap3A_791] {strides = array<i32>} : memref<40x128xf32, #tpu.memory_space<vmem>>, vector<1x16xf32>,
      %swap3A_793 = vector.shape_cast %swap3A_792 : vector<1x16xf32> to vector<16xf32>
      %swap3A_794 = vector.shape_cast %get3A_788 : vector<16xf32> to vector<1x16xf32>
      tpu.vector_store %arg9[%swap3A_790, %swap3A_791], %swap3A_794 {strides = array<i32>} : memref<40x128xf32, #tpu.memory_space<vmem>>, vector<1x16xf32>,
      %get3A_795 = arith.constant 19 : i32
      %get3A_796 = arith.index_cast %get3A_795 : i32 to index
      %get3A_797 = arith.constant 0 : index
      %get3A_798 = tpu.vector_load %arg7[%get3A_796, %get3A_797] {strides = array<i32>} : memref<40x16xf32, #tpu.memory_space<vmem>>, vector<1x16xf32>,
      %get3A_799 = vector.shape_cast %get3A_798 : vector<1x16xf32> to vector<16xf32>
      %swap3A_800 = arith.constant 19 : i32
      %swap3A_801 = arith.index_cast %swap3A_800 : i32 to index
      %swap3A_802 = arith.constant 0 : index
      %swap3A_803 = tpu.vector_load %arg9[%swap3A_801, %swap3A_802] {strides = array<i32>} : memref<40x128xf32, #tpu.memory_space<vmem>>, vector<1x16xf32>,
      %swap3A_804 = vector.shape_cast %swap3A_803 : vector<1x16xf32> to vector<16xf32>
      %swap3A_805 = vector.shape_cast %get3A_799 : vector<16xf32> to vector<1x16xf32>
      tpu.vector_store %arg9[%swap3A_801, %swap3A_802], %swap3A_805 {strides = array<i32>} : memref<40x128xf32, #tpu.memory_space<vmem>>, vector<1x16xf32>,
      %get3A_806 = arith.constant 20 : i32
      %get3A_807 = arith.index_cast %get3A_806 : i32 to index
      %get3A_808 = arith.constant 0 : index
      %get3A_809 = tpu.vector_load %arg7[%get3A_807, %get3A_808] {strides = array<i32>} : memref<40x16xf32, #tpu.memory_space<vmem>>, vector<1x16xf32>,
      %get3A_810 = vector.shape_cast %get3A_809 : vector<1x16xf32> to vector<16xf32>
      %swap3A_811 = arith.constant 20 : i32
      %swap3A_812 = arith.index_cast %swap3A_811 : i32 to index
      %swap3A_813 = arith.constant 0 : index
      %swap3A_814 = tpu.vector_load %arg9[%swap3A_812, %swap3A_813] {strides = array<i32>} : memref<40x128xf32, #tpu.memory_space<vmem>>, vector<1x16xf32>,
      %swap3A_815 = vector.shape_cast %swap3A_814 : vector<1x16xf32> to vector<16xf32>
      %swap3A_816 = vector.shape_cast %get3A_810 : vector<16xf32> to vector<1x16xf32>
      tpu.vector_store %arg9[%swap3A_812, %swap3A_813], %swap3A_816 {strides = array<i32>} : memref<40x128xf32, #tpu.memory_space<vmem>>, vector<1x16xf32>,
      %get3A_817 = arith.constant 21 : i32
      %get3A_818 = arith.index_cast %get3A_817 : i32 to index
      %get3A_819 = arith.constant 0 : index
      %get3A_820 = tpu.vector_load %arg7[%get3A_818, %get3A_819] {strides = array<i32>} : memref<40x16xf32, #tpu.memory_space<vmem>>, vector<1x16xf32>,
      %get3A_821 = vector.shape_cast %get3A_820 : vector<1x16xf32> to vector<16xf32>
      %swap3A_822 = arith.constant 21 : i32
      %swap3A_823 = arith.index_cast %swap3A_822 : i32 to index
      %swap3A_824 = arith.constant 0 : index
      %swap3A_825 = tpu.vector_load %arg9[%swap3A_823, %swap3A_824] {strides = array<i32>} : memref<40x128xf32, #tpu.memory_space<vmem>>, vector<1x16xf32>,
      %swap3A_826 = vector.shape_cast %swap3A_825 : vector<1x16xf32> to vector<16xf32>
      %swap3A_827 = vector.shape_cast %get3A_821 : vector<16xf32> to vector<1x16xf32>
      tpu.vector_store %arg9[%swap3A_823, %swap3A_824], %swap3A_827 {strides = array<i32>} : memref<40x128xf32, #tpu.memory_space<vmem>>, vector<1x16xf32>,
      %get3A_828 = arith.constant 22 : i32
      %get3A_829 = arith.index_cast %get3A_828 : i32 to index
      %get3A_830 = arith.constant 0 : index
      %get3A_831 = tpu.vector_load %arg7[%get3A_829, %get3A_830] {strides = array<i32>} : memref<40x16xf32, #tpu.memory_space<vmem>>, vector<1x16xf32>,
      %get3A_832 = vector.shape_cast %get3A_831 : vector<1x16xf32> to vector<16xf32>
      %swap3A_833 = arith.constant 22 : i32
      %swap3A_834 = arith.index_cast %swap3A_833 : i32 to index
      %swap3A_835 = arith.constant 0 : index
      %swap3A_836 = tpu.vector_load %arg9[%swap3A_834, %swap3A_835] {strides = array<i32>} : memref<40x128xf32, #tpu.memory_space<vmem>>, vector<1x16xf32>,
      %swap3A_837 = vector.shape_cast %swap3A_836 : vector<1x16xf32> to vector<16xf32>
      %swap3A_838 = vector.shape_cast %get3A_832 : vector<16xf32> to vector<1x16xf32>
      tpu.vector_store %arg9[%swap3A_834, %swap3A_835], %swap3A_838 {strides = array<i32>} : memref<40x128xf32, #tpu.memory_space<vmem>>, vector<1x16xf32>,
      %get3A_839 = arith.constant 23 : i32
      %get3A_840 = arith.index_cast %get3A_839 : i32 to index
      %get3A_841 = arith.constant 0 : index
      %get3A_842 = tpu.vector_load %arg7[%get3A_840, %get3A_841] {strides = array<i32>} : memref<40x16xf32, #tpu.memory_space<vmem>>, vector<1x16xf32>,
      %get3A_843 = vector.shape_cast %get3A_842 : vector<1x16xf32> to vector<16xf32>
      %swap3A_844 = arith.constant 23 : i32
      %swap3A_845 = arith.index_cast %swap3A_844 : i32 to index
      %swap3A_846 = arith.constant 0 : index
      %swap3A_847 = tpu.vector_load %arg9[%swap3A_845, %swap3A_846] {strides = array<i32>} : memref<40x128xf32, #tpu.memory_space<vmem>>, vector<1x16xf32>,
      %swap3A_848 = vector.shape_cast %swap3A_847 : vector<1x16xf32> to vector<16xf32>
      %swap3A_849 = vector.shape_cast %get3A_843 : vector<16xf32> to vector<1x16xf32>
      tpu.vector_store %arg9[%swap3A_845, %swap3A_846], %swap3A_849 {strides = array<i32>} : memref<40x128xf32, #tpu.memory_space<vmem>>, vector<1x16xf32>,
      %get3A_850 = arith.constant 24 : i32
      %get3A_851 = arith.index_cast %get3A_850 : i32 to index
      %get3A_852 = arith.constant 0 : index
      %get3A_853 = tpu.vector_load %arg7[%get3A_851, %get3A_852] {strides = array<i32>} : memref<40x16xf32, #tpu.memory_space<vmem>>, vector<1x16xf32>,
      %get3A_854 = vector.shape_cast %get3A_853 : vector<1x16xf32> to vector<16xf32>
      %swap3A_855 = arith.constant 24 : i32
      %swap3A_856 = arith.index_cast %swap3A_855 : i32 to index
      %swap3A_857 = arith.constant 0 : index
      %swap3A_858 = tpu.vector_load %arg9[%swap3A_856, %swap3A_857] {strides = array<i32>} : memref<40x128xf32, #tpu.memory_space<vmem>>, vector<1x16xf32>,
      %swap3A_859 = vector.shape_cast %swap3A_858 : vector<1x16xf32> to vector<16xf32>
      %swap3A_860 = vector.shape_cast %get3A_854 : vector<16xf32> to vector<1x16xf32>
      tpu.vector_store %arg9[%swap3A_856, %swap3A_857], %swap3A_860 {strides = array<i32>} : memref<40x128xf32, #tpu.memory_space<vmem>>, vector<1x16xf32>,
      %get3A_861 = arith.constant 25 : i32
      %get3A_862 = arith.index_cast %get3A_861 : i32 to index
      %get3A_863 = arith.constant 0 : index
      %get3A_864 = tpu.vector_load %arg7[%get3A_862, %get3A_863] {strides = array<i32>} : memref<40x16xf32, #tpu.memory_space<vmem>>, vector<1x16xf32>,
      %get3A_865 = vector.shape_cast %get3A_864 : vector<1x16xf32> to vector<16xf32>
      %swap3A_866 = arith.constant 25 : i32
      %swap3A_867 = arith.index_cast %swap3A_866 : i32 to index
      %swap3A_868 = arith.constant 0 : index
      %swap3A_869 = tpu.vector_load %arg9[%swap3A_867, %swap3A_868] {strides = array<i32>} : memref<40x128xf32, #tpu.memory_space<vmem>>, vector<1x16xf32>,
      %swap3A_870 = vector.shape_cast %swap3A_869 : vector<1x16xf32> to vector<16xf32>
      %swap3A_871 = vector.shape_cast %get3A_865 : vector<16xf32> to vector<1x16xf32>
      tpu.vector_store %arg9[%swap3A_867, %swap3A_868], %swap3A_871 {strides = array<i32>} : memref<40x128xf32, #tpu.memory_space<vmem>>, vector<1x16xf32>,
      %get3A_872 = arith.constant 26 : i32
      %get3A_873 = arith.index_cast %get3A_872 : i32 to index
      %get3A_874 = arith.constant 0 : index
      %get3A_875 = tpu.vector_load %arg7[%get3A_873, %get3A_874] {strides = array<i32>} : memref<40x16xf32, #tpu.memory_space<vmem>>, vector<1x16xf32>,
      %get3A_876 = vector.shape_cast %get3A_875 : vector<1x16xf32> to vector<16xf32>
      %swap3A_877 = arith.constant 26 : i32
      %swap3A_878 = arith.index_cast %swap3A_877 : i32 to index
      %swap3A_879 = arith.constant 0 : index
      %swap3A_880 = tpu.vector_load %arg9[%swap3A_878, %swap3A_879] {strides = array<i32>} : memref<40x128xf32, #tpu.memory_space<vmem>>, vector<1x16xf32>,
      %swap3A_881 = vector.shape_cast %swap3A_880 : vector<1x16xf32> to vector<16xf32>
      %swap3A_882 = vector.shape_cast %get3A_876 : vector<16xf32> to vector<1x16xf32>
      tpu.vector_store %arg9[%swap3A_878, %swap3A_879], %swap3A_882 {strides = array<i32>} : memref<40x128xf32, #tpu.memory_space<vmem>>, vector<1x16xf32>,
      %get3A_883 = arith.constant 27 : i32
      %get3A_884 = arith.index_cast %get3A_883 : i32 to index
      %get3A_885 = arith.constant 0 : index
      %get3A_886 = tpu.vector_load %arg7[%get3A_884, %get3A_885] {strides = array<i32>} : memref<40x16xf32, #tpu.memory_space<vmem>>, vector<1x16xf32>,
      %get3A_887 = vector.shape_cast %get3A_886 : vector<1x16xf32> to vector<16xf32>
      %swap3A_888 = arith.constant 27 : i32
      %swap3A_889 = arith.index_cast %swap3A_888 : i32 to index
      %swap3A_890 = arith.constant 0 : index
      %swap3A_891 = tpu.vector_load %arg9[%swap3A_889, %swap3A_890] {strides = array<i32>} : memref<40x128xf32, #tpu.memory_space<vmem>>, vector<1x16xf32>,
      %swap3A_892 = vector.shape_cast %swap3A_891 : vector<1x16xf32> to vector<16xf32>
      %swap3A_893 = vector.shape_cast %get3A_887 : vector<16xf32> to vector<1x16xf32>
      tpu.vector_store %arg9[%swap3A_889, %swap3A_890], %swap3A_893 {strides = array<i32>} : memref<40x128xf32, #tpu.memory_space<vmem>>, vector<1x16xf32>,
      %get3A_894 = arith.constant 28 : i32
      %get3A_895 = arith.index_cast %get3A_894 : i32 to index
      %get3A_896 = arith.constant 0 : index
      %get3A_897 = tpu.vector_load %arg7[%get3A_895, %get3A_896] {strides = array<i32>} : memref<40x16xf32, #tpu.memory_space<vmem>>, vector<1x16xf32>,
      %get3A_898 = vector.shape_cast %get3A_897 : vector<1x16xf32> to vector<16xf32>
      %swap3A_899 = arith.constant 28 : i32
      %swap3A_900 = arith.index_cast %swap3A_899 : i32 to index
      %swap3A_901 = arith.constant 0 : index
      %swap3A_902 = tpu.vector_load %arg9[%swap3A_900, %swap3A_901] {strides = array<i32>} : memref<40x128xf32, #tpu.memory_space<vmem>>, vector<1x16xf32>,
      %swap3A_903 = vector.shape_cast %swap3A_902 : vector<1x16xf32> to vector<16xf32>
      %swap3A_904 = vector.shape_cast %get3A_898 : vector<16xf32> to vector<1x16xf32>
      tpu.vector_store %arg9[%swap3A_900, %swap3A_901], %swap3A_904 {strides = array<i32>} : memref<40x128xf32, #tpu.memory_space<vmem>>, vector<1x16xf32>,
      %get3A_905 = arith.constant 29 : i32
      %get3A_906 = arith.index_cast %get3A_905 : i32 to index
      %get3A_907 = arith.constant 0 : index
      %get3A_908 = tpu.vector_load %arg7[%get3A_906, %get3A_907] {strides = array<i32>} : memref<40x16xf32, #tpu.memory_space<vmem>>, vector<1x16xf32>,
      %get3A_909 = vector.shape_cast %get3A_908 : vector<1x16xf32> to vector<16xf32>
      %swap3A_910 = arith.constant 29 : i32
      %swap3A_911 = arith.index_cast %swap3A_910 : i32 to index
      %swap3A_912 = arith.constant 0 : index
      %swap3A_913 = tpu.vector_load %arg9[%swap3A_911, %swap3A_912] {strides = array<i32>} : memref<40x128xf32, #tpu.memory_space<vmem>>, vector<1x16xf32>,
      %swap3A_914 = vector.shape_cast %swap3A_913 : vector<1x16xf32> to vector<16xf32>
      %swap3A_915 = vector.shape_cast %get3A_909 : vector<16xf32> to vector<1x16xf32>
      tpu.vector_store %arg9[%swap3A_911, %swap3A_912], %swap3A_915 {strides = array<i32>} : memref<40x128xf32, #tpu.memory_space<vmem>>, vector<1x16xf32>,
      %get3A_916 = arith.constant 30 : i32
      %get3A_917 = arith.index_cast %get3A_916 : i32 to index
      %get3A_918 = arith.constant 0 : index
      %get3A_919 = tpu.vector_load %arg7[%get3A_917, %get3A_918] {strides = array<i32>} : memref<40x16xf32, #tpu.memory_space<vmem>>, vector<1x16xf32>,
      %get3A_920 = vector.shape_cast %get3A_919 : vector<1x16xf32> to vector<16xf32>
      %swap3A_921 = arith.constant 30 : i32
      %swap3A_922 = arith.index_cast %swap3A_921 : i32 to index
      %swap3A_923 = arith.constant 0 : index
      %swap3A_924 = tpu.vector_load %arg9[%swap3A_922, %swap3A_923] {strides = array<i32>} : memref<40x128xf32, #tpu.memory_space<vmem>>, vector<1x16xf32>,
      %swap3A_925 = vector.shape_cast %swap3A_924 : vector<1x16xf32> to vector<16xf32>
      %swap3A_926 = vector.shape_cast %get3A_920 : vector<16xf32> to vector<1x16xf32>
      tpu.vector_store %arg9[%swap3A_922, %swap3A_923], %swap3A_926 {strides = array<i32>} : memref<40x128xf32, #tpu.memory_space<vmem>>, vector<1x16xf32>,
      %get3A_927 = arith.constant 31 : i32
      %get3A_928 = arith.index_cast %get3A_927 : i32 to index
      %get3A_929 = arith.constant 0 : index
      %get3A_930 = tpu.vector_load %arg7[%get3A_928, %get3A_929] {strides = array<i32>} : memref<40x16xf32, #tpu.memory_space<vmem>>, vector<1x16xf32>,
      %get3A_931 = vector.shape_cast %get3A_930 : vector<1x16xf32> to vector<16xf32>
      %swap3A_932 = arith.constant 31 : i32
      %swap3A_933 = arith.index_cast %swap3A_932 : i32 to index
      %swap3A_934 = arith.constant 0 : index
      %swap3A_935 = tpu.vector_load %arg9[%swap3A_933, %swap3A_934] {strides = array<i32>} : memref<40x128xf32, #tpu.memory_space<vmem>>, vector<1x16xf32>,
      %swap3A_936 = vector.shape_cast %swap3A_935 : vector<1x16xf32> to vector<16xf32>
      %swap3A_937 = vector.shape_cast %get3A_931 : vector<16xf32> to vector<1x16xf32>
      tpu.vector_store %arg9[%swap3A_933, %swap3A_934], %swap3A_937 {strides = array<i32>} : memref<40x128xf32, #tpu.memory_space<vmem>>, vector<1x16xf32>,
      %get3A_938 = arith.constant 32 : i32
      %get3A_939 = arith.index_cast %get3A_938 : i32 to index
      %get3A_940 = arith.constant 0 : index
      %get3A_941 = tpu.vector_load %arg7[%get3A_939, %get3A_940] {strides = array<i32>} : memref<40x16xf32, #tpu.memory_space<vmem>>, vector<1x16xf32>,
      %get3A_942 = vector.shape_cast %get3A_941 : vector<1x16xf32> to vector<16xf32>
      %swap3A_943 = arith.constant 32 : i32
      %swap3A_944 = arith.index_cast %swap3A_943 : i32 to index
      %swap3A_945 = arith.constant 0 : index
      %swap3A_946 = tpu.vector_load %arg9[%swap3A_944, %swap3A_945] {strides = array<i32>} : memref<40x128xf32, #tpu.memory_space<vmem>>, vector<1x16xf32>,
      %swap3A_947 = vector.shape_cast %swap3A_946 : vector<1x16xf32> to vector<16xf32>
      %swap3A_948 = vector.shape_cast %get3A_942 : vector<16xf32> to vector<1x16xf32>
      tpu.vector_store %arg9[%swap3A_944, %swap3A_945], %swap3A_948 {strides = array<i32>} : memref<40x128xf32, #tpu.memory_space<vmem>>, vector<1x16xf32>,
      %get3A_949 = arith.constant 33 : i32
      %get3A_950 = arith.index_cast %get3A_949 : i32 to index
      %get3A_951 = arith.constant 0 : index
      %get3A_952 = tpu.vector_load %arg7[%get3A_950, %get3A_951] {strides = array<i32>} : memref<40x16xf32, #tpu.memory_space<vmem>>, vector<1x16xf32>,
      %get3A_953 = vector.shape_cast %get3A_952 : vector<1x16xf32> to vector<16xf32>
      %swap3A_954 = arith.constant 33 : i32
      %swap3A_955 = arith.index_cast %swap3A_954 : i32 to index
      %swap3A_956 = arith.constant 0 : index
      %swap3A_957 = tpu.vector_load %arg9[%swap3A_955, %swap3A_956] {strides = array<i32>} : memref<40x128xf32, #tpu.memory_space<vmem>>, vector<1x16xf32>,
      %swap3A_958 = vector.shape_cast %swap3A_957 : vector<1x16xf32> to vector<16xf32>
      %swap3A_959 = vector.shape_cast %get3A_953 : vector<16xf32> to vector<1x16xf32>
      tpu.vector_store %arg9[%swap3A_955, %swap3A_956], %swap3A_959 {strides = array<i32>} : memref<40x128xf32, #tpu.memory_space<vmem>>, vector<1x16xf32>,
      %get3A_960 = arith.constant 34 : i32
      %get3A_961 = arith.index_cast %get3A_960 : i32 to index
      %get3A_962 = arith.constant 0 : index
      %get3A_963 = tpu.vector_load %arg7[%get3A_961, %get3A_962] {strides = array<i32>} : memref<40x16xf32, #tpu.memory_space<vmem>>, vector<1x16xf32>,
      %get3A_964 = vector.shape_cast %get3A_963 : vector<1x16xf32> to vector<16xf32>
      %swap3A_965 = arith.constant 34 : i32
      %swap3A_966 = arith.index_cast %swap3A_965 : i32 to index
      %swap3A_967 = arith.constant 0 : index
      %swap3A_968 = tpu.vector_load %arg9[%swap3A_966, %swap3A_967] {strides = array<i32>} : memref<40x128xf32, #tpu.memory_space<vmem>>, vector<1x16xf32>,
      %swap3A_969 = vector.shape_cast %swap3A_968 : vector<1x16xf32> to vector<16xf32>
      %swap3A_970 = vector.shape_cast %get3A_964 : vector<16xf32> to vector<1x16xf32>
      tpu.vector_store %arg9[%swap3A_966, %swap3A_967], %swap3A_970 {strides = array<i32>} : memref<40x128xf32, #tpu.memory_space<vmem>>, vector<1x16xf32>,
      %get3A_971 = arith.constant 35 : i32
      %get3A_972 = arith.index_cast %get3A_971 : i32 to index
      %get3A_973 = arith.constant 0 : index
      %get3A_974 = tpu.vector_load %arg7[%get3A_972, %get3A_973] {strides = array<i32>} : memref<40x16xf32, #tpu.memory_space<vmem>>, vector<1x16xf32>,
      %get3A_975 = vector.shape_cast %get3A_974 : vector<1x16xf32> to vector<16xf32>
      %swap3A_976 = arith.constant 35 : i32
      %swap3A_977 = arith.index_cast %swap3A_976 : i32 to index
      %swap3A_978 = arith.constant 0 : index
      %swap3A_979 = tpu.vector_load %arg9[%swap3A_977, %swap3A_978] {strides = array<i32>} : memref<40x128xf32, #tpu.memory_space<vmem>>, vector<1x16xf32>,
      %swap3A_980 = vector.shape_cast %swap3A_979 : vector<1x16xf32> to vector<16xf32>
      %swap3A_981 = vector.shape_cast %get3A_975 : vector<16xf32> to vector<1x16xf32>
      tpu.vector_store %arg9[%swap3A_977, %swap3A_978], %swap3A_981 {strides = array<i32>} : memref<40x128xf32, #tpu.memory_space<vmem>>, vector<1x16xf32>,
      %get3A_982 = arith.constant 36 : i32
      %get3A_983 = arith.index_cast %get3A_982 : i32 to index
      %get3A_984 = arith.constant 0 : index
      %get3A_985 = tpu.vector_load %arg7[%get3A_983, %get3A_984] {strides = array<i32>} : memref<40x16xf32, #tpu.memory_space<vmem>>, vector<1x16xf32>,
      %get3A_986 = vector.shape_cast %get3A_985 : vector<1x16xf32> to vector<16xf32>
      %swap3A_987 = arith.constant 36 : i32
      %swap3A_988 = arith.index_cast %swap3A_987 : i32 to index
      %swap3A_989 = arith.constant 0 : index
      %swap3A_990 = tpu.vector_load %arg9[%swap3A_988, %swap3A_989] {strides = array<i32>} : memref<40x128xf32, #tpu.memory_space<vmem>>, vector<1x16xf32>,
      %swap3A_991 = vector.shape_cast %swap3A_990 : vector<1x16xf32> to vector<16xf32>
      %swap3A_992 = vector.shape_cast %get3A_986 : vector<16xf32> to vector<1x16xf32>
      tpu.vector_store %arg9[%swap3A_988, %swap3A_989], %swap3A_992 {strides = array<i32>} : memref<40x128xf32, #tpu.memory_space<vmem>>, vector<1x16xf32>,
      %get3A_993 = arith.constant 37 : i32
      %get3A_994 = arith.index_cast %get3A_993 : i32 to index
      %get3A_995 = arith.constant 0 : index
      %get3A_996 = tpu.vector_load %arg7[%get3A_994, %get3A_995] {strides = array<i32>} : memref<40x16xf32, #tpu.memory_space<vmem>>, vector<1x16xf32>,
      %get3A_997 = vector.shape_cast %get3A_996 : vector<1x16xf32> to vector<16xf32>
      %swap3A_998 = arith.constant 37 : i32
      %swap3A_999 = arith.index_cast %swap3A_998 : i32 to index
      %swap3A_1000 = arith.constant 0 : index
      %swap3A_1001 = tpu.vector_load %arg9[%swap3A_999, %swap3A_1000] {strides = array<i32>} : memref<40x128xf32, #tpu.memory_space<vmem>>, vector<1x16xf32>,
      %swap3A_1002 = vector.shape_cast %swap3A_1001 : vector<1x16xf32> to vector<16xf32>
      %swap3A_1003 = vector.shape_cast %get3A_997 : vector<16xf32> to vector<1x16xf32>
      tpu.vector_store %arg9[%swap3A_999, %swap3A_1000], %swap3A_1003 {strides = array<i32>} : memref<40x128xf32, #tpu.memory_space<vmem>>, vector<1x16xf32>,
      %get3A_1004 = arith.constant 38 : i32
      %get3A_1005 = arith.index_cast %get3A_1004 : i32 to index
      %get3A_1006 = arith.constant 0 : index
      %get3A_1007 = tpu.vector_load %arg7[%get3A_1005, %get3A_1006] {strides = array<i32>} : memref<40x16xf32, #tpu.memory_space<vmem>>, vector<1x16xf32>,
      %get3A_1008 = vector.shape_cast %get3A_1007 : vector<1x16xf32> to vector<16xf32>
      %swap3A_1009 = arith.constant 38 : i32
      %swap3A_1010 = arith.index_cast %swap3A_1009 : i32 to index
      %swap3A_1011 = arith.constant 0 : index
      %swap3A_1012 = tpu.vector_load %arg9[%swap3A_1010, %swap3A_1011] {strides = array<i32>} : memref<40x128xf32, #tpu.memory_space<vmem>>, vector<1x16xf32>,
      %swap3A_1013 = vector.shape_cast %swap3A_1012 : vector<1x16xf32> to vector<16xf32>
      %swap3A_1014 = vector.shape_cast %get3A_1008 : vector<16xf32> to vector<1x16xf32>
      tpu.vector_store %arg9[%swap3A_1010, %swap3A_1011], %swap3A_1014 {strides = array<i32>} : memref<40x128xf32, #tpu.memory_space<vmem>>, vector<1x16xf32>,
      %get3A_1015 = arith.constant 39 : i32
      %get3A_1016 = arith.index_cast %get3A_1015 : i32 to index
      %get3A_1017 = arith.constant 0 : index
      %get3A_1018 = tpu.vector_load %arg7[%get3A_1016, %get3A_1017] {strides = array<i32>} : memref<40x16xf32, #tpu.memory_space<vmem>>, vector<1x16xf32>,
      %get3A_1019 = vector.shape_cast %get3A_1018 : vector<1x16xf32> to vector<16xf32>
      %swap3A_1020 = arith.constant 39 : i32
      %swap3A_1021 = arith.index_cast %swap3A_1020 : i32 to index
      %swap3A_1022 = arith.constant 0 : index
      %swap3A_1023 = tpu.vector_load %arg9[%swap3A_1021, %swap3A_1022] {strides = array<i32>} : memref<40x128xf32, #tpu.memory_space<vmem>>, vector<1x16xf32>,
      %swap3A_1024 = vector.shape_cast %swap3A_1023 : vector<1x16xf32> to vector<16xf32>
      %swap3A_1025 = vector.shape_cast %get3A_1019 : vector<16xf32> to vector<1x16xf32>
      tpu.vector_store %arg9[%swap3A_1021, %swap3A_1022], %swap3A_1025 {strides = array<i32>} : memref<40x128xf32, #tpu.memory_space<vmem>>, vector<1x16xf32>,
      %dma_start3A_1026 = arith.constant 0 : i32
      %dma_start3A_1027 = tpu.memref_slice %arg6[%add3A_569, %dma_start3A_1026] : memref<125x40xi32, #tpu.memory_space<vmem>> -> memref<1x40xi32, #tpu.memory_space<vmem>>
      %dma_start3A_1028 = tpu.memref_squeeze %dma_start3A_1027 : memref<1x40xi32, #tpu.memory_space<vmem>> -> memref<40xi32, #tpu.memory_space<vmem>>
      %dma_start3A_1029 = arith.constant 0 : i32
      %dma_start3A_1030 = arith.constant 0 : i32
      %dma_start3A_1031 = tpu.memref_slice %arg11[%dma_start3A_1029, %dma_start3A_1030] : memref<10240x128xf32, #tpu.memory_space<vmem_shared>> -> memref<10240x128xf32, #tpu.memory_space<vmem_shared>>
      tpu.enqueue_indirect_dma source(%arg9 : memref<40x128xf32, #tpu.memory_space<vmem>>) target(%dma_start3A_1031 : memref<10240x128xf32, #tpu.memory_space<vmem_shared>>) offsets(%dma_start3A_1028 : memref<40xi32, #tpu.memory_space<vmem>>) semaphore(%arg14 : memref<!tpu.dma_semaphore, #tpu.memory_space<semaphore_mem>>) {add = true}
      %add3A_1032 = arith.constant 2 : i32
      %add3A_1033 = arith.addi %add3A_569, %add3A_1032 : i32
      %lt3A = arith.constant 125 : i32
      %lt3A_1034 = arith.cmpi slt, %add3A_1033, %lt3A : i32
      %convert_element_type3A_1035 = arith.extui %lt3A_1034 : i1 to i32
      %cond3A_1036 = arith.constant 0 : i32
      %cond3A_1037 = arith.cmpi ne, %convert_element_type3A_1035, %cond3A_1036 : i32
      scf.if %cond3A_1037 {
        %add3A_1514 = arith.constant 2 : i32
        %add3A_1515 = arith.addi %add3A_569, %add3A_1514 : i32
        %mul3A_1516 = arith.constant 40 : i32
        %mul3A_1517 = arith.muli %add3A_1515, %mul3A_1516 : i32
        %dma_start3A_1518 = arith.constant 0 : i32
        %dma_start3A_1519 = arith.constant 0 : i32
        %dma_start3A_1520 = tpu.memref_slice %arg2[%add3A, %dma_start3A_1518, %dma_start3A_1519] : memref<32x5000x16xf32, #tpu.memory_space<hbm>> -> memref<1x5000x16xf32, #tpu.memory_space<hbm>>
        %dma_start3A_1521 = tpu.memref_squeeze %dma_start3A_1520 : memref<1x5000x16xf32, #tpu.memory_space<hbm>> -> memref<5000x16xf32, #tpu.memory_space<hbm>>
        %dma_start3A_1522 = arith.constant 0 : i32
        %dma_start3A_1523 = tpu.memref_slice %dma_start3A_1521[%mul3A_1517, %dma_start3A_1522] : memref<5000x16xf32, #tpu.memory_space<hbm>> -> memref<40x16xf32, #tpu.memory_space<hbm>>
        %dma_start3A_1524 = arith.constant 0 : i32
        %dma_start3A_1525 = arith.constant 0 : i32
        %dma_start3A_1526 = tpu.memref_slice %arg2[%add3A, %dma_start3A_1524, %dma_start3A_1525] : memref<32x5000x16xf32, #tpu.memory_space<hbm>> -> memref<1x5000x16xf32, #tpu.memory_space<hbm>>
        %dma_start3A_1527 = tpu.memref_squeeze %dma_start3A_1526 : memref<1x5000x16xf32, #tpu.memory_space<hbm>> -> memref<5000x16xf32, #tpu.memory_space<hbm>>
        %dma_start3A_1528 = arith.constant 0 : i32
        %dma_start3A_1529 = tpu.memref_slice %dma_start3A_1527[%mul3A_1517, %dma_start3A_1528] : memref<5000x16xf32, #tpu.memory_space<hbm>> -> memref<40x16xf32, #tpu.memory_space<hbm>>
        tpu.enqueue_dma source(%dma_start3A_1529 : memref<40x16xf32, #tpu.memory_space<hbm>>) target(%arg7 : memref<40x16xf32, #tpu.memory_space<vmem>>) target_semaphore(%arg12 : memref<!tpu.dma_semaphore, #tpu.memory_space<semaphore_mem>>)
      } else {
      }
      %mul3A_1038 = arith.constant 2 : i32
      %mul3A_1039 = arith.muli %scan3A_565, %mul3A_1038 : i32
      %add3A_1040 = arith.constant 1 : i32
      %add3A_1041 = arith.addi %mul3A_1039, %add3A_1040 : i32
      %mul3A_1042 = arith.constant 40 : i32
      %mul3A_1043 = arith.muli %add3A_1041, %mul3A_1042 : i32
      %dma_wait3A_1044 = arith.constant 0 : i32
      %dma_wait3A_1045 = arith.constant 0 : i32
      %dma_wait3A_1046 = tpu.memref_slice %arg2[%add3A, %dma_wait3A_1044, %dma_wait3A_1045] : memref<32x5000x16xf32, #tpu.memory_space<hbm>> -> memref<1x5000x16xf32, #tpu.memory_space<hbm>>
      %dma_wait3A_1047 = tpu.memref_squeeze %dma_wait3A_1046 : memref<1x5000x16xf32, #tpu.memory_space<hbm>> -> memref<5000x16xf32, #tpu.memory_space<hbm>>
      %dma_wait3A_1048 = arith.constant 0 : i32
      %dma_wait3A_1049 = tpu.memref_slice %dma_wait3A_1047[%mul3A_1043, %dma_wait3A_1048] : memref<5000x16xf32, #tpu.memory_space<hbm>> -> memref<40x16xf32, #tpu.memory_space<hbm>>
      %dma_wait3A_1050 = arith.constant 0 : i32
      %dma_wait3A_1051 = arith.constant 0 : i32
      %dma_wait3A_1052 = tpu.memref_slice %arg2[%add3A, %dma_wait3A_1050, %dma_wait3A_1051] : memref<32x5000x16xf32, #tpu.memory_space<hbm>> -> memref<1x5000x16xf32, #tpu.memory_space<hbm>>
      %dma_wait3A_1053 = tpu.memref_squeeze %dma_wait3A_1052 : memref<1x5000x16xf32, #tpu.memory_space<hbm>> -> memref<5000x16xf32, #tpu.memory_space<hbm>>
      %dma_wait3A_1054 = arith.constant 0 : i32
      %dma_wait3A_1055 = tpu.memref_slice %dma_wait3A_1053[%mul3A_1043, %dma_wait3A_1054] : memref<5000x16xf32, #tpu.memory_space<hbm>> -> memref<40x16xf32, #tpu.memory_space<hbm>>
      tpu.wait_dma2 semaphore(%arg13 : memref<!tpu.dma_semaphore, #tpu.memory_space<semaphore_mem>>) src(%dma_wait3A_1055 : memref<40x16xf32, #tpu.memory_space<hbm>>) dst(%arg8 : memref<40x16xf32, #tpu.memory_space<vmem>>)
      %ge3A_1056 = arith.constant 2 : i32
      %ge3A_1057 = arith.cmpi sge, %add3A_1041, %ge3A_1056 : i32
      %convert_element_type3A_1058 = arith.extui %ge3A_1057 : i1 to i32
      %cond3A_1059 = arith.constant 0 : i32
      %cond3A_1060 = arith.cmpi ne, %convert_element_type3A_1058, %cond3A_1059 : i32
      scf.if %cond3A_1060 {
        %sub3A = arith.constant 2 : i32
        %sub3A_1514 = arith.subi %add3A_1041, %sub3A : i32
        %dma_wait3A_1515 = arith.constant 0 : i32
        %dma_wait3A_1516 = tpu.memref_slice %arg6[%sub3A_1514, %dma_wait3A_1515] : memref<125x40xi32, #tpu.memory_space<vmem>> -> memref<1x40xi32, #tpu.memory_space<vmem>>
        %dma_wait3A_1517 = tpu.memref_squeeze %dma_wait3A_1516 : memref<1x40xi32, #tpu.memory_space<vmem>> -> memref<40xi32, #tpu.memory_space<vmem>>
        %dma_wait3A_1518 = arith.constant 0 : i32
        %dma_wait3A_1519 = arith.constant 0 : i32
        %dma_wait3A_1520 = tpu.memref_slice %arg11[%dma_wait3A_1518, %dma_wait3A_1519] : memref<10240x128xf32, #tpu.memory_space<vmem_shared>> -> memref<10240x128xf32, #tpu.memory_space<vmem_shared>>
        tpu.wait_indirect_dma semaphore(%arg15 : memref<!tpu.dma_semaphore, #tpu.memory_space<semaphore_mem>>) src(%arg10 : memref<40x128xf32, #tpu.memory_space<vmem>>) dst(%dma_wait3A_1520 : memref<10240x128xf32, #tpu.memory_space<vmem_shared>>)
      } else {
      }
      %get3A_1061 = arith.constant 0 : i32
      %get3A_1062 = arith.index_cast %get3A_1061 : i32 to index
      %get3A_1063 = arith.constant 0 : index
      %get3A_1064 = tpu.vector_load %arg8[%get3A_1062, %get3A_1063] {strides = array<i32>} : memref<40x16xf32, #tpu.memory_space<vmem>>, vector<1x16xf32>,
      %get3A_1065 = vector.shape_cast %get3A_1064 : vector<1x16xf32> to vector<16xf32>
      %swap3A_1066 = arith.constant 0 : i32
      %swap3A_1067 = arith.index_cast %swap3A_1066 : i32 to index
      %swap3A_1068 = arith.constant 0 : index
      %swap3A_1069 = tpu.vector_load %arg10[%swap3A_1067, %swap3A_1068] {strides = array<i32>} : memref<40x128xf32, #tpu.memory_space<vmem>>, vector<1x16xf32>,
      %swap3A_1070 = vector.shape_cast %swap3A_1069 : vector<1x16xf32> to vector<16xf32>
      %swap3A_1071 = vector.shape_cast %get3A_1065 : vector<16xf32> to vector<1x16xf32>
      tpu.vector_store %arg10[%swap3A_1067, %swap3A_1068], %swap3A_1071 {strides = array<i32>} : memref<40x128xf32, #tpu.memory_space<vmem>>, vector<1x16xf32>,
      %get3A_1072 = arith.constant 1 : i32
      %get3A_1073 = arith.index_cast %get3A_1072 : i32 to index
      %get3A_1074 = arith.constant 0 : index
      %get3A_1075 = tpu.vector_load %arg8[%get3A_1073, %get3A_1074] {strides = array<i32>} : memref<40x16xf32, #tpu.memory_space<vmem>>, vector<1x16xf32>,
      %get3A_1076 = vector.shape_cast %get3A_1075 : vector<1x16xf32> to vector<16xf32>
      %swap3A_1077 = arith.constant 1 : i32
      %swap3A_1078 = arith.index_cast %swap3A_1077 : i32 to index
      %swap3A_1079 = arith.constant 0 : index
      %swap3A_1080 = tpu.vector_load %arg10[%swap3A_1078, %swap3A_1079] {strides = array<i32>} : memref<40x128xf32, #tpu.memory_space<vmem>>, vector<1x16xf32>,
      %swap3A_1081 = vector.shape_cast %swap3A_1080 : vector<1x16xf32> to vector<16xf32>
      %swap3A_1082 = vector.shape_cast %get3A_1076 : vector<16xf32> to vector<1x16xf32>
      tpu.vector_store %arg10[%swap3A_1078, %swap3A_1079], %swap3A_1082 {strides = array<i32>} : memref<40x128xf32, #tpu.memory_space<vmem>>, vector<1x16xf32>,
      %get3A_1083 = arith.constant 2 : i32
      %get3A_1084 = arith.index_cast %get3A_1083 : i32 to index
      %get3A_1085 = arith.constant 0 : index
      %get3A_1086 = tpu.vector_load %arg8[%get3A_1084, %get3A_1085] {strides = array<i32>} : memref<40x16xf32, #tpu.memory_space<vmem>>, vector<1x16xf32>,
      %get3A_1087 = vector.shape_cast %get3A_1086 : vector<1x16xf32> to vector<16xf32>
      %swap3A_1088 = arith.constant 2 : i32
      %swap3A_1089 = arith.index_cast %swap3A_1088 : i32 to index
      %swap3A_1090 = arith.constant 0 : index
      %swap3A_1091 = tpu.vector_load %arg10[%swap3A_1089, %swap3A_1090] {strides = array<i32>} : memref<40x128xf32, #tpu.memory_space<vmem>>, vector<1x16xf32>,
      %swap3A_1092 = vector.shape_cast %swap3A_1091 : vector<1x16xf32> to vector<16xf32>
      %swap3A_1093 = vector.shape_cast %get3A_1087 : vector<16xf32> to vector<1x16xf32>
      tpu.vector_store %arg10[%swap3A_1089, %swap3A_1090], %swap3A_1093 {strides = array<i32>} : memref<40x128xf32, #tpu.memory_space<vmem>>, vector<1x16xf32>,
      %get3A_1094 = arith.constant 3 : i32
      %get3A_1095 = arith.index_cast %get3A_1094 : i32 to index
      %get3A_1096 = arith.constant 0 : index
      %get3A_1097 = tpu.vector_load %arg8[%get3A_1095, %get3A_1096] {strides = array<i32>} : memref<40x16xf32, #tpu.memory_space<vmem>>, vector<1x16xf32>,
      %get3A_1098 = vector.shape_cast %get3A_1097 : vector<1x16xf32> to vector<16xf32>
      %swap3A_1099 = arith.constant 3 : i32
      %swap3A_1100 = arith.index_cast %swap3A_1099 : i32 to index
      %swap3A_1101 = arith.constant 0 : index
      %swap3A_1102 = tpu.vector_load %arg10[%swap3A_1100, %swap3A_1101] {strides = array<i32>} : memref<40x128xf32, #tpu.memory_space<vmem>>, vector<1x16xf32>,
      %swap3A_1103 = vector.shape_cast %swap3A_1102 : vector<1x16xf32> to vector<16xf32>
      %swap3A_1104 = vector.shape_cast %get3A_1098 : vector<16xf32> to vector<1x16xf32>
      tpu.vector_store %arg10[%swap3A_1100, %swap3A_1101], %swap3A_1104 {strides = array<i32>} : memref<40x128xf32, #tpu.memory_space<vmem>>, vector<1x16xf32>,
      %get3A_1105 = arith.constant 4 : i32
      %get3A_1106 = arith.index_cast %get3A_1105 : i32 to index
      %get3A_1107 = arith.constant 0 : index
      %get3A_1108 = tpu.vector_load %arg8[%get3A_1106, %get3A_1107] {strides = array<i32>} : memref<40x16xf32, #tpu.memory_space<vmem>>, vector<1x16xf32>,
      %get3A_1109 = vector.shape_cast %get3A_1108 : vector<1x16xf32> to vector<16xf32>
      %swap3A_1110 = arith.constant 4 : i32
      %swap3A_1111 = arith.index_cast %swap3A_1110 : i32 to index
      %swap3A_1112 = arith.constant 0 : index
      %swap3A_1113 = tpu.vector_load %arg10[%swap3A_1111, %swap3A_1112] {strides = array<i32>} : memref<40x128xf32, #tpu.memory_space<vmem>>, vector<1x16xf32>,
      %swap3A_1114 = vector.shape_cast %swap3A_1113 : vector<1x16xf32> to vector<16xf32>
      %swap3A_1115 = vector.shape_cast %get3A_1109 : vector<16xf32> to vector<1x16xf32>
      tpu.vector_store %arg10[%swap3A_1111, %swap3A_1112], %swap3A_1115 {strides = array<i32>} : memref<40x128xf32, #tpu.memory_space<vmem>>, vector<1x16xf32>,
      %get3A_1116 = arith.constant 5 : i32
      %get3A_1117 = arith.index_cast %get3A_1116 : i32 to index
      %get3A_1118 = arith.constant 0 : index
      %get3A_1119 = tpu.vector_load %arg8[%get3A_1117, %get3A_1118] {strides = array<i32>} : memref<40x16xf32, #tpu.memory_space<vmem>>, vector<1x16xf32>,
      %get3A_1120 = vector.shape_cast %get3A_1119 : vector<1x16xf32> to vector<16xf32>
      %swap3A_1121 = arith.constant 5 : i32
      %swap3A_1122 = arith.index_cast %swap3A_1121 : i32 to index
      %swap3A_1123 = arith.constant 0 : index
      %swap3A_1124 = tpu.vector_load %arg10[%swap3A_1122, %swap3A_1123] {strides = array<i32>} : memref<40x128xf32, #tpu.memory_space<vmem>>, vector<1x16xf32>,
      %swap3A_1125 = vector.shape_cast %swap3A_1124 : vector<1x16xf32> to vector<16xf32>
      %swap3A_1126 = vector.shape_cast %get3A_1120 : vector<16xf32> to vector<1x16xf32>
      tpu.vector_store %arg10[%swap3A_1122, %swap3A_1123], %swap3A_1126 {strides = array<i32>} : memref<40x128xf32, #tpu.memory_space<vmem>>, vector<1x16xf32>,
      %get3A_1127 = arith.constant 6 : i32
      %get3A_1128 = arith.index_cast %get3A_1127 : i32 to index
      %get3A_1129 = arith.constant 0 : index
      %get3A_1130 = tpu.vector_load %arg8[%get3A_1128, %get3A_1129] {strides = array<i32>} : memref<40x16xf32, #tpu.memory_space<vmem>>, vector<1x16xf32>,
      %get3A_1131 = vector.shape_cast %get3A_1130 : vector<1x16xf32> to vector<16xf32>
      %swap3A_1132 = arith.constant 6 : i32
      %swap3A_1133 = arith.index_cast %swap3A_1132 : i32 to index
      %swap3A_1134 = arith.constant 0 : index
      %swap3A_1135 = tpu.vector_load %arg10[%swap3A_1133, %swap3A_1134] {strides = array<i32>} : memref<40x128xf32, #tpu.memory_space<vmem>>, vector<1x16xf32>,
      %swap3A_1136 = vector.shape_cast %swap3A_1135 : vector<1x16xf32> to vector<16xf32>
      %swap3A_1137 = vector.shape_cast %get3A_1131 : vector<16xf32> to vector<1x16xf32>
      tpu.vector_store %arg10[%swap3A_1133, %swap3A_1134], %swap3A_1137 {strides = array<i32>} : memref<40x128xf32, #tpu.memory_space<vmem>>, vector<1x16xf32>,
      %get3A_1138 = arith.constant 7 : i32
      %get3A_1139 = arith.index_cast %get3A_1138 : i32 to index
      %get3A_1140 = arith.constant 0 : index
      %get3A_1141 = tpu.vector_load %arg8[%get3A_1139, %get3A_1140] {strides = array<i32>} : memref<40x16xf32, #tpu.memory_space<vmem>>, vector<1x16xf32>,
      %get3A_1142 = vector.shape_cast %get3A_1141 : vector<1x16xf32> to vector<16xf32>
      %swap3A_1143 = arith.constant 7 : i32
      %swap3A_1144 = arith.index_cast %swap3A_1143 : i32 to index
      %swap3A_1145 = arith.constant 0 : index
      %swap3A_1146 = tpu.vector_load %arg10[%swap3A_1144, %swap3A_1145] {strides = array<i32>} : memref<40x128xf32, #tpu.memory_space<vmem>>, vector<1x16xf32>,
      %swap3A_1147 = vector.shape_cast %swap3A_1146 : vector<1x16xf32> to vector<16xf32>
      %swap3A_1148 = vector.shape_cast %get3A_1142 : vector<16xf32> to vector<1x16xf32>
      tpu.vector_store %arg10[%swap3A_1144, %swap3A_1145], %swap3A_1148 {strides = array<i32>} : memref<40x128xf32, #tpu.memory_space<vmem>>, vector<1x16xf32>,
      %get3A_1149 = arith.constant 8 : i32
      %get3A_1150 = arith.index_cast %get3A_1149 : i32 to index
      %get3A_1151 = arith.constant 0 : index
      %get3A_1152 = tpu.vector_load %arg8[%get3A_1150, %get3A_1151] {strides = array<i32>} : memref<40x16xf32, #tpu.memory_space<vmem>>, vector<1x16xf32>,
      %get3A_1153 = vector.shape_cast %get3A_1152 : vector<1x16xf32> to vector<16xf32>
      %swap3A_1154 = arith.constant 8 : i32
      %swap3A_1155 = arith.index_cast %swap3A_1154 : i32 to index
      %swap3A_1156 = arith.constant 0 : index
      %swap3A_1157 = tpu.vector_load %arg10[%swap3A_1155, %swap3A_1156] {strides = array<i32>} : memref<40x128xf32, #tpu.memory_space<vmem>>, vector<1x16xf32>,
      %swap3A_1158 = vector.shape_cast %swap3A_1157 : vector<1x16xf32> to vector<16xf32>
      %swap3A_1159 = vector.shape_cast %get3A_1153 : vector<16xf32> to vector<1x16xf32>
      tpu.vector_store %arg10[%swap3A_1155, %swap3A_1156], %swap3A_1159 {strides = array<i32>} : memref<40x128xf32, #tpu.memory_space<vmem>>, vector<1x16xf32>,
      %get3A_1160 = arith.constant 9 : i32
      %get3A_1161 = arith.index_cast %get3A_1160 : i32 to index
      %get3A_1162 = arith.constant 0 : index
      %get3A_1163 = tpu.vector_load %arg8[%get3A_1161, %get3A_1162] {strides = array<i32>} : memref<40x16xf32, #tpu.memory_space<vmem>>, vector<1x16xf32>,
      %get3A_1164 = vector.shape_cast %get3A_1163 : vector<1x16xf32> to vector<16xf32>
      %swap3A_1165 = arith.constant 9 : i32
      %swap3A_1166 = arith.index_cast %swap3A_1165 : i32 to index
      %swap3A_1167 = arith.constant 0 : index
      %swap3A_1168 = tpu.vector_load %arg10[%swap3A_1166, %swap3A_1167] {strides = array<i32>} : memref<40x128xf32, #tpu.memory_space<vmem>>, vector<1x16xf32>,
      %swap3A_1169 = vector.shape_cast %swap3A_1168 : vector<1x16xf32> to vector<16xf32>
      %swap3A_1170 = vector.shape_cast %get3A_1164 : vector<16xf32> to vector<1x16xf32>
      tpu.vector_store %arg10[%swap3A_1166, %swap3A_1167], %swap3A_1170 {strides = array<i32>} : memref<40x128xf32, #tpu.memory_space<vmem>>, vector<1x16xf32>,
      %get3A_1171 = arith.constant 10 : i32
      %get3A_1172 = arith.index_cast %get3A_1171 : i32 to index
      %get3A_1173 = arith.constant 0 : index
      %get3A_1174 = tpu.vector_load %arg8[%get3A_1172, %get3A_1173] {strides = array<i32>} : memref<40x16xf32, #tpu.memory_space<vmem>>, vector<1x16xf32>,
      %get3A_1175 = vector.shape_cast %get3A_1174 : vector<1x16xf32> to vector<16xf32>
      %swap3A_1176 = arith.constant 10 : i32
      %swap3A_1177 = arith.index_cast %swap3A_1176 : i32 to index
      %swap3A_1178 = arith.constant 0 : index
      %swap3A_1179 = tpu.vector_load %arg10[%swap3A_1177, %swap3A_1178] {strides = array<i32>} : memref<40x128xf32, #tpu.memory_space<vmem>>, vector<1x16xf32>,
      %swap3A_1180 = vector.shape_cast %swap3A_1179 : vector<1x16xf32> to vector<16xf32>
      %swap3A_1181 = vector.shape_cast %get3A_1175 : vector<16xf32> to vector<1x16xf32>
      tpu.vector_store %arg10[%swap3A_1177, %swap3A_1178], %swap3A_1181 {strides = array<i32>} : memref<40x128xf32, #tpu.memory_space<vmem>>, vector<1x16xf32>,
      %get3A_1182 = arith.constant 11 : i32
      %get3A_1183 = arith.index_cast %get3A_1182 : i32 to index
      %get3A_1184 = arith.constant 0 : index
      %get3A_1185 = tpu.vector_load %arg8[%get3A_1183, %get3A_1184] {strides = array<i32>} : memref<40x16xf32, #tpu.memory_space<vmem>>, vector<1x16xf32>,
      %get3A_1186 = vector.shape_cast %get3A_1185 : vector<1x16xf32> to vector<16xf32>
      %swap3A_1187 = arith.constant 11 : i32
      %swap3A_1188 = arith.index_cast %swap3A_1187 : i32 to index
      %swap3A_1189 = arith.constant 0 : index
      %swap3A_1190 = tpu.vector_load %arg10[%swap3A_1188, %swap3A_1189] {strides = array<i32>} : memref<40x128xf32, #tpu.memory_space<vmem>>, vector<1x16xf32>,
      %swap3A_1191 = vector.shape_cast %swap3A_1190 : vector<1x16xf32> to vector<16xf32>
      %swap3A_1192 = vector.shape_cast %get3A_1186 : vector<16xf32> to vector<1x16xf32>
      tpu.vector_store %arg10[%swap3A_1188, %swap3A_1189], %swap3A_1192 {strides = array<i32>} : memref<40x128xf32, #tpu.memory_space<vmem>>, vector<1x16xf32>,
      %get3A_1193 = arith.constant 12 : i32
      %get3A_1194 = arith.index_cast %get3A_1193 : i32 to index
      %get3A_1195 = arith.constant 0 : index
      %get3A_1196 = tpu.vector_load %arg8[%get3A_1194, %get3A_1195] {strides = array<i32>} : memref<40x16xf32, #tpu.memory_space<vmem>>, vector<1x16xf32>,
      %get3A_1197 = vector.shape_cast %get3A_1196 : vector<1x16xf32> to vector<16xf32>
      %swap3A_1198 = arith.constant 12 : i32
      %swap3A_1199 = arith.index_cast %swap3A_1198 : i32 to index
      %swap3A_1200 = arith.constant 0 : index
      %swap3A_1201 = tpu.vector_load %arg10[%swap3A_1199, %swap3A_1200] {strides = array<i32>} : memref<40x128xf32, #tpu.memory_space<vmem>>, vector<1x16xf32>,
      %swap3A_1202 = vector.shape_cast %swap3A_1201 : vector<1x16xf32> to vector<16xf32>
      %swap3A_1203 = vector.shape_cast %get3A_1197 : vector<16xf32> to vector<1x16xf32>
      tpu.vector_store %arg10[%swap3A_1199, %swap3A_1200], %swap3A_1203 {strides = array<i32>} : memref<40x128xf32, #tpu.memory_space<vmem>>, vector<1x16xf32>,
      %get3A_1204 = arith.constant 13 : i32
      %get3A_1205 = arith.index_cast %get3A_1204 : i32 to index
      %get3A_1206 = arith.constant 0 : index
      %get3A_1207 = tpu.vector_load %arg8[%get3A_1205, %get3A_1206] {strides = array<i32>} : memref<40x16xf32, #tpu.memory_space<vmem>>, vector<1x16xf32>,
      %get3A_1208 = vector.shape_cast %get3A_1207 : vector<1x16xf32> to vector<16xf32>
      %swap3A_1209 = arith.constant 13 : i32
      %swap3A_1210 = arith.index_cast %swap3A_1209 : i32 to index
      %swap3A_1211 = arith.constant 0 : index
      %swap3A_1212 = tpu.vector_load %arg10[%swap3A_1210, %swap3A_1211] {strides = array<i32>} : memref<40x128xf32, #tpu.memory_space<vmem>>, vector<1x16xf32>,
      %swap3A_1213 = vector.shape_cast %swap3A_1212 : vector<1x16xf32> to vector<16xf32>
      %swap3A_1214 = vector.shape_cast %get3A_1208 : vector<16xf32> to vector<1x16xf32>
      tpu.vector_store %arg10[%swap3A_1210, %swap3A_1211], %swap3A_1214 {strides = array<i32>} : memref<40x128xf32, #tpu.memory_space<vmem>>, vector<1x16xf32>,
      %get3A_1215 = arith.constant 14 : i32
      %get3A_1216 = arith.index_cast %get3A_1215 : i32 to index
      %get3A_1217 = arith.constant 0 : index
      %get3A_1218 = tpu.vector_load %arg8[%get3A_1216, %get3A_1217] {strides = array<i32>} : memref<40x16xf32, #tpu.memory_space<vmem>>, vector<1x16xf32>,
      %get3A_1219 = vector.shape_cast %get3A_1218 : vector<1x16xf32> to vector<16xf32>
      %swap3A_1220 = arith.constant 14 : i32
      %swap3A_1221 = arith.index_cast %swap3A_1220 : i32 to index
      %swap3A_1222 = arith.constant 0 : index
      %swap3A_1223 = tpu.vector_load %arg10[%swap3A_1221, %swap3A_1222] {strides = array<i32>} : memref<40x128xf32, #tpu.memory_space<vmem>>, vector<1x16xf32>,
      %swap3A_1224 = vector.shape_cast %swap3A_1223 : vector<1x16xf32> to vector<16xf32>
      %swap3A_1225 = vector.shape_cast %get3A_1219 : vector<16xf32> to vector<1x16xf32>
      tpu.vector_store %arg10[%swap3A_1221, %swap3A_1222], %swap3A_1225 {strides = array<i32>} : memref<40x128xf32, #tpu.memory_space<vmem>>, vector<1x16xf32>,
      %get3A_1226 = arith.constant 15 : i32
      %get3A_1227 = arith.index_cast %get3A_1226 : i32 to index
      %get3A_1228 = arith.constant 0 : index
      %get3A_1229 = tpu.vector_load %arg8[%get3A_1227, %get3A_1228] {strides = array<i32>} : memref<40x16xf32, #tpu.memory_space<vmem>>, vector<1x16xf32>,
      %get3A_1230 = vector.shape_cast %get3A_1229 : vector<1x16xf32> to vector<16xf32>
      %swap3A_1231 = arith.constant 15 : i32
      %swap3A_1232 = arith.index_cast %swap3A_1231 : i32 to index
      %swap3A_1233 = arith.constant 0 : index
      %swap3A_1234 = tpu.vector_load %arg10[%swap3A_1232, %swap3A_1233] {strides = array<i32>} : memref<40x128xf32, #tpu.memory_space<vmem>>, vector<1x16xf32>,
      %swap3A_1235 = vector.shape_cast %swap3A_1234 : vector<1x16xf32> to vector<16xf32>
      %swap3A_1236 = vector.shape_cast %get3A_1230 : vector<16xf32> to vector<1x16xf32>
      tpu.vector_store %arg10[%swap3A_1232, %swap3A_1233], %swap3A_1236 {strides = array<i32>} : memref<40x128xf32, #tpu.memory_space<vmem>>, vector<1x16xf32>,
      %get3A_1237 = arith.constant 16 : i32
      %get3A_1238 = arith.index_cast %get3A_1237 : i32 to index
      %get3A_1239 = arith.constant 0 : index
      %get3A_1240 = tpu.vector_load %arg8[%get3A_1238, %get3A_1239] {strides = array<i32>} : memref<40x16xf32, #tpu.memory_space<vmem>>, vector<1x16xf32>,
      %get3A_1241 = vector.shape_cast %get3A_1240 : vector<1x16xf32> to vector<16xf32>
      %swap3A_1242 = arith.constant 16 : i32
      %swap3A_1243 = arith.index_cast %swap3A_1242 : i32 to index
      %swap3A_1244 = arith.constant 0 : index
      %swap3A_1245 = tpu.vector_load %arg10[%swap3A_1243, %swap3A_1244] {strides = array<i32>} : memref<40x128xf32, #tpu.memory_space<vmem>>, vector<1x16xf32>,
      %swap3A_1246 = vector.shape_cast %swap3A_1245 : vector<1x16xf32> to vector<16xf32>
      %swap3A_1247 = vector.shape_cast %get3A_1241 : vector<16xf32> to vector<1x16xf32>
      tpu.vector_store %arg10[%swap3A_1243, %swap3A_1244], %swap3A_1247 {strides = array<i32>} : memref<40x128xf32, #tpu.memory_space<vmem>>, vector<1x16xf32>,
      %get3A_1248 = arith.constant 17 : i32
      %get3A_1249 = arith.index_cast %get3A_1248 : i32 to index
      %get3A_1250 = arith.constant 0 : index
      %get3A_1251 = tpu.vector_load %arg8[%get3A_1249, %get3A_1250] {strides = array<i32>} : memref<40x16xf32, #tpu.memory_space<vmem>>, vector<1x16xf32>,
      %get3A_1252 = vector.shape_cast %get3A_1251 : vector<1x16xf32> to vector<16xf32>
      %swap3A_1253 = arith.constant 17 : i32
      %swap3A_1254 = arith.index_cast %swap3A_1253 : i32 to index
      %swap3A_1255 = arith.constant 0 : index
      %swap3A_1256 = tpu.vector_load %arg10[%swap3A_1254, %swap3A_1255] {strides = array<i32>} : memref<40x128xf32, #tpu.memory_space<vmem>>, vector<1x16xf32>,
      %swap3A_1257 = vector.shape_cast %swap3A_1256 : vector<1x16xf32> to vector<16xf32>
      %swap3A_1258 = vector.shape_cast %get3A_1252 : vector<16xf32> to vector<1x16xf32>
      tpu.vector_store %arg10[%swap3A_1254, %swap3A_1255], %swap3A_1258 {strides = array<i32>} : memref<40x128xf32, #tpu.memory_space<vmem>>, vector<1x16xf32>,
      %get3A_1259 = arith.constant 18 : i32
      %get3A_1260 = arith.index_cast %get3A_1259 : i32 to index
      %get3A_1261 = arith.constant 0 : index
      %get3A_1262 = tpu.vector_load %arg8[%get3A_1260, %get3A_1261] {strides = array<i32>} : memref<40x16xf32, #tpu.memory_space<vmem>>, vector<1x16xf32>,
      %get3A_1263 = vector.shape_cast %get3A_1262 : vector<1x16xf32> to vector<16xf32>
      %swap3A_1264 = arith.constant 18 : i32
      %swap3A_1265 = arith.index_cast %swap3A_1264 : i32 to index
      %swap3A_1266 = arith.constant 0 : index
      %swap3A_1267 = tpu.vector_load %arg10[%swap3A_1265, %swap3A_1266] {strides = array<i32>} : memref<40x128xf32, #tpu.memory_space<vmem>>, vector<1x16xf32>,
      %swap3A_1268 = vector.shape_cast %swap3A_1267 : vector<1x16xf32> to vector<16xf32>
      %swap3A_1269 = vector.shape_cast %get3A_1263 : vector<16xf32> to vector<1x16xf32>
      tpu.vector_store %arg10[%swap3A_1265, %swap3A_1266], %swap3A_1269 {strides = array<i32>} : memref<40x128xf32, #tpu.memory_space<vmem>>, vector<1x16xf32>,
      %get3A_1270 = arith.constant 19 : i32
      %get3A_1271 = arith.index_cast %get3A_1270 : i32 to index
      %get3A_1272 = arith.constant 0 : index
      %get3A_1273 = tpu.vector_load %arg8[%get3A_1271, %get3A_1272] {strides = array<i32>} : memref<40x16xf32, #tpu.memory_space<vmem>>, vector<1x16xf32>,
      %get3A_1274 = vector.shape_cast %get3A_1273 : vector<1x16xf32> to vector<16xf32>
      %swap3A_1275 = arith.constant 19 : i32
      %swap3A_1276 = arith.index_cast %swap3A_1275 : i32 to index
      %swap3A_1277 = arith.constant 0 : index
      %swap3A_1278 = tpu.vector_load %arg10[%swap3A_1276, %swap3A_1277] {strides = array<i32>} : memref<40x128xf32, #tpu.memory_space<vmem>>, vector<1x16xf32>,
      %swap3A_1279 = vector.shape_cast %swap3A_1278 : vector<1x16xf32> to vector<16xf32>
      %swap3A_1280 = vector.shape_cast %get3A_1274 : vector<16xf32> to vector<1x16xf32>
      tpu.vector_store %arg10[%swap3A_1276, %swap3A_1277], %swap3A_1280 {strides = array<i32>} : memref<40x128xf32, #tpu.memory_space<vmem>>, vector<1x16xf32>,
      %get3A_1281 = arith.constant 20 : i32
      %get3A_1282 = arith.index_cast %get3A_1281 : i32 to index
      %get3A_1283 = arith.constant 0 : index
      %get3A_1284 = tpu.vector_load %arg8[%get3A_1282, %get3A_1283] {strides = array<i32>} : memref<40x16xf32, #tpu.memory_space<vmem>>, vector<1x16xf32>,
      %get3A_1285 = vector.shape_cast %get3A_1284 : vector<1x16xf32> to vector<16xf32>
      %swap3A_1286 = arith.constant 20 : i32
      %swap3A_1287 = arith.index_cast %swap3A_1286 : i32 to index
      %swap3A_1288 = arith.constant 0 : index
      %swap3A_1289 = tpu.vector_load %arg10[%swap3A_1287, %swap3A_1288] {strides = array<i32>} : memref<40x128xf32, #tpu.memory_space<vmem>>, vector<1x16xf32>,
      %swap3A_1290 = vector.shape_cast %swap3A_1289 : vector<1x16xf32> to vector<16xf32>
      %swap3A_1291 = vector.shape_cast %get3A_1285 : vector<16xf32> to vector<1x16xf32>
      tpu.vector_store %arg10[%swap3A_1287, %swap3A_1288], %swap3A_1291 {strides = array<i32>} : memref<40x128xf32, #tpu.memory_space<vmem>>, vector<1x16xf32>,
      %get3A_1292 = arith.constant 21 : i32
      %get3A_1293 = arith.index_cast %get3A_1292 : i32 to index
      %get3A_1294 = arith.constant 0 : index
      %get3A_1295 = tpu.vector_load %arg8[%get3A_1293, %get3A_1294] {strides = array<i32>} : memref<40x16xf32, #tpu.memory_space<vmem>>, vector<1x16xf32>,
      %get3A_1296 = vector.shape_cast %get3A_1295 : vector<1x16xf32> to vector<16xf32>
      %swap3A_1297 = arith.constant 21 : i32
      %swap3A_1298 = arith.index_cast %swap3A_1297 : i32 to index
      %swap3A_1299 = arith.constant 0 : index
      %swap3A_1300 = tpu.vector_load %arg10[%swap3A_1298, %swap3A_1299] {strides = array<i32>} : memref<40x128xf32, #tpu.memory_space<vmem>>, vector<1x16xf32>,
      %swap3A_1301 = vector.shape_cast %swap3A_1300 : vector<1x16xf32> to vector<16xf32>
      %swap3A_1302 = vector.shape_cast %get3A_1296 : vector<16xf32> to vector<1x16xf32>
      tpu.vector_store %arg10[%swap3A_1298, %swap3A_1299], %swap3A_1302 {strides = array<i32>} : memref<40x128xf32, #tpu.memory_space<vmem>>, vector<1x16xf32>,
      %get3A_1303 = arith.constant 22 : i32
      %get3A_1304 = arith.index_cast %get3A_1303 : i32 to index
      %get3A_1305 = arith.constant 0 : index
      %get3A_1306 = tpu.vector_load %arg8[%get3A_1304, %get3A_1305] {strides = array<i32>} : memref<40x16xf32, #tpu.memory_space<vmem>>, vector<1x16xf32>,
      %get3A_1307 = vector.shape_cast %get3A_1306 : vector<1x16xf32> to vector<16xf32>
      %swap3A_1308 = arith.constant 22 : i32
      %swap3A_1309 = arith.index_cast %swap3A_1308 : i32 to index
      %swap3A_1310 = arith.constant 0 : index
      %swap3A_1311 = tpu.vector_load %arg10[%swap3A_1309, %swap3A_1310] {strides = array<i32>} : memref<40x128xf32, #tpu.memory_space<vmem>>, vector<1x16xf32>,
      %swap3A_1312 = vector.shape_cast %swap3A_1311 : vector<1x16xf32> to vector<16xf32>
      %swap3A_1313 = vector.shape_cast %get3A_1307 : vector<16xf32> to vector<1x16xf32>
      tpu.vector_store %arg10[%swap3A_1309, %swap3A_1310], %swap3A_1313 {strides = array<i32>} : memref<40x128xf32, #tpu.memory_space<vmem>>, vector<1x16xf32>,
      %get3A_1314 = arith.constant 23 : i32
      %get3A_1315 = arith.index_cast %get3A_1314 : i32 to index
      %get3A_1316 = arith.constant 0 : index
      %get3A_1317 = tpu.vector_load %arg8[%get3A_1315, %get3A_1316] {strides = array<i32>} : memref<40x16xf32, #tpu.memory_space<vmem>>, vector<1x16xf32>,
      %get3A_1318 = vector.shape_cast %get3A_1317 : vector<1x16xf32> to vector<16xf32>
      %swap3A_1319 = arith.constant 23 : i32
      %swap3A_1320 = arith.index_cast %swap3A_1319 : i32 to index
      %swap3A_1321 = arith.constant 0 : index
      %swap3A_1322 = tpu.vector_load %arg10[%swap3A_1320, %swap3A_1321] {strides = array<i32>} : memref<40x128xf32, #tpu.memory_space<vmem>>, vector<1x16xf32>,
      %swap3A_1323 = vector.shape_cast %swap3A_1322 : vector<1x16xf32> to vector<16xf32>
      %swap3A_1324 = vector.shape_cast %get3A_1318 : vector<16xf32> to vector<1x16xf32>
      tpu.vector_store %arg10[%swap3A_1320, %swap3A_1321], %swap3A_1324 {strides = array<i32>} : memref<40x128xf32, #tpu.memory_space<vmem>>, vector<1x16xf32>,
      %get3A_1325 = arith.constant 24 : i32
      %get3A_1326 = arith.index_cast %get3A_1325 : i32 to index
      %get3A_1327 = arith.constant 0 : index
      %get3A_1328 = tpu.vector_load %arg8[%get3A_1326, %get3A_1327] {strides = array<i32>} : memref<40x16xf32, #tpu.memory_space<vmem>>, vector<1x16xf32>,
      %get3A_1329 = vector.shape_cast %get3A_1328 : vector<1x16xf32> to vector<16xf32>
      %swap3A_1330 = arith.constant 24 : i32
      %swap3A_1331 = arith.index_cast %swap3A_1330 : i32 to index
      %swap3A_1332 = arith.constant 0 : index
      %swap3A_1333 = tpu.vector_load %arg10[%swap3A_1331, %swap3A_1332] {strides = array<i32>} : memref<40x128xf32, #tpu.memory_space<vmem>>, vector<1x16xf32>,
      %swap3A_1334 = vector.shape_cast %swap3A_1333 : vector<1x16xf32> to vector<16xf32>
      %swap3A_1335 = vector.shape_cast %get3A_1329 : vector<16xf32> to vector<1x16xf32>
      tpu.vector_store %arg10[%swap3A_1331, %swap3A_1332], %swap3A_1335 {strides = array<i32>} : memref<40x128xf32, #tpu.memory_space<vmem>>, vector<1x16xf32>,
      %get3A_1336 = arith.constant 25 : i32
      %get3A_1337 = arith.index_cast %get3A_1336 : i32 to index
      %get3A_1338 = arith.constant 0 : index
      %get3A_1339 = tpu.vector_load %arg8[%get3A_1337, %get3A_1338] {strides = array<i32>} : memref<40x16xf32, #tpu.memory_space<vmem>>, vector<1x16xf32>,
      %get3A_1340 = vector.shape_cast %get3A_1339 : vector<1x16xf32> to vector<16xf32>
      %swap3A_1341 = arith.constant 25 : i32
      %swap3A_1342 = arith.index_cast %swap3A_1341 : i32 to index
      %swap3A_1343 = arith.constant 0 : index
      %swap3A_1344 = tpu.vector_load %arg10[%swap3A_1342, %swap3A_1343] {strides = array<i32>} : memref<40x128xf32, #tpu.memory_space<vmem>>, vector<1x16xf32>,
      %swap3A_1345 = vector.shape_cast %swap3A_1344 : vector<1x16xf32> to vector<16xf32>
      %swap3A_1346 = vector.shape_cast %get3A_1340 : vector<16xf32> to vector<1x16xf32>
      tpu.vector_store %arg10[%swap3A_1342, %swap3A_1343], %swap3A_1346 {strides = array<i32>} : memref<40x128xf32, #tpu.memory_space<vmem>>, vector<1x16xf32>,
      %get3A_1347 = arith.constant 26 : i32
      %get3A_1348 = arith.index_cast %get3A_1347 : i32 to index
      %get3A_1349 = arith.constant 0 : index
      %get3A_1350 = tpu.vector_load %arg8[%get3A_1348, %get3A_1349] {strides = array<i32>} : memref<40x16xf32, #tpu.memory_space<vmem>>, vector<1x16xf32>,
      %get3A_1351 = vector.shape_cast %get3A_1350 : vector<1x16xf32> to vector<16xf32>
      %swap3A_1352 = arith.constant 26 : i32
      %swap3A_1353 = arith.index_cast %swap3A_1352 : i32 to index
      %swap3A_1354 = arith.constant 0 : index
      %swap3A_1355 = tpu.vector_load %arg10[%swap3A_1353, %swap3A_1354] {strides = array<i32>} : memref<40x128xf32, #tpu.memory_space<vmem>>, vector<1x16xf32>,
      %swap3A_1356 = vector.shape_cast %swap3A_1355 : vector<1x16xf32> to vector<16xf32>
      %swap3A_1357 = vector.shape_cast %get3A_1351 : vector<16xf32> to vector<1x16xf32>
      tpu.vector_store %arg10[%swap3A_1353, %swap3A_1354], %swap3A_1357 {strides = array<i32>} : memref<40x128xf32, #tpu.memory_space<vmem>>, vector<1x16xf32>,
      %get3A_1358 = arith.constant 27 : i32
      %get3A_1359 = arith.index_cast %get3A_1358 : i32 to index
      %get3A_1360 = arith.constant 0 : index
      %get3A_1361 = tpu.vector_load %arg8[%get3A_1359, %get3A_1360] {strides = array<i32>} : memref<40x16xf32, #tpu.memory_space<vmem>>, vector<1x16xf32>,
      %get3A_1362 = vector.shape_cast %get3A_1361 : vector<1x16xf32> to vector<16xf32>
      %swap3A_1363 = arith.constant 27 : i32
      %swap3A_1364 = arith.index_cast %swap3A_1363 : i32 to index
      %swap3A_1365 = arith.constant 0 : index
      %swap3A_1366 = tpu.vector_load %arg10[%swap3A_1364, %swap3A_1365] {strides = array<i32>} : memref<40x128xf32, #tpu.memory_space<vmem>>, vector<1x16xf32>,
      %swap3A_1367 = vector.shape_cast %swap3A_1366 : vector<1x16xf32> to vector<16xf32>
      %swap3A_1368 = vector.shape_cast %get3A_1362 : vector<16xf32> to vector<1x16xf32>
      tpu.vector_store %arg10[%swap3A_1364, %swap3A_1365], %swap3A_1368 {strides = array<i32>} : memref<40x128xf32, #tpu.memory_space<vmem>>, vector<1x16xf32>,
      %get3A_1369 = arith.constant 28 : i32
      %get3A_1370 = arith.index_cast %get3A_1369 : i32 to index
      %get3A_1371 = arith.constant 0 : index
      %get3A_1372 = tpu.vector_load %arg8[%get3A_1370, %get3A_1371] {strides = array<i32>} : memref<40x16xf32, #tpu.memory_space<vmem>>, vector<1x16xf32>,
      %get3A_1373 = vector.shape_cast %get3A_1372 : vector<1x16xf32> to vector<16xf32>
      %swap3A_1374 = arith.constant 28 : i32
      %swap3A_1375 = arith.index_cast %swap3A_1374 : i32 to index
      %swap3A_1376 = arith.constant 0 : index
      %swap3A_1377 = tpu.vector_load %arg10[%swap3A_1375, %swap3A_1376] {strides = array<i32>} : memref<40x128xf32, #tpu.memory_space<vmem>>, vector<1x16xf32>,
      %swap3A_1378 = vector.shape_cast %swap3A_1377 : vector<1x16xf32> to vector<16xf32>
      %swap3A_1379 = vector.shape_cast %get3A_1373 : vector<16xf32> to vector<1x16xf32>
      tpu.vector_store %arg10[%swap3A_1375, %swap3A_1376], %swap3A_1379 {strides = array<i32>} : memref<40x128xf32, #tpu.memory_space<vmem>>, vector<1x16xf32>,
      %get3A_1380 = arith.constant 29 : i32
      %get3A_1381 = arith.index_cast %get3A_1380 : i32 to index
      %get3A_1382 = arith.constant 0 : index
      %get3A_1383 = tpu.vector_load %arg8[%get3A_1381, %get3A_1382] {strides = array<i32>} : memref<40x16xf32, #tpu.memory_space<vmem>>, vector<1x16xf32>,
      %get3A_1384 = vector.shape_cast %get3A_1383 : vector<1x16xf32> to vector<16xf32>
      %swap3A_1385 = arith.constant 29 : i32
      %swap3A_1386 = arith.index_cast %swap3A_1385 : i32 to index
      %swap3A_1387 = arith.constant 0 : index
      %swap3A_1388 = tpu.vector_load %arg10[%swap3A_1386, %swap3A_1387] {strides = array<i32>} : memref<40x128xf32, #tpu.memory_space<vmem>>, vector<1x16xf32>,
      %swap3A_1389 = vector.shape_cast %swap3A_1388 : vector<1x16xf32> to vector<16xf32>
      %swap3A_1390 = vector.shape_cast %get3A_1384 : vector<16xf32> to vector<1x16xf32>
      tpu.vector_store %arg10[%swap3A_1386, %swap3A_1387], %swap3A_1390 {strides = array<i32>} : memref<40x128xf32, #tpu.memory_space<vmem>>, vector<1x16xf32>,
      %get3A_1391 = arith.constant 30 : i32
      %get3A_1392 = arith.index_cast %get3A_1391 : i32 to index
      %get3A_1393 = arith.constant 0 : index
      %get3A_1394 = tpu.vector_load %arg8[%get3A_1392, %get3A_1393] {strides = array<i32>} : memref<40x16xf32, #tpu.memory_space<vmem>>, vector<1x16xf32>,
      %get3A_1395 = vector.shape_cast %get3A_1394 : vector<1x16xf32> to vector<16xf32>
      %swap3A_1396 = arith.constant 30 : i32
      %swap3A_1397 = arith.index_cast %swap3A_1396 : i32 to index
      %swap3A_1398 = arith.constant 0 : index
      %swap3A_1399 = tpu.vector_load %arg10[%swap3A_1397, %swap3A_1398] {strides = array<i32>} : memref<40x128xf32, #tpu.memory_space<vmem>>, vector<1x16xf32>,
      %swap3A_1400 = vector.shape_cast %swap3A_1399 : vector<1x16xf32> to vector<16xf32>
      %swap3A_1401 = vector.shape_cast %get3A_1395 : vector<16xf32> to vector<1x16xf32>
      tpu.vector_store %arg10[%swap3A_1397, %swap3A_1398], %swap3A_1401 {strides = array<i32>} : memref<40x128xf32, #tpu.memory_space<vmem>>, vector<1x16xf32>,
      %get3A_1402 = arith.constant 31 : i32
      %get3A_1403 = arith.index_cast %get3A_1402 : i32 to index
      %get3A_1404 = arith.constant 0 : index
      %get3A_1405 = tpu.vector_load %arg8[%get3A_1403, %get3A_1404] {strides = array<i32>} : memref<40x16xf32, #tpu.memory_space<vmem>>, vector<1x16xf32>,
      %get3A_1406 = vector.shape_cast %get3A_1405 : vector<1x16xf32> to vector<16xf32>
      %swap3A_1407 = arith.constant 31 : i32
      %swap3A_1408 = arith.index_cast %swap3A_1407 : i32 to index
      %swap3A_1409 = arith.constant 0 : index
      %swap3A_1410 = tpu.vector_load %arg10[%swap3A_1408, %swap3A_1409] {strides = array<i32>} : memref<40x128xf32, #tpu.memory_space<vmem>>, vector<1x16xf32>,
      %swap3A_1411 = vector.shape_cast %swap3A_1410 : vector<1x16xf32> to vector<16xf32>
      %swap3A_1412 = vector.shape_cast %get3A_1406 : vector<16xf32> to vector<1x16xf32>
      tpu.vector_store %arg10[%swap3A_1408, %swap3A_1409], %swap3A_1412 {strides = array<i32>} : memref<40x128xf32, #tpu.memory_space<vmem>>, vector<1x16xf32>,
      %get3A_1413 = arith.constant 32 : i32
      %get3A_1414 = arith.index_cast %get3A_1413 : i32 to index
      %get3A_1415 = arith.constant 0 : index
      %get3A_1416 = tpu.vector_load %arg8[%get3A_1414, %get3A_1415] {strides = array<i32>} : memref<40x16xf32, #tpu.memory_space<vmem>>, vector<1x16xf32>,
      %get3A_1417 = vector.shape_cast %get3A_1416 : vector<1x16xf32> to vector<16xf32>
      %swap3A_1418 = arith.constant 32 : i32
      %swap3A_1419 = arith.index_cast %swap3A_1418 : i32 to index
      %swap3A_1420 = arith.constant 0 : index
      %swap3A_1421 = tpu.vector_load %arg10[%swap3A_1419, %swap3A_1420] {strides = array<i32>} : memref<40x128xf32, #tpu.memory_space<vmem>>, vector<1x16xf32>,
      %swap3A_1422 = vector.shape_cast %swap3A_1421 : vector<1x16xf32> to vector<16xf32>
      %swap3A_1423 = vector.shape_cast %get3A_1417 : vector<16xf32> to vector<1x16xf32>
      tpu.vector_store %arg10[%swap3A_1419, %swap3A_1420], %swap3A_1423 {strides = array<i32>} : memref<40x128xf32, #tpu.memory_space<vmem>>, vector<1x16xf32>,
      %get3A_1424 = arith.constant 33 : i32
      %get3A_1425 = arith.index_cast %get3A_1424 : i32 to index
      %get3A_1426 = arith.constant 0 : index
      %get3A_1427 = tpu.vector_load %arg8[%get3A_1425, %get3A_1426] {strides = array<i32>} : memref<40x16xf32, #tpu.memory_space<vmem>>, vector<1x16xf32>,
      %get3A_1428 = vector.shape_cast %get3A_1427 : vector<1x16xf32> to vector<16xf32>
      %swap3A_1429 = arith.constant 33 : i32
      %swap3A_1430 = arith.index_cast %swap3A_1429 : i32 to index
      %swap3A_1431 = arith.constant 0 : index
      %swap3A_1432 = tpu.vector_load %arg10[%swap3A_1430, %swap3A_1431] {strides = array<i32>} : memref<40x128xf32, #tpu.memory_space<vmem>>, vector<1x16xf32>,
      %swap3A_1433 = vector.shape_cast %swap3A_1432 : vector<1x16xf32> to vector<16xf32>
      %swap3A_1434 = vector.shape_cast %get3A_1428 : vector<16xf32> to vector<1x16xf32>
      tpu.vector_store %arg10[%swap3A_1430, %swap3A_1431], %swap3A_1434 {strides = array<i32>} : memref<40x128xf32, #tpu.memory_space<vmem>>, vector<1x16xf32>,
      %get3A_1435 = arith.constant 34 : i32
      %get3A_1436 = arith.index_cast %get3A_1435 : i32 to index
      %get3A_1437 = arith.constant 0 : index
      %get3A_1438 = tpu.vector_load %arg8[%get3A_1436, %get3A_1437] {strides = array<i32>} : memref<40x16xf32, #tpu.memory_space<vmem>>, vector<1x16xf32>,
      %get3A_1439 = vector.shape_cast %get3A_1438 : vector<1x16xf32> to vector<16xf32>
      %swap3A_1440 = arith.constant 34 : i32
      %swap3A_1441 = arith.index_cast %swap3A_1440 : i32 to index
      %swap3A_1442 = arith.constant 0 : index
      %swap3A_1443 = tpu.vector_load %arg10[%swap3A_1441, %swap3A_1442] {strides = array<i32>} : memref<40x128xf32, #tpu.memory_space<vmem>>, vector<1x16xf32>,
      %swap3A_1444 = vector.shape_cast %swap3A_1443 : vector<1x16xf32> to vector<16xf32>
      %swap3A_1445 = vector.shape_cast %get3A_1439 : vector<16xf32> to vector<1x16xf32>
      tpu.vector_store %arg10[%swap3A_1441, %swap3A_1442], %swap3A_1445 {strides = array<i32>} : memref<40x128xf32, #tpu.memory_space<vmem>>, vector<1x16xf32>,
      %get3A_1446 = arith.constant 35 : i32
      %get3A_1447 = arith.index_cast %get3A_1446 : i32 to index
      %get3A_1448 = arith.constant 0 : index
      %get3A_1449 = tpu.vector_load %arg8[%get3A_1447, %get3A_1448] {strides = array<i32>} : memref<40x16xf32, #tpu.memory_space<vmem>>, vector<1x16xf32>,
      %get3A_1450 = vector.shape_cast %get3A_1449 : vector<1x16xf32> to vector<16xf32>
      %swap3A_1451 = arith.constant 35 : i32
      %swap3A_1452 = arith.index_cast %swap3A_1451 : i32 to index
      %swap3A_1453 = arith.constant 0 : index
      %swap3A_1454 = tpu.vector_load %arg10[%swap3A_1452, %swap3A_1453] {strides = array<i32>} : memref<40x128xf32, #tpu.memory_space<vmem>>, vector<1x16xf32>,
      %swap3A_1455 = vector.shape_cast %swap3A_1454 : vector<1x16xf32> to vector<16xf32>
      %swap3A_1456 = vector.shape_cast %get3A_1450 : vector<16xf32> to vector<1x16xf32>
      tpu.vector_store %arg10[%swap3A_1452, %swap3A_1453], %swap3A_1456 {strides = array<i32>} : memref<40x128xf32, #tpu.memory_space<vmem>>, vector<1x16xf32>,
      %get3A_1457 = arith.constant 36 : i32
      %get3A_1458 = arith.index_cast %get3A_1457 : i32 to index
      %get3A_1459 = arith.constant 0 : index
      %get3A_1460 = tpu.vector_load %arg8[%get3A_1458, %get3A_1459] {strides = array<i32>} : memref<40x16xf32, #tpu.memory_space<vmem>>, vector<1x16xf32>,
      %get3A_1461 = vector.shape_cast %get3A_1460 : vector<1x16xf32> to vector<16xf32>
      %swap3A_1462 = arith.constant 36 : i32
      %swap3A_1463 = arith.index_cast %swap3A_1462 : i32 to index
      %swap3A_1464 = arith.constant 0 : index
      %swap3A_1465 = tpu.vector_load %arg10[%swap3A_1463, %swap3A_1464] {strides = array<i32>} : memref<40x128xf32, #tpu.memory_space<vmem>>, vector<1x16xf32>,
      %swap3A_1466 = vector.shape_cast %swap3A_1465 : vector<1x16xf32> to vector<16xf32>
      %swap3A_1467 = vector.shape_cast %get3A_1461 : vector<16xf32> to vector<1x16xf32>
      tpu.vector_store %arg10[%swap3A_1463, %swap3A_1464], %swap3A_1467 {strides = array<i32>} : memref<40x128xf32, #tpu.memory_space<vmem>>, vector<1x16xf32>,
      %get3A_1468 = arith.constant 37 : i32
      %get3A_1469 = arith.index_cast %get3A_1468 : i32 to index
      %get3A_1470 = arith.constant 0 : index
      %get3A_1471 = tpu.vector_load %arg8[%get3A_1469, %get3A_1470] {strides = array<i32>} : memref<40x16xf32, #tpu.memory_space<vmem>>, vector<1x16xf32>,
      %get3A_1472 = vector.shape_cast %get3A_1471 : vector<1x16xf32> to vector<16xf32>
      %swap3A_1473 = arith.constant 37 : i32
      %swap3A_1474 = arith.index_cast %swap3A_1473 : i32 to index
      %swap3A_1475 = arith.constant 0 : index
      %swap3A_1476 = tpu.vector_load %arg10[%swap3A_1474, %swap3A_1475] {strides = array<i32>} : memref<40x128xf32, #tpu.memory_space<vmem>>, vector<1x16xf32>,
      %swap3A_1477 = vector.shape_cast %swap3A_1476 : vector<1x16xf32> to vector<16xf32>
      %swap3A_1478 = vector.shape_cast %get3A_1472 : vector<16xf32> to vector<1x16xf32>
      tpu.vector_store %arg10[%swap3A_1474, %swap3A_1475], %swap3A_1478 {strides = array<i32>} : memref<40x128xf32, #tpu.memory_space<vmem>>, vector<1x16xf32>,
      %get3A_1479 = arith.constant 38 : i32
      %get3A_1480 = arith.index_cast %get3A_1479 : i32 to index
      %get3A_1481 = arith.constant 0 : index
      %get3A_1482 = tpu.vector_load %arg8[%get3A_1480, %get3A_1481] {strides = array<i32>} : memref<40x16xf32, #tpu.memory_space<vmem>>, vector<1x16xf32>,
      %get3A_1483 = vector.shape_cast %get3A_1482 : vector<1x16xf32> to vector<16xf32>
      %swap3A_1484 = arith.constant 38 : i32
      %swap3A_1485 = arith.index_cast %swap3A_1484 : i32 to index
      %swap3A_1486 = arith.constant 0 : index
      %swap3A_1487 = tpu.vector_load %arg10[%swap3A_1485, %swap3A_1486] {strides = array<i32>} : memref<40x128xf32, #tpu.memory_space<vmem>>, vector<1x16xf32>,
      %swap3A_1488 = vector.shape_cast %swap3A_1487 : vector<1x16xf32> to vector<16xf32>
      %swap3A_1489 = vector.shape_cast %get3A_1483 : vector<16xf32> to vector<1x16xf32>
      tpu.vector_store %arg10[%swap3A_1485, %swap3A_1486], %swap3A_1489 {strides = array<i32>} : memref<40x128xf32, #tpu.memory_space<vmem>>, vector<1x16xf32>,
      %get3A_1490 = arith.constant 39 : i32
      %get3A_1491 = arith.index_cast %get3A_1490 : i32 to index
      %get3A_1492 = arith.constant 0 : index
      %get3A_1493 = tpu.vector_load %arg8[%get3A_1491, %get3A_1492] {strides = array<i32>} : memref<40x16xf32, #tpu.memory_space<vmem>>, vector<1x16xf32>,
      %get3A_1494 = vector.shape_cast %get3A_1493 : vector<1x16xf32> to vector<16xf32>
      %swap3A_1495 = arith.constant 39 : i32
      %swap3A_1496 = arith.index_cast %swap3A_1495 : i32 to index
      %swap3A_1497 = arith.constant 0 : index
      %swap3A_1498 = tpu.vector_load %arg10[%swap3A_1496, %swap3A_1497] {strides = array<i32>} : memref<40x128xf32, #tpu.memory_space<vmem>>, vector<1x16xf32>,
      %swap3A_1499 = vector.shape_cast %swap3A_1498 : vector<1x16xf32> to vector<16xf32>
      %swap3A_1500 = vector.shape_cast %get3A_1494 : vector<16xf32> to vector<1x16xf32>
      tpu.vector_store %arg10[%swap3A_1496, %swap3A_1497], %swap3A_1500 {strides = array<i32>} : memref<40x128xf32, #tpu.memory_space<vmem>>, vector<1x16xf32>,
      %dma_start3A_1501 = arith.constant 0 : i32
      %dma_start3A_1502 = tpu.memref_slice %arg6[%add3A_1041, %dma_start3A_1501] : memref<125x40xi32, #tpu.memory_space<vmem>> -> memref<1x40xi32, #tpu.memory_space<vmem>>
      %dma_start3A_1503 = tpu.memref_squeeze %dma_start3A_1502 : memref<1x40xi32, #tpu.memory_space<vmem>> -> memref<40xi32, #tpu.memory_space<vmem>>
      %dma_start3A_1504 = arith.constant 0 : i32
      %dma_start3A_1505 = arith.constant 0 : i32
      %dma_start3A_1506 = tpu.memref_slice %arg11[%dma_start3A_1504, %dma_start3A_1505] : memref<10240x128xf32, #tpu.memory_space<vmem_shared>> -> memref<10240x128xf32, #tpu.memory_space<vmem_shared>>
      tpu.enqueue_indirect_dma source(%arg10 : memref<40x128xf32, #tpu.memory_space<vmem>>) target(%dma_start3A_1506 : memref<10240x128xf32, #tpu.memory_space<vmem_shared>>) offsets(%dma_start3A_1503 : memref<40xi32, #tpu.memory_space<vmem>>) semaphore(%arg15 : memref<!tpu.dma_semaphore, #tpu.memory_space<semaphore_mem>>) {add = true}
      %add3A_1507 = arith.constant 2 : i32
      %add3A_1508 = arith.addi %add3A_1041, %add3A_1507 : i32
      %lt3A_1509 = arith.constant 125 : i32
      %lt3A_1510 = arith.cmpi slt, %add3A_1508, %lt3A_1509 : i32
      %convert_element_type3A_1511 = arith.extui %lt3A_1510 : i1 to i32
      %cond3A_1512 = arith.constant 0 : i32
      %cond3A_1513 = arith.cmpi ne, %convert_element_type3A_1511, %cond3A_1512 : i32
      scf.if %cond3A_1513 {
        %add3A_1514 = arith.constant 2 : i32
        %add3A_1515 = arith.addi %add3A_1041, %add3A_1514 : i32
        %mul3A_1516 = arith.constant 40 : i32
        %mul3A_1517 = arith.muli %add3A_1515, %mul3A_1516 : i32
        %dma_start3A_1518 = arith.constant 0 : i32
        %dma_start3A_1519 = arith.constant 0 : i32
        %dma_start3A_1520 = tpu.memref_slice %arg2[%add3A, %dma_start3A_1518, %dma_start3A_1519] : memref<32x5000x16xf32, #tpu.memory_space<hbm>> -> memref<1x5000x16xf32, #tpu.memory_space<hbm>>
        %dma_start3A_1521 = tpu.memref_squeeze %dma_start3A_1520 : memref<1x5000x16xf32, #tpu.memory_space<hbm>> -> memref<5000x16xf32, #tpu.memory_space<hbm>>
        %dma_start3A_1522 = arith.constant 0 : i32
        %dma_start3A_1523 = tpu.memref_slice %dma_start3A_1521[%mul3A_1517, %dma_start3A_1522] : memref<5000x16xf32, #tpu.memory_space<hbm>> -> memref<40x16xf32, #tpu.memory_space<hbm>>
        %dma_start3A_1524 = arith.constant 0 : i32
        %dma_start3A_1525 = arith.constant 0 : i32
        %dma_start3A_1526 = tpu.memref_slice %arg2[%add3A, %dma_start3A_1524, %dma_start3A_1525] : memref<32x5000x16xf32, #tpu.memory_space<hbm>> -> memref<1x5000x16xf32, #tpu.memory_space<hbm>>
        %dma_start3A_1527 = tpu.memref_squeeze %dma_start3A_1526 : memref<1x5000x16xf32, #tpu.memory_space<hbm>> -> memref<5000x16xf32, #tpu.memory_space<hbm>>
        %dma_start3A_1528 = arith.constant 0 : i32
        %dma_start3A_1529 = tpu.memref_slice %dma_start3A_1527[%mul3A_1517, %dma_start3A_1528] : memref<5000x16xf32, #tpu.memory_space<hbm>> -> memref<40x16xf32, #tpu.memory_space<hbm>>
        tpu.enqueue_dma source(%dma_start3A_1529 : memref<40x16xf32, #tpu.memory_space<hbm>>) target(%arg8 : memref<40x16xf32, #tpu.memory_space<vmem>>) target_semaphore(%arg13 : memref<!tpu.dma_semaphore, #tpu.memory_space<semaphore_mem>>)
      } else {
      }
    }
    %scan3A_66 = arith.constant 62 : i32
    %dma_wait3A = arith.constant 0 : i32
    %dma_wait3A_67 = arith.constant 0 : i32
    %dma_wait3A_68 = tpu.memref_slice %arg2[%add3A, %dma_wait3A, %dma_wait3A_67] : memref<32x5000x16xf32, #tpu.memory_space<hbm>> -> memref<1x5000x16xf32, #tpu.memory_space<hbm>>
    %dma_wait3A_69 = tpu.memref_squeeze %dma_wait3A_68 : memref<1x5000x16xf32, #tpu.memory_space<hbm>> -> memref<5000x16xf32, #tpu.memory_space<hbm>>
    %dma_wait3A_70 = arith.constant 4960 : i32
    %dma_wait3A_71 = arith.constant 0 : i32
    %dma_wait3A_72 = tpu.memref_slice %dma_wait3A_69[%dma_wait3A_70, %dma_wait3A_71] : memref<5000x16xf32, #tpu.memory_space<hbm>> -> memref<40x16xf32, #tpu.memory_space<hbm>>
    %dma_wait3A_73 = arith.constant 0 : i32
    %dma_wait3A_74 = arith.constant 0 : i32
    %dma_wait3A_75 = tpu.memref_slice %arg2[%add3A, %dma_wait3A_73, %dma_wait3A_74] : memref<32x5000x16xf32, #tpu.memory_space<hbm>> -> memref<1x5000x16xf32, #tpu.memory_space<hbm>>
    %dma_wait3A_76 = tpu.memref_squeeze %dma_wait3A_75 : memref<1x5000x16xf32, #tpu.memory_space<hbm>> -> memref<5000x16xf32, #tpu.memory_space<hbm>>
    %dma_wait3A_77 = arith.constant 4960 : i32
    %dma_wait3A_78 = arith.constant 0 : i32
    %dma_wait3A_79 = tpu.memref_slice %dma_wait3A_76[%dma_wait3A_77, %dma_wait3A_78] : memref<5000x16xf32, #tpu.memory_space<hbm>> -> memref<40x16xf32, #tpu.memory_space<hbm>>
    tpu.wait_dma2 semaphore(%arg12 : memref<!tpu.dma_semaphore, #tpu.memory_space<semaphore_mem>>) src(%dma_wait3A_79 : memref<40x16xf32, #tpu.memory_space<hbm>>) dst(%arg7 : memref<40x16xf32, #tpu.memory_space<vmem>>)
    %dma_wait3A_80 = arith.constant 122 : i32
    %dma_wait3A_81 = arith.constant 0 : i32
    %dma_wait3A_82 = tpu.memref_slice %arg6[%dma_wait3A_80, %dma_wait3A_81] : memref<125x40xi32, #tpu.memory_space<vmem>> -> memref<1x40xi32, #tpu.memory_space<vmem>>
    %dma_wait3A_83 = tpu.memref_squeeze %dma_wait3A_82 : memref<1x40xi32, #tpu.memory_space<vmem>> -> memref<40xi32, #tpu.memory_space<vmem>>
    %dma_wait3A_84 = arith.constant 0 : i32
    %dma_wait3A_85 = arith.constant 0 : i32
    %dma_wait3A_86 = tpu.memref_slice %arg11[%dma_wait3A_84, %dma_wait3A_85] : memref<10240x128xf32, #tpu.memory_space<vmem_shared>> -> memref<10240x128xf32, #tpu.memory_space<vmem_shared>>
    tpu.wait_indirect_dma semaphore(%arg14 : memref<!tpu.dma_semaphore, #tpu.memory_space<semaphore_mem>>) src(%arg9 : memref<40x128xf32, #tpu.memory_space<vmem>>) dst(%dma_wait3A_86 : memref<10240x128xf32, #tpu.memory_space<vmem_shared>>)
    %get3A = arith.constant 0 : i32
    %get3A_87 = arith.index_cast %get3A : i32 to index
    %get3A_88 = arith.constant 0 : index
    %get3A_89 = tpu.vector_load %arg7[%get3A_87, %get3A_88] {strides = array<i32>} : memref<40x16xf32, #tpu.memory_space<vmem>>, vector<1x16xf32>,
    %get3A_90 = vector.shape_cast %get3A_89 : vector<1x16xf32> to vector<16xf32>
    %swap3A = arith.constant 0 : i32
    %swap3A_91 = arith.index_cast %swap3A : i32 to index
    %swap3A_92 = arith.constant 0 : index
    %swap3A_93 = tpu.vector_load %arg9[%swap3A_91, %swap3A_92] {strides = array<i32>} : memref<40x128xf32, #tpu.memory_space<vmem>>, vector<1x16xf32>,
    %swap3A_94 = vector.shape_cast %swap3A_93 : vector<1x16xf32> to vector<16xf32>
    %swap3A_95 = vector.shape_cast %get3A_90 : vector<16xf32> to vector<1x16xf32>
    tpu.vector_store %arg9[%swap3A_91, %swap3A_92], %swap3A_95 {strides = array<i32>} : memref<40x128xf32, #tpu.memory_space<vmem>>, vector<1x16xf32>,
    %get3A_96 = arith.constant 1 : i32
    %get3A_97 = arith.index_cast %get3A_96 : i32 to index
    %get3A_98 = arith.constant 0 : index
    %get3A_99 = tpu.vector_load %arg7[%get3A_97, %get3A_98] {strides = array<i32>} : memref<40x16xf32, #tpu.memory_space<vmem>>, vector<1x16xf32>,
    %get3A_100 = vector.shape_cast %get3A_99 : vector<1x16xf32> to vector<16xf32>
    %swap3A_101 = arith.constant 1 : i32
    %swap3A_102 = arith.index_cast %swap3A_101 : i32 to index
    %swap3A_103 = arith.constant 0 : index
    %swap3A_104 = tpu.vector_load %arg9[%swap3A_102, %swap3A_103] {strides = array<i32>} : memref<40x128xf32, #tpu.memory_space<vmem>>, vector<1x16xf32>,
    %swap3A_105 = vector.shape_cast %swap3A_104 : vector<1x16xf32> to vector<16xf32>
    %swap3A_106 = vector.shape_cast %get3A_100 : vector<16xf32> to vector<1x16xf32>
    tpu.vector_store %arg9[%swap3A_102, %swap3A_103], %swap3A_106 {strides = array<i32>} : memref<40x128xf32, #tpu.memory_space<vmem>>, vector<1x16xf32>,
    %get3A_107 = arith.constant 2 : i32
    %get3A_108 = arith.index_cast %get3A_107 : i32 to index
    %get3A_109 = arith.constant 0 : index
    %get3A_110 = tpu.vector_load %arg7[%get3A_108, %get3A_109] {strides = array<i32>} : memref<40x16xf32, #tpu.memory_space<vmem>>, vector<1x16xf32>,
    %get3A_111 = vector.shape_cast %get3A_110 : vector<1x16xf32> to vector<16xf32>
    %swap3A_112 = arith.constant 2 : i32
    %swap3A_113 = arith.index_cast %swap3A_112 : i32 to index
    %swap3A_114 = arith.constant 0 : index
    %swap3A_115 = tpu.vector_load %arg9[%swap3A_113, %swap3A_114] {strides = array<i32>} : memref<40x128xf32, #tpu.memory_space<vmem>>, vector<1x16xf32>,
    %swap3A_116 = vector.shape_cast %swap3A_115 : vector<1x16xf32> to vector<16xf32>
    %swap3A_117 = vector.shape_cast %get3A_111 : vector<16xf32> to vector<1x16xf32>
    tpu.vector_store %arg9[%swap3A_113, %swap3A_114], %swap3A_117 {strides = array<i32>} : memref<40x128xf32, #tpu.memory_space<vmem>>, vector<1x16xf32>,
    %get3A_118 = arith.constant 3 : i32
    %get3A_119 = arith.index_cast %get3A_118 : i32 to index
    %get3A_120 = arith.constant 0 : index
    %get3A_121 = tpu.vector_load %arg7[%get3A_119, %get3A_120] {strides = array<i32>} : memref<40x16xf32, #tpu.memory_space<vmem>>, vector<1x16xf32>,
    %get3A_122 = vector.shape_cast %get3A_121 : vector<1x16xf32> to vector<16xf32>
    %swap3A_123 = arith.constant 3 : i32
    %swap3A_124 = arith.index_cast %swap3A_123 : i32 to index
    %swap3A_125 = arith.constant 0 : index
    %swap3A_126 = tpu.vector_load %arg9[%swap3A_124, %swap3A_125] {strides = array<i32>} : memref<40x128xf32, #tpu.memory_space<vmem>>, vector<1x16xf32>,
    %swap3A_127 = vector.shape_cast %swap3A_126 : vector<1x16xf32> to vector<16xf32>
    %swap3A_128 = vector.shape_cast %get3A_122 : vector<16xf32> to vector<1x16xf32>
    tpu.vector_store %arg9[%swap3A_124, %swap3A_125], %swap3A_128 {strides = array<i32>} : memref<40x128xf32, #tpu.memory_space<vmem>>, vector<1x16xf32>,
    %get3A_129 = arith.constant 4 : i32
    %get3A_130 = arith.index_cast %get3A_129 : i32 to index
    %get3A_131 = arith.constant 0 : index
    %get3A_132 = tpu.vector_load %arg7[%get3A_130, %get3A_131] {strides = array<i32>} : memref<40x16xf32, #tpu.memory_space<vmem>>, vector<1x16xf32>,
    %get3A_133 = vector.shape_cast %get3A_132 : vector<1x16xf32> to vector<16xf32>
    %swap3A_134 = arith.constant 4 : i32
    %swap3A_135 = arith.index_cast %swap3A_134 : i32 to index
    %swap3A_136 = arith.constant 0 : index
    %swap3A_137 = tpu.vector_load %arg9[%swap3A_135, %swap3A_136] {strides = array<i32>} : memref<40x128xf32, #tpu.memory_space<vmem>>, vector<1x16xf32>,
    %swap3A_138 = vector.shape_cast %swap3A_137 : vector<1x16xf32> to vector<16xf32>
    %swap3A_139 = vector.shape_cast %get3A_133 : vector<16xf32> to vector<1x16xf32>
    tpu.vector_store %arg9[%swap3A_135, %swap3A_136], %swap3A_139 {strides = array<i32>} : memref<40x128xf32, #tpu.memory_space<vmem>>, vector<1x16xf32>,
    %get3A_140 = arith.constant 5 : i32
    %get3A_141 = arith.index_cast %get3A_140 : i32 to index
    %get3A_142 = arith.constant 0 : index
    %get3A_143 = tpu.vector_load %arg7[%get3A_141, %get3A_142] {strides = array<i32>} : memref<40x16xf32, #tpu.memory_space<vmem>>, vector<1x16xf32>,
    %get3A_144 = vector.shape_cast %get3A_143 : vector<1x16xf32> to vector<16xf32>
    %swap3A_145 = arith.constant 5 : i32
    %swap3A_146 = arith.index_cast %swap3A_145 : i32 to index
    %swap3A_147 = arith.constant 0 : index
    %swap3A_148 = tpu.vector_load %arg9[%swap3A_146, %swap3A_147] {strides = array<i32>} : memref<40x128xf32, #tpu.memory_space<vmem>>, vector<1x16xf32>,
    %swap3A_149 = vector.shape_cast %swap3A_148 : vector<1x16xf32> to vector<16xf32>
    %swap3A_150 = vector.shape_cast %get3A_144 : vector<16xf32> to vector<1x16xf32>
    tpu.vector_store %arg9[%swap3A_146, %swap3A_147], %swap3A_150 {strides = array<i32>} : memref<40x128xf32, #tpu.memory_space<vmem>>, vector<1x16xf32>,
    %get3A_151 = arith.constant 6 : i32
    %get3A_152 = arith.index_cast %get3A_151 : i32 to index
    %get3A_153 = arith.constant 0 : index
    %get3A_154 = tpu.vector_load %arg7[%get3A_152, %get3A_153] {strides = array<i32>} : memref<40x16xf32, #tpu.memory_space<vmem>>, vector<1x16xf32>,
    %get3A_155 = vector.shape_cast %get3A_154 : vector<1x16xf32> to vector<16xf32>
    %swap3A_156 = arith.constant 6 : i32
    %swap3A_157 = arith.index_cast %swap3A_156 : i32 to index
    %swap3A_158 = arith.constant 0 : index
    %swap3A_159 = tpu.vector_load %arg9[%swap3A_157, %swap3A_158] {strides = array<i32>} : memref<40x128xf32, #tpu.memory_space<vmem>>, vector<1x16xf32>,
    %swap3A_160 = vector.shape_cast %swap3A_159 : vector<1x16xf32> to vector<16xf32>
    %swap3A_161 = vector.shape_cast %get3A_155 : vector<16xf32> to vector<1x16xf32>
    tpu.vector_store %arg9[%swap3A_157, %swap3A_158], %swap3A_161 {strides = array<i32>} : memref<40x128xf32, #tpu.memory_space<vmem>>, vector<1x16xf32>,
    %get3A_162 = arith.constant 7 : i32
    %get3A_163 = arith.index_cast %get3A_162 : i32 to index
    %get3A_164 = arith.constant 0 : index
    %get3A_165 = tpu.vector_load %arg7[%get3A_163, %get3A_164] {strides = array<i32>} : memref<40x16xf32, #tpu.memory_space<vmem>>, vector<1x16xf32>,
    %get3A_166 = vector.shape_cast %get3A_165 : vector<1x16xf32> to vector<16xf32>
    %swap3A_167 = arith.constant 7 : i32
    %swap3A_168 = arith.index_cast %swap3A_167 : i32 to index
    %swap3A_169 = arith.constant 0 : index
    %swap3A_170 = tpu.vector_load %arg9[%swap3A_168, %swap3A_169] {strides = array<i32>} : memref<40x128xf32, #tpu.memory_space<vmem>>, vector<1x16xf32>,
    %swap3A_171 = vector.shape_cast %swap3A_170 : vector<1x16xf32> to vector<16xf32>
    %swap3A_172 = vector.shape_cast %get3A_166 : vector<16xf32> to vector<1x16xf32>
    tpu.vector_store %arg9[%swap3A_168, %swap3A_169], %swap3A_172 {strides = array<i32>} : memref<40x128xf32, #tpu.memory_space<vmem>>, vector<1x16xf32>,
    %get3A_173 = arith.constant 8 : i32
    %get3A_174 = arith.index_cast %get3A_173 : i32 to index
    %get3A_175 = arith.constant 0 : index
    %get3A_176 = tpu.vector_load %arg7[%get3A_174, %get3A_175] {strides = array<i32>} : memref<40x16xf32, #tpu.memory_space<vmem>>, vector<1x16xf32>,
    %get3A_177 = vector.shape_cast %get3A_176 : vector<1x16xf32> to vector<16xf32>
    %swap3A_178 = arith.constant 8 : i32
    %swap3A_179 = arith.index_cast %swap3A_178 : i32 to index
    %swap3A_180 = arith.constant 0 : index
    %swap3A_181 = tpu.vector_load %arg9[%swap3A_179, %swap3A_180] {strides = array<i32>} : memref<40x128xf32, #tpu.memory_space<vmem>>, vector<1x16xf32>,
    %swap3A_182 = vector.shape_cast %swap3A_181 : vector<1x16xf32> to vector<16xf32>
    %swap3A_183 = vector.shape_cast %get3A_177 : vector<16xf32> to vector<1x16xf32>
    tpu.vector_store %arg9[%swap3A_179, %swap3A_180], %swap3A_183 {strides = array<i32>} : memref<40x128xf32, #tpu.memory_space<vmem>>, vector<1x16xf32>,
    %get3A_184 = arith.constant 9 : i32
    %get3A_185 = arith.index_cast %get3A_184 : i32 to index
    %get3A_186 = arith.constant 0 : index
    %get3A_187 = tpu.vector_load %arg7[%get3A_185, %get3A_186] {strides = array<i32>} : memref<40x16xf32, #tpu.memory_space<vmem>>, vector<1x16xf32>,
    %get3A_188 = vector.shape_cast %get3A_187 : vector<1x16xf32> to vector<16xf32>
    %swap3A_189 = arith.constant 9 : i32
    %swap3A_190 = arith.index_cast %swap3A_189 : i32 to index
    %swap3A_191 = arith.constant 0 : index
    %swap3A_192 = tpu.vector_load %arg9[%swap3A_190, %swap3A_191] {strides = array<i32>} : memref<40x128xf32, #tpu.memory_space<vmem>>, vector<1x16xf32>,
    %swap3A_193 = vector.shape_cast %swap3A_192 : vector<1x16xf32> to vector<16xf32>
    %swap3A_194 = vector.shape_cast %get3A_188 : vector<16xf32> to vector<1x16xf32>
    tpu.vector_store %arg9[%swap3A_190, %swap3A_191], %swap3A_194 {strides = array<i32>} : memref<40x128xf32, #tpu.memory_space<vmem>>, vector<1x16xf32>,
    %get3A_195 = arith.constant 10 : i32
    %get3A_196 = arith.index_cast %get3A_195 : i32 to index
    %get3A_197 = arith.constant 0 : index
    %get3A_198 = tpu.vector_load %arg7[%get3A_196, %get3A_197] {strides = array<i32>} : memref<40x16xf32, #tpu.memory_space<vmem>>, vector<1x16xf32>,
    %get3A_199 = vector.shape_cast %get3A_198 : vector<1x16xf32> to vector<16xf32>
    %swap3A_200 = arith.constant 10 : i32
    %swap3A_201 = arith.index_cast %swap3A_200 : i32 to index
    %swap3A_202 = arith.constant 0 : index
    %swap3A_203 = tpu.vector_load %arg9[%swap3A_201, %swap3A_202] {strides = array<i32>} : memref<40x128xf32, #tpu.memory_space<vmem>>, vector<1x16xf32>,
    %swap3A_204 = vector.shape_cast %swap3A_203 : vector<1x16xf32> to vector<16xf32>
    %swap3A_205 = vector.shape_cast %get3A_199 : vector<16xf32> to vector<1x16xf32>
    tpu.vector_store %arg9[%swap3A_201, %swap3A_202], %swap3A_205 {strides = array<i32>} : memref<40x128xf32, #tpu.memory_space<vmem>>, vector<1x16xf32>,
    %get3A_206 = arith.constant 11 : i32
    %get3A_207 = arith.index_cast %get3A_206 : i32 to index
    %get3A_208 = arith.constant 0 : index
    %get3A_209 = tpu.vector_load %arg7[%get3A_207, %get3A_208] {strides = array<i32>} : memref<40x16xf32, #tpu.memory_space<vmem>>, vector<1x16xf32>,
    %get3A_210 = vector.shape_cast %get3A_209 : vector<1x16xf32> to vector<16xf32>
    %swap3A_211 = arith.constant 11 : i32
    %swap3A_212 = arith.index_cast %swap3A_211 : i32 to index
    %swap3A_213 = arith.constant 0 : index
    %swap3A_214 = tpu.vector_load %arg9[%swap3A_212, %swap3A_213] {strides = array<i32>} : memref<40x128xf32, #tpu.memory_space<vmem>>, vector<1x16xf32>,
    %swap3A_215 = vector.shape_cast %swap3A_214 : vector<1x16xf32> to vector<16xf32>
    %swap3A_216 = vector.shape_cast %get3A_210 : vector<16xf32> to vector<1x16xf32>
    tpu.vector_store %arg9[%swap3A_212, %swap3A_213], %swap3A_216 {strides = array<i32>} : memref<40x128xf32, #tpu.memory_space<vmem>>, vector<1x16xf32>,
    %get3A_217 = arith.constant 12 : i32
    %get3A_218 = arith.index_cast %get3A_217 : i32 to index
    %get3A_219 = arith.constant 0 : index
    %get3A_220 = tpu.vector_load %arg7[%get3A_218, %get3A_219] {strides = array<i32>} : memref<40x16xf32, #tpu.memory_space<vmem>>, vector<1x16xf32>,
    %get3A_221 = vector.shape_cast %get3A_220 : vector<1x16xf32> to vector<16xf32>
    %swap3A_222 = arith.constant 12 : i32
    %swap3A_223 = arith.index_cast %swap3A_222 : i32 to index
    %swap3A_224 = arith.constant 0 : index
    %swap3A_225 = tpu.vector_load %arg9[%swap3A_223, %swap3A_224] {strides = array<i32>} : memref<40x128xf32, #tpu.memory_space<vmem>>, vector<1x16xf32>,
    %swap3A_226 = vector.shape_cast %swap3A_225 : vector<1x16xf32> to vector<16xf32>
    %swap3A_227 = vector.shape_cast %get3A_221 : vector<16xf32> to vector<1x16xf32>
    tpu.vector_store %arg9[%swap3A_223, %swap3A_224], %swap3A_227 {strides = array<i32>} : memref<40x128xf32, #tpu.memory_space<vmem>>, vector<1x16xf32>,
    %get3A_228 = arith.constant 13 : i32
    %get3A_229 = arith.index_cast %get3A_228 : i32 to index
    %get3A_230 = arith.constant 0 : index
    %get3A_231 = tpu.vector_load %arg7[%get3A_229, %get3A_230] {strides = array<i32>} : memref<40x16xf32, #tpu.memory_space<vmem>>, vector<1x16xf32>,
    %get3A_232 = vector.shape_cast %get3A_231 : vector<1x16xf32> to vector<16xf32>
    %swap3A_233 = arith.constant 13 : i32
    %swap3A_234 = arith.index_cast %swap3A_233 : i32 to index
    %swap3A_235 = arith.constant 0 : index
    %swap3A_236 = tpu.vector_load %arg9[%swap3A_234, %swap3A_235] {strides = array<i32>} : memref<40x128xf32, #tpu.memory_space<vmem>>, vector<1x16xf32>,
    %swap3A_237 = vector.shape_cast %swap3A_236 : vector<1x16xf32> to vector<16xf32>
    %swap3A_238 = vector.shape_cast %get3A_232 : vector<16xf32> to vector<1x16xf32>
    tpu.vector_store %arg9[%swap3A_234, %swap3A_235], %swap3A_238 {strides = array<i32>} : memref<40x128xf32, #tpu.memory_space<vmem>>, vector<1x16xf32>,
    %get3A_239 = arith.constant 14 : i32
    %get3A_240 = arith.index_cast %get3A_239 : i32 to index
    %get3A_241 = arith.constant 0 : index
    %get3A_242 = tpu.vector_load %arg7[%get3A_240, %get3A_241] {strides = array<i32>} : memref<40x16xf32, #tpu.memory_space<vmem>>, vector<1x16xf32>,
    %get3A_243 = vector.shape_cast %get3A_242 : vector<1x16xf32> to vector<16xf32>
    %swap3A_244 = arith.constant 14 : i32
    %swap3A_245 = arith.index_cast %swap3A_244 : i32 to index
    %swap3A_246 = arith.constant 0 : index
    %swap3A_247 = tpu.vector_load %arg9[%swap3A_245, %swap3A_246] {strides = array<i32>} : memref<40x128xf32, #tpu.memory_space<vmem>>, vector<1x16xf32>,
    %swap3A_248 = vector.shape_cast %swap3A_247 : vector<1x16xf32> to vector<16xf32>
    %swap3A_249 = vector.shape_cast %get3A_243 : vector<16xf32> to vector<1x16xf32>
    tpu.vector_store %arg9[%swap3A_245, %swap3A_246], %swap3A_249 {strides = array<i32>} : memref<40x128xf32, #tpu.memory_space<vmem>>, vector<1x16xf32>,
    %get3A_250 = arith.constant 15 : i32
    %get3A_251 = arith.index_cast %get3A_250 : i32 to index
    %get3A_252 = arith.constant 0 : index
    %get3A_253 = tpu.vector_load %arg7[%get3A_251, %get3A_252] {strides = array<i32>} : memref<40x16xf32, #tpu.memory_space<vmem>>, vector<1x16xf32>,
    %get3A_254 = vector.shape_cast %get3A_253 : vector<1x16xf32> to vector<16xf32>
    %swap3A_255 = arith.constant 15 : i32
    %swap3A_256 = arith.index_cast %swap3A_255 : i32 to index
    %swap3A_257 = arith.constant 0 : index
    %swap3A_258 = tpu.vector_load %arg9[%swap3A_256, %swap3A_257] {strides = array<i32>} : memref<40x128xf32, #tpu.memory_space<vmem>>, vector<1x16xf32>,
    %swap3A_259 = vector.shape_cast %swap3A_258 : vector<1x16xf32> to vector<16xf32>
    %swap3A_260 = vector.shape_cast %get3A_254 : vector<16xf32> to vector<1x16xf32>
    tpu.vector_store %arg9[%swap3A_256, %swap3A_257], %swap3A_260 {strides = array<i32>} : memref<40x128xf32, #tpu.memory_space<vmem>>, vector<1x16xf32>,
    %get3A_261 = arith.constant 16 : i32
    %get3A_262 = arith.index_cast %get3A_261 : i32 to index
    %get3A_263 = arith.constant 0 : index
    %get3A_264 = tpu.vector_load %arg7[%get3A_262, %get3A_263] {strides = array<i32>} : memref<40x16xf32, #tpu.memory_space<vmem>>, vector<1x16xf32>,
    %get3A_265 = vector.shape_cast %get3A_264 : vector<1x16xf32> to vector<16xf32>
    %swap3A_266 = arith.constant 16 : i32
    %swap3A_267 = arith.index_cast %swap3A_266 : i32 to index
    %swap3A_268 = arith.constant 0 : index
    %swap3A_269 = tpu.vector_load %arg9[%swap3A_267, %swap3A_268] {strides = array<i32>} : memref<40x128xf32, #tpu.memory_space<vmem>>, vector<1x16xf32>,
    %swap3A_270 = vector.shape_cast %swap3A_269 : vector<1x16xf32> to vector<16xf32>
    %swap3A_271 = vector.shape_cast %get3A_265 : vector<16xf32> to vector<1x16xf32>
    tpu.vector_store %arg9[%swap3A_267, %swap3A_268], %swap3A_271 {strides = array<i32>} : memref<40x128xf32, #tpu.memory_space<vmem>>, vector<1x16xf32>,
    %get3A_272 = arith.constant 17 : i32
    %get3A_273 = arith.index_cast %get3A_272 : i32 to index
    %get3A_274 = arith.constant 0 : index
    %get3A_275 = tpu.vector_load %arg7[%get3A_273, %get3A_274] {strides = array<i32>} : memref<40x16xf32, #tpu.memory_space<vmem>>, vector<1x16xf32>,
    %get3A_276 = vector.shape_cast %get3A_275 : vector<1x16xf32> to vector<16xf32>
    %swap3A_277 = arith.constant 17 : i32
    %swap3A_278 = arith.index_cast %swap3A_277 : i32 to index
    %swap3A_279 = arith.constant 0 : index
    %swap3A_280 = tpu.vector_load %arg9[%swap3A_278, %swap3A_279] {strides = array<i32>} : memref<40x128xf32, #tpu.memory_space<vmem>>, vector<1x16xf32>,
    %swap3A_281 = vector.shape_cast %swap3A_280 : vector<1x16xf32> to vector<16xf32>
    %swap3A_282 = vector.shape_cast %get3A_276 : vector<16xf32> to vector<1x16xf32>
    tpu.vector_store %arg9[%swap3A_278, %swap3A_279], %swap3A_282 {strides = array<i32>} : memref<40x128xf32, #tpu.memory_space<vmem>>, vector<1x16xf32>,
    %get3A_283 = arith.constant 18 : i32
    %get3A_284 = arith.index_cast %get3A_283 : i32 to index
    %get3A_285 = arith.constant 0 : index
    %get3A_286 = tpu.vector_load %arg7[%get3A_284, %get3A_285] {strides = array<i32>} : memref<40x16xf32, #tpu.memory_space<vmem>>, vector<1x16xf32>,
    %get3A_287 = vector.shape_cast %get3A_286 : vector<1x16xf32> to vector<16xf32>
    %swap3A_288 = arith.constant 18 : i32
    %swap3A_289 = arith.index_cast %swap3A_288 : i32 to index
    %swap3A_290 = arith.constant 0 : index
    %swap3A_291 = tpu.vector_load %arg9[%swap3A_289, %swap3A_290] {strides = array<i32>} : memref<40x128xf32, #tpu.memory_space<vmem>>, vector<1x16xf32>,
    %swap3A_292 = vector.shape_cast %swap3A_291 : vector<1x16xf32> to vector<16xf32>
    %swap3A_293 = vector.shape_cast %get3A_287 : vector<16xf32> to vector<1x16xf32>
    tpu.vector_store %arg9[%swap3A_289, %swap3A_290], %swap3A_293 {strides = array<i32>} : memref<40x128xf32, #tpu.memory_space<vmem>>, vector<1x16xf32>,
    %get3A_294 = arith.constant 19 : i32
    %get3A_295 = arith.index_cast %get3A_294 : i32 to index
    %get3A_296 = arith.constant 0 : index
    %get3A_297 = tpu.vector_load %arg7[%get3A_295, %get3A_296] {strides = array<i32>} : memref<40x16xf32, #tpu.memory_space<vmem>>, vector<1x16xf32>,
    %get3A_298 = vector.shape_cast %get3A_297 : vector<1x16xf32> to vector<16xf32>
    %swap3A_299 = arith.constant 19 : i32
    %swap3A_300 = arith.index_cast %swap3A_299 : i32 to index
    %swap3A_301 = arith.constant 0 : index
    %swap3A_302 = tpu.vector_load %arg9[%swap3A_300, %swap3A_301] {strides = array<i32>} : memref<40x128xf32, #tpu.memory_space<vmem>>, vector<1x16xf32>,
    %swap3A_303 = vector.shape_cast %swap3A_302 : vector<1x16xf32> to vector<16xf32>
    %swap3A_304 = vector.shape_cast %get3A_298 : vector<16xf32> to vector<1x16xf32>
    tpu.vector_store %arg9[%swap3A_300, %swap3A_301], %swap3A_304 {strides = array<i32>} : memref<40x128xf32, #tpu.memory_space<vmem>>, vector<1x16xf32>,
    %get3A_305 = arith.constant 20 : i32
    %get3A_306 = arith.index_cast %get3A_305 : i32 to index
    %get3A_307 = arith.constant 0 : index
    %get3A_308 = tpu.vector_load %arg7[%get3A_306, %get3A_307] {strides = array<i32>} : memref<40x16xf32, #tpu.memory_space<vmem>>, vector<1x16xf32>,
    %get3A_309 = vector.shape_cast %get3A_308 : vector<1x16xf32> to vector<16xf32>
    %swap3A_310 = arith.constant 20 : i32
    %swap3A_311 = arith.index_cast %swap3A_310 : i32 to index
    %swap3A_312 = arith.constant 0 : index
    %swap3A_313 = tpu.vector_load %arg9[%swap3A_311, %swap3A_312] {strides = array<i32>} : memref<40x128xf32, #tpu.memory_space<vmem>>, vector<1x16xf32>,
    %swap3A_314 = vector.shape_cast %swap3A_313 : vector<1x16xf32> to vector<16xf32>
    %swap3A_315 = vector.shape_cast %get3A_309 : vector<16xf32> to vector<1x16xf32>
    tpu.vector_store %arg9[%swap3A_311, %swap3A_312], %swap3A_315 {strides = array<i32>} : memref<40x128xf32, #tpu.memory_space<vmem>>, vector<1x16xf32>,
    %get3A_316 = arith.constant 21 : i32
    %get3A_317 = arith.index_cast %get3A_316 : i32 to index
    %get3A_318 = arith.constant 0 : index
    %get3A_319 = tpu.vector_load %arg7[%get3A_317, %get3A_318] {strides = array<i32>} : memref<40x16xf32, #tpu.memory_space<vmem>>, vector<1x16xf32>,
    %get3A_320 = vector.shape_cast %get3A_319 : vector<1x16xf32> to vector<16xf32>
    %swap3A_321 = arith.constant 21 : i32
    %swap3A_322 = arith.index_cast %swap3A_321 : i32 to index
    %swap3A_323 = arith.constant 0 : index
    %swap3A_324 = tpu.vector_load %arg9[%swap3A_322, %swap3A_323] {strides = array<i32>} : memref<40x128xf32, #tpu.memory_space<vmem>>, vector<1x16xf32>,
    %swap3A_325 = vector.shape_cast %swap3A_324 : vector<1x16xf32> to vector<16xf32>
    %swap3A_326 = vector.shape_cast %get3A_320 : vector<16xf32> to vector<1x16xf32>
    tpu.vector_store %arg9[%swap3A_322, %swap3A_323], %swap3A_326 {strides = array<i32>} : memref<40x128xf32, #tpu.memory_space<vmem>>, vector<1x16xf32>,
    %get3A_327 = arith.constant 22 : i32
    %get3A_328 = arith.index_cast %get3A_327 : i32 to index
    %get3A_329 = arith.constant 0 : index
    %get3A_330 = tpu.vector_load %arg7[%get3A_328, %get3A_329] {strides = array<i32>} : memref<40x16xf32, #tpu.memory_space<vmem>>, vector<1x16xf32>,
    %get3A_331 = vector.shape_cast %get3A_330 : vector<1x16xf32> to vector<16xf32>
    %swap3A_332 = arith.constant 22 : i32
    %swap3A_333 = arith.index_cast %swap3A_332 : i32 to index
    %swap3A_334 = arith.constant 0 : index
    %swap3A_335 = tpu.vector_load %arg9[%swap3A_333, %swap3A_334] {strides = array<i32>} : memref<40x128xf32, #tpu.memory_space<vmem>>, vector<1x16xf32>,
    %swap3A_336 = vector.shape_cast %swap3A_335 : vector<1x16xf32> to vector<16xf32>
    %swap3A_337 = vector.shape_cast %get3A_331 : vector<16xf32> to vector<1x16xf32>
    tpu.vector_store %arg9[%swap3A_333, %swap3A_334], %swap3A_337 {strides = array<i32>} : memref<40x128xf32, #tpu.memory_space<vmem>>, vector<1x16xf32>,
    %get3A_338 = arith.constant 23 : i32
    %get3A_339 = arith.index_cast %get3A_338 : i32 to index
    %get3A_340 = arith.constant 0 : index
    %get3A_341 = tpu.vector_load %arg7[%get3A_339, %get3A_340] {strides = array<i32>} : memref<40x16xf32, #tpu.memory_space<vmem>>, vector<1x16xf32>,
    %get3A_342 = vector.shape_cast %get3A_341 : vector<1x16xf32> to vector<16xf32>
    %swap3A_343 = arith.constant 23 : i32
    %swap3A_344 = arith.index_cast %swap3A_343 : i32 to index
    %swap3A_345 = arith.constant 0 : index
    %swap3A_346 = tpu.vector_load %arg9[%swap3A_344, %swap3A_345] {strides = array<i32>} : memref<40x128xf32, #tpu.memory_space<vmem>>, vector<1x16xf32>,
    %swap3A_347 = vector.shape_cast %swap3A_346 : vector<1x16xf32> to vector<16xf32>
    %swap3A_348 = vector.shape_cast %get3A_342 : vector<16xf32> to vector<1x16xf32>
    tpu.vector_store %arg9[%swap3A_344, %swap3A_345], %swap3A_348 {strides = array<i32>} : memref<40x128xf32, #tpu.memory_space<vmem>>, vector<1x16xf32>,
    %get3A_349 = arith.constant 24 : i32
    %get3A_350 = arith.index_cast %get3A_349 : i32 to index
    %get3A_351 = arith.constant 0 : index
    %get3A_352 = tpu.vector_load %arg7[%get3A_350, %get3A_351] {strides = array<i32>} : memref<40x16xf32, #tpu.memory_space<vmem>>, vector<1x16xf32>,
    %get3A_353 = vector.shape_cast %get3A_352 : vector<1x16xf32> to vector<16xf32>
    %swap3A_354 = arith.constant 24 : i32
    %swap3A_355 = arith.index_cast %swap3A_354 : i32 to index
    %swap3A_356 = arith.constant 0 : index
    %swap3A_357 = tpu.vector_load %arg9[%swap3A_355, %swap3A_356] {strides = array<i32>} : memref<40x128xf32, #tpu.memory_space<vmem>>, vector<1x16xf32>,
    %swap3A_358 = vector.shape_cast %swap3A_357 : vector<1x16xf32> to vector<16xf32>
    %swap3A_359 = vector.shape_cast %get3A_353 : vector<16xf32> to vector<1x16xf32>
    tpu.vector_store %arg9[%swap3A_355, %swap3A_356], %swap3A_359 {strides = array<i32>} : memref<40x128xf32, #tpu.memory_space<vmem>>, vector<1x16xf32>,
    %get3A_360 = arith.constant 25 : i32
    %get3A_361 = arith.index_cast %get3A_360 : i32 to index
    %get3A_362 = arith.constant 0 : index
    %get3A_363 = tpu.vector_load %arg7[%get3A_361, %get3A_362] {strides = array<i32>} : memref<40x16xf32, #tpu.memory_space<vmem>>, vector<1x16xf32>,
    %get3A_364 = vector.shape_cast %get3A_363 : vector<1x16xf32> to vector<16xf32>
    %swap3A_365 = arith.constant 25 : i32
    %swap3A_366 = arith.index_cast %swap3A_365 : i32 to index
    %swap3A_367 = arith.constant 0 : index
    %swap3A_368 = tpu.vector_load %arg9[%swap3A_366, %swap3A_367] {strides = array<i32>} : memref<40x128xf32, #tpu.memory_space<vmem>>, vector<1x16xf32>,
    %swap3A_369 = vector.shape_cast %swap3A_368 : vector<1x16xf32> to vector<16xf32>
    %swap3A_370 = vector.shape_cast %get3A_364 : vector<16xf32> to vector<1x16xf32>
    tpu.vector_store %arg9[%swap3A_366, %swap3A_367], %swap3A_370 {strides = array<i32>} : memref<40x128xf32, #tpu.memory_space<vmem>>, vector<1x16xf32>,
    %get3A_371 = arith.constant 26 : i32
    %get3A_372 = arith.index_cast %get3A_371 : i32 to index
    %get3A_373 = arith.constant 0 : index
    %get3A_374 = tpu.vector_load %arg7[%get3A_372, %get3A_373] {strides = array<i32>} : memref<40x16xf32, #tpu.memory_space<vmem>>, vector<1x16xf32>,
    %get3A_375 = vector.shape_cast %get3A_374 : vector<1x16xf32> to vector<16xf32>
    %swap3A_376 = arith.constant 26 : i32
    %swap3A_377 = arith.index_cast %swap3A_376 : i32 to index
    %swap3A_378 = arith.constant 0 : index
    %swap3A_379 = tpu.vector_load %arg9[%swap3A_377, %swap3A_378] {strides = array<i32>} : memref<40x128xf32, #tpu.memory_space<vmem>>, vector<1x16xf32>,
    %swap3A_380 = vector.shape_cast %swap3A_379 : vector<1x16xf32> to vector<16xf32>
    %swap3A_381 = vector.shape_cast %get3A_375 : vector<16xf32> to vector<1x16xf32>
    tpu.vector_store %arg9[%swap3A_377, %swap3A_378], %swap3A_381 {strides = array<i32>} : memref<40x128xf32, #tpu.memory_space<vmem>>, vector<1x16xf32>,
    %get3A_382 = arith.constant 27 : i32
    %get3A_383 = arith.index_cast %get3A_382 : i32 to index
    %get3A_384 = arith.constant 0 : index
    %get3A_385 = tpu.vector_load %arg7[%get3A_383, %get3A_384] {strides = array<i32>} : memref<40x16xf32, #tpu.memory_space<vmem>>, vector<1x16xf32>,
    %get3A_386 = vector.shape_cast %get3A_385 : vector<1x16xf32> to vector<16xf32>
    %swap3A_387 = arith.constant 27 : i32
    %swap3A_388 = arith.index_cast %swap3A_387 : i32 to index
    %swap3A_389 = arith.constant 0 : index
    %swap3A_390 = tpu.vector_load %arg9[%swap3A_388, %swap3A_389] {strides = array<i32>} : memref<40x128xf32, #tpu.memory_space<vmem>>, vector<1x16xf32>,
    %swap3A_391 = vector.shape_cast %swap3A_390 : vector<1x16xf32> to vector<16xf32>
    %swap3A_392 = vector.shape_cast %get3A_386 : vector<16xf32> to vector<1x16xf32>
    tpu.vector_store %arg9[%swap3A_388, %swap3A_389], %swap3A_392 {strides = array<i32>} : memref<40x128xf32, #tpu.memory_space<vmem>>, vector<1x16xf32>,
    %get3A_393 = arith.constant 28 : i32
    %get3A_394 = arith.index_cast %get3A_393 : i32 to index
    %get3A_395 = arith.constant 0 : index
    %get3A_396 = tpu.vector_load %arg7[%get3A_394, %get3A_395] {strides = array<i32>} : memref<40x16xf32, #tpu.memory_space<vmem>>, vector<1x16xf32>,
    %get3A_397 = vector.shape_cast %get3A_396 : vector<1x16xf32> to vector<16xf32>
    %swap3A_398 = arith.constant 28 : i32
    %swap3A_399 = arith.index_cast %swap3A_398 : i32 to index
    %swap3A_400 = arith.constant 0 : index
    %swap3A_401 = tpu.vector_load %arg9[%swap3A_399, %swap3A_400] {strides = array<i32>} : memref<40x128xf32, #tpu.memory_space<vmem>>, vector<1x16xf32>,
    %swap3A_402 = vector.shape_cast %swap3A_401 : vector<1x16xf32> to vector<16xf32>
    %swap3A_403 = vector.shape_cast %get3A_397 : vector<16xf32> to vector<1x16xf32>
    tpu.vector_store %arg9[%swap3A_399, %swap3A_400], %swap3A_403 {strides = array<i32>} : memref<40x128xf32, #tpu.memory_space<vmem>>, vector<1x16xf32>,
    %get3A_404 = arith.constant 29 : i32
    %get3A_405 = arith.index_cast %get3A_404 : i32 to index
    %get3A_406 = arith.constant 0 : index
    %get3A_407 = tpu.vector_load %arg7[%get3A_405, %get3A_406] {strides = array<i32>} : memref<40x16xf32, #tpu.memory_space<vmem>>, vector<1x16xf32>,
    %get3A_408 = vector.shape_cast %get3A_407 : vector<1x16xf32> to vector<16xf32>
    %swap3A_409 = arith.constant 29 : i32
    %swap3A_410 = arith.index_cast %swap3A_409 : i32 to index
    %swap3A_411 = arith.constant 0 : index
    %swap3A_412 = tpu.vector_load %arg9[%swap3A_410, %swap3A_411] {strides = array<i32>} : memref<40x128xf32, #tpu.memory_space<vmem>>, vector<1x16xf32>,
    %swap3A_413 = vector.shape_cast %swap3A_412 : vector<1x16xf32> to vector<16xf32>
    %swap3A_414 = vector.shape_cast %get3A_408 : vector<16xf32> to vector<1x16xf32>
    tpu.vector_store %arg9[%swap3A_410, %swap3A_411], %swap3A_414 {strides = array<i32>} : memref<40x128xf32, #tpu.memory_space<vmem>>, vector<1x16xf32>,
    %get3A_415 = arith.constant 30 : i32
    %get3A_416 = arith.index_cast %get3A_415 : i32 to index
    %get3A_417 = arith.constant 0 : index
    %get3A_418 = tpu.vector_load %arg7[%get3A_416, %get3A_417] {strides = array<i32>} : memref<40x16xf32, #tpu.memory_space<vmem>>, vector<1x16xf32>,
    %get3A_419 = vector.shape_cast %get3A_418 : vector<1x16xf32> to vector<16xf32>
    %swap3A_420 = arith.constant 30 : i32
    %swap3A_421 = arith.index_cast %swap3A_420 : i32 to index
    %swap3A_422 = arith.constant 0 : index
    %swap3A_423 = tpu.vector_load %arg9[%swap3A_421, %swap3A_422] {strides = array<i32>} : memref<40x128xf32, #tpu.memory_space<vmem>>, vector<1x16xf32>,
    %swap3A_424 = vector.shape_cast %swap3A_423 : vector<1x16xf32> to vector<16xf32>
    %swap3A_425 = vector.shape_cast %get3A_419 : vector<16xf32> to vector<1x16xf32>
    tpu.vector_store %arg9[%swap3A_421, %swap3A_422], %swap3A_425 {strides = array<i32>} : memref<40x128xf32, #tpu.memory_space<vmem>>, vector<1x16xf32>,
    %get3A_426 = arith.constant 31 : i32
    %get3A_427 = arith.index_cast %get3A_426 : i32 to index
    %get3A_428 = arith.constant 0 : index
    %get3A_429 = tpu.vector_load %arg7[%get3A_427, %get3A_428] {strides = array<i32>} : memref<40x16xf32, #tpu.memory_space<vmem>>, vector<1x16xf32>,
    %get3A_430 = vector.shape_cast %get3A_429 : vector<1x16xf32> to vector<16xf32>
    %swap3A_431 = arith.constant 31 : i32
    %swap3A_432 = arith.index_cast %swap3A_431 : i32 to index
    %swap3A_433 = arith.constant 0 : index
    %swap3A_434 = tpu.vector_load %arg9[%swap3A_432, %swap3A_433] {strides = array<i32>} : memref<40x128xf32, #tpu.memory_space<vmem>>, vector<1x16xf32>,
    %swap3A_435 = vector.shape_cast %swap3A_434 : vector<1x16xf32> to vector<16xf32>
    %swap3A_436 = vector.shape_cast %get3A_430 : vector<16xf32> to vector<1x16xf32>
    tpu.vector_store %arg9[%swap3A_432, %swap3A_433], %swap3A_436 {strides = array<i32>} : memref<40x128xf32, #tpu.memory_space<vmem>>, vector<1x16xf32>,
    %get3A_437 = arith.constant 32 : i32
    %get3A_438 = arith.index_cast %get3A_437 : i32 to index
    %get3A_439 = arith.constant 0 : index
    %get3A_440 = tpu.vector_load %arg7[%get3A_438, %get3A_439] {strides = array<i32>} : memref<40x16xf32, #tpu.memory_space<vmem>>, vector<1x16xf32>,
    %get3A_441 = vector.shape_cast %get3A_440 : vector<1x16xf32> to vector<16xf32>
    %swap3A_442 = arith.constant 32 : i32
    %swap3A_443 = arith.index_cast %swap3A_442 : i32 to index
    %swap3A_444 = arith.constant 0 : index
    %swap3A_445 = tpu.vector_load %arg9[%swap3A_443, %swap3A_444] {strides = array<i32>} : memref<40x128xf32, #tpu.memory_space<vmem>>, vector<1x16xf32>,
    %swap3A_446 = vector.shape_cast %swap3A_445 : vector<1x16xf32> to vector<16xf32>
    %swap3A_447 = vector.shape_cast %get3A_441 : vector<16xf32> to vector<1x16xf32>
    tpu.vector_store %arg9[%swap3A_443, %swap3A_444], %swap3A_447 {strides = array<i32>} : memref<40x128xf32, #tpu.memory_space<vmem>>, vector<1x16xf32>,
    %get3A_448 = arith.constant 33 : i32
    %get3A_449 = arith.index_cast %get3A_448 : i32 to index
    %get3A_450 = arith.constant 0 : index
    %get3A_451 = tpu.vector_load %arg7[%get3A_449, %get3A_450] {strides = array<i32>} : memref<40x16xf32, #tpu.memory_space<vmem>>, vector<1x16xf32>,
    %get3A_452 = vector.shape_cast %get3A_451 : vector<1x16xf32> to vector<16xf32>
    %swap3A_453 = arith.constant 33 : i32
    %swap3A_454 = arith.index_cast %swap3A_453 : i32 to index
    %swap3A_455 = arith.constant 0 : index
    %swap3A_456 = tpu.vector_load %arg9[%swap3A_454, %swap3A_455] {strides = array<i32>} : memref<40x128xf32, #tpu.memory_space<vmem>>, vector<1x16xf32>,
    %swap3A_457 = vector.shape_cast %swap3A_456 : vector<1x16xf32> to vector<16xf32>
    %swap3A_458 = vector.shape_cast %get3A_452 : vector<16xf32> to vector<1x16xf32>
    tpu.vector_store %arg9[%swap3A_454, %swap3A_455], %swap3A_458 {strides = array<i32>} : memref<40x128xf32, #tpu.memory_space<vmem>>, vector<1x16xf32>,
    %get3A_459 = arith.constant 34 : i32
    %get3A_460 = arith.index_cast %get3A_459 : i32 to index
    %get3A_461 = arith.constant 0 : index
    %get3A_462 = tpu.vector_load %arg7[%get3A_460, %get3A_461] {strides = array<i32>} : memref<40x16xf32, #tpu.memory_space<vmem>>, vector<1x16xf32>,
    %get3A_463 = vector.shape_cast %get3A_462 : vector<1x16xf32> to vector<16xf32>
    %swap3A_464 = arith.constant 34 : i32
    %swap3A_465 = arith.index_cast %swap3A_464 : i32 to index
    %swap3A_466 = arith.constant 0 : index
    %swap3A_467 = tpu.vector_load %arg9[%swap3A_465, %swap3A_466] {strides = array<i32>} : memref<40x128xf32, #tpu.memory_space<vmem>>, vector<1x16xf32>,
    %swap3A_468 = vector.shape_cast %swap3A_467 : vector<1x16xf32> to vector<16xf32>
    %swap3A_469 = vector.shape_cast %get3A_463 : vector<16xf32> to vector<1x16xf32>
    tpu.vector_store %arg9[%swap3A_465, %swap3A_466], %swap3A_469 {strides = array<i32>} : memref<40x128xf32, #tpu.memory_space<vmem>>, vector<1x16xf32>,
    %get3A_470 = arith.constant 35 : i32
    %get3A_471 = arith.index_cast %get3A_470 : i32 to index
    %get3A_472 = arith.constant 0 : index
    %get3A_473 = tpu.vector_load %arg7[%get3A_471, %get3A_472] {strides = array<i32>} : memref<40x16xf32, #tpu.memory_space<vmem>>, vector<1x16xf32>,
    %get3A_474 = vector.shape_cast %get3A_473 : vector<1x16xf32> to vector<16xf32>
    %swap3A_475 = arith.constant 35 : i32
    %swap3A_476 = arith.index_cast %swap3A_475 : i32 to index
    %swap3A_477 = arith.constant 0 : index
    %swap3A_478 = tpu.vector_load %arg9[%swap3A_476, %swap3A_477] {strides = array<i32>} : memref<40x128xf32, #tpu.memory_space<vmem>>, vector<1x16xf32>,
    %swap3A_479 = vector.shape_cast %swap3A_478 : vector<1x16xf32> to vector<16xf32>
    %swap3A_480 = vector.shape_cast %get3A_474 : vector<16xf32> to vector<1x16xf32>
    tpu.vector_store %arg9[%swap3A_476, %swap3A_477], %swap3A_480 {strides = array<i32>} : memref<40x128xf32, #tpu.memory_space<vmem>>, vector<1x16xf32>,
    %get3A_481 = arith.constant 36 : i32
    %get3A_482 = arith.index_cast %get3A_481 : i32 to index
    %get3A_483 = arith.constant 0 : index
    %get3A_484 = tpu.vector_load %arg7[%get3A_482, %get3A_483] {strides = array<i32>} : memref<40x16xf32, #tpu.memory_space<vmem>>, vector<1x16xf32>,
    %get3A_485 = vector.shape_cast %get3A_484 : vector<1x16xf32> to vector<16xf32>
    %swap3A_486 = arith.constant 36 : i32
    %swap3A_487 = arith.index_cast %swap3A_486 : i32 to index
    %swap3A_488 = arith.constant 0 : index
    %swap3A_489 = tpu.vector_load %arg9[%swap3A_487, %swap3A_488] {strides = array<i32>} : memref<40x128xf32, #tpu.memory_space<vmem>>, vector<1x16xf32>,
    %swap3A_490 = vector.shape_cast %swap3A_489 : vector<1x16xf32> to vector<16xf32>
    %swap3A_491 = vector.shape_cast %get3A_485 : vector<16xf32> to vector<1x16xf32>
    tpu.vector_store %arg9[%swap3A_487, %swap3A_488], %swap3A_491 {strides = array<i32>} : memref<40x128xf32, #tpu.memory_space<vmem>>, vector<1x16xf32>,
    %get3A_492 = arith.constant 37 : i32
    %get3A_493 = arith.index_cast %get3A_492 : i32 to index
    %get3A_494 = arith.constant 0 : index
    %get3A_495 = tpu.vector_load %arg7[%get3A_493, %get3A_494] {strides = array<i32>} : memref<40x16xf32, #tpu.memory_space<vmem>>, vector<1x16xf32>,
    %get3A_496 = vector.shape_cast %get3A_495 : vector<1x16xf32> to vector<16xf32>
    %swap3A_497 = arith.constant 37 : i32
    %swap3A_498 = arith.index_cast %swap3A_497 : i32 to index
    %swap3A_499 = arith.constant 0 : index
    %swap3A_500 = tpu.vector_load %arg9[%swap3A_498, %swap3A_499] {strides = array<i32>} : memref<40x128xf32, #tpu.memory_space<vmem>>, vector<1x16xf32>,
    %swap3A_501 = vector.shape_cast %swap3A_500 : vector<1x16xf32> to vector<16xf32>
    %swap3A_502 = vector.shape_cast %get3A_496 : vector<16xf32> to vector<1x16xf32>
    tpu.vector_store %arg9[%swap3A_498, %swap3A_499], %swap3A_502 {strides = array<i32>} : memref<40x128xf32, #tpu.memory_space<vmem>>, vector<1x16xf32>,
    %get3A_503 = arith.constant 38 : i32
    %get3A_504 = arith.index_cast %get3A_503 : i32 to index
    %get3A_505 = arith.constant 0 : index
    %get3A_506 = tpu.vector_load %arg7[%get3A_504, %get3A_505] {strides = array<i32>} : memref<40x16xf32, #tpu.memory_space<vmem>>, vector<1x16xf32>,
    %get3A_507 = vector.shape_cast %get3A_506 : vector<1x16xf32> to vector<16xf32>
    %swap3A_508 = arith.constant 38 : i32
    %swap3A_509 = arith.index_cast %swap3A_508 : i32 to index
    %swap3A_510 = arith.constant 0 : index
    %swap3A_511 = tpu.vector_load %arg9[%swap3A_509, %swap3A_510] {strides = array<i32>} : memref<40x128xf32, #tpu.memory_space<vmem>>, vector<1x16xf32>,
    %swap3A_512 = vector.shape_cast %swap3A_511 : vector<1x16xf32> to vector<16xf32>
    %swap3A_513 = vector.shape_cast %get3A_507 : vector<16xf32> to vector<1x16xf32>
    tpu.vector_store %arg9[%swap3A_509, %swap3A_510], %swap3A_513 {strides = array<i32>} : memref<40x128xf32, #tpu.memory_space<vmem>>, vector<1x16xf32>,
    %get3A_514 = arith.constant 39 : i32
    %get3A_515 = arith.index_cast %get3A_514 : i32 to index
    %get3A_516 = arith.constant 0 : index
    %get3A_517 = tpu.vector_load %arg7[%get3A_515, %get3A_516] {strides = array<i32>} : memref<40x16xf32, #tpu.memory_space<vmem>>, vector<1x16xf32>,
    %get3A_518 = vector.shape_cast %get3A_517 : vector<1x16xf32> to vector<16xf32>
    %swap3A_519 = arith.constant 39 : i32
    %swap3A_520 = arith.index_cast %swap3A_519 : i32 to index
    %swap3A_521 = arith.constant 0 : index
    %swap3A_522 = tpu.vector_load %arg9[%swap3A_520, %swap3A_521] {strides = array<i32>} : memref<40x128xf32, #tpu.memory_space<vmem>>, vector<1x16xf32>,
    %swap3A_523 = vector.shape_cast %swap3A_522 : vector<1x16xf32> to vector<16xf32>
    %swap3A_524 = vector.shape_cast %get3A_518 : vector<16xf32> to vector<1x16xf32>
    tpu.vector_store %arg9[%swap3A_520, %swap3A_521], %swap3A_524 {strides = array<i32>} : memref<40x128xf32, #tpu.memory_space<vmem>>, vector<1x16xf32>,
    %run_scoped3A = arith.constant 124 : i32
    "tpu.region"() ({
      %run_scoped3A_565 = tpu.sem_alloc : memref<!tpu.dma_semaphore, #tpu.memory_space<semaphore_mem>>
      %dma_start3A_566 = arith.constant 0 : i32
      %dma_start3A_567 = tpu.memref_slice %arg6[%run_scoped3A, %dma_start3A_566] : memref<125x40xi32, #tpu.memory_space<vmem>> -> memref<1x40xi32, #tpu.memory_space<vmem>>
      %dma_start3A_568 = tpu.memref_squeeze %dma_start3A_567 : memref<1x40xi32, #tpu.memory_space<vmem>> -> memref<40xi32, #tpu.memory_space<vmem>>
      %dma_start3A_569 = arith.constant 0 : i32
      %dma_start3A_570 = arith.constant 0 : i32
      %dma_start3A_571 = tpu.memref_slice %arg11[%dma_start3A_569, %dma_start3A_570] : memref<10240x128xf32, #tpu.memory_space<vmem_shared>> -> memref<10240x128xf32, #tpu.memory_space<vmem_shared>>
      tpu.enqueue_indirect_dma source(%arg9 : memref<40x128xf32, #tpu.memory_space<vmem>>) target(%dma_start3A_571 : memref<10240x128xf32, #tpu.memory_space<vmem_shared>>) offsets(%dma_start3A_568 : memref<40xi32, #tpu.memory_space<vmem>>) semaphore(%run_scoped3A_565 : memref<!tpu.dma_semaphore, #tpu.memory_space<semaphore_mem>>) {add = true}
      %dma_wait3A_572 = arith.constant 0 : i32
      %dma_wait3A_573 = tpu.memref_slice %arg6[%run_scoped3A, %dma_wait3A_572] : memref<125x40xi32, #tpu.memory_space<vmem>> -> memref<1x40xi32, #tpu.memory_space<vmem>>
      %dma_wait3A_574 = tpu.memref_squeeze %dma_wait3A_573 : memref<1x40xi32, #tpu.memory_space<vmem>> -> memref<40xi32, #tpu.memory_space<vmem>>
      %dma_wait3A_575 = arith.constant 0 : i32
      %dma_wait3A_576 = arith.constant 0 : i32
      %dma_wait3A_577 = tpu.memref_slice %arg11[%dma_wait3A_575, %dma_wait3A_576] : memref<10240x128xf32, #tpu.memory_space<vmem_shared>> -> memref<10240x128xf32, #tpu.memory_space<vmem_shared>>
      tpu.wait_indirect_dma semaphore(%run_scoped3A_565 : memref<!tpu.dma_semaphore, #tpu.memory_space<semaphore_mem>>) src(%arg9 : memref<40x128xf32, #tpu.memory_space<vmem>>) dst(%dma_wait3A_577 : memref<10240x128xf32, #tpu.memory_space<vmem_shared>>)
      tpu.yield
    }) : () -> ()
    %dma_wait3A_525 = arith.constant 123 : i32
    %dma_wait3A_526 = arith.constant 0 : i32
    %dma_wait3A_527 = tpu.memref_slice %arg6[%dma_wait3A_525, %dma_wait3A_526] : memref<125x40xi32, #tpu.memory_space<vmem>> -> memref<1x40xi32, #tpu.memory_space<vmem>>
    %dma_wait3A_528 = tpu.memref_squeeze %dma_wait3A_527 : memref<1x40xi32, #tpu.memory_space<vmem>> -> memref<40xi32, #tpu.memory_space<vmem>>
    %dma_wait3A_529 = arith.constant 0 : i32
    %dma_wait3A_530 = arith.constant 0 : i32
    %dma_wait3A_531 = tpu.memref_slice %arg11[%dma_wait3A_529, %dma_wait3A_530] : memref<10240x128xf32, #tpu.memory_space<vmem_shared>> -> memref<10240x128xf32, #tpu.memory_space<vmem_shared>>
    tpu.wait_indirect_dma semaphore(%arg15 : memref<!tpu.dma_semaphore, #tpu.memory_space<semaphore_mem>>) src(%arg10 : memref<40x128xf32, #tpu.memory_space<vmem>>) dst(%dma_wait3A_531 : memref<10240x128xf32, #tpu.memory_space<vmem_shared>>)
    %barrier3A_532 = arith.constant 0 : index
    tpu.barrier barrier_id(%barrier3A_532)
    %add3A_533 = arith.constant 0 : i32
    %add3A_534 = arith.addi %mul3A_2, %add3A_533 : i32
    "tpu.region"() ({
      %run_scoped3A_565 = tpu.sem_alloc : memref<!tpu.dma_semaphore, #tpu.memory_space<semaphore_mem>>
      %dma_start3A_566 = arith.constant 0 : i32
      %dma_start3A_567 = tpu.memref_slice %arg11[%add3A_534, %dma_start3A_566] : memref<10240x128xf32, #tpu.memory_space<vmem_shared>> -> memref<40x128xf32, #tpu.memory_space<vmem_shared>>
      %dma_start3A_568 = arith.constant 0 : i32
      %dma_start3A_569 = tpu.memref_slice %arg11[%add3A_534, %dma_start3A_568] : memref<10240x128xf32, #tpu.memory_space<vmem_shared>> -> memref<40x128xf32, #tpu.memory_space<vmem_shared>>
      tpu.enqueue_dma source(%dma_start3A_569 : memref<40x128xf32, #tpu.memory_space<vmem_shared>>) target(%arg9 : memref<40x128xf32, #tpu.memory_space<vmem>>) target_semaphore(%run_scoped3A_565 : memref<!tpu.dma_semaphore, #tpu.memory_space<semaphore_mem>>)
      %dma_wait3A_570 = arith.constant 0 : i32
      %dma_wait3A_571 = tpu.memref_slice %arg11[%add3A_534, %dma_wait3A_570] : memref<10240x128xf32, #tpu.memory_space<vmem_shared>> -> memref<40x128xf32, #tpu.memory_space<vmem_shared>>
      %dma_wait3A_572 = arith.constant 0 : i32
      %dma_wait3A_573 = tpu.memref_slice %arg11[%add3A_534, %dma_wait3A_572] : memref<10240x128xf32, #tpu.memory_space<vmem_shared>> -> memref<40x128xf32, #tpu.memory_space<vmem_shared>>
      tpu.wait_dma2 semaphore(%run_scoped3A_565 : memref<!tpu.dma_semaphore, #tpu.memory_space<semaphore_mem>>) src(%dma_wait3A_573 : memref<40x128xf32, #tpu.memory_space<vmem_shared>>) dst(%arg9 : memref<40x128xf32, #tpu.memory_space<vmem>>)
      tpu.yield
    }) : () -> ()
    "tpu.region"() ({
      %run_scoped3A_565 = tpu.sem_alloc : memref<!tpu.dma_semaphore, #tpu.memory_space<semaphore_mem>>
      %dma_start3A_566 = arith.constant 0 : i32
      %dma_start3A_567 = arith.constant 0 : i32
      %dma_start3A_568 = tpu.memref_slice %arg5[%arg0, %dma_start3A_566, %dma_start3A_567] : memref<2x10240x128xf32, #tpu.memory_space<hbm>> -> memref<1x10240x128xf32, #tpu.memory_space<hbm>>
      %dma_start3A_569 = tpu.memref_squeeze %dma_start3A_568 : memref<1x10240x128xf32, #tpu.memory_space<hbm>> -> memref<10240x128xf32, #tpu.memory_space<hbm>>
      %dma_start3A_570 = arith.constant 0 : i32
      %dma_start3A_571 = tpu.memref_slice %dma_start3A_569[%add3A_534, %dma_start3A_570] : memref<10240x128xf32, #tpu.memory_space<hbm>> -> memref<40x128xf32, #tpu.memory_space<hbm>>
      %dma_start3A_572 = arith.constant 0 : i32
      %dma_start3A_573 = arith.constant 0 : i32
      %dma_start3A_574 = tpu.memref_slice %arg5[%arg0, %dma_start3A_572, %dma_start3A_573] : memref<2x10240x128xf32, #tpu.memory_space<hbm>> -> memref<1x10240x128xf32, #tpu.memory_space<hbm>>
      %dma_start3A_575 = tpu.memref_squeeze %dma_start3A_574 : memref<1x10240x128xf32, #tpu.memory_space<hbm>> -> memref<10240x128xf32, #tpu.memory_space<hbm>>
      %dma_start3A_576 = arith.constant 0 : i32
      %dma_start3A_577 = tpu.memref_slice %dma_start3A_575[%add3A_534, %dma_start3A_576] : memref<10240x128xf32, #tpu.memory_space<hbm>> -> memref<40x128xf32, #tpu.memory_space<hbm>>
      tpu.enqueue_dma source(%arg9 : memref<40x128xf32, #tpu.memory_space<vmem>>) target(%dma_start3A_577 : memref<40x128xf32, #tpu.memory_space<hbm>>) target_semaphore(%run_scoped3A_565 : memref<!tpu.dma_semaphore, #tpu.memory_space<semaphore_mem>>)
      %dma_wait3A_578 = arith.constant 0 : i32
      %dma_wait3A_579 = arith.constant 0 : i32
      %dma_wait3A_580 = tpu.memref_slice %arg5[%arg0, %dma_wait3A_578, %dma_wait3A_579] : memref<2x10240x128xf32, #tpu.memory_space<hbm>> -> memref<1x10240x128xf32, #tpu.memory_space<hbm>>
      %dma_wait3A_581 = tpu.memref_squeeze %dma_wait3A_580 : memref<1x10240x128xf32, #tpu.memory_space<hbm>> -> memref<10240x128xf32, #tpu.memory_space<hbm>>
      %dma_wait3A_582 = arith.constant 0 : i32
      %dma_wait3A_583 = tpu.memref_slice %dma_wait3A_581[%add3A_534, %dma_wait3A_582] : memref<10240x128xf32, #tpu.memory_space<hbm>> -> memref<40x128xf32, #tpu.memory_space<hbm>>
      %dma_wait3A_584 = arith.constant 0 : i32
      %dma_wait3A_585 = arith.constant 0 : i32
      %dma_wait3A_586 = tpu.memref_slice %arg5[%arg0, %dma_wait3A_584, %dma_wait3A_585] : memref<2x10240x128xf32, #tpu.memory_space<hbm>> -> memref<1x10240x128xf32, #tpu.memory_space<hbm>>
      %dma_wait3A_587 = tpu.memref_squeeze %dma_wait3A_586 : memref<1x10240x128xf32, #tpu.memory_space<hbm>> -> memref<10240x128xf32, #tpu.memory_space<hbm>>
      %dma_wait3A_588 = arith.constant 0 : i32
      %dma_wait3A_589 = tpu.memref_slice %dma_wait3A_587[%add3A_534, %dma_wait3A_588] : memref<10240x128xf32, #tpu.memory_space<hbm>> -> memref<40x128xf32, #tpu.memory_space<hbm>>
      tpu.wait_dma2 semaphore(%run_scoped3A_565 : memref<!tpu.dma_semaphore, #tpu.memory_space<semaphore_mem>>) src(%arg9 : memref<40x128xf32, #tpu.memory_space<vmem>>) dst(%dma_wait3A_589 : memref<40x128xf32, #tpu.memory_space<hbm>>)
      tpu.yield
    }) : () -> ()
    %add3A_535 = arith.constant 40 : i32
    %add3A_536 = arith.addi %mul3A_2, %add3A_535 : i32
    "tpu.region"() ({
      %run_scoped3A_565 = tpu.sem_alloc : memref<!tpu.dma_semaphore, #tpu.memory_space<semaphore_mem>>
      %dma_start3A_566 = arith.constant 0 : i32
      %dma_start3A_567 = tpu.memref_slice %arg11[%add3A_536, %dma_start3A_566] : memref<10240x128xf32, #tpu.memory_space<vmem_shared>> -> memref<40x128xf32, #tpu.memory_space<vmem_shared>>
      %dma_start3A_568 = arith.constant 0 : i32
      %dma_start3A_569 = tpu.memref_slice %arg11[%add3A_536, %dma_start3A_568] : memref<10240x128xf32, #tpu.memory_space<vmem_shared>> -> memref<40x128xf32, #tpu.memory_space<vmem_shared>>
      tpu.enqueue_dma source(%dma_start3A_569 : memref<40x128xf32, #tpu.memory_space<vmem_shared>>) target(%arg9 : memref<40x128xf32, #tpu.memory_space<vmem>>) target_semaphore(%run_scoped3A_565 : memref<!tpu.dma_semaphore, #tpu.memory_space<semaphore_mem>>)
      %dma_wait3A_570 = arith.constant 0 : i32
      %dma_wait3A_571 = tpu.memref_slice %arg11[%add3A_536, %dma_wait3A_570] : memref<10240x128xf32, #tpu.memory_space<vmem_shared>> -> memref<40x128xf32, #tpu.memory_space<vmem_shared>>
      %dma_wait3A_572 = arith.constant 0 : i32
      %dma_wait3A_573 = tpu.memref_slice %arg11[%add3A_536, %dma_wait3A_572] : memref<10240x128xf32, #tpu.memory_space<vmem_shared>> -> memref<40x128xf32, #tpu.memory_space<vmem_shared>>
      tpu.wait_dma2 semaphore(%run_scoped3A_565 : memref<!tpu.dma_semaphore, #tpu.memory_space<semaphore_mem>>) src(%dma_wait3A_573 : memref<40x128xf32, #tpu.memory_space<vmem_shared>>) dst(%arg9 : memref<40x128xf32, #tpu.memory_space<vmem>>)
      tpu.yield
    }) : () -> ()
    "tpu.region"() ({
      %run_scoped3A_565 = tpu.sem_alloc : memref<!tpu.dma_semaphore, #tpu.memory_space<semaphore_mem>>
      %dma_start3A_566 = arith.constant 0 : i32
      %dma_start3A_567 = arith.constant 0 : i32
      %dma_start3A_568 = tpu.memref_slice %arg5[%arg0, %dma_start3A_566, %dma_start3A_567] : memref<2x10240x128xf32, #tpu.memory_space<hbm>> -> memref<1x10240x128xf32, #tpu.memory_space<hbm>>
      %dma_start3A_569 = tpu.memref_squeeze %dma_start3A_568 : memref<1x10240x128xf32, #tpu.memory_space<hbm>> -> memref<10240x128xf32, #tpu.memory_space<hbm>>
      %dma_start3A_570 = arith.constant 0 : i32
      %dma_start3A_571 = tpu.memref_slice %dma_start3A_569[%add3A_536, %dma_start3A_570] : memref<10240x128xf32, #tpu.memory_space<hbm>> -> memref<40x128xf32, #tpu.memory_space<hbm>>
      %dma_start3A_572 = arith.constant 0 : i32
      %dma_start3A_573 = arith.constant 0 : i32
      %dma_start3A_574 = tpu.memref_slice %arg5[%arg0, %dma_start3A_572, %dma_start3A_573] : memref<2x10240x128xf32, #tpu.memory_space<hbm>> -> memref<1x10240x128xf32, #tpu.memory_space<hbm>>
      %dma_start3A_575 = tpu.memref_squeeze %dma_start3A_574 : memref<1x10240x128xf32, #tpu.memory_space<hbm>> -> memref<10240x128xf32, #tpu.memory_space<hbm>>
      %dma_start3A_576 = arith.constant 0 : i32
      %dma_start3A_577 = tpu.memref_slice %dma_start3A_575[%add3A_536, %dma_start3A_576] : memref<10240x128xf32, #tpu.memory_space<hbm>> -> memref<40x128xf32, #tpu.memory_space<hbm>>
      tpu.enqueue_dma source(%arg9 : memref<40x128xf32, #tpu.memory_space<vmem>>) target(%dma_start3A_577 : memref<40x128xf32, #tpu.memory_space<hbm>>) target_semaphore(%run_scoped3A_565 : memref<!tpu.dma_semaphore, #tpu.memory_space<semaphore_mem>>)
      %dma_wait3A_578 = arith.constant 0 : i32
      %dma_wait3A_579 = arith.constant 0 : i32
      %dma_wait3A_580 = tpu.memref_slice %arg5[%arg0, %dma_wait3A_578, %dma_wait3A_579] : memref<2x10240x128xf32, #tpu.memory_space<hbm>> -> memref<1x10240x128xf32, #tpu.memory_space<hbm>>
      %dma_wait3A_581 = tpu.memref_squeeze %dma_wait3A_580 : memref<1x10240x128xf32, #tpu.memory_space<hbm>> -> memref<10240x128xf32, #tpu.memory_space<hbm>>
      %dma_wait3A_582 = arith.constant 0 : i32
      %dma_wait3A_583 = tpu.memref_slice %dma_wait3A_581[%add3A_536, %dma_wait3A_582] : memref<10240x128xf32, #tpu.memory_space<hbm>> -> memref<40x128xf32, #tpu.memory_space<hbm>>
      %dma_wait3A_584 = arith.constant 0 : i32
      %dma_wait3A_585 = arith.constant 0 : i32
      %dma_wait3A_586 = tpu.memref_slice %arg5[%arg0, %dma_wait3A_584, %dma_wait3A_585] : memref<2x10240x128xf32, #tpu.memory_space<hbm>> -> memref<1x10240x128xf32, #tpu.memory_space<hbm>>
      %dma_wait3A_587 = tpu.memref_squeeze %dma_wait3A_586 : memref<1x10240x128xf32, #tpu.memory_space<hbm>> -> memref<10240x128xf32, #tpu.memory_space<hbm>>
      %dma_wait3A_588 = arith.constant 0 : i32
      %dma_wait3A_589 = tpu.memref_slice %dma_wait3A_587[%add3A_536, %dma_wait3A_588] : memref<10240x128xf32, #tpu.memory_space<hbm>> -> memref<40x128xf32, #tpu.memory_space<hbm>>
      tpu.wait_dma2 semaphore(%run_scoped3A_565 : memref<!tpu.dma_semaphore, #tpu.memory_space<semaphore_mem>>) src(%arg9 : memref<40x128xf32, #tpu.memory_space<vmem>>) dst(%dma_wait3A_589 : memref<40x128xf32, #tpu.memory_space<hbm>>)
      tpu.yield
    }) : () -> ()
    %add3A_537 = arith.constant 80 : i32
    %add3A_538 = arith.addi %mul3A_2, %add3A_537 : i32
    "tpu.region"() ({
      %run_scoped3A_565 = tpu.sem_alloc : memref<!tpu.dma_semaphore, #tpu.memory_space<semaphore_mem>>
      %dma_start3A_566 = arith.constant 0 : i32
      %dma_start3A_567 = tpu.memref_slice %arg11[%add3A_538, %dma_start3A_566] : memref<10240x128xf32, #tpu.memory_space<vmem_shared>> -> memref<40x128xf32, #tpu.memory_space<vmem_shared>>
      %dma_start3A_568 = arith.constant 0 : i32
      %dma_start3A_569 = tpu.memref_slice %arg11[%add3A_538, %dma_start3A_568] : memref<10240x128xf32, #tpu.memory_space<vmem_shared>> -> memref<40x128xf32, #tpu.memory_space<vmem_shared>>
      tpu.enqueue_dma source(%dma_start3A_569 : memref<40x128xf32, #tpu.memory_space<vmem_shared>>) target(%arg9 : memref<40x128xf32, #tpu.memory_space<vmem>>) target_semaphore(%run_scoped3A_565 : memref<!tpu.dma_semaphore, #tpu.memory_space<semaphore_mem>>)
      %dma_wait3A_570 = arith.constant 0 : i32
      %dma_wait3A_571 = tpu.memref_slice %arg11[%add3A_538, %dma_wait3A_570] : memref<10240x128xf32, #tpu.memory_space<vmem_shared>> -> memref<40x128xf32, #tpu.memory_space<vmem_shared>>
      %dma_wait3A_572 = arith.constant 0 : i32
      %dma_wait3A_573 = tpu.memref_slice %arg11[%add3A_538, %dma_wait3A_572] : memref<10240x128xf32, #tpu.memory_space<vmem_shared>> -> memref<40x128xf32, #tpu.memory_space<vmem_shared>>
      tpu.wait_dma2 semaphore(%run_scoped3A_565 : memref<!tpu.dma_semaphore, #tpu.memory_space<semaphore_mem>>) src(%dma_wait3A_573 : memref<40x128xf32, #tpu.memory_space<vmem_shared>>) dst(%arg9 : memref<40x128xf32, #tpu.memory_space<vmem>>)
      tpu.yield
    }) : () -> ()
    "tpu.region"() ({
      %run_scoped3A_565 = tpu.sem_alloc : memref<!tpu.dma_semaphore, #tpu.memory_space<semaphore_mem>>
      %dma_start3A_566 = arith.constant 0 : i32
      %dma_start3A_567 = arith.constant 0 : i32
      %dma_start3A_568 = tpu.memref_slice %arg5[%arg0, %dma_start3A_566, %dma_start3A_567] : memref<2x10240x128xf32, #tpu.memory_space<hbm>> -> memref<1x10240x128xf32, #tpu.memory_space<hbm>>
      %dma_start3A_569 = tpu.memref_squeeze %dma_start3A_568 : memref<1x10240x128xf32, #tpu.memory_space<hbm>> -> memref<10240x128xf32, #tpu.memory_space<hbm>>
      %dma_start3A_570 = arith.constant 0 : i32
      %dma_start3A_571 = tpu.memref_slice %dma_start3A_569[%add3A_538, %dma_start3A_570] : memref<10240x128xf32, #tpu.memory_space<hbm>> -> memref<40x128xf32, #tpu.memory_space<hbm>>
      %dma_start3A_572 = arith.constant 0 : i32
      %dma_start3A_573 = arith.constant 0 : i32
      %dma_start3A_574 = tpu.memref_slice %arg5[%arg0, %dma_start3A_572, %dma_start3A_573] : memref<2x10240x128xf32, #tpu.memory_space<hbm>> -> memref<1x10240x128xf32, #tpu.memory_space<hbm>>
      %dma_start3A_575 = tpu.memref_squeeze %dma_start3A_574 : memref<1x10240x128xf32, #tpu.memory_space<hbm>> -> memref<10240x128xf32, #tpu.memory_space<hbm>>
      %dma_start3A_576 = arith.constant 0 : i32
      %dma_start3A_577 = tpu.memref_slice %dma_start3A_575[%add3A_538, %dma_start3A_576] : memref<10240x128xf32, #tpu.memory_space<hbm>> -> memref<40x128xf32, #tpu.memory_space<hbm>>
      tpu.enqueue_dma source(%arg9 : memref<40x128xf32, #tpu.memory_space<vmem>>) target(%dma_start3A_577 : memref<40x128xf32, #tpu.memory_space<hbm>>) target_semaphore(%run_scoped3A_565 : memref<!tpu.dma_semaphore, #tpu.memory_space<semaphore_mem>>)
      %dma_wait3A_578 = arith.constant 0 : i32
      %dma_wait3A_579 = arith.constant 0 : i32
      %dma_wait3A_580 = tpu.memref_slice %arg5[%arg0, %dma_wait3A_578, %dma_wait3A_579] : memref<2x10240x128xf32, #tpu.memory_space<hbm>> -> memref<1x10240x128xf32, #tpu.memory_space<hbm>>
      %dma_wait3A_581 = tpu.memref_squeeze %dma_wait3A_580 : memref<1x10240x128xf32, #tpu.memory_space<hbm>> -> memref<10240x128xf32, #tpu.memory_space<hbm>>
      %dma_wait3A_582 = arith.constant 0 : i32
      %dma_wait3A_583 = tpu.memref_slice %dma_wait3A_581[%add3A_538, %dma_wait3A_582] : memref<10240x128xf32, #tpu.memory_space<hbm>> -> memref<40x128xf32, #tpu.memory_space<hbm>>
      %dma_wait3A_584 = arith.constant 0 : i32
      %dma_wait3A_585 = arith.constant 0 : i32
      %dma_wait3A_586 = tpu.memref_slice %arg5[%arg0, %dma_wait3A_584, %dma_wait3A_585] : memref<2x10240x128xf32, #tpu.memory_space<hbm>> -> memref<1x10240x128xf32, #tpu.memory_space<hbm>>
      %dma_wait3A_587 = tpu.memref_squeeze %dma_wait3A_586 : memref<1x10240x128xf32, #tpu.memory_space<hbm>> -> memref<10240x128xf32, #tpu.memory_space<hbm>>
      %dma_wait3A_588 = arith.constant 0 : i32
      %dma_wait3A_589 = tpu.memref_slice %dma_wait3A_587[%add3A_538, %dma_wait3A_588] : memref<10240x128xf32, #tpu.memory_space<hbm>> -> memref<40x128xf32, #tpu.memory_space<hbm>>
      tpu.wait_dma2 semaphore(%run_scoped3A_565 : memref<!tpu.dma_semaphore, #tpu.memory_space<semaphore_mem>>) src(%arg9 : memref<40x128xf32, #tpu.memory_space<vmem>>) dst(%dma_wait3A_589 : memref<40x128xf32, #tpu.memory_space<hbm>>)
      tpu.yield
    }) : () -> ()
    %add3A_539 = arith.constant 120 : i32
    %add3A_540 = arith.addi %mul3A_2, %add3A_539 : i32
    "tpu.region"() ({
      %run_scoped3A_565 = tpu.sem_alloc : memref<!tpu.dma_semaphore, #tpu.memory_space<semaphore_mem>>
      %dma_start3A_566 = arith.constant 0 : i32
      %dma_start3A_567 = tpu.memref_slice %arg11[%add3A_540, %dma_start3A_566] : memref<10240x128xf32, #tpu.memory_space<vmem_shared>> -> memref<40x128xf32, #tpu.memory_space<vmem_shared>>
      %dma_start3A_568 = arith.constant 0 : i32
      %dma_start3A_569 = tpu.memref_slice %arg11[%add3A_540, %dma_start3A_568] : memref<10240x128xf32, #tpu.memory_space<vmem_shared>> -> memref<40x128xf32, #tpu.memory_space<vmem_shared>>
      tpu.enqueue_dma source(%dma_start3A_569 : memref<40x128xf32, #tpu.memory_space<vmem_shared>>) target(%arg9 : memref<40x128xf32, #tpu.memory_space<vmem>>) target_semaphore(%run_scoped3A_565 : memref<!tpu.dma_semaphore, #tpu.memory_space<semaphore_mem>>)
      %dma_wait3A_570 = arith.constant 0 : i32
      %dma_wait3A_571 = tpu.memref_slice %arg11[%add3A_540, %dma_wait3A_570] : memref<10240x128xf32, #tpu.memory_space<vmem_shared>> -> memref<40x128xf32, #tpu.memory_space<vmem_shared>>
      %dma_wait3A_572 = arith.constant 0 : i32
      %dma_wait3A_573 = tpu.memref_slice %arg11[%add3A_540, %dma_wait3A_572] : memref<10240x128xf32, #tpu.memory_space<vmem_shared>> -> memref<40x128xf32, #tpu.memory_space<vmem_shared>>
      tpu.wait_dma2 semaphore(%run_scoped3A_565 : memref<!tpu.dma_semaphore, #tpu.memory_space<semaphore_mem>>) src(%dma_wait3A_573 : memref<40x128xf32, #tpu.memory_space<vmem_shared>>) dst(%arg9 : memref<40x128xf32, #tpu.memory_space<vmem>>)
      tpu.yield
    }) : () -> ()
    "tpu.region"() ({
      %run_scoped3A_565 = tpu.sem_alloc : memref<!tpu.dma_semaphore, #tpu.memory_space<semaphore_mem>>
      %dma_start3A_566 = arith.constant 0 : i32
      %dma_start3A_567 = arith.constant 0 : i32
      %dma_start3A_568 = tpu.memref_slice %arg5[%arg0, %dma_start3A_566, %dma_start3A_567] : memref<2x10240x128xf32, #tpu.memory_space<hbm>> -> memref<1x10240x128xf32, #tpu.memory_space<hbm>>
      %dma_start3A_569 = tpu.memref_squeeze %dma_start3A_568 : memref<1x10240x128xf32, #tpu.memory_space<hbm>> -> memref<10240x128xf32, #tpu.memory_space<hbm>>
      %dma_start3A_570 = arith.constant 0 : i32
      %dma_start3A_571 = tpu.memref_slice %dma_start3A_569[%add3A_540, %dma_start3A_570] : memref<10240x128xf32, #tpu.memory_space<hbm>> -> memref<40x128xf32, #tpu.memory_space<hbm>>
      %dma_start3A_572 = arith.constant 0 : i32
      %dma_start3A_573 = arith.constant 0 : i32
      %dma_start3A_574 = tpu.memref_slice %arg5[%arg0, %dma_start3A_572, %dma_start3A_573] : memref<2x10240x128xf32, #tpu.memory_space<hbm>> -> memref<1x10240x128xf32, #tpu.memory_space<hbm>>
      %dma_start3A_575 = tpu.memref_squeeze %dma_start3A_574 : memref<1x10240x128xf32, #tpu.memory_space<hbm>> -> memref<10240x128xf32, #tpu.memory_space<hbm>>
      %dma_start3A_576 = arith.constant 0 : i32
      %dma_start3A_577 = tpu.memref_slice %dma_start3A_575[%add3A_540, %dma_start3A_576] : memref<10240x128xf32, #tpu.memory_space<hbm>> -> memref<40x128xf32, #tpu.memory_space<hbm>>
      tpu.enqueue_dma source(%arg9 : memref<40x128xf32, #tpu.memory_space<vmem>>) target(%dma_start3A_577 : memref<40x128xf32, #tpu.memory_space<hbm>>) target_semaphore(%run_scoped3A_565 : memref<!tpu.dma_semaphore, #tpu.memory_space<semaphore_mem>>)
      %dma_wait3A_578 = arith.constant 0 : i32
      %dma_wait3A_579 = arith.constant 0 : i32
      %dma_wait3A_580 = tpu.memref_slice %arg5[%arg0, %dma_wait3A_578, %dma_wait3A_579] : memref<2x10240x128xf32, #tpu.memory_space<hbm>> -> memref<1x10240x128xf32, #tpu.memory_space<hbm>>
      %dma_wait3A_581 = tpu.memref_squeeze %dma_wait3A_580 : memref<1x10240x128xf32, #tpu.memory_space<hbm>> -> memref<10240x128xf32, #tpu.memory_space<hbm>>
      %dma_wait3A_582 = arith.constant 0 : i32
      %dma_wait3A_583 = tpu.memref_slice %dma_wait3A_581[%add3A_540, %dma_wait3A_582] : memref<10240x128xf32, #tpu.memory_space<hbm>> -> memref<40x128xf32, #tpu.memory_space<hbm>>
      %dma_wait3A_584 = arith.constant 0 : i32
      %dma_wait3A_585 = arith.constant 0 : i32
      %dma_wait3A_586 = tpu.memref_slice %arg5[%arg0, %dma_wait3A_584, %dma_wait3A_585] : memref<2x10240x128xf32, #tpu.memory_space<hbm>> -> memref<1x10240x128xf32, #tpu.memory_space<hbm>>
      %dma_wait3A_587 = tpu.memref_squeeze %dma_wait3A_586 : memref<1x10240x128xf32, #tpu.memory_space<hbm>> -> memref<10240x128xf32, #tpu.memory_space<hbm>>
      %dma_wait3A_588 = arith.constant 0 : i32
      %dma_wait3A_589 = tpu.memref_slice %dma_wait3A_587[%add3A_540, %dma_wait3A_588] : memref<10240x128xf32, #tpu.memory_space<hbm>> -> memref<40x128xf32, #tpu.memory_space<hbm>>
      tpu.wait_dma2 semaphore(%run_scoped3A_565 : memref<!tpu.dma_semaphore, #tpu.memory_space<semaphore_mem>>) src(%arg9 : memref<40x128xf32, #tpu.memory_space<vmem>>) dst(%dma_wait3A_589 : memref<40x128xf32, #tpu.memory_space<hbm>>)
      tpu.yield
    }) : () -> ()
    %add3A_541 = arith.constant 160 : i32
    %add3A_542 = arith.addi %mul3A_2, %add3A_541 : i32
    "tpu.region"() ({
      %run_scoped3A_565 = tpu.sem_alloc : memref<!tpu.dma_semaphore, #tpu.memory_space<semaphore_mem>>
      %dma_start3A_566 = arith.constant 0 : i32
      %dma_start3A_567 = tpu.memref_slice %arg11[%add3A_542, %dma_start3A_566] : memref<10240x128xf32, #tpu.memory_space<vmem_shared>> -> memref<40x128xf32, #tpu.memory_space<vmem_shared>>
      %dma_start3A_568 = arith.constant 0 : i32
      %dma_start3A_569 = tpu.memref_slice %arg11[%add3A_542, %dma_start3A_568] : memref<10240x128xf32, #tpu.memory_space<vmem_shared>> -> memref<40x128xf32, #tpu.memory_space<vmem_shared>>
      tpu.enqueue_dma source(%dma_start3A_569 : memref<40x128xf32, #tpu.memory_space<vmem_shared>>) target(%arg9 : memref<40x128xf32, #tpu.memory_space<vmem>>) target_semaphore(%run_scoped3A_565 : memref<!tpu.dma_semaphore, #tpu.memory_space<semaphore_mem>>)
      %dma_wait3A_570 = arith.constant 0 : i32
      %dma_wait3A_571 = tpu.memref_slice %arg11[%add3A_542, %dma_wait3A_570] : memref<10240x128xf32, #tpu.memory_space<vmem_shared>> -> memref<40x128xf32, #tpu.memory_space<vmem_shared>>
      %dma_wait3A_572 = arith.constant 0 : i32
      %dma_wait3A_573 = tpu.memref_slice %arg11[%add3A_542, %dma_wait3A_572] : memref<10240x128xf32, #tpu.memory_space<vmem_shared>> -> memref<40x128xf32, #tpu.memory_space<vmem_shared>>
      tpu.wait_dma2 semaphore(%run_scoped3A_565 : memref<!tpu.dma_semaphore, #tpu.memory_space<semaphore_mem>>) src(%dma_wait3A_573 : memref<40x128xf32, #tpu.memory_space<vmem_shared>>) dst(%arg9 : memref<40x128xf32, #tpu.memory_space<vmem>>)
      tpu.yield
    }) : () -> ()
    "tpu.region"() ({
      %run_scoped3A_565 = tpu.sem_alloc : memref<!tpu.dma_semaphore, #tpu.memory_space<semaphore_mem>>
      %dma_start3A_566 = arith.constant 0 : i32
      %dma_start3A_567 = arith.constant 0 : i32
      %dma_start3A_568 = tpu.memref_slice %arg5[%arg0, %dma_start3A_566, %dma_start3A_567] : memref<2x10240x128xf32, #tpu.memory_space<hbm>> -> memref<1x10240x128xf32, #tpu.memory_space<hbm>>
      %dma_start3A_569 = tpu.memref_squeeze %dma_start3A_568 : memref<1x10240x128xf32, #tpu.memory_space<hbm>> -> memref<10240x128xf32, #tpu.memory_space<hbm>>
      %dma_start3A_570 = arith.constant 0 : i32
      %dma_start3A_571 = tpu.memref_slice %dma_start3A_569[%add3A_542, %dma_start3A_570] : memref<10240x128xf32, #tpu.memory_space<hbm>> -> memref<40x128xf32, #tpu.memory_space<hbm>>
      %dma_start3A_572 = arith.constant 0 : i32
      %dma_start3A_573 = arith.constant 0 : i32
      %dma_start3A_574 = tpu.memref_slice %arg5[%arg0, %dma_start3A_572, %dma_start3A_573] : memref<2x10240x128xf32, #tpu.memory_space<hbm>> -> memref<1x10240x128xf32, #tpu.memory_space<hbm>>
      %dma_start3A_575 = tpu.memref_squeeze %dma_start3A_574 : memref<1x10240x128xf32, #tpu.memory_space<hbm>> -> memref<10240x128xf32, #tpu.memory_space<hbm>>
      %dma_start3A_576 = arith.constant 0 : i32
      %dma_start3A_577 = tpu.memref_slice %dma_start3A_575[%add3A_542, %dma_start3A_576] : memref<10240x128xf32, #tpu.memory_space<hbm>> -> memref<40x128xf32, #tpu.memory_space<hbm>>
      tpu.enqueue_dma source(%arg9 : memref<40x128xf32, #tpu.memory_space<vmem>>) target(%dma_start3A_577 : memref<40x128xf32, #tpu.memory_space<hbm>>) target_semaphore(%run_scoped3A_565 : memref<!tpu.dma_semaphore, #tpu.memory_space<semaphore_mem>>)
      %dma_wait3A_578 = arith.constant 0 : i32
      %dma_wait3A_579 = arith.constant 0 : i32
      %dma_wait3A_580 = tpu.memref_slice %arg5[%arg0, %dma_wait3A_578, %dma_wait3A_579] : memref<2x10240x128xf32, #tpu.memory_space<hbm>> -> memref<1x10240x128xf32, #tpu.memory_space<hbm>>
      %dma_wait3A_581 = tpu.memref_squeeze %dma_wait3A_580 : memref<1x10240x128xf32, #tpu.memory_space<hbm>> -> memref<10240x128xf32, #tpu.memory_space<hbm>>
      %dma_wait3A_582 = arith.constant 0 : i32
      %dma_wait3A_583 = tpu.memref_slice %dma_wait3A_581[%add3A_542, %dma_wait3A_582] : memref<10240x128xf32, #tpu.memory_space<hbm>> -> memref<40x128xf32, #tpu.memory_space<hbm>>
      %dma_wait3A_584 = arith.constant 0 : i32
      %dma_wait3A_585 = arith.constant 0 : i32
      %dma_wait3A_586 = tpu.memref_slice %arg5[%arg0, %dma_wait3A_584, %dma_wait3A_585] : memref<2x10240x128xf32, #tpu.memory_space<hbm>> -> memref<1x10240x128xf32, #tpu.memory_space<hbm>>
      %dma_wait3A_587 = tpu.memref_squeeze %dma_wait3A_586 : memref<1x10240x128xf32, #tpu.memory_space<hbm>> -> memref<10240x128xf32, #tpu.memory_space<hbm>>
      %dma_wait3A_588 = arith.constant 0 : i32
      %dma_wait3A_589 = tpu.memref_slice %dma_wait3A_587[%add3A_542, %dma_wait3A_588] : memref<10240x128xf32, #tpu.memory_space<hbm>> -> memref<40x128xf32, #tpu.memory_space<hbm>>
      tpu.wait_dma2 semaphore(%run_scoped3A_565 : memref<!tpu.dma_semaphore, #tpu.memory_space<semaphore_mem>>) src(%arg9 : memref<40x128xf32, #tpu.memory_space<vmem>>) dst(%dma_wait3A_589 : memref<40x128xf32, #tpu.memory_space<hbm>>)
      tpu.yield
    }) : () -> ()
    %add3A_543 = arith.constant 200 : i32
    %add3A_544 = arith.addi %mul3A_2, %add3A_543 : i32
    "tpu.region"() ({
      %run_scoped3A_565 = tpu.sem_alloc : memref<!tpu.dma_semaphore, #tpu.memory_space<semaphore_mem>>
      %dma_start3A_566 = arith.constant 0 : i32
      %dma_start3A_567 = tpu.memref_slice %arg11[%add3A_544, %dma_start3A_566] : memref<10240x128xf32, #tpu.memory_space<vmem_shared>> -> memref<40x128xf32, #tpu.memory_space<vmem_shared>>
      %dma_start3A_568 = arith.constant 0 : i32
      %dma_start3A_569 = tpu.memref_slice %arg11[%add3A_544, %dma_start3A_568] : memref<10240x128xf32, #tpu.memory_space<vmem_shared>> -> memref<40x128xf32, #tpu.memory_space<vmem_shared>>
      tpu.enqueue_dma source(%dma_start3A_569 : memref<40x128xf32, #tpu.memory_space<vmem_shared>>) target(%arg9 : memref<40x128xf32, #tpu.memory_space<vmem>>) target_semaphore(%run_scoped3A_565 : memref<!tpu.dma_semaphore, #tpu.memory_space<semaphore_mem>>)
      %dma_wait3A_570 = arith.constant 0 : i32
      %dma_wait3A_571 = tpu.memref_slice %arg11[%add3A_544, %dma_wait3A_570] : memref<10240x128xf32, #tpu.memory_space<vmem_shared>> -> memref<40x128xf32, #tpu.memory_space<vmem_shared>>
      %dma_wait3A_572 = arith.constant 0 : i32
      %dma_wait3A_573 = tpu.memref_slice %arg11[%add3A_544, %dma_wait3A_572] : memref<10240x128xf32, #tpu.memory_space<vmem_shared>> -> memref<40x128xf32, #tpu.memory_space<vmem_shared>>
      tpu.wait_dma2 semaphore(%run_scoped3A_565 : memref<!tpu.dma_semaphore, #tpu.memory_space<semaphore_mem>>) src(%dma_wait3A_573 : memref<40x128xf32, #tpu.memory_space<vmem_shared>>) dst(%arg9 : memref<40x128xf32, #tpu.memory_space<vmem>>)
      tpu.yield
    }) : () -> ()
    "tpu.region"() ({
      %run_scoped3A_565 = tpu.sem_alloc : memref<!tpu.dma_semaphore, #tpu.memory_space<semaphore_mem>>
      %dma_start3A_566 = arith.constant 0 : i32
      %dma_start3A_567 = arith.constant 0 : i32
      %dma_start3A_568 = tpu.memref_slice %arg5[%arg0, %dma_start3A_566, %dma_start3A_567] : memref<2x10240x128xf32, #tpu.memory_space<hbm>> -> memref<1x10240x128xf32, #tpu.memory_space<hbm>>
      %dma_start3A_569 = tpu.memref_squeeze %dma_start3A_568 : memref<1x10240x128xf32, #tpu.memory_space<hbm>> -> memref<10240x128xf32, #tpu.memory_space<hbm>>
      %dma_start3A_570 = arith.constant 0 : i32
      %dma_start3A_571 = tpu.memref_slice %dma_start3A_569[%add3A_544, %dma_start3A_570] : memref<10240x128xf32, #tpu.memory_space<hbm>> -> memref<40x128xf32, #tpu.memory_space<hbm>>
      %dma_start3A_572 = arith.constant 0 : i32
      %dma_start3A_573 = arith.constant 0 : i32
      %dma_start3A_574 = tpu.memref_slice %arg5[%arg0, %dma_start3A_572, %dma_start3A_573] : memref<2x10240x128xf32, #tpu.memory_space<hbm>> -> memref<1x10240x128xf32, #tpu.memory_space<hbm>>
      %dma_start3A_575 = tpu.memref_squeeze %dma_start3A_574 : memref<1x10240x128xf32, #tpu.memory_space<hbm>> -> memref<10240x128xf32, #tpu.memory_space<hbm>>
      %dma_start3A_576 = arith.constant 0 : i32
      %dma_start3A_577 = tpu.memref_slice %dma_start3A_575[%add3A_544, %dma_start3A_576] : memref<10240x128xf32, #tpu.memory_space<hbm>> -> memref<40x128xf32, #tpu.memory_space<hbm>>
      tpu.enqueue_dma source(%arg9 : memref<40x128xf32, #tpu.memory_space<vmem>>) target(%dma_start3A_577 : memref<40x128xf32, #tpu.memory_space<hbm>>) target_semaphore(%run_scoped3A_565 : memref<!tpu.dma_semaphore, #tpu.memory_space<semaphore_mem>>)
      %dma_wait3A_578 = arith.constant 0 : i32
      %dma_wait3A_579 = arith.constant 0 : i32
      %dma_wait3A_580 = tpu.memref_slice %arg5[%arg0, %dma_wait3A_578, %dma_wait3A_579] : memref<2x10240x128xf32, #tpu.memory_space<hbm>> -> memref<1x10240x128xf32, #tpu.memory_space<hbm>>
      %dma_wait3A_581 = tpu.memref_squeeze %dma_wait3A_580 : memref<1x10240x128xf32, #tpu.memory_space<hbm>> -> memref<10240x128xf32, #tpu.memory_space<hbm>>
      %dma_wait3A_582 = arith.constant 0 : i32
      %dma_wait3A_583 = tpu.memref_slice %dma_wait3A_581[%add3A_544, %dma_wait3A_582] : memref<10240x128xf32, #tpu.memory_space<hbm>> -> memref<40x128xf32, #tpu.memory_space<hbm>>
      %dma_wait3A_584 = arith.constant 0 : i32
      %dma_wait3A_585 = arith.constant 0 : i32
      %dma_wait3A_586 = tpu.memref_slice %arg5[%arg0, %dma_wait3A_584, %dma_wait3A_585] : memref<2x10240x128xf32, #tpu.memory_space<hbm>> -> memref<1x10240x128xf32, #tpu.memory_space<hbm>>
      %dma_wait3A_587 = tpu.memref_squeeze %dma_wait3A_586 : memref<1x10240x128xf32, #tpu.memory_space<hbm>> -> memref<10240x128xf32, #tpu.memory_space<hbm>>
      %dma_wait3A_588 = arith.constant 0 : i32
      %dma_wait3A_589 = tpu.memref_slice %dma_wait3A_587[%add3A_544, %dma_wait3A_588] : memref<10240x128xf32, #tpu.memory_space<hbm>> -> memref<40x128xf32, #tpu.memory_space<hbm>>
      tpu.wait_dma2 semaphore(%run_scoped3A_565 : memref<!tpu.dma_semaphore, #tpu.memory_space<semaphore_mem>>) src(%arg9 : memref<40x128xf32, #tpu.memory_space<vmem>>) dst(%dma_wait3A_589 : memref<40x128xf32, #tpu.memory_space<hbm>>)
      tpu.yield
    }) : () -> ()
    %add3A_545 = arith.constant 240 : i32
    %add3A_546 = arith.addi %mul3A_2, %add3A_545 : i32
    "tpu.region"() ({
      %run_scoped3A_565 = tpu.sem_alloc : memref<!tpu.dma_semaphore, #tpu.memory_space<semaphore_mem>>
      %dma_start3A_566 = arith.constant 0 : i32
      %dma_start3A_567 = tpu.memref_slice %arg11[%add3A_546, %dma_start3A_566] : memref<10240x128xf32, #tpu.memory_space<vmem_shared>> -> memref<40x128xf32, #tpu.memory_space<vmem_shared>>
      %dma_start3A_568 = arith.constant 0 : i32
      %dma_start3A_569 = tpu.memref_slice %arg11[%add3A_546, %dma_start3A_568] : memref<10240x128xf32, #tpu.memory_space<vmem_shared>> -> memref<40x128xf32, #tpu.memory_space<vmem_shared>>
      tpu.enqueue_dma source(%dma_start3A_569 : memref<40x128xf32, #tpu.memory_space<vmem_shared>>) target(%arg9 : memref<40x128xf32, #tpu.memory_space<vmem>>) target_semaphore(%run_scoped3A_565 : memref<!tpu.dma_semaphore, #tpu.memory_space<semaphore_mem>>)
      %dma_wait3A_570 = arith.constant 0 : i32
      %dma_wait3A_571 = tpu.memref_slice %arg11[%add3A_546, %dma_wait3A_570] : memref<10240x128xf32, #tpu.memory_space<vmem_shared>> -> memref<40x128xf32, #tpu.memory_space<vmem_shared>>
      %dma_wait3A_572 = arith.constant 0 : i32
      %dma_wait3A_573 = tpu.memref_slice %arg11[%add3A_546, %dma_wait3A_572] : memref<10240x128xf32, #tpu.memory_space<vmem_shared>> -> memref<40x128xf32, #tpu.memory_space<vmem_shared>>
      tpu.wait_dma2 semaphore(%run_scoped3A_565 : memref<!tpu.dma_semaphore, #tpu.memory_space<semaphore_mem>>) src(%dma_wait3A_573 : memref<40x128xf32, #tpu.memory_space<vmem_shared>>) dst(%arg9 : memref<40x128xf32, #tpu.memory_space<vmem>>)
      tpu.yield
    }) : () -> ()
    "tpu.region"() ({
      %run_scoped3A_565 = tpu.sem_alloc : memref<!tpu.dma_semaphore, #tpu.memory_space<semaphore_mem>>
      %dma_start3A_566 = arith.constant 0 : i32
      %dma_start3A_567 = arith.constant 0 : i32
      %dma_start3A_568 = tpu.memref_slice %arg5[%arg0, %dma_start3A_566, %dma_start3A_567] : memref<2x10240x128xf32, #tpu.memory_space<hbm>> -> memref<1x10240x128xf32, #tpu.memory_space<hbm>>
      %dma_start3A_569 = tpu.memref_squeeze %dma_start3A_568 : memref<1x10240x128xf32, #tpu.memory_space<hbm>> -> memref<10240x128xf32, #tpu.memory_space<hbm>>
      %dma_start3A_570 = arith.constant 0 : i32
      %dma_start3A_571 = tpu.memref_slice %dma_start3A_569[%add3A_546, %dma_start3A_570] : memref<10240x128xf32, #tpu.memory_space<hbm>> -> memref<40x128xf32, #tpu.memory_space<hbm>>
      %dma_start3A_572 = arith.constant 0 : i32
      %dma_start3A_573 = arith.constant 0 : i32
      %dma_start3A_574 = tpu.memref_slice %arg5[%arg0, %dma_start3A_572, %dma_start3A_573] : memref<2x10240x128xf32, #tpu.memory_space<hbm>> -> memref<1x10240x128xf32, #tpu.memory_space<hbm>>
      %dma_start3A_575 = tpu.memref_squeeze %dma_start3A_574 : memref<1x10240x128xf32, #tpu.memory_space<hbm>> -> memref<10240x128xf32, #tpu.memory_space<hbm>>
      %dma_start3A_576 = arith.constant 0 : i32
      %dma_start3A_577 = tpu.memref_slice %dma_start3A_575[%add3A_546, %dma_start3A_576] : memref<10240x128xf32, #tpu.memory_space<hbm>> -> memref<40x128xf32, #tpu.memory_space<hbm>>
      tpu.enqueue_dma source(%arg9 : memref<40x128xf32, #tpu.memory_space<vmem>>) target(%dma_start3A_577 : memref<40x128xf32, #tpu.memory_space<hbm>>) target_semaphore(%run_scoped3A_565 : memref<!tpu.dma_semaphore, #tpu.memory_space<semaphore_mem>>)
      %dma_wait3A_578 = arith.constant 0 : i32
      %dma_wait3A_579 = arith.constant 0 : i32
      %dma_wait3A_580 = tpu.memref_slice %arg5[%arg0, %dma_wait3A_578, %dma_wait3A_579] : memref<2x10240x128xf32, #tpu.memory_space<hbm>> -> memref<1x10240x128xf32, #tpu.memory_space<hbm>>
      %dma_wait3A_581 = tpu.memref_squeeze %dma_wait3A_580 : memref<1x10240x128xf32, #tpu.memory_space<hbm>> -> memref<10240x128xf32, #tpu.memory_space<hbm>>
      %dma_wait3A_582 = arith.constant 0 : i32
      %dma_wait3A_583 = tpu.memref_slice %dma_wait3A_581[%add3A_546, %dma_wait3A_582] : memref<10240x128xf32, #tpu.memory_space<hbm>> -> memref<40x128xf32, #tpu.memory_space<hbm>>
      %dma_wait3A_584 = arith.constant 0 : i32
      %dma_wait3A_585 = arith.constant 0 : i32
      %dma_wait3A_586 = tpu.memref_slice %arg5[%arg0, %dma_wait3A_584, %dma_wait3A_585] : memref<2x10240x128xf32, #tpu.memory_space<hbm>> -> memref<1x10240x128xf32, #tpu.memory_space<hbm>>
      %dma_wait3A_587 = tpu.memref_squeeze %dma_wait3A_586 : memref<1x10240x128xf32, #tpu.memory_space<hbm>> -> memref<10240x128xf32, #tpu.memory_space<hbm>>
      %dma_wait3A_588 = arith.constant 0 : i32
      %dma_wait3A_589 = tpu.memref_slice %dma_wait3A_587[%add3A_546, %dma_wait3A_588] : memref<10240x128xf32, #tpu.memory_space<hbm>> -> memref<40x128xf32, #tpu.memory_space<hbm>>
      tpu.wait_dma2 semaphore(%run_scoped3A_565 : memref<!tpu.dma_semaphore, #tpu.memory_space<semaphore_mem>>) src(%arg9 : memref<40x128xf32, #tpu.memory_space<vmem>>) dst(%dma_wait3A_589 : memref<40x128xf32, #tpu.memory_space<hbm>>)
      tpu.yield
    }) : () -> ()
    %add3A_547 = arith.constant 280 : i32
    %add3A_548 = arith.addi %mul3A_2, %add3A_547 : i32
    "tpu.region"() ({
      %run_scoped3A_565 = tpu.sem_alloc : memref<!tpu.dma_semaphore, #tpu.memory_space<semaphore_mem>>
      %dma_start3A_566 = arith.constant 0 : i32
      %dma_start3A_567 = tpu.memref_slice %arg11[%add3A_548, %dma_start3A_566] : memref<10240x128xf32, #tpu.memory_space<vmem_shared>> -> memref<40x128xf32, #tpu.memory_space<vmem_shared>>
      %dma_start3A_568 = arith.constant 0 : i32
      %dma_start3A_569 = tpu.memref_slice %arg11[%add3A_548, %dma_start3A_568] : memref<10240x128xf32, #tpu.memory_space<vmem_shared>> -> memref<40x128xf32, #tpu.memory_space<vmem_shared>>
      tpu.enqueue_dma source(%dma_start3A_569 : memref<40x128xf32, #tpu.memory_space<vmem_shared>>) target(%arg9 : memref<40x128xf32, #tpu.memory_space<vmem>>) target_semaphore(%run_scoped3A_565 : memref<!tpu.dma_semaphore, #tpu.memory_space<semaphore_mem>>)
      %dma_wait3A_570 = arith.constant 0 : i32
      %dma_wait3A_571 = tpu.memref_slice %arg11[%add3A_548, %dma_wait3A_570] : memref<10240x128xf32, #tpu.memory_space<vmem_shared>> -> memref<40x128xf32, #tpu.memory_space<vmem_shared>>
      %dma_wait3A_572 = arith.constant 0 : i32
      %dma_wait3A_573 = tpu.memref_slice %arg11[%add3A_548, %dma_wait3A_572] : memref<10240x128xf32, #tpu.memory_space<vmem_shared>> -> memref<40x128xf32, #tpu.memory_space<vmem_shared>>
      tpu.wait_dma2 semaphore(%run_scoped3A_565 : memref<!tpu.dma_semaphore, #tpu.memory_space<semaphore_mem>>) src(%dma_wait3A_573 : memref<40x128xf32, #tpu.memory_space<vmem_shared>>) dst(%arg9 : memref<40x128xf32, #tpu.memory_space<vmem>>)
      tpu.yield
    }) : () -> ()
    "tpu.region"() ({
      %run_scoped3A_565 = tpu.sem_alloc : memref<!tpu.dma_semaphore, #tpu.memory_space<semaphore_mem>>
      %dma_start3A_566 = arith.constant 0 : i32
      %dma_start3A_567 = arith.constant 0 : i32
      %dma_start3A_568 = tpu.memref_slice %arg5[%arg0, %dma_start3A_566, %dma_start3A_567] : memref<2x10240x128xf32, #tpu.memory_space<hbm>> -> memref<1x10240x128xf32, #tpu.memory_space<hbm>>
      %dma_start3A_569 = tpu.memref_squeeze %dma_start3A_568 : memref<1x10240x128xf32, #tpu.memory_space<hbm>> -> memref<10240x128xf32, #tpu.memory_space<hbm>>
      %dma_start3A_570 = arith.constant 0 : i32
      %dma_start3A_571 = tpu.memref_slice %dma_start3A_569[%add3A_548, %dma_start3A_570] : memref<10240x128xf32, #tpu.memory_space<hbm>> -> memref<40x128xf32, #tpu.memory_space<hbm>>
      %dma_start3A_572 = arith.constant 0 : i32
      %dma_start3A_573 = arith.constant 0 : i32
      %dma_start3A_574 = tpu.memref_slice %arg5[%arg0, %dma_start3A_572, %dma_start3A_573] : memref<2x10240x128xf32, #tpu.memory_space<hbm>> -> memref<1x10240x128xf32, #tpu.memory_space<hbm>>
      %dma_start3A_575 = tpu.memref_squeeze %dma_start3A_574 : memref<1x10240x128xf32, #tpu.memory_space<hbm>> -> memref<10240x128xf32, #tpu.memory_space<hbm>>
      %dma_start3A_576 = arith.constant 0 : i32
      %dma_start3A_577 = tpu.memref_slice %dma_start3A_575[%add3A_548, %dma_start3A_576] : memref<10240x128xf32, #tpu.memory_space<hbm>> -> memref<40x128xf32, #tpu.memory_space<hbm>>
      tpu.enqueue_dma source(%arg9 : memref<40x128xf32, #tpu.memory_space<vmem>>) target(%dma_start3A_577 : memref<40x128xf32, #tpu.memory_space<hbm>>) target_semaphore(%run_scoped3A_565 : memref<!tpu.dma_semaphore, #tpu.memory_space<semaphore_mem>>)
      %dma_wait3A_578 = arith.constant 0 : i32
      %dma_wait3A_579 = arith.constant 0 : i32
      %dma_wait3A_580 = tpu.memref_slice %arg5[%arg0, %dma_wait3A_578, %dma_wait3A_579] : memref<2x10240x128xf32, #tpu.memory_space<hbm>> -> memref<1x10240x128xf32, #tpu.memory_space<hbm>>
      %dma_wait3A_581 = tpu.memref_squeeze %dma_wait3A_580 : memref<1x10240x128xf32, #tpu.memory_space<hbm>> -> memref<10240x128xf32, #tpu.memory_space<hbm>>
      %dma_wait3A_582 = arith.constant 0 : i32
      %dma_wait3A_583 = tpu.memref_slice %dma_wait3A_581[%add3A_548, %dma_wait3A_582] : memref<10240x128xf32, #tpu.memory_space<hbm>> -> memref<40x128xf32, #tpu.memory_space<hbm>>
      %dma_wait3A_584 = arith.constant 0 : i32
      %dma_wait3A_585 = arith.constant 0 : i32
      %dma_wait3A_586 = tpu.memref_slice %arg5[%arg0, %dma_wait3A_584, %dma_wait3A_585] : memref<2x10240x128xf32, #tpu.memory_space<hbm>> -> memref<1x10240x128xf32, #tpu.memory_space<hbm>>
      %dma_wait3A_587 = tpu.memref_squeeze %dma_wait3A_586 : memref<1x10240x128xf32, #tpu.memory_space<hbm>> -> memref<10240x128xf32, #tpu.memory_space<hbm>>
      %dma_wait3A_588 = arith.constant 0 : i32
      %dma_wait3A_589 = tpu.memref_slice %dma_wait3A_587[%add3A_548, %dma_wait3A_588] : memref<10240x128xf32, #tpu.memory_space<hbm>> -> memref<40x128xf32, #tpu.memory_space<hbm>>
      tpu.wait_dma2 semaphore(%run_scoped3A_565 : memref<!tpu.dma_semaphore, #tpu.memory_space<semaphore_mem>>) src(%arg9 : memref<40x128xf32, #tpu.memory_space<vmem>>) dst(%dma_wait3A_589 : memref<40x128xf32, #tpu.memory_space<hbm>>)
      tpu.yield
    }) : () -> ()
    %add3A_549 = arith.constant 320 : i32
    %add3A_550 = arith.addi %mul3A_2, %add3A_549 : i32
    "tpu.region"() ({
      %run_scoped3A_565 = tpu.sem_alloc : memref<!tpu.dma_semaphore, #tpu.memory_space<semaphore_mem>>
      %dma_start3A_566 = arith.constant 0 : i32
      %dma_start3A_567 = tpu.memref_slice %arg11[%add3A_550, %dma_start3A_566] : memref<10240x128xf32, #tpu.memory_space<vmem_shared>> -> memref<40x128xf32, #tpu.memory_space<vmem_shared>>
      %dma_start3A_568 = arith.constant 0 : i32
      %dma_start3A_569 = tpu.memref_slice %arg11[%add3A_550, %dma_start3A_568] : memref<10240x128xf32, #tpu.memory_space<vmem_shared>> -> memref<40x128xf32, #tpu.memory_space<vmem_shared>>
      tpu.enqueue_dma source(%dma_start3A_569 : memref<40x128xf32, #tpu.memory_space<vmem_shared>>) target(%arg9 : memref<40x128xf32, #tpu.memory_space<vmem>>) target_semaphore(%run_scoped3A_565 : memref<!tpu.dma_semaphore, #tpu.memory_space<semaphore_mem>>)
      %dma_wait3A_570 = arith.constant 0 : i32
      %dma_wait3A_571 = tpu.memref_slice %arg11[%add3A_550, %dma_wait3A_570] : memref<10240x128xf32, #tpu.memory_space<vmem_shared>> -> memref<40x128xf32, #tpu.memory_space<vmem_shared>>
      %dma_wait3A_572 = arith.constant 0 : i32
      %dma_wait3A_573 = tpu.memref_slice %arg11[%add3A_550, %dma_wait3A_572] : memref<10240x128xf32, #tpu.memory_space<vmem_shared>> -> memref<40x128xf32, #tpu.memory_space<vmem_shared>>
      tpu.wait_dma2 semaphore(%run_scoped3A_565 : memref<!tpu.dma_semaphore, #tpu.memory_space<semaphore_mem>>) src(%dma_wait3A_573 : memref<40x128xf32, #tpu.memory_space<vmem_shared>>) dst(%arg9 : memref<40x128xf32, #tpu.memory_space<vmem>>)
      tpu.yield
    }) : () -> ()
    "tpu.region"() ({
      %run_scoped3A_565 = tpu.sem_alloc : memref<!tpu.dma_semaphore, #tpu.memory_space<semaphore_mem>>
      %dma_start3A_566 = arith.constant 0 : i32
      %dma_start3A_567 = arith.constant 0 : i32
      %dma_start3A_568 = tpu.memref_slice %arg5[%arg0, %dma_start3A_566, %dma_start3A_567] : memref<2x10240x128xf32, #tpu.memory_space<hbm>> -> memref<1x10240x128xf32, #tpu.memory_space<hbm>>
      %dma_start3A_569 = tpu.memref_squeeze %dma_start3A_568 : memref<1x10240x128xf32, #tpu.memory_space<hbm>> -> memref<10240x128xf32, #tpu.memory_space<hbm>>
      %dma_start3A_570 = arith.constant 0 : i32
      %dma_start3A_571 = tpu.memref_slice %dma_start3A_569[%add3A_550, %dma_start3A_570] : memref<10240x128xf32, #tpu.memory_space<hbm>> -> memref<40x128xf32, #tpu.memory_space<hbm>>
      %dma_start3A_572 = arith.constant 0 : i32
      %dma_start3A_573 = arith.constant 0 : i32
      %dma_start3A_574 = tpu.memref_slice %arg5[%arg0, %dma_start3A_572, %dma_start3A_573] : memref<2x10240x128xf32, #tpu.memory_space<hbm>> -> memref<1x10240x128xf32, #tpu.memory_space<hbm>>
      %dma_start3A_575 = tpu.memref_squeeze %dma_start3A_574 : memref<1x10240x128xf32, #tpu.memory_space<hbm>> -> memref<10240x128xf32, #tpu.memory_space<hbm>>
      %dma_start3A_576 = arith.constant 0 : i32
      %dma_start3A_577 = tpu.memref_slice %dma_start3A_575[%add3A_550, %dma_start3A_576] : memref<10240x128xf32, #tpu.memory_space<hbm>> -> memref<40x128xf32, #tpu.memory_space<hbm>>
      tpu.enqueue_dma source(%arg9 : memref<40x128xf32, #tpu.memory_space<vmem>>) target(%dma_start3A_577 : memref<40x128xf32, #tpu.memory_space<hbm>>) target_semaphore(%run_scoped3A_565 : memref<!tpu.dma_semaphore, #tpu.memory_space<semaphore_mem>>)
      %dma_wait3A_578 = arith.constant 0 : i32
      %dma_wait3A_579 = arith.constant 0 : i32
      %dma_wait3A_580 = tpu.memref_slice %arg5[%arg0, %dma_wait3A_578, %dma_wait3A_579] : memref<2x10240x128xf32, #tpu.memory_space<hbm>> -> memref<1x10240x128xf32, #tpu.memory_space<hbm>>
      %dma_wait3A_581 = tpu.memref_squeeze %dma_wait3A_580 : memref<1x10240x128xf32, #tpu.memory_space<hbm>> -> memref<10240x128xf32, #tpu.memory_space<hbm>>
      %dma_wait3A_582 = arith.constant 0 : i32
      %dma_wait3A_583 = tpu.memref_slice %dma_wait3A_581[%add3A_550, %dma_wait3A_582] : memref<10240x128xf32, #tpu.memory_space<hbm>> -> memref<40x128xf32, #tpu.memory_space<hbm>>
      %dma_wait3A_584 = arith.constant 0 : i32
      %dma_wait3A_585 = arith.constant 0 : i32
      %dma_wait3A_586 = tpu.memref_slice %arg5[%arg0, %dma_wait3A_584, %dma_wait3A_585] : memref<2x10240x128xf32, #tpu.memory_space<hbm>> -> memref<1x10240x128xf32, #tpu.memory_space<hbm>>
      %dma_wait3A_587 = tpu.memref_squeeze %dma_wait3A_586 : memref<1x10240x128xf32, #tpu.memory_space<hbm>> -> memref<10240x128xf32, #tpu.memory_space<hbm>>
      %dma_wait3A_588 = arith.constant 0 : i32
      %dma_wait3A_589 = tpu.memref_slice %dma_wait3A_587[%add3A_550, %dma_wait3A_588] : memref<10240x128xf32, #tpu.memory_space<hbm>> -> memref<40x128xf32, #tpu.memory_space<hbm>>
      tpu.wait_dma2 semaphore(%run_scoped3A_565 : memref<!tpu.dma_semaphore, #tpu.memory_space<semaphore_mem>>) src(%arg9 : memref<40x128xf32, #tpu.memory_space<vmem>>) dst(%dma_wait3A_589 : memref<40x128xf32, #tpu.memory_space<hbm>>)
      tpu.yield
    }) : () -> ()
    %add3A_551 = arith.constant 360 : i32
    %add3A_552 = arith.addi %mul3A_2, %add3A_551 : i32
    "tpu.region"() ({
      %run_scoped3A_565 = tpu.sem_alloc : memref<!tpu.dma_semaphore, #tpu.memory_space<semaphore_mem>>
      %dma_start3A_566 = arith.constant 0 : i32
      %dma_start3A_567 = tpu.memref_slice %arg11[%add3A_552, %dma_start3A_566] : memref<10240x128xf32, #tpu.memory_space<vmem_shared>> -> memref<40x128xf32, #tpu.memory_space<vmem_shared>>
      %dma_start3A_568 = arith.constant 0 : i32
      %dma_start3A_569 = tpu.memref_slice %arg11[%add3A_552, %dma_start3A_568] : memref<10240x128xf32, #tpu.memory_space<vmem_shared>> -> memref<40x128xf32, #tpu.memory_space<vmem_shared>>
      tpu.enqueue_dma source(%dma_start3A_569 : memref<40x128xf32, #tpu.memory_space<vmem_shared>>) target(%arg9 : memref<40x128xf32, #tpu.memory_space<vmem>>) target_semaphore(%run_scoped3A_565 : memref<!tpu.dma_semaphore, #tpu.memory_space<semaphore_mem>>)
      %dma_wait3A_570 = arith.constant 0 : i32
      %dma_wait3A_571 = tpu.memref_slice %arg11[%add3A_552, %dma_wait3A_570] : memref<10240x128xf32, #tpu.memory_space<vmem_shared>> -> memref<40x128xf32, #tpu.memory_space<vmem_shared>>
      %dma_wait3A_572 = arith.constant 0 : i32
      %dma_wait3A_573 = tpu.memref_slice %arg11[%add3A_552, %dma_wait3A_572] : memref<10240x128xf32, #tpu.memory_space<vmem_shared>> -> memref<40x128xf32, #tpu.memory_space<vmem_shared>>
      tpu.wait_dma2 semaphore(%run_scoped3A_565 : memref<!tpu.dma_semaphore, #tpu.memory_space<semaphore_mem>>) src(%dma_wait3A_573 : memref<40x128xf32, #tpu.memory_space<vmem_shared>>) dst(%arg9 : memref<40x128xf32, #tpu.memory_space<vmem>>)
      tpu.yield
    }) : () -> ()
    "tpu.region"() ({
      %run_scoped3A_565 = tpu.sem_alloc : memref<!tpu.dma_semaphore, #tpu.memory_space<semaphore_mem>>
      %dma_start3A_566 = arith.constant 0 : i32
      %dma_start3A_567 = arith.constant 0 : i32
      %dma_start3A_568 = tpu.memref_slice %arg5[%arg0, %dma_start3A_566, %dma_start3A_567] : memref<2x10240x128xf32, #tpu.memory_space<hbm>> -> memref<1x10240x128xf32, #tpu.memory_space<hbm>>
      %dma_start3A_569 = tpu.memref_squeeze %dma_start3A_568 : memref<1x10240x128xf32, #tpu.memory_space<hbm>> -> memref<10240x128xf32, #tpu.memory_space<hbm>>
      %dma_start3A_570 = arith.constant 0 : i32
      %dma_start3A_571 = tpu.memref_slice %dma_start3A_569[%add3A_552, %dma_start3A_570] : memref<10240x128xf32, #tpu.memory_space<hbm>> -> memref<40x128xf32, #tpu.memory_space<hbm>>
      %dma_start3A_572 = arith.constant 0 : i32
      %dma_start3A_573 = arith.constant 0 : i32
      %dma_start3A_574 = tpu.memref_slice %arg5[%arg0, %dma_start3A_572, %dma_start3A_573] : memref<2x10240x128xf32, #tpu.memory_space<hbm>> -> memref<1x10240x128xf32, #tpu.memory_space<hbm>>
      %dma_start3A_575 = tpu.memref_squeeze %dma_start3A_574 : memref<1x10240x128xf32, #tpu.memory_space<hbm>> -> memref<10240x128xf32, #tpu.memory_space<hbm>>
      %dma_start3A_576 = arith.constant 0 : i32
      %dma_start3A_577 = tpu.memref_slice %dma_start3A_575[%add3A_552, %dma_start3A_576] : memref<10240x128xf32, #tpu.memory_space<hbm>> -> memref<40x128xf32, #tpu.memory_space<hbm>>
      tpu.enqueue_dma source(%arg9 : memref<40x128xf32, #tpu.memory_space<vmem>>) target(%dma_start3A_577 : memref<40x128xf32, #tpu.memory_space<hbm>>) target_semaphore(%run_scoped3A_565 : memref<!tpu.dma_semaphore, #tpu.memory_space<semaphore_mem>>)
      %dma_wait3A_578 = arith.constant 0 : i32
      %dma_wait3A_579 = arith.constant 0 : i32
      %dma_wait3A_580 = tpu.memref_slice %arg5[%arg0, %dma_wait3A_578, %dma_wait3A_579] : memref<2x10240x128xf32, #tpu.memory_space<hbm>> -> memref<1x10240x128xf32, #tpu.memory_space<hbm>>
      %dma_wait3A_581 = tpu.memref_squeeze %dma_wait3A_580 : memref<1x10240x128xf32, #tpu.memory_space<hbm>> -> memref<10240x128xf32, #tpu.memory_space<hbm>>
      %dma_wait3A_582 = arith.constant 0 : i32
      %dma_wait3A_583 = tpu.memref_slice %dma_wait3A_581[%add3A_552, %dma_wait3A_582] : memref<10240x128xf32, #tpu.memory_space<hbm>> -> memref<40x128xf32, #tpu.memory_space<hbm>>
      %dma_wait3A_584 = arith.constant 0 : i32
      %dma_wait3A_585 = arith.constant 0 : i32
      %dma_wait3A_586 = tpu.memref_slice %arg5[%arg0, %dma_wait3A_584, %dma_wait3A_585] : memref<2x10240x128xf32, #tpu.memory_space<hbm>> -> memref<1x10240x128xf32, #tpu.memory_space<hbm>>
      %dma_wait3A_587 = tpu.memref_squeeze %dma_wait3A_586 : memref<1x10240x128xf32, #tpu.memory_space<hbm>> -> memref<10240x128xf32, #tpu.memory_space<hbm>>
      %dma_wait3A_588 = arith.constant 0 : i32
      %dma_wait3A_589 = tpu.memref_slice %dma_wait3A_587[%add3A_552, %dma_wait3A_588] : memref<10240x128xf32, #tpu.memory_space<hbm>> -> memref<40x128xf32, #tpu.memory_space<hbm>>
      tpu.wait_dma2 semaphore(%run_scoped3A_565 : memref<!tpu.dma_semaphore, #tpu.memory_space<semaphore_mem>>) src(%arg9 : memref<40x128xf32, #tpu.memory_space<vmem>>) dst(%dma_wait3A_589 : memref<40x128xf32, #tpu.memory_space<hbm>>)
      tpu.yield
    }) : () -> ()
    %add3A_553 = arith.constant 400 : i32
    %add3A_554 = arith.addi %mul3A_2, %add3A_553 : i32
    "tpu.region"() ({
      %run_scoped3A_565 = tpu.sem_alloc : memref<!tpu.dma_semaphore, #tpu.memory_space<semaphore_mem>>
      %dma_start3A_566 = arith.constant 0 : i32
      %dma_start3A_567 = tpu.memref_slice %arg11[%add3A_554, %dma_start3A_566] : memref<10240x128xf32, #tpu.memory_space<vmem_shared>> -> memref<40x128xf32, #tpu.memory_space<vmem_shared>>
      %dma_start3A_568 = arith.constant 0 : i32
      %dma_start3A_569 = tpu.memref_slice %arg11[%add3A_554, %dma_start3A_568] : memref<10240x128xf32, #tpu.memory_space<vmem_shared>> -> memref<40x128xf32, #tpu.memory_space<vmem_shared>>
      tpu.enqueue_dma source(%dma_start3A_569 : memref<40x128xf32, #tpu.memory_space<vmem_shared>>) target(%arg9 : memref<40x128xf32, #tpu.memory_space<vmem>>) target_semaphore(%run_scoped3A_565 : memref<!tpu.dma_semaphore, #tpu.memory_space<semaphore_mem>>)
      %dma_wait3A_570 = arith.constant 0 : i32
      %dma_wait3A_571 = tpu.memref_slice %arg11[%add3A_554, %dma_wait3A_570] : memref<10240x128xf32, #tpu.memory_space<vmem_shared>> -> memref<40x128xf32, #tpu.memory_space<vmem_shared>>
      %dma_wait3A_572 = arith.constant 0 : i32
      %dma_wait3A_573 = tpu.memref_slice %arg11[%add3A_554, %dma_wait3A_572] : memref<10240x128xf32, #tpu.memory_space<vmem_shared>> -> memref<40x128xf32, #tpu.memory_space<vmem_shared>>
      tpu.wait_dma2 semaphore(%run_scoped3A_565 : memref<!tpu.dma_semaphore, #tpu.memory_space<semaphore_mem>>) src(%dma_wait3A_573 : memref<40x128xf32, #tpu.memory_space<vmem_shared>>) dst(%arg9 : memref<40x128xf32, #tpu.memory_space<vmem>>)
      tpu.yield
    }) : () -> ()
    "tpu.region"() ({
      %run_scoped3A_565 = tpu.sem_alloc : memref<!tpu.dma_semaphore, #tpu.memory_space<semaphore_mem>>
      %dma_start3A_566 = arith.constant 0 : i32
      %dma_start3A_567 = arith.constant 0 : i32
      %dma_start3A_568 = tpu.memref_slice %arg5[%arg0, %dma_start3A_566, %dma_start3A_567] : memref<2x10240x128xf32, #tpu.memory_space<hbm>> -> memref<1x10240x128xf32, #tpu.memory_space<hbm>>
      %dma_start3A_569 = tpu.memref_squeeze %dma_start3A_568 : memref<1x10240x128xf32, #tpu.memory_space<hbm>> -> memref<10240x128xf32, #tpu.memory_space<hbm>>
      %dma_start3A_570 = arith.constant 0 : i32
      %dma_start3A_571 = tpu.memref_slice %dma_start3A_569[%add3A_554, %dma_start3A_570] : memref<10240x128xf32, #tpu.memory_space<hbm>> -> memref<40x128xf32, #tpu.memory_space<hbm>>
      %dma_start3A_572 = arith.constant 0 : i32
      %dma_start3A_573 = arith.constant 0 : i32
      %dma_start3A_574 = tpu.memref_slice %arg5[%arg0, %dma_start3A_572, %dma_start3A_573] : memref<2x10240x128xf32, #tpu.memory_space<hbm>> -> memref<1x10240x128xf32, #tpu.memory_space<hbm>>
      %dma_start3A_575 = tpu.memref_squeeze %dma_start3A_574 : memref<1x10240x128xf32, #tpu.memory_space<hbm>> -> memref<10240x128xf32, #tpu.memory_space<hbm>>
      %dma_start3A_576 = arith.constant 0 : i32
      %dma_start3A_577 = tpu.memref_slice %dma_start3A_575[%add3A_554, %dma_start3A_576] : memref<10240x128xf32, #tpu.memory_space<hbm>> -> memref<40x128xf32, #tpu.memory_space<hbm>>
      tpu.enqueue_dma source(%arg9 : memref<40x128xf32, #tpu.memory_space<vmem>>) target(%dma_start3A_577 : memref<40x128xf32, #tpu.memory_space<hbm>>) target_semaphore(%run_scoped3A_565 : memref<!tpu.dma_semaphore, #tpu.memory_space<semaphore_mem>>)
      %dma_wait3A_578 = arith.constant 0 : i32
      %dma_wait3A_579 = arith.constant 0 : i32
      %dma_wait3A_580 = tpu.memref_slice %arg5[%arg0, %dma_wait3A_578, %dma_wait3A_579] : memref<2x10240x128xf32, #tpu.memory_space<hbm>> -> memref<1x10240x128xf32, #tpu.memory_space<hbm>>
      %dma_wait3A_581 = tpu.memref_squeeze %dma_wait3A_580 : memref<1x10240x128xf32, #tpu.memory_space<hbm>> -> memref<10240x128xf32, #tpu.memory_space<hbm>>
      %dma_wait3A_582 = arith.constant 0 : i32
      %dma_wait3A_583 = tpu.memref_slice %dma_wait3A_581[%add3A_554, %dma_wait3A_582] : memref<10240x128xf32, #tpu.memory_space<hbm>> -> memref<40x128xf32, #tpu.memory_space<hbm>>
      %dma_wait3A_584 = arith.constant 0 : i32
      %dma_wait3A_585 = arith.constant 0 : i32
      %dma_wait3A_586 = tpu.memref_slice %arg5[%arg0, %dma_wait3A_584, %dma_wait3A_585] : memref<2x10240x128xf32, #tpu.memory_space<hbm>> -> memref<1x10240x128xf32, #tpu.memory_space<hbm>>
      %dma_wait3A_587 = tpu.memref_squeeze %dma_wait3A_586 : memref<1x10240x128xf32, #tpu.memory_space<hbm>> -> memref<10240x128xf32, #tpu.memory_space<hbm>>
      %dma_wait3A_588 = arith.constant 0 : i32
      %dma_wait3A_589 = tpu.memref_slice %dma_wait3A_587[%add3A_554, %dma_wait3A_588] : memref<10240x128xf32, #tpu.memory_space<hbm>> -> memref<40x128xf32, #tpu.memory_space<hbm>>
      tpu.wait_dma2 semaphore(%run_scoped3A_565 : memref<!tpu.dma_semaphore, #tpu.memory_space<semaphore_mem>>) src(%arg9 : memref<40x128xf32, #tpu.memory_space<vmem>>) dst(%dma_wait3A_589 : memref<40x128xf32, #tpu.memory_space<hbm>>)
      tpu.yield
    }) : () -> ()
    %add3A_555 = arith.constant 440 : i32
    %add3A_556 = arith.addi %mul3A_2, %add3A_555 : i32
    "tpu.region"() ({
      %run_scoped3A_565 = tpu.sem_alloc : memref<!tpu.dma_semaphore, #tpu.memory_space<semaphore_mem>>
      %dma_start3A_566 = arith.constant 0 : i32
      %dma_start3A_567 = tpu.memref_slice %arg11[%add3A_556, %dma_start3A_566] : memref<10240x128xf32, #tpu.memory_space<vmem_shared>> -> memref<40x128xf32, #tpu.memory_space<vmem_shared>>
      %dma_start3A_568 = arith.constant 0 : i32
      %dma_start3A_569 = tpu.memref_slice %arg11[%add3A_556, %dma_start3A_568] : memref<10240x128xf32, #tpu.memory_space<vmem_shared>> -> memref<40x128xf32, #tpu.memory_space<vmem_shared>>
      tpu.enqueue_dma source(%dma_start3A_569 : memref<40x128xf32, #tpu.memory_space<vmem_shared>>) target(%arg9 : memref<40x128xf32, #tpu.memory_space<vmem>>) target_semaphore(%run_scoped3A_565 : memref<!tpu.dma_semaphore, #tpu.memory_space<semaphore_mem>>)
      %dma_wait3A_570 = arith.constant 0 : i32
      %dma_wait3A_571 = tpu.memref_slice %arg11[%add3A_556, %dma_wait3A_570] : memref<10240x128xf32, #tpu.memory_space<vmem_shared>> -> memref<40x128xf32, #tpu.memory_space<vmem_shared>>
      %dma_wait3A_572 = arith.constant 0 : i32
      %dma_wait3A_573 = tpu.memref_slice %arg11[%add3A_556, %dma_wait3A_572] : memref<10240x128xf32, #tpu.memory_space<vmem_shared>> -> memref<40x128xf32, #tpu.memory_space<vmem_shared>>
      tpu.wait_dma2 semaphore(%run_scoped3A_565 : memref<!tpu.dma_semaphore, #tpu.memory_space<semaphore_mem>>) src(%dma_wait3A_573 : memref<40x128xf32, #tpu.memory_space<vmem_shared>>) dst(%arg9 : memref<40x128xf32, #tpu.memory_space<vmem>>)
      tpu.yield
    }) : () -> ()
    "tpu.region"() ({
      %run_scoped3A_565 = tpu.sem_alloc : memref<!tpu.dma_semaphore, #tpu.memory_space<semaphore_mem>>
      %dma_start3A_566 = arith.constant 0 : i32
      %dma_start3A_567 = arith.constant 0 : i32
      %dma_start3A_568 = tpu.memref_slice %arg5[%arg0, %dma_start3A_566, %dma_start3A_567] : memref<2x10240x128xf32, #tpu.memory_space<hbm>> -> memref<1x10240x128xf32, #tpu.memory_space<hbm>>
      %dma_start3A_569 = tpu.memref_squeeze %dma_start3A_568 : memref<1x10240x128xf32, #tpu.memory_space<hbm>> -> memref<10240x128xf32, #tpu.memory_space<hbm>>
      %dma_start3A_570 = arith.constant 0 : i32
      %dma_start3A_571 = tpu.memref_slice %dma_start3A_569[%add3A_556, %dma_start3A_570] : memref<10240x128xf32, #tpu.memory_space<hbm>> -> memref<40x128xf32, #tpu.memory_space<hbm>>
      %dma_start3A_572 = arith.constant 0 : i32
      %dma_start3A_573 = arith.constant 0 : i32
      %dma_start3A_574 = tpu.memref_slice %arg5[%arg0, %dma_start3A_572, %dma_start3A_573] : memref<2x10240x128xf32, #tpu.memory_space<hbm>> -> memref<1x10240x128xf32, #tpu.memory_space<hbm>>
      %dma_start3A_575 = tpu.memref_squeeze %dma_start3A_574 : memref<1x10240x128xf32, #tpu.memory_space<hbm>> -> memref<10240x128xf32, #tpu.memory_space<hbm>>
      %dma_start3A_576 = arith.constant 0 : i32
      %dma_start3A_577 = tpu.memref_slice %dma_start3A_575[%add3A_556, %dma_start3A_576] : memref<10240x128xf32, #tpu.memory_space<hbm>> -> memref<40x128xf32, #tpu.memory_space<hbm>>
      tpu.enqueue_dma source(%arg9 : memref<40x128xf32, #tpu.memory_space<vmem>>) target(%dma_start3A_577 : memref<40x128xf32, #tpu.memory_space<hbm>>) target_semaphore(%run_scoped3A_565 : memref<!tpu.dma_semaphore, #tpu.memory_space<semaphore_mem>>)
      %dma_wait3A_578 = arith.constant 0 : i32
      %dma_wait3A_579 = arith.constant 0 : i32
      %dma_wait3A_580 = tpu.memref_slice %arg5[%arg0, %dma_wait3A_578, %dma_wait3A_579] : memref<2x10240x128xf32, #tpu.memory_space<hbm>> -> memref<1x10240x128xf32, #tpu.memory_space<hbm>>
      %dma_wait3A_581 = tpu.memref_squeeze %dma_wait3A_580 : memref<1x10240x128xf32, #tpu.memory_space<hbm>> -> memref<10240x128xf32, #tpu.memory_space<hbm>>
      %dma_wait3A_582 = arith.constant 0 : i32
      %dma_wait3A_583 = tpu.memref_slice %dma_wait3A_581[%add3A_556, %dma_wait3A_582] : memref<10240x128xf32, #tpu.memory_space<hbm>> -> memref<40x128xf32, #tpu.memory_space<hbm>>
      %dma_wait3A_584 = arith.constant 0 : i32
      %dma_wait3A_585 = arith.constant 0 : i32
      %dma_wait3A_586 = tpu.memref_slice %arg5[%arg0, %dma_wait3A_584, %dma_wait3A_585] : memref<2x10240x128xf32, #tpu.memory_space<hbm>> -> memref<1x10240x128xf32, #tpu.memory_space<hbm>>
      %dma_wait3A_587 = tpu.memref_squeeze %dma_wait3A_586 : memref<1x10240x128xf32, #tpu.memory_space<hbm>> -> memref<10240x128xf32, #tpu.memory_space<hbm>>
      %dma_wait3A_588 = arith.constant 0 : i32
      %dma_wait3A_589 = tpu.memref_slice %dma_wait3A_587[%add3A_556, %dma_wait3A_588] : memref<10240x128xf32, #tpu.memory_space<hbm>> -> memref<40x128xf32, #tpu.memory_space<hbm>>
      tpu.wait_dma2 semaphore(%run_scoped3A_565 : memref<!tpu.dma_semaphore, #tpu.memory_space<semaphore_mem>>) src(%arg9 : memref<40x128xf32, #tpu.memory_space<vmem>>) dst(%dma_wait3A_589 : memref<40x128xf32, #tpu.memory_space<hbm>>)
      tpu.yield
    }) : () -> ()
    %add3A_557 = arith.constant 480 : i32
    %add3A_558 = arith.addi %mul3A_2, %add3A_557 : i32
    "tpu.region"() ({
      %run_scoped3A_565 = tpu.sem_alloc : memref<!tpu.dma_semaphore, #tpu.memory_space<semaphore_mem>>
      %dma_start3A_566 = arith.constant 0 : i32
      %dma_start3A_567 = tpu.memref_slice %arg11[%add3A_558, %dma_start3A_566] : memref<10240x128xf32, #tpu.memory_space<vmem_shared>> -> memref<40x128xf32, #tpu.memory_space<vmem_shared>>
      %dma_start3A_568 = arith.constant 0 : i32
      %dma_start3A_569 = tpu.memref_slice %arg11[%add3A_558, %dma_start3A_568] : memref<10240x128xf32, #tpu.memory_space<vmem_shared>> -> memref<40x128xf32, #tpu.memory_space<vmem_shared>>
      tpu.enqueue_dma source(%dma_start3A_569 : memref<40x128xf32, #tpu.memory_space<vmem_shared>>) target(%arg9 : memref<40x128xf32, #tpu.memory_space<vmem>>) target_semaphore(%run_scoped3A_565 : memref<!tpu.dma_semaphore, #tpu.memory_space<semaphore_mem>>)
      %dma_wait3A_570 = arith.constant 0 : i32
      %dma_wait3A_571 = tpu.memref_slice %arg11[%add3A_558, %dma_wait3A_570] : memref<10240x128xf32, #tpu.memory_space<vmem_shared>> -> memref<40x128xf32, #tpu.memory_space<vmem_shared>>
      %dma_wait3A_572 = arith.constant 0 : i32
      %dma_wait3A_573 = tpu.memref_slice %arg11[%add3A_558, %dma_wait3A_572] : memref<10240x128xf32, #tpu.memory_space<vmem_shared>> -> memref<40x128xf32, #tpu.memory_space<vmem_shared>>
      tpu.wait_dma2 semaphore(%run_scoped3A_565 : memref<!tpu.dma_semaphore, #tpu.memory_space<semaphore_mem>>) src(%dma_wait3A_573 : memref<40x128xf32, #tpu.memory_space<vmem_shared>>) dst(%arg9 : memref<40x128xf32, #tpu.memory_space<vmem>>)
      tpu.yield
    }) : () -> ()
    "tpu.region"() ({
      %run_scoped3A_565 = tpu.sem_alloc : memref<!tpu.dma_semaphore, #tpu.memory_space<semaphore_mem>>
      %dma_start3A_566 = arith.constant 0 : i32
      %dma_start3A_567 = arith.constant 0 : i32
      %dma_start3A_568 = tpu.memref_slice %arg5[%arg0, %dma_start3A_566, %dma_start3A_567] : memref<2x10240x128xf32, #tpu.memory_space<hbm>> -> memref<1x10240x128xf32, #tpu.memory_space<hbm>>
      %dma_start3A_569 = tpu.memref_squeeze %dma_start3A_568 : memref<1x10240x128xf32, #tpu.memory_space<hbm>> -> memref<10240x128xf32, #tpu.memory_space<hbm>>
      %dma_start3A_570 = arith.constant 0 : i32
      %dma_start3A_571 = tpu.memref_slice %dma_start3A_569[%add3A_558, %dma_start3A_570] : memref<10240x128xf32, #tpu.memory_space<hbm>> -> memref<40x128xf32, #tpu.memory_space<hbm>>
      %dma_start3A_572 = arith.constant 0 : i32
      %dma_start3A_573 = arith.constant 0 : i32
      %dma_start3A_574 = tpu.memref_slice %arg5[%arg0, %dma_start3A_572, %dma_start3A_573] : memref<2x10240x128xf32, #tpu.memory_space<hbm>> -> memref<1x10240x128xf32, #tpu.memory_space<hbm>>
      %dma_start3A_575 = tpu.memref_squeeze %dma_start3A_574 : memref<1x10240x128xf32, #tpu.memory_space<hbm>> -> memref<10240x128xf32, #tpu.memory_space<hbm>>
      %dma_start3A_576 = arith.constant 0 : i32
      %dma_start3A_577 = tpu.memref_slice %dma_start3A_575[%add3A_558, %dma_start3A_576] : memref<10240x128xf32, #tpu.memory_space<hbm>> -> memref<40x128xf32, #tpu.memory_space<hbm>>
      tpu.enqueue_dma source(%arg9 : memref<40x128xf32, #tpu.memory_space<vmem>>) target(%dma_start3A_577 : memref<40x128xf32, #tpu.memory_space<hbm>>) target_semaphore(%run_scoped3A_565 : memref<!tpu.dma_semaphore, #tpu.memory_space<semaphore_mem>>)
      %dma_wait3A_578 = arith.constant 0 : i32
      %dma_wait3A_579 = arith.constant 0 : i32
      %dma_wait3A_580 = tpu.memref_slice %arg5[%arg0, %dma_wait3A_578, %dma_wait3A_579] : memref<2x10240x128xf32, #tpu.memory_space<hbm>> -> memref<1x10240x128xf32, #tpu.memory_space<hbm>>
      %dma_wait3A_581 = tpu.memref_squeeze %dma_wait3A_580 : memref<1x10240x128xf32, #tpu.memory_space<hbm>> -> memref<10240x128xf32, #tpu.memory_space<hbm>>
      %dma_wait3A_582 = arith.constant 0 : i32
      %dma_wait3A_583 = tpu.memref_slice %dma_wait3A_581[%add3A_558, %dma_wait3A_582] : memref<10240x128xf32, #tpu.memory_space<hbm>> -> memref<40x128xf32, #tpu.memory_space<hbm>>
      %dma_wait3A_584 = arith.constant 0 : i32
      %dma_wait3A_585 = arith.constant 0 : i32
      %dma_wait3A_586 = tpu.memref_slice %arg5[%arg0, %dma_wait3A_584, %dma_wait3A_585] : memref<2x10240x128xf32, #tpu.memory_space<hbm>> -> memref<1x10240x128xf32, #tpu.memory_space<hbm>>
      %dma_wait3A_587 = tpu.memref_squeeze %dma_wait3A_586 : memref<1x10240x128xf32, #tpu.memory_space<hbm>> -> memref<10240x128xf32, #tpu.memory_space<hbm>>
      %dma_wait3A_588 = arith.constant 0 : i32
      %dma_wait3A_589 = tpu.memref_slice %dma_wait3A_587[%add3A_558, %dma_wait3A_588] : memref<10240x128xf32, #tpu.memory_space<hbm>> -> memref<40x128xf32, #tpu.memory_space<hbm>>
      tpu.wait_dma2 semaphore(%run_scoped3A_565 : memref<!tpu.dma_semaphore, #tpu.memory_space<semaphore_mem>>) src(%arg9 : memref<40x128xf32, #tpu.memory_space<vmem>>) dst(%dma_wait3A_589 : memref<40x128xf32, #tpu.memory_space<hbm>>)
      tpu.yield
    }) : () -> ()
    %add3A_559 = arith.constant 520 : i32
    %add3A_560 = arith.addi %mul3A_2, %add3A_559 : i32
    "tpu.region"() ({
      %run_scoped3A_565 = tpu.sem_alloc : memref<!tpu.dma_semaphore, #tpu.memory_space<semaphore_mem>>
      %dma_start3A_566 = arith.constant 0 : i32
      %dma_start3A_567 = tpu.memref_slice %arg11[%add3A_560, %dma_start3A_566] : memref<10240x128xf32, #tpu.memory_space<vmem_shared>> -> memref<40x128xf32, #tpu.memory_space<vmem_shared>>
      %dma_start3A_568 = arith.constant 0 : i32
      %dma_start3A_569 = tpu.memref_slice %arg11[%add3A_560, %dma_start3A_568] : memref<10240x128xf32, #tpu.memory_space<vmem_shared>> -> memref<40x128xf32, #tpu.memory_space<vmem_shared>>
      tpu.enqueue_dma source(%dma_start3A_569 : memref<40x128xf32, #tpu.memory_space<vmem_shared>>) target(%arg9 : memref<40x128xf32, #tpu.memory_space<vmem>>) target_semaphore(%run_scoped3A_565 : memref<!tpu.dma_semaphore, #tpu.memory_space<semaphore_mem>>)
      %dma_wait3A_570 = arith.constant 0 : i32
      %dma_wait3A_571 = tpu.memref_slice %arg11[%add3A_560, %dma_wait3A_570] : memref<10240x128xf32, #tpu.memory_space<vmem_shared>> -> memref<40x128xf32, #tpu.memory_space<vmem_shared>>
      %dma_wait3A_572 = arith.constant 0 : i32
      %dma_wait3A_573 = tpu.memref_slice %arg11[%add3A_560, %dma_wait3A_572] : memref<10240x128xf32, #tpu.memory_space<vmem_shared>> -> memref<40x128xf32, #tpu.memory_space<vmem_shared>>
      tpu.wait_dma2 semaphore(%run_scoped3A_565 : memref<!tpu.dma_semaphore, #tpu.memory_space<semaphore_mem>>) src(%dma_wait3A_573 : memref<40x128xf32, #tpu.memory_space<vmem_shared>>) dst(%arg9 : memref<40x128xf32, #tpu.memory_space<vmem>>)
      tpu.yield
    }) : () -> ()
    "tpu.region"() ({
      %run_scoped3A_565 = tpu.sem_alloc : memref<!tpu.dma_semaphore, #tpu.memory_space<semaphore_mem>>
      %dma_start3A_566 = arith.constant 0 : i32
      %dma_start3A_567 = arith.constant 0 : i32
      %dma_start3A_568 = tpu.memref_slice %arg5[%arg0, %dma_start3A_566, %dma_start3A_567] : memref<2x10240x128xf32, #tpu.memory_space<hbm>> -> memref<1x10240x128xf32, #tpu.memory_space<hbm>>
      %dma_start3A_569 = tpu.memref_squeeze %dma_start3A_568 : memref<1x10240x128xf32, #tpu.memory_space<hbm>> -> memref<10240x128xf32, #tpu.memory_space<hbm>>
      %dma_start3A_570 = arith.constant 0 : i32
      %dma_start3A_571 = tpu.memref_slice %dma_start3A_569[%add3A_560, %dma_start3A_570] : memref<10240x128xf32, #tpu.memory_space<hbm>> -> memref<40x128xf32, #tpu.memory_space<hbm>>
      %dma_start3A_572 = arith.constant 0 : i32
      %dma_start3A_573 = arith.constant 0 : i32
      %dma_start3A_574 = tpu.memref_slice %arg5[%arg0, %dma_start3A_572, %dma_start3A_573] : memref<2x10240x128xf32, #tpu.memory_space<hbm>> -> memref<1x10240x128xf32, #tpu.memory_space<hbm>>
      %dma_start3A_575 = tpu.memref_squeeze %dma_start3A_574 : memref<1x10240x128xf32, #tpu.memory_space<hbm>> -> memref<10240x128xf32, #tpu.memory_space<hbm>>
      %dma_start3A_576 = arith.constant 0 : i32
      %dma_start3A_577 = tpu.memref_slice %dma_start3A_575[%add3A_560, %dma_start3A_576] : memref<10240x128xf32, #tpu.memory_space<hbm>> -> memref<40x128xf32, #tpu.memory_space<hbm>>
      tpu.enqueue_dma source(%arg9 : memref<40x128xf32, #tpu.memory_space<vmem>>) target(%dma_start3A_577 : memref<40x128xf32, #tpu.memory_space<hbm>>) target_semaphore(%run_scoped3A_565 : memref<!tpu.dma_semaphore, #tpu.memory_space<semaphore_mem>>)
      %dma_wait3A_578 = arith.constant 0 : i32
      %dma_wait3A_579 = arith.constant 0 : i32
      %dma_wait3A_580 = tpu.memref_slice %arg5[%arg0, %dma_wait3A_578, %dma_wait3A_579] : memref<2x10240x128xf32, #tpu.memory_space<hbm>> -> memref<1x10240x128xf32, #tpu.memory_space<hbm>>
      %dma_wait3A_581 = tpu.memref_squeeze %dma_wait3A_580 : memref<1x10240x128xf32, #tpu.memory_space<hbm>> -> memref<10240x128xf32, #tpu.memory_space<hbm>>
      %dma_wait3A_582 = arith.constant 0 : i32
      %dma_wait3A_583 = tpu.memref_slice %dma_wait3A_581[%add3A_560, %dma_wait3A_582] : memref<10240x128xf32, #tpu.memory_space<hbm>> -> memref<40x128xf32, #tpu.memory_space<hbm>>
      %dma_wait3A_584 = arith.constant 0 : i32
      %dma_wait3A_585 = arith.constant 0 : i32
      %dma_wait3A_586 = tpu.memref_slice %arg5[%arg0, %dma_wait3A_584, %dma_wait3A_585] : memref<2x10240x128xf32, #tpu.memory_space<hbm>> -> memref<1x10240x128xf32, #tpu.memory_space<hbm>>
      %dma_wait3A_587 = tpu.memref_squeeze %dma_wait3A_586 : memref<1x10240x128xf32, #tpu.memory_space<hbm>> -> memref<10240x128xf32, #tpu.memory_space<hbm>>
      %dma_wait3A_588 = arith.constant 0 : i32
      %dma_wait3A_589 = tpu.memref_slice %dma_wait3A_587[%add3A_560, %dma_wait3A_588] : memref<10240x128xf32, #tpu.memory_space<hbm>> -> memref<40x128xf32, #tpu.memory_space<hbm>>
      tpu.wait_dma2 semaphore(%run_scoped3A_565 : memref<!tpu.dma_semaphore, #tpu.memory_space<semaphore_mem>>) src(%arg9 : memref<40x128xf32, #tpu.memory_space<vmem>>) dst(%dma_wait3A_589 : memref<40x128xf32, #tpu.memory_space<hbm>>)
      tpu.yield
    }) : () -> ()
    %add3A_561 = arith.constant 560 : i32
    %add3A_562 = arith.addi %mul3A_2, %add3A_561 : i32
    "tpu.region"() ({
      %run_scoped3A_565 = tpu.sem_alloc : memref<!tpu.dma_semaphore, #tpu.memory_space<semaphore_mem>>
      %dma_start3A_566 = arith.constant 0 : i32
      %dma_start3A_567 = tpu.memref_slice %arg11[%add3A_562, %dma_start3A_566] : memref<10240x128xf32, #tpu.memory_space<vmem_shared>> -> memref<40x128xf32, #tpu.memory_space<vmem_shared>>
      %dma_start3A_568 = arith.constant 0 : i32
      %dma_start3A_569 = tpu.memref_slice %arg11[%add3A_562, %dma_start3A_568] : memref<10240x128xf32, #tpu.memory_space<vmem_shared>> -> memref<40x128xf32, #tpu.memory_space<vmem_shared>>
      tpu.enqueue_dma source(%dma_start3A_569 : memref<40x128xf32, #tpu.memory_space<vmem_shared>>) target(%arg9 : memref<40x128xf32, #tpu.memory_space<vmem>>) target_semaphore(%run_scoped3A_565 : memref<!tpu.dma_semaphore, #tpu.memory_space<semaphore_mem>>)
      %dma_wait3A_570 = arith.constant 0 : i32
      %dma_wait3A_571 = tpu.memref_slice %arg11[%add3A_562, %dma_wait3A_570] : memref<10240x128xf32, #tpu.memory_space<vmem_shared>> -> memref<40x128xf32, #tpu.memory_space<vmem_shared>>
      %dma_wait3A_572 = arith.constant 0 : i32
      %dma_wait3A_573 = tpu.memref_slice %arg11[%add3A_562, %dma_wait3A_572] : memref<10240x128xf32, #tpu.memory_space<vmem_shared>> -> memref<40x128xf32, #tpu.memory_space<vmem_shared>>
      tpu.wait_dma2 semaphore(%run_scoped3A_565 : memref<!tpu.dma_semaphore, #tpu.memory_space<semaphore_mem>>) src(%dma_wait3A_573 : memref<40x128xf32, #tpu.memory_space<vmem_shared>>) dst(%arg9 : memref<40x128xf32, #tpu.memory_space<vmem>>)
      tpu.yield
    }) : () -> ()
    "tpu.region"() ({
      %run_scoped3A_565 = tpu.sem_alloc : memref<!tpu.dma_semaphore, #tpu.memory_space<semaphore_mem>>
      %dma_start3A_566 = arith.constant 0 : i32
      %dma_start3A_567 = arith.constant 0 : i32
      %dma_start3A_568 = tpu.memref_slice %arg5[%arg0, %dma_start3A_566, %dma_start3A_567] : memref<2x10240x128xf32, #tpu.memory_space<hbm>> -> memref<1x10240x128xf32, #tpu.memory_space<hbm>>
      %dma_start3A_569 = tpu.memref_squeeze %dma_start3A_568 : memref<1x10240x128xf32, #tpu.memory_space<hbm>> -> memref<10240x128xf32, #tpu.memory_space<hbm>>
      %dma_start3A_570 = arith.constant 0 : i32
      %dma_start3A_571 = tpu.memref_slice %dma_start3A_569[%add3A_562, %dma_start3A_570] : memref<10240x128xf32, #tpu.memory_space<hbm>> -> memref<40x128xf32, #tpu.memory_space<hbm>>
      %dma_start3A_572 = arith.constant 0 : i32
      %dma_start3A_573 = arith.constant 0 : i32
      %dma_start3A_574 = tpu.memref_slice %arg5[%arg0, %dma_start3A_572, %dma_start3A_573] : memref<2x10240x128xf32, #tpu.memory_space<hbm>> -> memref<1x10240x128xf32, #tpu.memory_space<hbm>>
      %dma_start3A_575 = tpu.memref_squeeze %dma_start3A_574 : memref<1x10240x128xf32, #tpu.memory_space<hbm>> -> memref<10240x128xf32, #tpu.memory_space<hbm>>
      %dma_start3A_576 = arith.constant 0 : i32
      %dma_start3A_577 = tpu.memref_slice %dma_start3A_575[%add3A_562, %dma_start3A_576] : memref<10240x128xf32, #tpu.memory_space<hbm>> -> memref<40x128xf32, #tpu.memory_space<hbm>>
      tpu.enqueue_dma source(%arg9 : memref<40x128xf32, #tpu.memory_space<vmem>>) target(%dma_start3A_577 : memref<40x128xf32, #tpu.memory_space<hbm>>) target_semaphore(%run_scoped3A_565 : memref<!tpu.dma_semaphore, #tpu.memory_space<semaphore_mem>>)
      %dma_wait3A_578 = arith.constant 0 : i32
      %dma_wait3A_579 = arith.constant 0 : i32
      %dma_wait3A_580 = tpu.memref_slice %arg5[%arg0, %dma_wait3A_578, %dma_wait3A_579] : memref<2x10240x128xf32, #tpu.memory_space<hbm>> -> memref<1x10240x128xf32, #tpu.memory_space<hbm>>
      %dma_wait3A_581 = tpu.memref_squeeze %dma_wait3A_580 : memref<1x10240x128xf32, #tpu.memory_space<hbm>> -> memref<10240x128xf32, #tpu.memory_space<hbm>>
      %dma_wait3A_582 = arith.constant 0 : i32
      %dma_wait3A_583 = tpu.memref_slice %dma_wait3A_581[%add3A_562, %dma_wait3A_582] : memref<10240x128xf32, #tpu.memory_space<hbm>> -> memref<40x128xf32, #tpu.memory_space<hbm>>
      %dma_wait3A_584 = arith.constant 0 : i32
      %dma_wait3A_585 = arith.constant 0 : i32
      %dma_wait3A_586 = tpu.memref_slice %arg5[%arg0, %dma_wait3A_584, %dma_wait3A_585] : memref<2x10240x128xf32, #tpu.memory_space<hbm>> -> memref<1x10240x128xf32, #tpu.memory_space<hbm>>
      %dma_wait3A_587 = tpu.memref_squeeze %dma_wait3A_586 : memref<1x10240x128xf32, #tpu.memory_space<hbm>> -> memref<10240x128xf32, #tpu.memory_space<hbm>>
      %dma_wait3A_588 = arith.constant 0 : i32
      %dma_wait3A_589 = tpu.memref_slice %dma_wait3A_587[%add3A_562, %dma_wait3A_588] : memref<10240x128xf32, #tpu.memory_space<hbm>> -> memref<40x128xf32, #tpu.memory_space<hbm>>
      tpu.wait_dma2 semaphore(%run_scoped3A_565 : memref<!tpu.dma_semaphore, #tpu.memory_space<semaphore_mem>>) src(%arg9 : memref<40x128xf32, #tpu.memory_space<vmem>>) dst(%dma_wait3A_589 : memref<40x128xf32, #tpu.memory_space<hbm>>)
      tpu.yield
    }) : () -> ()
    %add3A_563 = arith.constant 600 : i32
    %add3A_564 = arith.addi %mul3A_2, %add3A_563 : i32
    "tpu.region"() ({
      %run_scoped3A_565 = tpu.sem_alloc : memref<!tpu.dma_semaphore, #tpu.memory_space<semaphore_mem>>
      %dma_start3A_566 = arith.constant 0 : i32
      %dma_start3A_567 = tpu.memref_slice %arg11[%add3A_564, %dma_start3A_566] : memref<10240x128xf32, #tpu.memory_space<vmem_shared>> -> memref<40x128xf32, #tpu.memory_space<vmem_shared>>
      %dma_start3A_568 = arith.constant 0 : i32
      %dma_start3A_569 = tpu.memref_slice %arg11[%add3A_564, %dma_start3A_568] : memref<10240x128xf32, #tpu.memory_space<vmem_shared>> -> memref<40x128xf32, #tpu.memory_space<vmem_shared>>
      tpu.enqueue_dma source(%dma_start3A_569 : memref<40x128xf32, #tpu.memory_space<vmem_shared>>) target(%arg9 : memref<40x128xf32, #tpu.memory_space<vmem>>) target_semaphore(%run_scoped3A_565 : memref<!tpu.dma_semaphore, #tpu.memory_space<semaphore_mem>>)
      %dma_wait3A_570 = arith.constant 0 : i32
      %dma_wait3A_571 = tpu.memref_slice %arg11[%add3A_564, %dma_wait3A_570] : memref<10240x128xf32, #tpu.memory_space<vmem_shared>> -> memref<40x128xf32, #tpu.memory_space<vmem_shared>>
      %dma_wait3A_572 = arith.constant 0 : i32
      %dma_wait3A_573 = tpu.memref_slice %arg11[%add3A_564, %dma_wait3A_572] : memref<10240x128xf32, #tpu.memory_space<vmem_shared>> -> memref<40x128xf32, #tpu.memory_space<vmem_shared>>
      tpu.wait_dma2 semaphore(%run_scoped3A_565 : memref<!tpu.dma_semaphore, #tpu.memory_space<semaphore_mem>>) src(%dma_wait3A_573 : memref<40x128xf32, #tpu.memory_space<vmem_shared>>) dst(%arg9 : memref<40x128xf32, #tpu.memory_space<vmem>>)
      tpu.yield
    }) : () -> ()
    "tpu.region"() ({
      %run_scoped3A_565 = tpu.sem_alloc : memref<!tpu.dma_semaphore, #tpu.memory_space<semaphore_mem>>
      %dma_start3A_566 = arith.constant 0 : i32
      %dma_start3A_567 = arith.constant 0 : i32
      %dma_start3A_568 = tpu.memref_slice %arg5[%arg0, %dma_start3A_566, %dma_start3A_567] : memref<2x10240x128xf32, #tpu.memory_space<hbm>> -> memref<1x10240x128xf32, #tpu.memory_space<hbm>>
      %dma_start3A_569 = tpu.memref_squeeze %dma_start3A_568 : memref<1x10240x128xf32, #tpu.memory_space<hbm>> -> memref<10240x128xf32, #tpu.memory_space<hbm>>
      %dma_start3A_570 = arith.constant 0 : i32
      %dma_start3A_571 = tpu.memref_slice %dma_start3A_569[%add3A_564, %dma_start3A_570] : memref<10240x128xf32, #tpu.memory_space<hbm>> -> memref<40x128xf32, #tpu.memory_space<hbm>>
      %dma_start3A_572 = arith.constant 0 : i32
      %dma_start3A_573 = arith.constant 0 : i32
      %dma_start3A_574 = tpu.memref_slice %arg5[%arg0, %dma_start3A_572, %dma_start3A_573] : memref<2x10240x128xf32, #tpu.memory_space<hbm>> -> memref<1x10240x128xf32, #tpu.memory_space<hbm>>
      %dma_start3A_575 = tpu.memref_squeeze %dma_start3A_574 : memref<1x10240x128xf32, #tpu.memory_space<hbm>> -> memref<10240x128xf32, #tpu.memory_space<hbm>>
      %dma_start3A_576 = arith.constant 0 : i32
      %dma_start3A_577 = tpu.memref_slice %dma_start3A_575[%add3A_564, %dma_start3A_576] : memref<10240x128xf32, #tpu.memory_space<hbm>> -> memref<40x128xf32, #tpu.memory_space<hbm>>
      tpu.enqueue_dma source(%arg9 : memref<40x128xf32, #tpu.memory_space<vmem>>) target(%dma_start3A_577 : memref<40x128xf32, #tpu.memory_space<hbm>>) target_semaphore(%run_scoped3A_565 : memref<!tpu.dma_semaphore, #tpu.memory_space<semaphore_mem>>)
      %dma_wait3A_578 = arith.constant 0 : i32
      %dma_wait3A_579 = arith.constant 0 : i32
      %dma_wait3A_580 = tpu.memref_slice %arg5[%arg0, %dma_wait3A_578, %dma_wait3A_579] : memref<2x10240x128xf32, #tpu.memory_space<hbm>> -> memref<1x10240x128xf32, #tpu.memory_space<hbm>>
      %dma_wait3A_581 = tpu.memref_squeeze %dma_wait3A_580 : memref<1x10240x128xf32, #tpu.memory_space<hbm>> -> memref<10240x128xf32, #tpu.memory_space<hbm>>
      %dma_wait3A_582 = arith.constant 0 : i32
      %dma_wait3A_583 = tpu.memref_slice %dma_wait3A_581[%add3A_564, %dma_wait3A_582] : memref<10240x128xf32, #tpu.memory_space<hbm>> -> memref<40x128xf32, #tpu.memory_space<hbm>>
      %dma_wait3A_584 = arith.constant 0 : i32
      %dma_wait3A_585 = arith.constant 0 : i32
      %dma_wait3A_586 = tpu.memref_slice %arg5[%arg0, %dma_wait3A_584, %dma_wait3A_585] : memref<2x10240x128xf32, #tpu.memory_space<hbm>> -> memref<1x10240x128xf32, #tpu.memory_space<hbm>>
      %dma_wait3A_587 = tpu.memref_squeeze %dma_wait3A_586 : memref<1x10240x128xf32, #tpu.memory_space<hbm>> -> memref<10240x128xf32, #tpu.memory_space<hbm>>
      %dma_wait3A_588 = arith.constant 0 : i32
      %dma_wait3A_589 = tpu.memref_slice %dma_wait3A_587[%add3A_564, %dma_wait3A_588] : memref<10240x128xf32, #tpu.memory_space<hbm>> -> memref<40x128xf32, #tpu.memory_space<hbm>>
      tpu.wait_dma2 semaphore(%run_scoped3A_565 : memref<!tpu.dma_semaphore, #tpu.memory_space<semaphore_mem>>) src(%arg9 : memref<40x128xf32, #tpu.memory_space<vmem>>) dst(%dma_wait3A_589 : memref<40x128xf32, #tpu.memory_space<hbm>>)
      tpu.yield
    }) : () -> ()
    return
  }
}

#map = affine_map<(d0, d1) -> (0, 0)>
#map1 = affine_map<(d0, d1) -> (0, 0, 0)>
module attributes {stable_mosaic.version = 14 : i64} {
  func.func @k(%arg0: i32, %arg1: i32, %arg2: memref<20000x128xf32, #tpu.memory_space<hbm>>, %arg3: memref<16x10000xi32, #tpu.memory_space<hbm>>, %arg4: memref<16x125x80xi32, #tpu.memory_space<hbm>>, %arg5: memref<128x128xf32, #tpu.memory_space<hbm>>, %arg6: memref<2x10240x128xf32, #tpu.memory_space<hbm>>, %arg7: memref<10000xi32, #tpu.memory_space<vmem>>, %arg8: memref<125x80xi32, #tpu.memory_space<vmem>>, %arg9: memref<10240x128xf32, #tpu.memory_space<vmem_shared>>, %arg10: memref<80xi32, #tpu.memory_space<vmem>>, %arg11: memref<80xi32, #tpu.memory_space<vmem>>, %arg12: memref<80x128xf32, #tpu.memory_space<vmem>>, %arg13: memref<80x128xf32, #tpu.memory_space<vmem>>, %arg14: memref<!tpu.dma_semaphore, #tpu.memory_space<semaphore_mem>>, %arg15: memref<!tpu.dma_semaphore, #tpu.memory_space<semaphore_mem>>) attributes {dimension_semantics = [#tpu.dimension_semantics<core_parallel>, #tpu.dimension_semantics<subcore_parallel>], iteration_bounds = array<i64: 2, 16>, scalar_prefetch = 0 : i64, scratch_operands = 9 : i64, tpu.core_type = #tpu.core_type<sc_vector_subcore>, window_params = [{transform_indices = #map}, {transform_indices = #map}, {transform_indices = #map1}, {transform_indices = #map}, {transform_indices = #map1}]} {
    %mul3A = arith.constant 640 : i32
    %mul3A_0 = arith.muli %arg1, %mul3A : i32
    "tpu.region"() ({
      %run_scoped3A_143 = tpu.sem_alloc : memref<!tpu.dma_semaphore, #tpu.memory_space<semaphore_mem>>
      %dma_start3A_144 = arith.constant 0 : i32
      %dma_start3A_145 = tpu.memref_slice %arg3[%arg1, %dma_start3A_144] : memref<16x10000xi32, #tpu.memory_space<hbm>> -> memref<1x10000xi32, #tpu.memory_space<hbm>>
      %dma_start3A_146 = tpu.memref_squeeze %dma_start3A_145 : memref<1x10000xi32, #tpu.memory_space<hbm>> -> memref<10000xi32, #tpu.memory_space<hbm>>
      %dma_start3A_147 = arith.constant 0 : i32
      %dma_start3A_148 = tpu.memref_slice %arg3[%arg1, %dma_start3A_147] : memref<16x10000xi32, #tpu.memory_space<hbm>> -> memref<1x10000xi32, #tpu.memory_space<hbm>>
      %dma_start3A_149 = tpu.memref_squeeze %dma_start3A_148 : memref<1x10000xi32, #tpu.memory_space<hbm>> -> memref<10000xi32, #tpu.memory_space<hbm>>
      tpu.enqueue_dma source(%dma_start3A_149 : memref<10000xi32, #tpu.memory_space<hbm>>) target(%arg7 : memref<10000xi32, #tpu.memory_space<vmem>>) target_semaphore(%run_scoped3A_143 : memref<!tpu.dma_semaphore, #tpu.memory_space<semaphore_mem>>)
      %dma_wait3A_150 = arith.constant 0 : i32
      %dma_wait3A_151 = tpu.memref_slice %arg3[%arg1, %dma_wait3A_150] : memref<16x10000xi32, #tpu.memory_space<hbm>> -> memref<1x10000xi32, #tpu.memory_space<hbm>>
      %dma_wait3A_152 = tpu.memref_squeeze %dma_wait3A_151 : memref<1x10000xi32, #tpu.memory_space<hbm>> -> memref<10000xi32, #tpu.memory_space<hbm>>
      %dma_wait3A_153 = arith.constant 0 : i32
      %dma_wait3A_154 = tpu.memref_slice %arg3[%arg1, %dma_wait3A_153] : memref<16x10000xi32, #tpu.memory_space<hbm>> -> memref<1x10000xi32, #tpu.memory_space<hbm>>
      %dma_wait3A_155 = tpu.memref_squeeze %dma_wait3A_154 : memref<1x10000xi32, #tpu.memory_space<hbm>> -> memref<10000xi32, #tpu.memory_space<hbm>>
      tpu.wait_dma2 semaphore(%run_scoped3A_143 : memref<!tpu.dma_semaphore, #tpu.memory_space<semaphore_mem>>) src(%dma_wait3A_155 : memref<10000xi32, #tpu.memory_space<hbm>>) dst(%arg7 : memref<10000xi32, #tpu.memory_space<vmem>>)
      tpu.yield
    }) : () -> ()
    "tpu.region"() ({
      %run_scoped3A_143 = tpu.sem_alloc : memref<!tpu.dma_semaphore, #tpu.memory_space<semaphore_mem>>
      %dma_start3A_144 = arith.constant 0 : i32
      %dma_start3A_145 = arith.constant 0 : i32
      %dma_start3A_146 = tpu.memref_slice %arg4[%arg1, %dma_start3A_144, %dma_start3A_145] : memref<16x125x80xi32, #tpu.memory_space<hbm>> -> memref<1x125x80xi32, #tpu.memory_space<hbm>>
      %dma_start3A_147 = tpu.memref_squeeze %dma_start3A_146 : memref<1x125x80xi32, #tpu.memory_space<hbm>> -> memref<125x80xi32, #tpu.memory_space<hbm>>
      %dma_start3A_148 = arith.constant 0 : i32
      %dma_start3A_149 = arith.constant 0 : i32
      %dma_start3A_150 = tpu.memref_slice %arg4[%arg1, %dma_start3A_148, %dma_start3A_149] : memref<16x125x80xi32, #tpu.memory_space<hbm>> -> memref<1x125x80xi32, #tpu.memory_space<hbm>>
      %dma_start3A_151 = tpu.memref_squeeze %dma_start3A_150 : memref<1x125x80xi32, #tpu.memory_space<hbm>> -> memref<125x80xi32, #tpu.memory_space<hbm>>
      tpu.enqueue_dma source(%dma_start3A_151 : memref<125x80xi32, #tpu.memory_space<hbm>>) target(%arg8 : memref<125x80xi32, #tpu.memory_space<vmem>>) target_semaphore(%run_scoped3A_143 : memref<!tpu.dma_semaphore, #tpu.memory_space<semaphore_mem>>)
      %dma_wait3A_152 = arith.constant 0 : i32
      %dma_wait3A_153 = arith.constant 0 : i32
      %dma_wait3A_154 = tpu.memref_slice %arg4[%arg1, %dma_wait3A_152, %dma_wait3A_153] : memref<16x125x80xi32, #tpu.memory_space<hbm>> -> memref<1x125x80xi32, #tpu.memory_space<hbm>>
      %dma_wait3A_155 = tpu.memref_squeeze %dma_wait3A_154 : memref<1x125x80xi32, #tpu.memory_space<hbm>> -> memref<125x80xi32, #tpu.memory_space<hbm>>
      %dma_wait3A_156 = arith.constant 0 : i32
      %dma_wait3A_157 = arith.constant 0 : i32
      %dma_wait3A_158 = tpu.memref_slice %arg4[%arg1, %dma_wait3A_156, %dma_wait3A_157] : memref<16x125x80xi32, #tpu.memory_space<hbm>> -> memref<1x125x80xi32, #tpu.memory_space<hbm>>
      %dma_wait3A_159 = tpu.memref_squeeze %dma_wait3A_158 : memref<1x125x80xi32, #tpu.memory_space<hbm>> -> memref<125x80xi32, #tpu.memory_space<hbm>>
      tpu.wait_dma2 semaphore(%run_scoped3A_143 : memref<!tpu.dma_semaphore, #tpu.memory_space<semaphore_mem>>) src(%dma_wait3A_159 : memref<125x80xi32, #tpu.memory_space<hbm>>) dst(%arg8 : memref<125x80xi32, #tpu.memory_space<vmem>>)
      tpu.yield
    }) : () -> ()
    "tpu.region"() ({
      %run_scoped3A_143 = tpu.sem_alloc : memref<!tpu.dma_semaphore, #tpu.memory_space<semaphore_mem>>
      %dma_start3A_144 = arith.constant 0 : i32
      %dma_start3A_145 = arith.constant 0 : i32
      %dma_start3A_146 = tpu.memref_slice %arg5[%dma_start3A_144, %dma_start3A_145] : memref<128x128xf32, #tpu.memory_space<hbm>> -> memref<80x128xf32, #tpu.memory_space<hbm>>
      %dma_start3A_147 = arith.constant 0 : i32
      %dma_start3A_148 = arith.constant 0 : i32
      %dma_start3A_149 = tpu.memref_slice %arg5[%dma_start3A_147, %dma_start3A_148] : memref<128x128xf32, #tpu.memory_space<hbm>> -> memref<80x128xf32, #tpu.memory_space<hbm>>
      tpu.enqueue_dma source(%dma_start3A_149 : memref<80x128xf32, #tpu.memory_space<hbm>>) target(%arg12 : memref<80x128xf32, #tpu.memory_space<vmem>>) target_semaphore(%run_scoped3A_143 : memref<!tpu.dma_semaphore, #tpu.memory_space<semaphore_mem>>)
      %dma_wait3A_150 = arith.constant 0 : i32
      %dma_wait3A_151 = arith.constant 0 : i32
      %dma_wait3A_152 = tpu.memref_slice %arg5[%dma_wait3A_150, %dma_wait3A_151] : memref<128x128xf32, #tpu.memory_space<hbm>> -> memref<80x128xf32, #tpu.memory_space<hbm>>
      %dma_wait3A_153 = arith.constant 0 : i32
      %dma_wait3A_154 = arith.constant 0 : i32
      %dma_wait3A_155 = tpu.memref_slice %arg5[%dma_wait3A_153, %dma_wait3A_154] : memref<128x128xf32, #tpu.memory_space<hbm>> -> memref<80x128xf32, #tpu.memory_space<hbm>>
      tpu.wait_dma2 semaphore(%run_scoped3A_143 : memref<!tpu.dma_semaphore, #tpu.memory_space<semaphore_mem>>) src(%dma_wait3A_155 : memref<80x128xf32, #tpu.memory_space<hbm>>) dst(%arg12 : memref<80x128xf32, #tpu.memory_space<vmem>>)
      tpu.yield
    }) : () -> ()
    %add3A = arith.constant 0 : i32
    %add3A_1 = arith.addi %mul3A_0, %add3A : i32
    "tpu.region"() ({
      %run_scoped3A_143 = tpu.sem_alloc : memref<!tpu.dma_semaphore, #tpu.memory_space<semaphore_mem>>
      %dma_start3A_144 = arith.constant 0 : i32
      %dma_start3A_145 = tpu.memref_slice %arg9[%add3A_1, %dma_start3A_144] : memref<10240x128xf32, #tpu.memory_space<vmem_shared>> -> memref<80x128xf32, #tpu.memory_space<vmem_shared>>
      %dma_start3A_146 = arith.constant 0 : i32
      %dma_start3A_147 = tpu.memref_slice %arg9[%add3A_1, %dma_start3A_146] : memref<10240x128xf32, #tpu.memory_space<vmem_shared>> -> memref<80x128xf32, #tpu.memory_space<vmem_shared>>
      tpu.enqueue_dma source(%arg12 : memref<80x128xf32, #tpu.memory_space<vmem>>) target(%dma_start3A_147 : memref<80x128xf32, #tpu.memory_space<vmem_shared>>) target_semaphore(%run_scoped3A_143 : memref<!tpu.dma_semaphore, #tpu.memory_space<semaphore_mem>>)
      %dma_wait3A_148 = arith.constant 0 : i32
      %dma_wait3A_149 = tpu.memref_slice %arg9[%add3A_1, %dma_wait3A_148] : memref<10240x128xf32, #tpu.memory_space<vmem_shared>> -> memref<80x128xf32, #tpu.memory_space<vmem_shared>>
      %dma_wait3A_150 = arith.constant 0 : i32
      %dma_wait3A_151 = tpu.memref_slice %arg9[%add3A_1, %dma_wait3A_150] : memref<10240x128xf32, #tpu.memory_space<vmem_shared>> -> memref<80x128xf32, #tpu.memory_space<vmem_shared>>
      tpu.wait_dma2 semaphore(%run_scoped3A_143 : memref<!tpu.dma_semaphore, #tpu.memory_space<semaphore_mem>>) src(%arg12 : memref<80x128xf32, #tpu.memory_space<vmem>>) dst(%dma_wait3A_151 : memref<80x128xf32, #tpu.memory_space<vmem_shared>>)
      tpu.yield
    }) : () -> ()
    %add3A_2 = arith.constant 80 : i32
    %add3A_3 = arith.addi %mul3A_0, %add3A_2 : i32
    "tpu.region"() ({
      %run_scoped3A_143 = tpu.sem_alloc : memref<!tpu.dma_semaphore, #tpu.memory_space<semaphore_mem>>
      %dma_start3A_144 = arith.constant 0 : i32
      %dma_start3A_145 = tpu.memref_slice %arg9[%add3A_3, %dma_start3A_144] : memref<10240x128xf32, #tpu.memory_space<vmem_shared>> -> memref<80x128xf32, #tpu.memory_space<vmem_shared>>
      %dma_start3A_146 = arith.constant 0 : i32
      %dma_start3A_147 = tpu.memref_slice %arg9[%add3A_3, %dma_start3A_146] : memref<10240x128xf32, #tpu.memory_space<vmem_shared>> -> memref<80x128xf32, #tpu.memory_space<vmem_shared>>
      tpu.enqueue_dma source(%arg12 : memref<80x128xf32, #tpu.memory_space<vmem>>) target(%dma_start3A_147 : memref<80x128xf32, #tpu.memory_space<vmem_shared>>) target_semaphore(%run_scoped3A_143 : memref<!tpu.dma_semaphore, #tpu.memory_space<semaphore_mem>>)
      %dma_wait3A_148 = arith.constant 0 : i32
      %dma_wait3A_149 = tpu.memref_slice %arg9[%add3A_3, %dma_wait3A_148] : memref<10240x128xf32, #tpu.memory_space<vmem_shared>> -> memref<80x128xf32, #tpu.memory_space<vmem_shared>>
      %dma_wait3A_150 = arith.constant 0 : i32
      %dma_wait3A_151 = tpu.memref_slice %arg9[%add3A_3, %dma_wait3A_150] : memref<10240x128xf32, #tpu.memory_space<vmem_shared>> -> memref<80x128xf32, #tpu.memory_space<vmem_shared>>
      tpu.wait_dma2 semaphore(%run_scoped3A_143 : memref<!tpu.dma_semaphore, #tpu.memory_space<semaphore_mem>>) src(%arg12 : memref<80x128xf32, #tpu.memory_space<vmem>>) dst(%dma_wait3A_151 : memref<80x128xf32, #tpu.memory_space<vmem_shared>>)
      tpu.yield
    }) : () -> ()
    %add3A_4 = arith.constant 160 : i32
    %add3A_5 = arith.addi %mul3A_0, %add3A_4 : i32
    "tpu.region"() ({
      %run_scoped3A_143 = tpu.sem_alloc : memref<!tpu.dma_semaphore, #tpu.memory_space<semaphore_mem>>
      %dma_start3A_144 = arith.constant 0 : i32
      %dma_start3A_145 = tpu.memref_slice %arg9[%add3A_5, %dma_start3A_144] : memref<10240x128xf32, #tpu.memory_space<vmem_shared>> -> memref<80x128xf32, #tpu.memory_space<vmem_shared>>
      %dma_start3A_146 = arith.constant 0 : i32
      %dma_start3A_147 = tpu.memref_slice %arg9[%add3A_5, %dma_start3A_146] : memref<10240x128xf32, #tpu.memory_space<vmem_shared>> -> memref<80x128xf32, #tpu.memory_space<vmem_shared>>
      tpu.enqueue_dma source(%arg12 : memref<80x128xf32, #tpu.memory_space<vmem>>) target(%dma_start3A_147 : memref<80x128xf32, #tpu.memory_space<vmem_shared>>) target_semaphore(%run_scoped3A_143 : memref<!tpu.dma_semaphore, #tpu.memory_space<semaphore_mem>>)
      %dma_wait3A_148 = arith.constant 0 : i32
      %dma_wait3A_149 = tpu.memref_slice %arg9[%add3A_5, %dma_wait3A_148] : memref<10240x128xf32, #tpu.memory_space<vmem_shared>> -> memref<80x128xf32, #tpu.memory_space<vmem_shared>>
      %dma_wait3A_150 = arith.constant 0 : i32
      %dma_wait3A_151 = tpu.memref_slice %arg9[%add3A_5, %dma_wait3A_150] : memref<10240x128xf32, #tpu.memory_space<vmem_shared>> -> memref<80x128xf32, #tpu.memory_space<vmem_shared>>
      tpu.wait_dma2 semaphore(%run_scoped3A_143 : memref<!tpu.dma_semaphore, #tpu.memory_space<semaphore_mem>>) src(%arg12 : memref<80x128xf32, #tpu.memory_space<vmem>>) dst(%dma_wait3A_151 : memref<80x128xf32, #tpu.memory_space<vmem_shared>>)
      tpu.yield
    }) : () -> ()
    %add3A_6 = arith.constant 240 : i32
    %add3A_7 = arith.addi %mul3A_0, %add3A_6 : i32
    "tpu.region"() ({
      %run_scoped3A_143 = tpu.sem_alloc : memref<!tpu.dma_semaphore, #tpu.memory_space<semaphore_mem>>
      %dma_start3A_144 = arith.constant 0 : i32
      %dma_start3A_145 = tpu.memref_slice %arg9[%add3A_7, %dma_start3A_144] : memref<10240x128xf32, #tpu.memory_space<vmem_shared>> -> memref<80x128xf32, #tpu.memory_space<vmem_shared>>
      %dma_start3A_146 = arith.constant 0 : i32
      %dma_start3A_147 = tpu.memref_slice %arg9[%add3A_7, %dma_start3A_146] : memref<10240x128xf32, #tpu.memory_space<vmem_shared>> -> memref<80x128xf32, #tpu.memory_space<vmem_shared>>
      tpu.enqueue_dma source(%arg12 : memref<80x128xf32, #tpu.memory_space<vmem>>) target(%dma_start3A_147 : memref<80x128xf32, #tpu.memory_space<vmem_shared>>) target_semaphore(%run_scoped3A_143 : memref<!tpu.dma_semaphore, #tpu.memory_space<semaphore_mem>>)
      %dma_wait3A_148 = arith.constant 0 : i32
      %dma_wait3A_149 = tpu.memref_slice %arg9[%add3A_7, %dma_wait3A_148] : memref<10240x128xf32, #tpu.memory_space<vmem_shared>> -> memref<80x128xf32, #tpu.memory_space<vmem_shared>>
      %dma_wait3A_150 = arith.constant 0 : i32
      %dma_wait3A_151 = tpu.memref_slice %arg9[%add3A_7, %dma_wait3A_150] : memref<10240x128xf32, #tpu.memory_space<vmem_shared>> -> memref<80x128xf32, #tpu.memory_space<vmem_shared>>
      tpu.wait_dma2 semaphore(%run_scoped3A_143 : memref<!tpu.dma_semaphore, #tpu.memory_space<semaphore_mem>>) src(%arg12 : memref<80x128xf32, #tpu.memory_space<vmem>>) dst(%dma_wait3A_151 : memref<80x128xf32, #tpu.memory_space<vmem_shared>>)
      tpu.yield
    }) : () -> ()
    %add3A_8 = arith.constant 320 : i32
    %add3A_9 = arith.addi %mul3A_0, %add3A_8 : i32
    "tpu.region"() ({
      %run_scoped3A_143 = tpu.sem_alloc : memref<!tpu.dma_semaphore, #tpu.memory_space<semaphore_mem>>
      %dma_start3A_144 = arith.constant 0 : i32
      %dma_start3A_145 = tpu.memref_slice %arg9[%add3A_9, %dma_start3A_144] : memref<10240x128xf32, #tpu.memory_space<vmem_shared>> -> memref<80x128xf32, #tpu.memory_space<vmem_shared>>
      %dma_start3A_146 = arith.constant 0 : i32
      %dma_start3A_147 = tpu.memref_slice %arg9[%add3A_9, %dma_start3A_146] : memref<10240x128xf32, #tpu.memory_space<vmem_shared>> -> memref<80x128xf32, #tpu.memory_space<vmem_shared>>
      tpu.enqueue_dma source(%arg12 : memref<80x128xf32, #tpu.memory_space<vmem>>) target(%dma_start3A_147 : memref<80x128xf32, #tpu.memory_space<vmem_shared>>) target_semaphore(%run_scoped3A_143 : memref<!tpu.dma_semaphore, #tpu.memory_space<semaphore_mem>>)
      %dma_wait3A_148 = arith.constant 0 : i32
      %dma_wait3A_149 = tpu.memref_slice %arg9[%add3A_9, %dma_wait3A_148] : memref<10240x128xf32, #tpu.memory_space<vmem_shared>> -> memref<80x128xf32, #tpu.memory_space<vmem_shared>>
      %dma_wait3A_150 = arith.constant 0 : i32
      %dma_wait3A_151 = tpu.memref_slice %arg9[%add3A_9, %dma_wait3A_150] : memref<10240x128xf32, #tpu.memory_space<vmem_shared>> -> memref<80x128xf32, #tpu.memory_space<vmem_shared>>
      tpu.wait_dma2 semaphore(%run_scoped3A_143 : memref<!tpu.dma_semaphore, #tpu.memory_space<semaphore_mem>>) src(%arg12 : memref<80x128xf32, #tpu.memory_space<vmem>>) dst(%dma_wait3A_151 : memref<80x128xf32, #tpu.memory_space<vmem_shared>>)
      tpu.yield
    }) : () -> ()
    %add3A_10 = arith.constant 400 : i32
    %add3A_11 = arith.addi %mul3A_0, %add3A_10 : i32
    "tpu.region"() ({
      %run_scoped3A_143 = tpu.sem_alloc : memref<!tpu.dma_semaphore, #tpu.memory_space<semaphore_mem>>
      %dma_start3A_144 = arith.constant 0 : i32
      %dma_start3A_145 = tpu.memref_slice %arg9[%add3A_11, %dma_start3A_144] : memref<10240x128xf32, #tpu.memory_space<vmem_shared>> -> memref<80x128xf32, #tpu.memory_space<vmem_shared>>
      %dma_start3A_146 = arith.constant 0 : i32
      %dma_start3A_147 = tpu.memref_slice %arg9[%add3A_11, %dma_start3A_146] : memref<10240x128xf32, #tpu.memory_space<vmem_shared>> -> memref<80x128xf32, #tpu.memory_space<vmem_shared>>
      tpu.enqueue_dma source(%arg12 : memref<80x128xf32, #tpu.memory_space<vmem>>) target(%dma_start3A_147 : memref<80x128xf32, #tpu.memory_space<vmem_shared>>) target_semaphore(%run_scoped3A_143 : memref<!tpu.dma_semaphore, #tpu.memory_space<semaphore_mem>>)
      %dma_wait3A_148 = arith.constant 0 : i32
      %dma_wait3A_149 = tpu.memref_slice %arg9[%add3A_11, %dma_wait3A_148] : memref<10240x128xf32, #tpu.memory_space<vmem_shared>> -> memref<80x128xf32, #tpu.memory_space<vmem_shared>>
      %dma_wait3A_150 = arith.constant 0 : i32
      %dma_wait3A_151 = tpu.memref_slice %arg9[%add3A_11, %dma_wait3A_150] : memref<10240x128xf32, #tpu.memory_space<vmem_shared>> -> memref<80x128xf32, #tpu.memory_space<vmem_shared>>
      tpu.wait_dma2 semaphore(%run_scoped3A_143 : memref<!tpu.dma_semaphore, #tpu.memory_space<semaphore_mem>>) src(%arg12 : memref<80x128xf32, #tpu.memory_space<vmem>>) dst(%dma_wait3A_151 : memref<80x128xf32, #tpu.memory_space<vmem_shared>>)
      tpu.yield
    }) : () -> ()
    %add3A_12 = arith.constant 480 : i32
    %add3A_13 = arith.addi %mul3A_0, %add3A_12 : i32
    "tpu.region"() ({
      %run_scoped3A_143 = tpu.sem_alloc : memref<!tpu.dma_semaphore, #tpu.memory_space<semaphore_mem>>
      %dma_start3A_144 = arith.constant 0 : i32
      %dma_start3A_145 = tpu.memref_slice %arg9[%add3A_13, %dma_start3A_144] : memref<10240x128xf32, #tpu.memory_space<vmem_shared>> -> memref<80x128xf32, #tpu.memory_space<vmem_shared>>
      %dma_start3A_146 = arith.constant 0 : i32
      %dma_start3A_147 = tpu.memref_slice %arg9[%add3A_13, %dma_start3A_146] : memref<10240x128xf32, #tpu.memory_space<vmem_shared>> -> memref<80x128xf32, #tpu.memory_space<vmem_shared>>
      tpu.enqueue_dma source(%arg12 : memref<80x128xf32, #tpu.memory_space<vmem>>) target(%dma_start3A_147 : memref<80x128xf32, #tpu.memory_space<vmem_shared>>) target_semaphore(%run_scoped3A_143 : memref<!tpu.dma_semaphore, #tpu.memory_space<semaphore_mem>>)
      %dma_wait3A_148 = arith.constant 0 : i32
      %dma_wait3A_149 = tpu.memref_slice %arg9[%add3A_13, %dma_wait3A_148] : memref<10240x128xf32, #tpu.memory_space<vmem_shared>> -> memref<80x128xf32, #tpu.memory_space<vmem_shared>>
      %dma_wait3A_150 = arith.constant 0 : i32
      %dma_wait3A_151 = tpu.memref_slice %arg9[%add3A_13, %dma_wait3A_150] : memref<10240x128xf32, #tpu.memory_space<vmem_shared>> -> memref<80x128xf32, #tpu.memory_space<vmem_shared>>
      tpu.wait_dma2 semaphore(%run_scoped3A_143 : memref<!tpu.dma_semaphore, #tpu.memory_space<semaphore_mem>>) src(%arg12 : memref<80x128xf32, #tpu.memory_space<vmem>>) dst(%dma_wait3A_151 : memref<80x128xf32, #tpu.memory_space<vmem_shared>>)
      tpu.yield
    }) : () -> ()
    %add3A_14 = arith.constant 560 : i32
    %add3A_15 = arith.addi %mul3A_0, %add3A_14 : i32
    "tpu.region"() ({
      %run_scoped3A_143 = tpu.sem_alloc : memref<!tpu.dma_semaphore, #tpu.memory_space<semaphore_mem>>
      %dma_start3A_144 = arith.constant 0 : i32
      %dma_start3A_145 = tpu.memref_slice %arg9[%add3A_15, %dma_start3A_144] : memref<10240x128xf32, #tpu.memory_space<vmem_shared>> -> memref<80x128xf32, #tpu.memory_space<vmem_shared>>
      %dma_start3A_146 = arith.constant 0 : i32
      %dma_start3A_147 = tpu.memref_slice %arg9[%add3A_15, %dma_start3A_146] : memref<10240x128xf32, #tpu.memory_space<vmem_shared>> -> memref<80x128xf32, #tpu.memory_space<vmem_shared>>
      tpu.enqueue_dma source(%arg12 : memref<80x128xf32, #tpu.memory_space<vmem>>) target(%dma_start3A_147 : memref<80x128xf32, #tpu.memory_space<vmem_shared>>) target_semaphore(%run_scoped3A_143 : memref<!tpu.dma_semaphore, #tpu.memory_space<semaphore_mem>>)
      %dma_wait3A_148 = arith.constant 0 : i32
      %dma_wait3A_149 = tpu.memref_slice %arg9[%add3A_15, %dma_wait3A_148] : memref<10240x128xf32, #tpu.memory_space<vmem_shared>> -> memref<80x128xf32, #tpu.memory_space<vmem_shared>>
      %dma_wait3A_150 = arith.constant 0 : i32
      %dma_wait3A_151 = tpu.memref_slice %arg9[%add3A_15, %dma_wait3A_150] : memref<10240x128xf32, #tpu.memory_space<vmem_shared>> -> memref<80x128xf32, #tpu.memory_space<vmem_shared>>
      tpu.wait_dma2 semaphore(%run_scoped3A_143 : memref<!tpu.dma_semaphore, #tpu.memory_space<semaphore_mem>>) src(%arg12 : memref<80x128xf32, #tpu.memory_space<vmem>>) dst(%dma_wait3A_151 : memref<80x128xf32, #tpu.memory_space<vmem_shared>>)
      tpu.yield
    }) : () -> ()
    %barrier3A = arith.constant 0 : index
    tpu.barrier barrier_id(%barrier3A)
    %get3A = arith.constant 0 : index
    %get3A_16 = tpu.vector_load %arg7[%get3A] {strides = array<i32>} : memref<10000xi32, #tpu.memory_space<vmem>>, vector<16xi32>,
    %get3A_17 = vector.shape_cast %get3A_16 : vector<16xi32> to vector<16xi32>
    %add3A_18 = arith.addi %get3A_17, %get3A_17 : vector<16xi32>
    %add3A_19 = vector.broadcast %arg0 : i32 to vector<16xi32>
    %add3A_20 = arith.addi %add3A_18, %add3A_19 : vector<16xi32>
    %swap3A = arith.constant 0 : index
    %swap3A_21 = tpu.vector_load %arg10[%swap3A] {strides = array<i32>} : memref<80xi32, #tpu.memory_space<vmem>>, vector<16xi32>,
    %swap3A_22 = vector.shape_cast %swap3A_21 : vector<16xi32> to vector<16xi32>
    %swap3A_23 = vector.shape_cast %add3A_20 : vector<16xi32> to vector<16xi32>
    tpu.vector_store %arg10[%swap3A], %swap3A_23 {strides = array<i32>} : memref<80xi32, #tpu.memory_space<vmem>>, vector<16xi32>,
    %get3A_24 = arith.constant 16 : index
    %get3A_25 = tpu.vector_load %arg7[%get3A_24] {strides = array<i32>} : memref<10000xi32, #tpu.memory_space<vmem>>, vector<16xi32>,
    %get3A_26 = vector.shape_cast %get3A_25 : vector<16xi32> to vector<16xi32>
    %add3A_27 = arith.addi %get3A_26, %get3A_26 : vector<16xi32>
    %add3A_28 = vector.broadcast %arg0 : i32 to vector<16xi32>
    %add3A_29 = arith.addi %add3A_27, %add3A_28 : vector<16xi32>
    %swap3A_30 = arith.constant 16 : index
    %swap3A_31 = tpu.vector_load %arg10[%swap3A_30] {strides = array<i32>} : memref<80xi32, #tpu.memory_space<vmem>>, vector<16xi32>,
    %swap3A_32 = vector.shape_cast %swap3A_31 : vector<16xi32> to vector<16xi32>
    %swap3A_33 = vector.shape_cast %add3A_29 : vector<16xi32> to vector<16xi32>
    tpu.vector_store %arg10[%swap3A_30], %swap3A_33 {strides = array<i32>} : memref<80xi32, #tpu.memory_space<vmem>>, vector<16xi32>,
    %get3A_34 = arith.constant 32 : index
    %get3A_35 = tpu.vector_load %arg7[%get3A_34] {strides = array<i32>} : memref<10000xi32, #tpu.memory_space<vmem>>, vector<16xi32>,
    %get3A_36 = vector.shape_cast %get3A_35 : vector<16xi32> to vector<16xi32>
    %add3A_37 = arith.addi %get3A_36, %get3A_36 : vector<16xi32>
    %add3A_38 = vector.broadcast %arg0 : i32 to vector<16xi32>
    %add3A_39 = arith.addi %add3A_37, %add3A_38 : vector<16xi32>
    %swap3A_40 = arith.constant 32 : index
    %swap3A_41 = tpu.vector_load %arg10[%swap3A_40] {strides = array<i32>} : memref<80xi32, #tpu.memory_space<vmem>>, vector<16xi32>,
    %swap3A_42 = vector.shape_cast %swap3A_41 : vector<16xi32> to vector<16xi32>
    %swap3A_43 = vector.shape_cast %add3A_39 : vector<16xi32> to vector<16xi32>
    tpu.vector_store %arg10[%swap3A_40], %swap3A_43 {strides = array<i32>} : memref<80xi32, #tpu.memory_space<vmem>>, vector<16xi32>,
    %get3A_44 = arith.constant 48 : index
    %get3A_45 = tpu.vector_load %arg7[%get3A_44] {strides = array<i32>} : memref<10000xi32, #tpu.memory_space<vmem>>, vector<16xi32>,
    %get3A_46 = vector.shape_cast %get3A_45 : vector<16xi32> to vector<16xi32>
    %add3A_47 = arith.addi %get3A_46, %get3A_46 : vector<16xi32>
    %add3A_48 = vector.broadcast %arg0 : i32 to vector<16xi32>
    %add3A_49 = arith.addi %add3A_47, %add3A_48 : vector<16xi32>
    %swap3A_50 = arith.constant 48 : index
    %swap3A_51 = tpu.vector_load %arg10[%swap3A_50] {strides = array<i32>} : memref<80xi32, #tpu.memory_space<vmem>>, vector<16xi32>,
    %swap3A_52 = vector.shape_cast %swap3A_51 : vector<16xi32> to vector<16xi32>
    %swap3A_53 = vector.shape_cast %add3A_49 : vector<16xi32> to vector<16xi32>
    tpu.vector_store %arg10[%swap3A_50], %swap3A_53 {strides = array<i32>} : memref<80xi32, #tpu.memory_space<vmem>>, vector<16xi32>,
    %get3A_54 = arith.constant 64 : index
    %get3A_55 = tpu.vector_load %arg7[%get3A_54] {strides = array<i32>} : memref<10000xi32, #tpu.memory_space<vmem>>, vector<16xi32>,
    %get3A_56 = vector.shape_cast %get3A_55 : vector<16xi32> to vector<16xi32>
    %add3A_57 = arith.addi %get3A_56, %get3A_56 : vector<16xi32>
    %add3A_58 = vector.broadcast %arg0 : i32 to vector<16xi32>
    %add3A_59 = arith.addi %add3A_57, %add3A_58 : vector<16xi32>
    %swap3A_60 = arith.constant 64 : index
    %swap3A_61 = tpu.vector_load %arg10[%swap3A_60] {strides = array<i32>} : memref<80xi32, #tpu.memory_space<vmem>>, vector<16xi32>,
    %swap3A_62 = vector.shape_cast %swap3A_61 : vector<16xi32> to vector<16xi32>
    %swap3A_63 = vector.shape_cast %add3A_59 : vector<16xi32> to vector<16xi32>
    tpu.vector_store %arg10[%swap3A_60], %swap3A_63 {strides = array<i32>} : memref<80xi32, #tpu.memory_space<vmem>>, vector<16xi32>,
    %dma_start3A = arith.constant 0 : i32
    %dma_start3A_64 = arith.constant 0 : i32
    %dma_start3A_65 = tpu.memref_slice %arg2[%dma_start3A, %dma_start3A_64] : memref<20000x128xf32, #tpu.memory_space<hbm>> -> memref<20000x128xf32, #tpu.memory_space<hbm>>
    tpu.enqueue_indirect_dma source(%dma_start3A_65 : memref<20000x128xf32, #tpu.memory_space<hbm>>) target(%arg12 : memref<80x128xf32, #tpu.memory_space<vmem>>) offsets(%arg10 : memref<80xi32, #tpu.memory_space<vmem>>) semaphore(%arg14 : memref<!tpu.dma_semaphore, #tpu.memory_space<semaphore_mem>>)
    %get3A_66 = arith.constant 80 : index
    %get3A_67 = tpu.vector_load %arg7[%get3A_66] {strides = array<i32>} : memref<10000xi32, #tpu.memory_space<vmem>>, vector<16xi32>,
    %get3A_68 = vector.shape_cast %get3A_67 : vector<16xi32> to vector<16xi32>
    %add3A_69 = arith.addi %get3A_68, %get3A_68 : vector<16xi32>
    %add3A_70 = vector.broadcast %arg0 : i32 to vector<16xi32>
    %add3A_71 = arith.addi %add3A_69, %add3A_70 : vector<16xi32>
    %swap3A_72 = arith.constant 0 : index
    %swap3A_73 = tpu.vector_load %arg11[%swap3A_72] {strides = array<i32>} : memref<80xi32, #tpu.memory_space<vmem>>, vector<16xi32>,
    %swap3A_74 = vector.shape_cast %swap3A_73 : vector<16xi32> to vector<16xi32>
    %swap3A_75 = vector.shape_cast %add3A_71 : vector<16xi32> to vector<16xi32>
    tpu.vector_store %arg11[%swap3A_72], %swap3A_75 {strides = array<i32>} : memref<80xi32, #tpu.memory_space<vmem>>, vector<16xi32>,
    %get3A_76 = arith.constant 96 : index
    %get3A_77 = tpu.vector_load %arg7[%get3A_76] {strides = array<i32>} : memref<10000xi32, #tpu.memory_space<vmem>>, vector<16xi32>,
    %get3A_78 = vector.shape_cast %get3A_77 : vector<16xi32> to vector<16xi32>
    %add3A_79 = arith.addi %get3A_78, %get3A_78 : vector<16xi32>
    %add3A_80 = vector.broadcast %arg0 : i32 to vector<16xi32>
    %add3A_81 = arith.addi %add3A_79, %add3A_80 : vector<16xi32>
    %swap3A_82 = arith.constant 16 : index
    %swap3A_83 = tpu.vector_load %arg11[%swap3A_82] {strides = array<i32>} : memref<80xi32, #tpu.memory_space<vmem>>, vector<16xi32>,
    %swap3A_84 = vector.shape_cast %swap3A_83 : vector<16xi32> to vector<16xi32>
    %swap3A_85 = vector.shape_cast %add3A_81 : vector<16xi32> to vector<16xi32>
    tpu.vector_store %arg11[%swap3A_82], %swap3A_85 {strides = array<i32>} : memref<80xi32, #tpu.memory_space<vmem>>, vector<16xi32>,
    %get3A_86 = arith.constant 112 : index
    %get3A_87 = tpu.vector_load %arg7[%get3A_86] {strides = array<i32>} : memref<10000xi32, #tpu.memory_space<vmem>>, vector<16xi32>,
    %get3A_88 = vector.shape_cast %get3A_87 : vector<16xi32> to vector<16xi32>
    %add3A_89 = arith.addi %get3A_88, %get3A_88 : vector<16xi32>
    %add3A_90 = vector.broadcast %arg0 : i32 to vector<16xi32>
    %add3A_91 = arith.addi %add3A_89, %add3A_90 : vector<16xi32>
    %swap3A_92 = arith.constant 32 : index
    %swap3A_93 = tpu.vector_load %arg11[%swap3A_92] {strides = array<i32>} : memref<80xi32, #tpu.memory_space<vmem>>, vector<16xi32>,
    %swap3A_94 = vector.shape_cast %swap3A_93 : vector<16xi32> to vector<16xi32>
    %swap3A_95 = vector.shape_cast %add3A_91 : vector<16xi32> to vector<16xi32>
    tpu.vector_store %arg11[%swap3A_92], %swap3A_95 {strides = array<i32>} : memref<80xi32, #tpu.memory_space<vmem>>, vector<16xi32>,
    %get3A_96 = arith.constant 128 : index
    %get3A_97 = tpu.vector_load %arg7[%get3A_96] {strides = array<i32>} : memref<10000xi32, #tpu.memory_space<vmem>>, vector<16xi32>,
    %get3A_98 = vector.shape_cast %get3A_97 : vector<16xi32> to vector<16xi32>
    %add3A_99 = arith.addi %get3A_98, %get3A_98 : vector<16xi32>
    %add3A_100 = vector.broadcast %arg0 : i32 to vector<16xi32>
    %add3A_101 = arith.addi %add3A_99, %add3A_100 : vector<16xi32>
    %swap3A_102 = arith.constant 48 : index
    %swap3A_103 = tpu.vector_load %arg11[%swap3A_102] {strides = array<i32>} : memref<80xi32, #tpu.memory_space<vmem>>, vector<16xi32>,
    %swap3A_104 = vector.shape_cast %swap3A_103 : vector<16xi32> to vector<16xi32>
    %swap3A_105 = vector.shape_cast %add3A_101 : vector<16xi32> to vector<16xi32>
    tpu.vector_store %arg11[%swap3A_102], %swap3A_105 {strides = array<i32>} : memref<80xi32, #tpu.memory_space<vmem>>, vector<16xi32>,
    %get3A_106 = arith.constant 144 : index
    %get3A_107 = tpu.vector_load %arg7[%get3A_106] {strides = array<i32>} : memref<10000xi32, #tpu.memory_space<vmem>>, vector<16xi32>,
    %get3A_108 = vector.shape_cast %get3A_107 : vector<16xi32> to vector<16xi32>
    %add3A_109 = arith.addi %get3A_108, %get3A_108 : vector<16xi32>
    %add3A_110 = vector.broadcast %arg0 : i32 to vector<16xi32>
    %add3A_111 = arith.addi %add3A_109, %add3A_110 : vector<16xi32>
    %swap3A_112 = arith.constant 64 : index
    %swap3A_113 = tpu.vector_load %arg11[%swap3A_112] {strides = array<i32>} : memref<80xi32, #tpu.memory_space<vmem>>, vector<16xi32>,
    %swap3A_114 = vector.shape_cast %swap3A_113 : vector<16xi32> to vector<16xi32>
    %swap3A_115 = vector.shape_cast %add3A_111 : vector<16xi32> to vector<16xi32>
    tpu.vector_store %arg11[%swap3A_112], %swap3A_115 {strides = array<i32>} : memref<80xi32, #tpu.memory_space<vmem>>, vector<16xi32>,
    %dma_start3A_116 = arith.constant 0 : i32
    %dma_start3A_117 = arith.constant 0 : i32
    %dma_start3A_118 = tpu.memref_slice %arg2[%dma_start3A_116, %dma_start3A_117] : memref<20000x128xf32, #tpu.memory_space<hbm>> -> memref<20000x128xf32, #tpu.memory_space<hbm>>
    tpu.enqueue_indirect_dma source(%dma_start3A_118 : memref<20000x128xf32, #tpu.memory_space<hbm>>) target(%arg13 : memref<80x128xf32, #tpu.memory_space<vmem>>) offsets(%arg11 : memref<80xi32, #tpu.memory_space<vmem>>) semaphore(%arg15 : memref<!tpu.dma_semaphore, #tpu.memory_space<semaphore_mem>>)
    %scan3A = arith.constant 0 : i32
    %scan3A_119 = arith.constant 0 : i32
    %scan3A_120 = arith.constant 62 : i32
    %scan3A_121 = arith.addi %scan3A_119, %scan3A_120 : i32
    %scan3A_122 = arith.constant 1 : i32
    scf.for %scan3A_143 = %scan3A_119 to %scan3A_121 step %scan3A_122  : i32 {
      %mul3A_144 = arith.constant 2 : i32
      %mul3A_145 = arith.muli %scan3A_143, %mul3A_144 : i32
      %add3A_146 = arith.constant 0 : i32
      %add3A_147 = arith.addi %mul3A_145, %add3A_146 : i32
      %dma_wait3A_148 = arith.constant 0 : i32
      %dma_wait3A_149 = arith.constant 0 : i32
      %dma_wait3A_150 = tpu.memref_slice %arg2[%dma_wait3A_148, %dma_wait3A_149] : memref<20000x128xf32, #tpu.memory_space<hbm>> -> memref<20000x128xf32, #tpu.memory_space<hbm>>
      tpu.wait_indirect_dma semaphore(%arg14 : memref<!tpu.dma_semaphore, #tpu.memory_space<semaphore_mem>>) src(%dma_wait3A_150 : memref<20000x128xf32, #tpu.memory_space<hbm>>) dst(%arg12 : memref<80x128xf32, #tpu.memory_space<vmem>>)
      "tpu.region"() ({
        %run_scoped3A_169 = tpu.sem_alloc : memref<!tpu.dma_semaphore, #tpu.memory_space<semaphore_mem>>
        %dma_start3A_170 = arith.constant 0 : i32
        %dma_start3A_171 = tpu.memref_slice %arg8[%add3A_147, %dma_start3A_170] : memref<125x80xi32, #tpu.memory_space<vmem>> -> memref<1x80xi32, #tpu.memory_space<vmem>>
        %dma_start3A_172 = tpu.memref_squeeze %dma_start3A_171 : memref<1x80xi32, #tpu.memory_space<vmem>> -> memref<80xi32, #tpu.memory_space<vmem>>
        %dma_start3A_173 = arith.constant 0 : i32
        %dma_start3A_174 = arith.constant 0 : i32
        %dma_start3A_175 = tpu.memref_slice %arg9[%dma_start3A_173, %dma_start3A_174] : memref<10240x128xf32, #tpu.memory_space<vmem_shared>> -> memref<10240x128xf32, #tpu.memory_space<vmem_shared>>
        tpu.enqueue_indirect_dma source(%arg12 : memref<80x128xf32, #tpu.memory_space<vmem>>) target(%dma_start3A_175 : memref<10240x128xf32, #tpu.memory_space<vmem_shared>>) offsets(%dma_start3A_172 : memref<80xi32, #tpu.memory_space<vmem>>) semaphore(%run_scoped3A_169 : memref<!tpu.dma_semaphore, #tpu.memory_space<semaphore_mem>>) {add = true}
        %dma_wait3A_176 = arith.constant 0 : i32
        %dma_wait3A_177 = tpu.memref_slice %arg8[%add3A_147, %dma_wait3A_176] : memref<125x80xi32, #tpu.memory_space<vmem>> -> memref<1x80xi32, #tpu.memory_space<vmem>>
        %dma_wait3A_178 = tpu.memref_squeeze %dma_wait3A_177 : memref<1x80xi32, #tpu.memory_space<vmem>> -> memref<80xi32, #tpu.memory_space<vmem>>
        %dma_wait3A_179 = arith.constant 0 : i32
        %dma_wait3A_180 = arith.constant 0 : i32
        %dma_wait3A_181 = tpu.memref_slice %arg9[%dma_wait3A_179, %dma_wait3A_180] : memref<10240x128xf32, #tpu.memory_space<vmem_shared>> -> memref<10240x128xf32, #tpu.memory_space<vmem_shared>>
        tpu.wait_indirect_dma semaphore(%run_scoped3A_169 : memref<!tpu.dma_semaphore, #tpu.memory_space<semaphore_mem>>) src(%arg12 : memref<80x128xf32, #tpu.memory_space<vmem>>) dst(%dma_wait3A_181 : memref<10240x128xf32, #tpu.memory_space<vmem_shared>>)
        tpu.yield
      }) : () -> ()
      %add3A_151 = arith.constant 2 : i32
      %add3A_152 = arith.addi %add3A_147, %add3A_151 : i32
      %lt3A = arith.constant 125 : i32
      %lt3A_153 = arith.cmpi slt, %add3A_152, %lt3A : i32
      %convert_element_type3A = arith.extui %lt3A_153 : i1 to i32
      %cond3A = arith.constant 0 : i32
      %cond3A_154 = arith.cmpi ne, %convert_element_type3A, %cond3A : i32
      scf.if %cond3A_154 {
        %add3A_169 = arith.constant 2 : i32
        %add3A_170 = arith.addi %add3A_147, %add3A_169 : i32
        %mul3A_171 = arith.constant 80 : i32
        %mul3A_172 = arith.muli %add3A_170, %mul3A_171 : i32
        %add3A_173 = arith.constant 0 : i32
        %add3A_174 = arith.addi %mul3A_172, %add3A_173 : i32
        %get3A_175 = arith.index_cast %add3A_174 : i32 to index
        %get3A_176 = tpu.vector_load %arg7[%get3A_175] {strides = array<i32>} : memref<10000xi32, #tpu.memory_space<vmem>>, vector<16xi32>,
        %get3A_177 = vector.shape_cast %get3A_176 : vector<16xi32> to vector<16xi32>
        %add3A_178 = arith.addi %get3A_177, %get3A_177 : vector<16xi32>
        %add3A_179 = vector.broadcast %arg0 : i32 to vector<16xi32>
        %add3A_180 = arith.addi %add3A_178, %add3A_179 : vector<16xi32>
        %swap3A_181 = arith.constant 0 : index
        %swap3A_182 = tpu.vector_load %arg10[%swap3A_181] {strides = array<i32>} : memref<80xi32, #tpu.memory_space<vmem>>, vector<16xi32>,
        %swap3A_183 = vector.shape_cast %swap3A_182 : vector<16xi32> to vector<16xi32>
        %swap3A_184 = vector.shape_cast %add3A_180 : vector<16xi32> to vector<16xi32>
        tpu.vector_store %arg10[%swap3A_181], %swap3A_184 {strides = array<i32>} : memref<80xi32, #tpu.memory_space<vmem>>, vector<16xi32>,
        %mul3A_185 = arith.constant 80 : i32
        %mul3A_186 = arith.muli %add3A_170, %mul3A_185 : i32
        %add3A_187 = arith.constant 16 : i32
        %add3A_188 = arith.addi %mul3A_186, %add3A_187 : i32
        %get3A_189 = arith.index_cast %add3A_188 : i32 to index
        %get3A_190 = tpu.vector_load %arg7[%get3A_189] {strides = array<i32>} : memref<10000xi32, #tpu.memory_space<vmem>>, vector<16xi32>,
        %get3A_191 = vector.shape_cast %get3A_190 : vector<16xi32> to vector<16xi32>
        %add3A_192 = arith.addi %get3A_191, %get3A_191 : vector<16xi32>
        %add3A_193 = vector.broadcast %arg0 : i32 to vector<16xi32>
        %add3A_194 = arith.addi %add3A_192, %add3A_193 : vector<16xi32>
        %swap3A_195 = arith.constant 16 : index
        %swap3A_196 = tpu.vector_load %arg10[%swap3A_195] {strides = array<i32>} : memref<80xi32, #tpu.memory_space<vmem>>, vector<16xi32>,
        %swap3A_197 = vector.shape_cast %swap3A_196 : vector<16xi32> to vector<16xi32>
        %swap3A_198 = vector.shape_cast %add3A_194 : vector<16xi32> to vector<16xi32>
        tpu.vector_store %arg10[%swap3A_195], %swap3A_198 {strides = array<i32>} : memref<80xi32, #tpu.memory_space<vmem>>, vector<16xi32>,
        %mul3A_199 = arith.constant 80 : i32
        %mul3A_200 = arith.muli %add3A_170, %mul3A_199 : i32
        %add3A_201 = arith.constant 32 : i32
        %add3A_202 = arith.addi %mul3A_200, %add3A_201 : i32
        %get3A_203 = arith.index_cast %add3A_202 : i32 to index
        %get3A_204 = tpu.vector_load %arg7[%get3A_203] {strides = array<i32>} : memref<10000xi32, #tpu.memory_space<vmem>>, vector<16xi32>,
        %get3A_205 = vector.shape_cast %get3A_204 : vector<16xi32> to vector<16xi32>
        %add3A_206 = arith.addi %get3A_205, %get3A_205 : vector<16xi32>
        %add3A_207 = vector.broadcast %arg0 : i32 to vector<16xi32>
        %add3A_208 = arith.addi %add3A_206, %add3A_207 : vector<16xi32>
        %swap3A_209 = arith.constant 32 : index
        %swap3A_210 = tpu.vector_load %arg10[%swap3A_209] {strides = array<i32>} : memref<80xi32, #tpu.memory_space<vmem>>, vector<16xi32>,
        %swap3A_211 = vector.shape_cast %swap3A_210 : vector<16xi32> to vector<16xi32>
        %swap3A_212 = vector.shape_cast %add3A_208 : vector<16xi32> to vector<16xi32>
        tpu.vector_store %arg10[%swap3A_209], %swap3A_212 {strides = array<i32>} : memref<80xi32, #tpu.memory_space<vmem>>, vector<16xi32>,
        %mul3A_213 = arith.constant 80 : i32
        %mul3A_214 = arith.muli %add3A_170, %mul3A_213 : i32
        %add3A_215 = arith.constant 48 : i32
        %add3A_216 = arith.addi %mul3A_214, %add3A_215 : i32
        %get3A_217 = arith.index_cast %add3A_216 : i32 to index
        %get3A_218 = tpu.vector_load %arg7[%get3A_217] {strides = array<i32>} : memref<10000xi32, #tpu.memory_space<vmem>>, vector<16xi32>,
        %get3A_219 = vector.shape_cast %get3A_218 : vector<16xi32> to vector<16xi32>
        %add3A_220 = arith.addi %get3A_219, %get3A_219 : vector<16xi32>
        %add3A_221 = vector.broadcast %arg0 : i32 to vector<16xi32>
        %add3A_222 = arith.addi %add3A_220, %add3A_221 : vector<16xi32>
        %swap3A_223 = arith.constant 48 : index
        %swap3A_224 = tpu.vector_load %arg10[%swap3A_223] {strides = array<i32>} : memref<80xi32, #tpu.memory_space<vmem>>, vector<16xi32>,
        %swap3A_225 = vector.shape_cast %swap3A_224 : vector<16xi32> to vector<16xi32>
        %swap3A_226 = vector.shape_cast %add3A_222 : vector<16xi32> to vector<16xi32>
        tpu.vector_store %arg10[%swap3A_223], %swap3A_226 {strides = array<i32>} : memref<80xi32, #tpu.memory_space<vmem>>, vector<16xi32>,
        %mul3A_227 = arith.constant 80 : i32
        %mul3A_228 = arith.muli %add3A_170, %mul3A_227 : i32
        %add3A_229 = arith.constant 64 : i32
        %add3A_230 = arith.addi %mul3A_228, %add3A_229 : i32
        %get3A_231 = arith.index_cast %add3A_230 : i32 to index
        %get3A_232 = tpu.vector_load %arg7[%get3A_231] {strides = array<i32>} : memref<10000xi32, #tpu.memory_space<vmem>>, vector<16xi32>,
        %get3A_233 = vector.shape_cast %get3A_232 : vector<16xi32> to vector<16xi32>
        %add3A_234 = arith.addi %get3A_233, %get3A_233 : vector<16xi32>
        %add3A_235 = vector.broadcast %arg0 : i32 to vector<16xi32>
        %add3A_236 = arith.addi %add3A_234, %add3A_235 : vector<16xi32>
        %swap3A_237 = arith.constant 64 : index
        %swap3A_238 = tpu.vector_load %arg10[%swap3A_237] {strides = array<i32>} : memref<80xi32, #tpu.memory_space<vmem>>, vector<16xi32>,
        %swap3A_239 = vector.shape_cast %swap3A_238 : vector<16xi32> to vector<16xi32>
        %swap3A_240 = vector.shape_cast %add3A_236 : vector<16xi32> to vector<16xi32>
        tpu.vector_store %arg10[%swap3A_237], %swap3A_240 {strides = array<i32>} : memref<80xi32, #tpu.memory_space<vmem>>, vector<16xi32>,
        %dma_start3A_241 = arith.constant 0 : i32
        %dma_start3A_242 = arith.constant 0 : i32
        %dma_start3A_243 = tpu.memref_slice %arg2[%dma_start3A_241, %dma_start3A_242] : memref<20000x128xf32, #tpu.memory_space<hbm>> -> memref<20000x128xf32, #tpu.memory_space<hbm>>
        tpu.enqueue_indirect_dma source(%dma_start3A_243 : memref<20000x128xf32, #tpu.memory_space<hbm>>) target(%arg12 : memref<80x128xf32, #tpu.memory_space<vmem>>) offsets(%arg10 : memref<80xi32, #tpu.memory_space<vmem>>) semaphore(%arg14 : memref<!tpu.dma_semaphore, #tpu.memory_space<semaphore_mem>>)
      } else {
      }
      %mul3A_155 = arith.constant 2 : i32
      %mul3A_156 = arith.muli %scan3A_143, %mul3A_155 : i32
      %add3A_157 = arith.constant 1 : i32
      %add3A_158 = arith.addi %mul3A_156, %add3A_157 : i32
      %dma_wait3A_159 = arith.constant 0 : i32
      %dma_wait3A_160 = arith.constant 0 : i32
      %dma_wait3A_161 = tpu.memref_slice %arg2[%dma_wait3A_159, %dma_wait3A_160] : memref<20000x128xf32, #tpu.memory_space<hbm>> -> memref<20000x128xf32, #tpu.memory_space<hbm>>
      tpu.wait_indirect_dma semaphore(%arg15 : memref<!tpu.dma_semaphore, #tpu.memory_space<semaphore_mem>>) src(%dma_wait3A_161 : memref<20000x128xf32, #tpu.memory_space<hbm>>) dst(%arg13 : memref<80x128xf32, #tpu.memory_space<vmem>>)
      "tpu.region"() ({
        %run_scoped3A_169 = tpu.sem_alloc : memref<!tpu.dma_semaphore, #tpu.memory_space<semaphore_mem>>
        %dma_start3A_170 = arith.constant 0 : i32
        %dma_start3A_171 = tpu.memref_slice %arg8[%add3A_158, %dma_start3A_170] : memref<125x80xi32, #tpu.memory_space<vmem>> -> memref<1x80xi32, #tpu.memory_space<vmem>>
        %dma_start3A_172 = tpu.memref_squeeze %dma_start3A_171 : memref<1x80xi32, #tpu.memory_space<vmem>> -> memref<80xi32, #tpu.memory_space<vmem>>
        %dma_start3A_173 = arith.constant 0 : i32
        %dma_start3A_174 = arith.constant 0 : i32
        %dma_start3A_175 = tpu.memref_slice %arg9[%dma_start3A_173, %dma_start3A_174] : memref<10240x128xf32, #tpu.memory_space<vmem_shared>> -> memref<10240x128xf32, #tpu.memory_space<vmem_shared>>
        tpu.enqueue_indirect_dma source(%arg13 : memref<80x128xf32, #tpu.memory_space<vmem>>) target(%dma_start3A_175 : memref<10240x128xf32, #tpu.memory_space<vmem_shared>>) offsets(%dma_start3A_172 : memref<80xi32, #tpu.memory_space<vmem>>) semaphore(%run_scoped3A_169 : memref<!tpu.dma_semaphore, #tpu.memory_space<semaphore_mem>>) {add = true}
        %dma_wait3A_176 = arith.constant 0 : i32
        %dma_wait3A_177 = tpu.memref_slice %arg8[%add3A_158, %dma_wait3A_176] : memref<125x80xi32, #tpu.memory_space<vmem>> -> memref<1x80xi32, #tpu.memory_space<vmem>>
        %dma_wait3A_178 = tpu.memref_squeeze %dma_wait3A_177 : memref<1x80xi32, #tpu.memory_space<vmem>> -> memref<80xi32, #tpu.memory_space<vmem>>
        %dma_wait3A_179 = arith.constant 0 : i32
        %dma_wait3A_180 = arith.constant 0 : i32
        %dma_wait3A_181 = tpu.memref_slice %arg9[%dma_wait3A_179, %dma_wait3A_180] : memref<10240x128xf32, #tpu.memory_space<vmem_shared>> -> memref<10240x128xf32, #tpu.memory_space<vmem_shared>>
        tpu.wait_indirect_dma semaphore(%run_scoped3A_169 : memref<!tpu.dma_semaphore, #tpu.memory_space<semaphore_mem>>) src(%arg13 : memref<80x128xf32, #tpu.memory_space<vmem>>) dst(%dma_wait3A_181 : memref<10240x128xf32, #tpu.memory_space<vmem_shared>>)
        tpu.yield
      }) : () -> ()
      %add3A_162 = arith.constant 2 : i32
      %add3A_163 = arith.addi %add3A_158, %add3A_162 : i32
      %lt3A_164 = arith.constant 125 : i32
      %lt3A_165 = arith.cmpi slt, %add3A_163, %lt3A_164 : i32
      %convert_element_type3A_166 = arith.extui %lt3A_165 : i1 to i32
      %cond3A_167 = arith.constant 0 : i32
      %cond3A_168 = arith.cmpi ne, %convert_element_type3A_166, %cond3A_167 : i32
      scf.if %cond3A_168 {
        %add3A_169 = arith.constant 2 : i32
        %add3A_170 = arith.addi %add3A_158, %add3A_169 : i32
        %mul3A_171 = arith.constant 80 : i32
        %mul3A_172 = arith.muli %add3A_170, %mul3A_171 : i32
        %add3A_173 = arith.constant 0 : i32
        %add3A_174 = arith.addi %mul3A_172, %add3A_173 : i32
        %get3A_175 = arith.index_cast %add3A_174 : i32 to index
        %get3A_176 = tpu.vector_load %arg7[%get3A_175] {strides = array<i32>} : memref<10000xi32, #tpu.memory_space<vmem>>, vector<16xi32>,
        %get3A_177 = vector.shape_cast %get3A_176 : vector<16xi32> to vector<16xi32>
        %add3A_178 = arith.addi %get3A_177, %get3A_177 : vector<16xi32>
        %add3A_179 = vector.broadcast %arg0 : i32 to vector<16xi32>
        %add3A_180 = arith.addi %add3A_178, %add3A_179 : vector<16xi32>
        %swap3A_181 = arith.constant 0 : index
        %swap3A_182 = tpu.vector_load %arg11[%swap3A_181] {strides = array<i32>} : memref<80xi32, #tpu.memory_space<vmem>>, vector<16xi32>,
        %swap3A_183 = vector.shape_cast %swap3A_182 : vector<16xi32> to vector<16xi32>
        %swap3A_184 = vector.shape_cast %add3A_180 : vector<16xi32> to vector<16xi32>
        tpu.vector_store %arg11[%swap3A_181], %swap3A_184 {strides = array<i32>} : memref<80xi32, #tpu.memory_space<vmem>>, vector<16xi32>,
        %mul3A_185 = arith.constant 80 : i32
        %mul3A_186 = arith.muli %add3A_170, %mul3A_185 : i32
        %add3A_187 = arith.constant 16 : i32
        %add3A_188 = arith.addi %mul3A_186, %add3A_187 : i32
        %get3A_189 = arith.index_cast %add3A_188 : i32 to index
        %get3A_190 = tpu.vector_load %arg7[%get3A_189] {strides = array<i32>} : memref<10000xi32, #tpu.memory_space<vmem>>, vector<16xi32>,
        %get3A_191 = vector.shape_cast %get3A_190 : vector<16xi32> to vector<16xi32>
        %add3A_192 = arith.addi %get3A_191, %get3A_191 : vector<16xi32>
        %add3A_193 = vector.broadcast %arg0 : i32 to vector<16xi32>
        %add3A_194 = arith.addi %add3A_192, %add3A_193 : vector<16xi32>
        %swap3A_195 = arith.constant 16 : index
        %swap3A_196 = tpu.vector_load %arg11[%swap3A_195] {strides = array<i32>} : memref<80xi32, #tpu.memory_space<vmem>>, vector<16xi32>,
        %swap3A_197 = vector.shape_cast %swap3A_196 : vector<16xi32> to vector<16xi32>
        %swap3A_198 = vector.shape_cast %add3A_194 : vector<16xi32> to vector<16xi32>
        tpu.vector_store %arg11[%swap3A_195], %swap3A_198 {strides = array<i32>} : memref<80xi32, #tpu.memory_space<vmem>>, vector<16xi32>,
        %mul3A_199 = arith.constant 80 : i32
        %mul3A_200 = arith.muli %add3A_170, %mul3A_199 : i32
        %add3A_201 = arith.constant 32 : i32
        %add3A_202 = arith.addi %mul3A_200, %add3A_201 : i32
        %get3A_203 = arith.index_cast %add3A_202 : i32 to index
        %get3A_204 = tpu.vector_load %arg7[%get3A_203] {strides = array<i32>} : memref<10000xi32, #tpu.memory_space<vmem>>, vector<16xi32>,
        %get3A_205 = vector.shape_cast %get3A_204 : vector<16xi32> to vector<16xi32>
        %add3A_206 = arith.addi %get3A_205, %get3A_205 : vector<16xi32>
        %add3A_207 = vector.broadcast %arg0 : i32 to vector<16xi32>
        %add3A_208 = arith.addi %add3A_206, %add3A_207 : vector<16xi32>
        %swap3A_209 = arith.constant 32 : index
        %swap3A_210 = tpu.vector_load %arg11[%swap3A_209] {strides = array<i32>} : memref<80xi32, #tpu.memory_space<vmem>>, vector<16xi32>,
        %swap3A_211 = vector.shape_cast %swap3A_210 : vector<16xi32> to vector<16xi32>
        %swap3A_212 = vector.shape_cast %add3A_208 : vector<16xi32> to vector<16xi32>
        tpu.vector_store %arg11[%swap3A_209], %swap3A_212 {strides = array<i32>} : memref<80xi32, #tpu.memory_space<vmem>>, vector<16xi32>,
        %mul3A_213 = arith.constant 80 : i32
        %mul3A_214 = arith.muli %add3A_170, %mul3A_213 : i32
        %add3A_215 = arith.constant 48 : i32
        %add3A_216 = arith.addi %mul3A_214, %add3A_215 : i32
        %get3A_217 = arith.index_cast %add3A_216 : i32 to index
        %get3A_218 = tpu.vector_load %arg7[%get3A_217] {strides = array<i32>} : memref<10000xi32, #tpu.memory_space<vmem>>, vector<16xi32>,
        %get3A_219 = vector.shape_cast %get3A_218 : vector<16xi32> to vector<16xi32>
        %add3A_220 = arith.addi %get3A_219, %get3A_219 : vector<16xi32>
        %add3A_221 = vector.broadcast %arg0 : i32 to vector<16xi32>
        %add3A_222 = arith.addi %add3A_220, %add3A_221 : vector<16xi32>
        %swap3A_223 = arith.constant 48 : index
        %swap3A_224 = tpu.vector_load %arg11[%swap3A_223] {strides = array<i32>} : memref<80xi32, #tpu.memory_space<vmem>>, vector<16xi32>,
        %swap3A_225 = vector.shape_cast %swap3A_224 : vector<16xi32> to vector<16xi32>
        %swap3A_226 = vector.shape_cast %add3A_222 : vector<16xi32> to vector<16xi32>
        tpu.vector_store %arg11[%swap3A_223], %swap3A_226 {strides = array<i32>} : memref<80xi32, #tpu.memory_space<vmem>>, vector<16xi32>,
        %mul3A_227 = arith.constant 80 : i32
        %mul3A_228 = arith.muli %add3A_170, %mul3A_227 : i32
        %add3A_229 = arith.constant 64 : i32
        %add3A_230 = arith.addi %mul3A_228, %add3A_229 : i32
        %get3A_231 = arith.index_cast %add3A_230 : i32 to index
        %get3A_232 = tpu.vector_load %arg7[%get3A_231] {strides = array<i32>} : memref<10000xi32, #tpu.memory_space<vmem>>, vector<16xi32>,
        %get3A_233 = vector.shape_cast %get3A_232 : vector<16xi32> to vector<16xi32>
        %add3A_234 = arith.addi %get3A_233, %get3A_233 : vector<16xi32>
        %add3A_235 = vector.broadcast %arg0 : i32 to vector<16xi32>
        %add3A_236 = arith.addi %add3A_234, %add3A_235 : vector<16xi32>
        %swap3A_237 = arith.constant 64 : index
        %swap3A_238 = tpu.vector_load %arg11[%swap3A_237] {strides = array<i32>} : memref<80xi32, #tpu.memory_space<vmem>>, vector<16xi32>,
        %swap3A_239 = vector.shape_cast %swap3A_238 : vector<16xi32> to vector<16xi32>
        %swap3A_240 = vector.shape_cast %add3A_236 : vector<16xi32> to vector<16xi32>
        tpu.vector_store %arg11[%swap3A_237], %swap3A_240 {strides = array<i32>} : memref<80xi32, #tpu.memory_space<vmem>>, vector<16xi32>,
        %dma_start3A_241 = arith.constant 0 : i32
        %dma_start3A_242 = arith.constant 0 : i32
        %dma_start3A_243 = tpu.memref_slice %arg2[%dma_start3A_241, %dma_start3A_242] : memref<20000x128xf32, #tpu.memory_space<hbm>> -> memref<20000x128xf32, #tpu.memory_space<hbm>>
        tpu.enqueue_indirect_dma source(%dma_start3A_243 : memref<20000x128xf32, #tpu.memory_space<hbm>>) target(%arg13 : memref<80x128xf32, #tpu.memory_space<vmem>>) offsets(%arg11 : memref<80xi32, #tpu.memory_space<vmem>>) semaphore(%arg15 : memref<!tpu.dma_semaphore, #tpu.memory_space<semaphore_mem>>)
      } else {
      }
    }
    %scan3A_123 = arith.constant 62 : i32
    %dma_wait3A = arith.constant 0 : i32
    %dma_wait3A_124 = arith.constant 0 : i32
    %dma_wait3A_125 = tpu.memref_slice %arg2[%dma_wait3A, %dma_wait3A_124] : memref<20000x128xf32, #tpu.memory_space<hbm>> -> memref<20000x128xf32, #tpu.memory_space<hbm>>
    tpu.wait_indirect_dma semaphore(%arg14 : memref<!tpu.dma_semaphore, #tpu.memory_space<semaphore_mem>>) src(%dma_wait3A_125 : memref<20000x128xf32, #tpu.memory_space<hbm>>) dst(%arg12 : memref<80x128xf32, #tpu.memory_space<vmem>>)
    %run_scoped3A = arith.constant 124 : i32
    "tpu.region"() ({
      %run_scoped3A_143 = tpu.sem_alloc : memref<!tpu.dma_semaphore, #tpu.memory_space<semaphore_mem>>
      %dma_start3A_144 = arith.constant 0 : i32
      %dma_start3A_145 = tpu.memref_slice %arg8[%run_scoped3A, %dma_start3A_144] : memref<125x80xi32, #tpu.memory_space<vmem>> -> memref<1x80xi32, #tpu.memory_space<vmem>>
      %dma_start3A_146 = tpu.memref_squeeze %dma_start3A_145 : memref<1x80xi32, #tpu.memory_space<vmem>> -> memref<80xi32, #tpu.memory_space<vmem>>
      %dma_start3A_147 = arith.constant 0 : i32
      %dma_start3A_148 = arith.constant 0 : i32
      %dma_start3A_149 = tpu.memref_slice %arg9[%dma_start3A_147, %dma_start3A_148] : memref<10240x128xf32, #tpu.memory_space<vmem_shared>> -> memref<10240x128xf32, #tpu.memory_space<vmem_shared>>
      tpu.enqueue_indirect_dma source(%arg12 : memref<80x128xf32, #tpu.memory_space<vmem>>) target(%dma_start3A_149 : memref<10240x128xf32, #tpu.memory_space<vmem_shared>>) offsets(%dma_start3A_146 : memref<80xi32, #tpu.memory_space<vmem>>) semaphore(%run_scoped3A_143 : memref<!tpu.dma_semaphore, #tpu.memory_space<semaphore_mem>>) {add = true}
      %dma_wait3A_150 = arith.constant 0 : i32
      %dma_wait3A_151 = tpu.memref_slice %arg8[%run_scoped3A, %dma_wait3A_150] : memref<125x80xi32, #tpu.memory_space<vmem>> -> memref<1x80xi32, #tpu.memory_space<vmem>>
      %dma_wait3A_152 = tpu.memref_squeeze %dma_wait3A_151 : memref<1x80xi32, #tpu.memory_space<vmem>> -> memref<80xi32, #tpu.memory_space<vmem>>
      %dma_wait3A_153 = arith.constant 0 : i32
      %dma_wait3A_154 = arith.constant 0 : i32
      %dma_wait3A_155 = tpu.memref_slice %arg9[%dma_wait3A_153, %dma_wait3A_154] : memref<10240x128xf32, #tpu.memory_space<vmem_shared>> -> memref<10240x128xf32, #tpu.memory_space<vmem_shared>>
      tpu.wait_indirect_dma semaphore(%run_scoped3A_143 : memref<!tpu.dma_semaphore, #tpu.memory_space<semaphore_mem>>) src(%arg12 : memref<80x128xf32, #tpu.memory_space<vmem>>) dst(%dma_wait3A_155 : memref<10240x128xf32, #tpu.memory_space<vmem_shared>>)
      tpu.yield
    }) : () -> ()
    %barrier3A_126 = arith.constant 0 : index
    tpu.barrier barrier_id(%barrier3A_126)
    %add3A_127 = arith.constant 0 : i32
    %add3A_128 = arith.addi %mul3A_0, %add3A_127 : i32
    "tpu.region"() ({
      %run_scoped3A_143 = tpu.sem_alloc : memref<!tpu.dma_semaphore, #tpu.memory_space<semaphore_mem>>
      %dma_start3A_144 = arith.constant 0 : i32
      %dma_start3A_145 = tpu.memref_slice %arg9[%add3A_128, %dma_start3A_144] : memref<10240x128xf32, #tpu.memory_space<vmem_shared>> -> memref<80x128xf32, #tpu.memory_space<vmem_shared>>
      %dma_start3A_146 = arith.constant 0 : i32
      %dma_start3A_147 = tpu.memref_slice %arg9[%add3A_128, %dma_start3A_146] : memref<10240x128xf32, #tpu.memory_space<vmem_shared>> -> memref<80x128xf32, #tpu.memory_space<vmem_shared>>
      tpu.enqueue_dma source(%dma_start3A_147 : memref<80x128xf32, #tpu.memory_space<vmem_shared>>) target(%arg12 : memref<80x128xf32, #tpu.memory_space<vmem>>) target_semaphore(%run_scoped3A_143 : memref<!tpu.dma_semaphore, #tpu.memory_space<semaphore_mem>>)
      %dma_wait3A_148 = arith.constant 0 : i32
      %dma_wait3A_149 = tpu.memref_slice %arg9[%add3A_128, %dma_wait3A_148] : memref<10240x128xf32, #tpu.memory_space<vmem_shared>> -> memref<80x128xf32, #tpu.memory_space<vmem_shared>>
      %dma_wait3A_150 = arith.constant 0 : i32
      %dma_wait3A_151 = tpu.memref_slice %arg9[%add3A_128, %dma_wait3A_150] : memref<10240x128xf32, #tpu.memory_space<vmem_shared>> -> memref<80x128xf32, #tpu.memory_space<vmem_shared>>
      tpu.wait_dma2 semaphore(%run_scoped3A_143 : memref<!tpu.dma_semaphore, #tpu.memory_space<semaphore_mem>>) src(%dma_wait3A_151 : memref<80x128xf32, #tpu.memory_space<vmem_shared>>) dst(%arg12 : memref<80x128xf32, #tpu.memory_space<vmem>>)
      tpu.yield
    }) : () -> ()
    "tpu.region"() ({
      %run_scoped3A_143 = tpu.sem_alloc : memref<!tpu.dma_semaphore, #tpu.memory_space<semaphore_mem>>
      %dma_start3A_144 = arith.constant 0 : i32
      %dma_start3A_145 = arith.constant 0 : i32
      %dma_start3A_146 = tpu.memref_slice %arg6[%arg0, %dma_start3A_144, %dma_start3A_145] : memref<2x10240x128xf32, #tpu.memory_space<hbm>> -> memref<1x10240x128xf32, #tpu.memory_space<hbm>>
      %dma_start3A_147 = tpu.memref_squeeze %dma_start3A_146 : memref<1x10240x128xf32, #tpu.memory_space<hbm>> -> memref<10240x128xf32, #tpu.memory_space<hbm>>
      %dma_start3A_148 = arith.constant 0 : i32
      %dma_start3A_149 = tpu.memref_slice %dma_start3A_147[%add3A_128, %dma_start3A_148] : memref<10240x128xf32, #tpu.memory_space<hbm>> -> memref<80x128xf32, #tpu.memory_space<hbm>>
      %dma_start3A_150 = arith.constant 0 : i32
      %dma_start3A_151 = arith.constant 0 : i32
      %dma_start3A_152 = tpu.memref_slice %arg6[%arg0, %dma_start3A_150, %dma_start3A_151] : memref<2x10240x128xf32, #tpu.memory_space<hbm>> -> memref<1x10240x128xf32, #tpu.memory_space<hbm>>
      %dma_start3A_153 = tpu.memref_squeeze %dma_start3A_152 : memref<1x10240x128xf32, #tpu.memory_space<hbm>> -> memref<10240x128xf32, #tpu.memory_space<hbm>>
      %dma_start3A_154 = arith.constant 0 : i32
      %dma_start3A_155 = tpu.memref_slice %dma_start3A_153[%add3A_128, %dma_start3A_154] : memref<10240x128xf32, #tpu.memory_space<hbm>> -> memref<80x128xf32, #tpu.memory_space<hbm>>
      tpu.enqueue_dma source(%arg12 : memref<80x128xf32, #tpu.memory_space<vmem>>) target(%dma_start3A_155 : memref<80x128xf32, #tpu.memory_space<hbm>>) target_semaphore(%run_scoped3A_143 : memref<!tpu.dma_semaphore, #tpu.memory_space<semaphore_mem>>)
      %dma_wait3A_156 = arith.constant 0 : i32
      %dma_wait3A_157 = arith.constant 0 : i32
      %dma_wait3A_158 = tpu.memref_slice %arg6[%arg0, %dma_wait3A_156, %dma_wait3A_157] : memref<2x10240x128xf32, #tpu.memory_space<hbm>> -> memref<1x10240x128xf32, #tpu.memory_space<hbm>>
      %dma_wait3A_159 = tpu.memref_squeeze %dma_wait3A_158 : memref<1x10240x128xf32, #tpu.memory_space<hbm>> -> memref<10240x128xf32, #tpu.memory_space<hbm>>
      %dma_wait3A_160 = arith.constant 0 : i32
      %dma_wait3A_161 = tpu.memref_slice %dma_wait3A_159[%add3A_128, %dma_wait3A_160] : memref<10240x128xf32, #tpu.memory_space<hbm>> -> memref<80x128xf32, #tpu.memory_space<hbm>>
      %dma_wait3A_162 = arith.constant 0 : i32
      %dma_wait3A_163 = arith.constant 0 : i32
      %dma_wait3A_164 = tpu.memref_slice %arg6[%arg0, %dma_wait3A_162, %dma_wait3A_163] : memref<2x10240x128xf32, #tpu.memory_space<hbm>> -> memref<1x10240x128xf32, #tpu.memory_space<hbm>>
      %dma_wait3A_165 = tpu.memref_squeeze %dma_wait3A_164 : memref<1x10240x128xf32, #tpu.memory_space<hbm>> -> memref<10240x128xf32, #tpu.memory_space<hbm>>
      %dma_wait3A_166 = arith.constant 0 : i32
      %dma_wait3A_167 = tpu.memref_slice %dma_wait3A_165[%add3A_128, %dma_wait3A_166] : memref<10240x128xf32, #tpu.memory_space<hbm>> -> memref<80x128xf32, #tpu.memory_space<hbm>>
      tpu.wait_dma2 semaphore(%run_scoped3A_143 : memref<!tpu.dma_semaphore, #tpu.memory_space<semaphore_mem>>) src(%arg12 : memref<80x128xf32, #tpu.memory_space<vmem>>) dst(%dma_wait3A_167 : memref<80x128xf32, #tpu.memory_space<hbm>>)
      tpu.yield
    }) : () -> ()
    %add3A_129 = arith.constant 80 : i32
    %add3A_130 = arith.addi %mul3A_0, %add3A_129 : i32
    "tpu.region"() ({
      %run_scoped3A_143 = tpu.sem_alloc : memref<!tpu.dma_semaphore, #tpu.memory_space<semaphore_mem>>
      %dma_start3A_144 = arith.constant 0 : i32
      %dma_start3A_145 = tpu.memref_slice %arg9[%add3A_130, %dma_start3A_144] : memref<10240x128xf32, #tpu.memory_space<vmem_shared>> -> memref<80x128xf32, #tpu.memory_space<vmem_shared>>
      %dma_start3A_146 = arith.constant 0 : i32
      %dma_start3A_147 = tpu.memref_slice %arg9[%add3A_130, %dma_start3A_146] : memref<10240x128xf32, #tpu.memory_space<vmem_shared>> -> memref<80x128xf32, #tpu.memory_space<vmem_shared>>
      tpu.enqueue_dma source(%dma_start3A_147 : memref<80x128xf32, #tpu.memory_space<vmem_shared>>) target(%arg12 : memref<80x128xf32, #tpu.memory_space<vmem>>) target_semaphore(%run_scoped3A_143 : memref<!tpu.dma_semaphore, #tpu.memory_space<semaphore_mem>>)
      %dma_wait3A_148 = arith.constant 0 : i32
      %dma_wait3A_149 = tpu.memref_slice %arg9[%add3A_130, %dma_wait3A_148] : memref<10240x128xf32, #tpu.memory_space<vmem_shared>> -> memref<80x128xf32, #tpu.memory_space<vmem_shared>>
      %dma_wait3A_150 = arith.constant 0 : i32
      %dma_wait3A_151 = tpu.memref_slice %arg9[%add3A_130, %dma_wait3A_150] : memref<10240x128xf32, #tpu.memory_space<vmem_shared>> -> memref<80x128xf32, #tpu.memory_space<vmem_shared>>
      tpu.wait_dma2 semaphore(%run_scoped3A_143 : memref<!tpu.dma_semaphore, #tpu.memory_space<semaphore_mem>>) src(%dma_wait3A_151 : memref<80x128xf32, #tpu.memory_space<vmem_shared>>) dst(%arg12 : memref<80x128xf32, #tpu.memory_space<vmem>>)
      tpu.yield
    }) : () -> ()
    "tpu.region"() ({
      %run_scoped3A_143 = tpu.sem_alloc : memref<!tpu.dma_semaphore, #tpu.memory_space<semaphore_mem>>
      %dma_start3A_144 = arith.constant 0 : i32
      %dma_start3A_145 = arith.constant 0 : i32
      %dma_start3A_146 = tpu.memref_slice %arg6[%arg0, %dma_start3A_144, %dma_start3A_145] : memref<2x10240x128xf32, #tpu.memory_space<hbm>> -> memref<1x10240x128xf32, #tpu.memory_space<hbm>>
      %dma_start3A_147 = tpu.memref_squeeze %dma_start3A_146 : memref<1x10240x128xf32, #tpu.memory_space<hbm>> -> memref<10240x128xf32, #tpu.memory_space<hbm>>
      %dma_start3A_148 = arith.constant 0 : i32
      %dma_start3A_149 = tpu.memref_slice %dma_start3A_147[%add3A_130, %dma_start3A_148] : memref<10240x128xf32, #tpu.memory_space<hbm>> -> memref<80x128xf32, #tpu.memory_space<hbm>>
      %dma_start3A_150 = arith.constant 0 : i32
      %dma_start3A_151 = arith.constant 0 : i32
      %dma_start3A_152 = tpu.memref_slice %arg6[%arg0, %dma_start3A_150, %dma_start3A_151] : memref<2x10240x128xf32, #tpu.memory_space<hbm>> -> memref<1x10240x128xf32, #tpu.memory_space<hbm>>
      %dma_start3A_153 = tpu.memref_squeeze %dma_start3A_152 : memref<1x10240x128xf32, #tpu.memory_space<hbm>> -> memref<10240x128xf32, #tpu.memory_space<hbm>>
      %dma_start3A_154 = arith.constant 0 : i32
      %dma_start3A_155 = tpu.memref_slice %dma_start3A_153[%add3A_130, %dma_start3A_154] : memref<10240x128xf32, #tpu.memory_space<hbm>> -> memref<80x128xf32, #tpu.memory_space<hbm>>
      tpu.enqueue_dma source(%arg12 : memref<80x128xf32, #tpu.memory_space<vmem>>) target(%dma_start3A_155 : memref<80x128xf32, #tpu.memory_space<hbm>>) target_semaphore(%run_scoped3A_143 : memref<!tpu.dma_semaphore, #tpu.memory_space<semaphore_mem>>)
      %dma_wait3A_156 = arith.constant 0 : i32
      %dma_wait3A_157 = arith.constant 0 : i32
      %dma_wait3A_158 = tpu.memref_slice %arg6[%arg0, %dma_wait3A_156, %dma_wait3A_157] : memref<2x10240x128xf32, #tpu.memory_space<hbm>> -> memref<1x10240x128xf32, #tpu.memory_space<hbm>>
      %dma_wait3A_159 = tpu.memref_squeeze %dma_wait3A_158 : memref<1x10240x128xf32, #tpu.memory_space<hbm>> -> memref<10240x128xf32, #tpu.memory_space<hbm>>
      %dma_wait3A_160 = arith.constant 0 : i32
      %dma_wait3A_161 = tpu.memref_slice %dma_wait3A_159[%add3A_130, %dma_wait3A_160] : memref<10240x128xf32, #tpu.memory_space<hbm>> -> memref<80x128xf32, #tpu.memory_space<hbm>>
      %dma_wait3A_162 = arith.constant 0 : i32
      %dma_wait3A_163 = arith.constant 0 : i32
      %dma_wait3A_164 = tpu.memref_slice %arg6[%arg0, %dma_wait3A_162, %dma_wait3A_163] : memref<2x10240x128xf32, #tpu.memory_space<hbm>> -> memref<1x10240x128xf32, #tpu.memory_space<hbm>>
      %dma_wait3A_165 = tpu.memref_squeeze %dma_wait3A_164 : memref<1x10240x128xf32, #tpu.memory_space<hbm>> -> memref<10240x128xf32, #tpu.memory_space<hbm>>
      %dma_wait3A_166 = arith.constant 0 : i32
      %dma_wait3A_167 = tpu.memref_slice %dma_wait3A_165[%add3A_130, %dma_wait3A_166] : memref<10240x128xf32, #tpu.memory_space<hbm>> -> memref<80x128xf32, #tpu.memory_space<hbm>>
      tpu.wait_dma2 semaphore(%run_scoped3A_143 : memref<!tpu.dma_semaphore, #tpu.memory_space<semaphore_mem>>) src(%arg12 : memref<80x128xf32, #tpu.memory_space<vmem>>) dst(%dma_wait3A_167 : memref<80x128xf32, #tpu.memory_space<hbm>>)
      tpu.yield
    }) : () -> ()
    %add3A_131 = arith.constant 160 : i32
    %add3A_132 = arith.addi %mul3A_0, %add3A_131 : i32
    "tpu.region"() ({
      %run_scoped3A_143 = tpu.sem_alloc : memref<!tpu.dma_semaphore, #tpu.memory_space<semaphore_mem>>
      %dma_start3A_144 = arith.constant 0 : i32
      %dma_start3A_145 = tpu.memref_slice %arg9[%add3A_132, %dma_start3A_144] : memref<10240x128xf32, #tpu.memory_space<vmem_shared>> -> memref<80x128xf32, #tpu.memory_space<vmem_shared>>
      %dma_start3A_146 = arith.constant 0 : i32
      %dma_start3A_147 = tpu.memref_slice %arg9[%add3A_132, %dma_start3A_146] : memref<10240x128xf32, #tpu.memory_space<vmem_shared>> -> memref<80x128xf32, #tpu.memory_space<vmem_shared>>
      tpu.enqueue_dma source(%dma_start3A_147 : memref<80x128xf32, #tpu.memory_space<vmem_shared>>) target(%arg12 : memref<80x128xf32, #tpu.memory_space<vmem>>) target_semaphore(%run_scoped3A_143 : memref<!tpu.dma_semaphore, #tpu.memory_space<semaphore_mem>>)
      %dma_wait3A_148 = arith.constant 0 : i32
      %dma_wait3A_149 = tpu.memref_slice %arg9[%add3A_132, %dma_wait3A_148] : memref<10240x128xf32, #tpu.memory_space<vmem_shared>> -> memref<80x128xf32, #tpu.memory_space<vmem_shared>>
      %dma_wait3A_150 = arith.constant 0 : i32
      %dma_wait3A_151 = tpu.memref_slice %arg9[%add3A_132, %dma_wait3A_150] : memref<10240x128xf32, #tpu.memory_space<vmem_shared>> -> memref<80x128xf32, #tpu.memory_space<vmem_shared>>
      tpu.wait_dma2 semaphore(%run_scoped3A_143 : memref<!tpu.dma_semaphore, #tpu.memory_space<semaphore_mem>>) src(%dma_wait3A_151 : memref<80x128xf32, #tpu.memory_space<vmem_shared>>) dst(%arg12 : memref<80x128xf32, #tpu.memory_space<vmem>>)
      tpu.yield
    }) : () -> ()
    "tpu.region"() ({
      %run_scoped3A_143 = tpu.sem_alloc : memref<!tpu.dma_semaphore, #tpu.memory_space<semaphore_mem>>
      %dma_start3A_144 = arith.constant 0 : i32
      %dma_start3A_145 = arith.constant 0 : i32
      %dma_start3A_146 = tpu.memref_slice %arg6[%arg0, %dma_start3A_144, %dma_start3A_145] : memref<2x10240x128xf32, #tpu.memory_space<hbm>> -> memref<1x10240x128xf32, #tpu.memory_space<hbm>>
      %dma_start3A_147 = tpu.memref_squeeze %dma_start3A_146 : memref<1x10240x128xf32, #tpu.memory_space<hbm>> -> memref<10240x128xf32, #tpu.memory_space<hbm>>
      %dma_start3A_148 = arith.constant 0 : i32
      %dma_start3A_149 = tpu.memref_slice %dma_start3A_147[%add3A_132, %dma_start3A_148] : memref<10240x128xf32, #tpu.memory_space<hbm>> -> memref<80x128xf32, #tpu.memory_space<hbm>>
      %dma_start3A_150 = arith.constant 0 : i32
      %dma_start3A_151 = arith.constant 0 : i32
      %dma_start3A_152 = tpu.memref_slice %arg6[%arg0, %dma_start3A_150, %dma_start3A_151] : memref<2x10240x128xf32, #tpu.memory_space<hbm>> -> memref<1x10240x128xf32, #tpu.memory_space<hbm>>
      %dma_start3A_153 = tpu.memref_squeeze %dma_start3A_152 : memref<1x10240x128xf32, #tpu.memory_space<hbm>> -> memref<10240x128xf32, #tpu.memory_space<hbm>>
      %dma_start3A_154 = arith.constant 0 : i32
      %dma_start3A_155 = tpu.memref_slice %dma_start3A_153[%add3A_132, %dma_start3A_154] : memref<10240x128xf32, #tpu.memory_space<hbm>> -> memref<80x128xf32, #tpu.memory_space<hbm>>
      tpu.enqueue_dma source(%arg12 : memref<80x128xf32, #tpu.memory_space<vmem>>) target(%dma_start3A_155 : memref<80x128xf32, #tpu.memory_space<hbm>>) target_semaphore(%run_scoped3A_143 : memref<!tpu.dma_semaphore, #tpu.memory_space<semaphore_mem>>)
      %dma_wait3A_156 = arith.constant 0 : i32
      %dma_wait3A_157 = arith.constant 0 : i32
      %dma_wait3A_158 = tpu.memref_slice %arg6[%arg0, %dma_wait3A_156, %dma_wait3A_157] : memref<2x10240x128xf32, #tpu.memory_space<hbm>> -> memref<1x10240x128xf32, #tpu.memory_space<hbm>>
      %dma_wait3A_159 = tpu.memref_squeeze %dma_wait3A_158 : memref<1x10240x128xf32, #tpu.memory_space<hbm>> -> memref<10240x128xf32, #tpu.memory_space<hbm>>
      %dma_wait3A_160 = arith.constant 0 : i32
      %dma_wait3A_161 = tpu.memref_slice %dma_wait3A_159[%add3A_132, %dma_wait3A_160] : memref<10240x128xf32, #tpu.memory_space<hbm>> -> memref<80x128xf32, #tpu.memory_space<hbm>>
      %dma_wait3A_162 = arith.constant 0 : i32
      %dma_wait3A_163 = arith.constant 0 : i32
      %dma_wait3A_164 = tpu.memref_slice %arg6[%arg0, %dma_wait3A_162, %dma_wait3A_163] : memref<2x10240x128xf32, #tpu.memory_space<hbm>> -> memref<1x10240x128xf32, #tpu.memory_space<hbm>>
      %dma_wait3A_165 = tpu.memref_squeeze %dma_wait3A_164 : memref<1x10240x128xf32, #tpu.memory_space<hbm>> -> memref<10240x128xf32, #tpu.memory_space<hbm>>
      %dma_wait3A_166 = arith.constant 0 : i32
      %dma_wait3A_167 = tpu.memref_slice %dma_wait3A_165[%add3A_132, %dma_wait3A_166] : memref<10240x128xf32, #tpu.memory_space<hbm>> -> memref<80x128xf32, #tpu.memory_space<hbm>>
      tpu.wait_dma2 semaphore(%run_scoped3A_143 : memref<!tpu.dma_semaphore, #tpu.memory_space<semaphore_mem>>) src(%arg12 : memref<80x128xf32, #tpu.memory_space<vmem>>) dst(%dma_wait3A_167 : memref<80x128xf32, #tpu.memory_space<hbm>>)
      tpu.yield
    }) : () -> ()
    %add3A_133 = arith.constant 240 : i32
    %add3A_134 = arith.addi %mul3A_0, %add3A_133 : i32
    "tpu.region"() ({
      %run_scoped3A_143 = tpu.sem_alloc : memref<!tpu.dma_semaphore, #tpu.memory_space<semaphore_mem>>
      %dma_start3A_144 = arith.constant 0 : i32
      %dma_start3A_145 = tpu.memref_slice %arg9[%add3A_134, %dma_start3A_144] : memref<10240x128xf32, #tpu.memory_space<vmem_shared>> -> memref<80x128xf32, #tpu.memory_space<vmem_shared>>
      %dma_start3A_146 = arith.constant 0 : i32
      %dma_start3A_147 = tpu.memref_slice %arg9[%add3A_134, %dma_start3A_146] : memref<10240x128xf32, #tpu.memory_space<vmem_shared>> -> memref<80x128xf32, #tpu.memory_space<vmem_shared>>
      tpu.enqueue_dma source(%dma_start3A_147 : memref<80x128xf32, #tpu.memory_space<vmem_shared>>) target(%arg12 : memref<80x128xf32, #tpu.memory_space<vmem>>) target_semaphore(%run_scoped3A_143 : memref<!tpu.dma_semaphore, #tpu.memory_space<semaphore_mem>>)
      %dma_wait3A_148 = arith.constant 0 : i32
      %dma_wait3A_149 = tpu.memref_slice %arg9[%add3A_134, %dma_wait3A_148] : memref<10240x128xf32, #tpu.memory_space<vmem_shared>> -> memref<80x128xf32, #tpu.memory_space<vmem_shared>>
      %dma_wait3A_150 = arith.constant 0 : i32
      %dma_wait3A_151 = tpu.memref_slice %arg9[%add3A_134, %dma_wait3A_150] : memref<10240x128xf32, #tpu.memory_space<vmem_shared>> -> memref<80x128xf32, #tpu.memory_space<vmem_shared>>
      tpu.wait_dma2 semaphore(%run_scoped3A_143 : memref<!tpu.dma_semaphore, #tpu.memory_space<semaphore_mem>>) src(%dma_wait3A_151 : memref<80x128xf32, #tpu.memory_space<vmem_shared>>) dst(%arg12 : memref<80x128xf32, #tpu.memory_space<vmem>>)
      tpu.yield
    }) : () -> ()
    "tpu.region"() ({
      %run_scoped3A_143 = tpu.sem_alloc : memref<!tpu.dma_semaphore, #tpu.memory_space<semaphore_mem>>
      %dma_start3A_144 = arith.constant 0 : i32
      %dma_start3A_145 = arith.constant 0 : i32
      %dma_start3A_146 = tpu.memref_slice %arg6[%arg0, %dma_start3A_144, %dma_start3A_145] : memref<2x10240x128xf32, #tpu.memory_space<hbm>> -> memref<1x10240x128xf32, #tpu.memory_space<hbm>>
      %dma_start3A_147 = tpu.memref_squeeze %dma_start3A_146 : memref<1x10240x128xf32, #tpu.memory_space<hbm>> -> memref<10240x128xf32, #tpu.memory_space<hbm>>
      %dma_start3A_148 = arith.constant 0 : i32
      %dma_start3A_149 = tpu.memref_slice %dma_start3A_147[%add3A_134, %dma_start3A_148] : memref<10240x128xf32, #tpu.memory_space<hbm>> -> memref<80x128xf32, #tpu.memory_space<hbm>>
      %dma_start3A_150 = arith.constant 0 : i32
      %dma_start3A_151 = arith.constant 0 : i32
      %dma_start3A_152 = tpu.memref_slice %arg6[%arg0, %dma_start3A_150, %dma_start3A_151] : memref<2x10240x128xf32, #tpu.memory_space<hbm>> -> memref<1x10240x128xf32, #tpu.memory_space<hbm>>
      %dma_start3A_153 = tpu.memref_squeeze %dma_start3A_152 : memref<1x10240x128xf32, #tpu.memory_space<hbm>> -> memref<10240x128xf32, #tpu.memory_space<hbm>>
      %dma_start3A_154 = arith.constant 0 : i32
      %dma_start3A_155 = tpu.memref_slice %dma_start3A_153[%add3A_134, %dma_start3A_154] : memref<10240x128xf32, #tpu.memory_space<hbm>> -> memref<80x128xf32, #tpu.memory_space<hbm>>
      tpu.enqueue_dma source(%arg12 : memref<80x128xf32, #tpu.memory_space<vmem>>) target(%dma_start3A_155 : memref<80x128xf32, #tpu.memory_space<hbm>>) target_semaphore(%run_scoped3A_143 : memref<!tpu.dma_semaphore, #tpu.memory_space<semaphore_mem>>)
      %dma_wait3A_156 = arith.constant 0 : i32
      %dma_wait3A_157 = arith.constant 0 : i32
      %dma_wait3A_158 = tpu.memref_slice %arg6[%arg0, %dma_wait3A_156, %dma_wait3A_157] : memref<2x10240x128xf32, #tpu.memory_space<hbm>> -> memref<1x10240x128xf32, #tpu.memory_space<hbm>>
      %dma_wait3A_159 = tpu.memref_squeeze %dma_wait3A_158 : memref<1x10240x128xf32, #tpu.memory_space<hbm>> -> memref<10240x128xf32, #tpu.memory_space<hbm>>
      %dma_wait3A_160 = arith.constant 0 : i32
      %dma_wait3A_161 = tpu.memref_slice %dma_wait3A_159[%add3A_134, %dma_wait3A_160] : memref<10240x128xf32, #tpu.memory_space<hbm>> -> memref<80x128xf32, #tpu.memory_space<hbm>>
      %dma_wait3A_162 = arith.constant 0 : i32
      %dma_wait3A_163 = arith.constant 0 : i32
      %dma_wait3A_164 = tpu.memref_slice %arg6[%arg0, %dma_wait3A_162, %dma_wait3A_163] : memref<2x10240x128xf32, #tpu.memory_space<hbm>> -> memref<1x10240x128xf32, #tpu.memory_space<hbm>>
      %dma_wait3A_165 = tpu.memref_squeeze %dma_wait3A_164 : memref<1x10240x128xf32, #tpu.memory_space<hbm>> -> memref<10240x128xf32, #tpu.memory_space<hbm>>
      %dma_wait3A_166 = arith.constant 0 : i32
      %dma_wait3A_167 = tpu.memref_slice %dma_wait3A_165[%add3A_134, %dma_wait3A_166] : memref<10240x128xf32, #tpu.memory_space<hbm>> -> memref<80x128xf32, #tpu.memory_space<hbm>>
      tpu.wait_dma2 semaphore(%run_scoped3A_143 : memref<!tpu.dma_semaphore, #tpu.memory_space<semaphore_mem>>) src(%arg12 : memref<80x128xf32, #tpu.memory_space<vmem>>) dst(%dma_wait3A_167 : memref<80x128xf32, #tpu.memory_space<hbm>>)
      tpu.yield
    }) : () -> ()
    %add3A_135 = arith.constant 320 : i32
    %add3A_136 = arith.addi %mul3A_0, %add3A_135 : i32
    "tpu.region"() ({
      %run_scoped3A_143 = tpu.sem_alloc : memref<!tpu.dma_semaphore, #tpu.memory_space<semaphore_mem>>
      %dma_start3A_144 = arith.constant 0 : i32
      %dma_start3A_145 = tpu.memref_slice %arg9[%add3A_136, %dma_start3A_144] : memref<10240x128xf32, #tpu.memory_space<vmem_shared>> -> memref<80x128xf32, #tpu.memory_space<vmem_shared>>
      %dma_start3A_146 = arith.constant 0 : i32
      %dma_start3A_147 = tpu.memref_slice %arg9[%add3A_136, %dma_start3A_146] : memref<10240x128xf32, #tpu.memory_space<vmem_shared>> -> memref<80x128xf32, #tpu.memory_space<vmem_shared>>
      tpu.enqueue_dma source(%dma_start3A_147 : memref<80x128xf32, #tpu.memory_space<vmem_shared>>) target(%arg12 : memref<80x128xf32, #tpu.memory_space<vmem>>) target_semaphore(%run_scoped3A_143 : memref<!tpu.dma_semaphore, #tpu.memory_space<semaphore_mem>>)
      %dma_wait3A_148 = arith.constant 0 : i32
      %dma_wait3A_149 = tpu.memref_slice %arg9[%add3A_136, %dma_wait3A_148] : memref<10240x128xf32, #tpu.memory_space<vmem_shared>> -> memref<80x128xf32, #tpu.memory_space<vmem_shared>>
      %dma_wait3A_150 = arith.constant 0 : i32
      %dma_wait3A_151 = tpu.memref_slice %arg9[%add3A_136, %dma_wait3A_150] : memref<10240x128xf32, #tpu.memory_space<vmem_shared>> -> memref<80x128xf32, #tpu.memory_space<vmem_shared>>
      tpu.wait_dma2 semaphore(%run_scoped3A_143 : memref<!tpu.dma_semaphore, #tpu.memory_space<semaphore_mem>>) src(%dma_wait3A_151 : memref<80x128xf32, #tpu.memory_space<vmem_shared>>) dst(%arg12 : memref<80x128xf32, #tpu.memory_space<vmem>>)
      tpu.yield
    }) : () -> ()
    "tpu.region"() ({
      %run_scoped3A_143 = tpu.sem_alloc : memref<!tpu.dma_semaphore, #tpu.memory_space<semaphore_mem>>
      %dma_start3A_144 = arith.constant 0 : i32
      %dma_start3A_145 = arith.constant 0 : i32
      %dma_start3A_146 = tpu.memref_slice %arg6[%arg0, %dma_start3A_144, %dma_start3A_145] : memref<2x10240x128xf32, #tpu.memory_space<hbm>> -> memref<1x10240x128xf32, #tpu.memory_space<hbm>>
      %dma_start3A_147 = tpu.memref_squeeze %dma_start3A_146 : memref<1x10240x128xf32, #tpu.memory_space<hbm>> -> memref<10240x128xf32, #tpu.memory_space<hbm>>
      %dma_start3A_148 = arith.constant 0 : i32
      %dma_start3A_149 = tpu.memref_slice %dma_start3A_147[%add3A_136, %dma_start3A_148] : memref<10240x128xf32, #tpu.memory_space<hbm>> -> memref<80x128xf32, #tpu.memory_space<hbm>>
      %dma_start3A_150 = arith.constant 0 : i32
      %dma_start3A_151 = arith.constant 0 : i32
      %dma_start3A_152 = tpu.memref_slice %arg6[%arg0, %dma_start3A_150, %dma_start3A_151] : memref<2x10240x128xf32, #tpu.memory_space<hbm>> -> memref<1x10240x128xf32, #tpu.memory_space<hbm>>
      %dma_start3A_153 = tpu.memref_squeeze %dma_start3A_152 : memref<1x10240x128xf32, #tpu.memory_space<hbm>> -> memref<10240x128xf32, #tpu.memory_space<hbm>>
      %dma_start3A_154 = arith.constant 0 : i32
      %dma_start3A_155 = tpu.memref_slice %dma_start3A_153[%add3A_136, %dma_start3A_154] : memref<10240x128xf32, #tpu.memory_space<hbm>> -> memref<80x128xf32, #tpu.memory_space<hbm>>
      tpu.enqueue_dma source(%arg12 : memref<80x128xf32, #tpu.memory_space<vmem>>) target(%dma_start3A_155 : memref<80x128xf32, #tpu.memory_space<hbm>>) target_semaphore(%run_scoped3A_143 : memref<!tpu.dma_semaphore, #tpu.memory_space<semaphore_mem>>)
      %dma_wait3A_156 = arith.constant 0 : i32
      %dma_wait3A_157 = arith.constant 0 : i32
      %dma_wait3A_158 = tpu.memref_slice %arg6[%arg0, %dma_wait3A_156, %dma_wait3A_157] : memref<2x10240x128xf32, #tpu.memory_space<hbm>> -> memref<1x10240x128xf32, #tpu.memory_space<hbm>>
      %dma_wait3A_159 = tpu.memref_squeeze %dma_wait3A_158 : memref<1x10240x128xf32, #tpu.memory_space<hbm>> -> memref<10240x128xf32, #tpu.memory_space<hbm>>
      %dma_wait3A_160 = arith.constant 0 : i32
      %dma_wait3A_161 = tpu.memref_slice %dma_wait3A_159[%add3A_136, %dma_wait3A_160] : memref<10240x128xf32, #tpu.memory_space<hbm>> -> memref<80x128xf32, #tpu.memory_space<hbm>>
      %dma_wait3A_162 = arith.constant 0 : i32
      %dma_wait3A_163 = arith.constant 0 : i32
      %dma_wait3A_164 = tpu.memref_slice %arg6[%arg0, %dma_wait3A_162, %dma_wait3A_163] : memref<2x10240x128xf32, #tpu.memory_space<hbm>> -> memref<1x10240x128xf32, #tpu.memory_space<hbm>>
      %dma_wait3A_165 = tpu.memref_squeeze %dma_wait3A_164 : memref<1x10240x128xf32, #tpu.memory_space<hbm>> -> memref<10240x128xf32, #tpu.memory_space<hbm>>
      %dma_wait3A_166 = arith.constant 0 : i32
      %dma_wait3A_167 = tpu.memref_slice %dma_wait3A_165[%add3A_136, %dma_wait3A_166] : memref<10240x128xf32, #tpu.memory_space<hbm>> -> memref<80x128xf32, #tpu.memory_space<hbm>>
      tpu.wait_dma2 semaphore(%run_scoped3A_143 : memref<!tpu.dma_semaphore, #tpu.memory_space<semaphore_mem>>) src(%arg12 : memref<80x128xf32, #tpu.memory_space<vmem>>) dst(%dma_wait3A_167 : memref<80x128xf32, #tpu.memory_space<hbm>>)
      tpu.yield
    }) : () -> ()
    %add3A_137 = arith.constant 400 : i32
    %add3A_138 = arith.addi %mul3A_0, %add3A_137 : i32
    "tpu.region"() ({
      %run_scoped3A_143 = tpu.sem_alloc : memref<!tpu.dma_semaphore, #tpu.memory_space<semaphore_mem>>
      %dma_start3A_144 = arith.constant 0 : i32
      %dma_start3A_145 = tpu.memref_slice %arg9[%add3A_138, %dma_start3A_144] : memref<10240x128xf32, #tpu.memory_space<vmem_shared>> -> memref<80x128xf32, #tpu.memory_space<vmem_shared>>
      %dma_start3A_146 = arith.constant 0 : i32
      %dma_start3A_147 = tpu.memref_slice %arg9[%add3A_138, %dma_start3A_146] : memref<10240x128xf32, #tpu.memory_space<vmem_shared>> -> memref<80x128xf32, #tpu.memory_space<vmem_shared>>
      tpu.enqueue_dma source(%dma_start3A_147 : memref<80x128xf32, #tpu.memory_space<vmem_shared>>) target(%arg12 : memref<80x128xf32, #tpu.memory_space<vmem>>) target_semaphore(%run_scoped3A_143 : memref<!tpu.dma_semaphore, #tpu.memory_space<semaphore_mem>>)
      %dma_wait3A_148 = arith.constant 0 : i32
      %dma_wait3A_149 = tpu.memref_slice %arg9[%add3A_138, %dma_wait3A_148] : memref<10240x128xf32, #tpu.memory_space<vmem_shared>> -> memref<80x128xf32, #tpu.memory_space<vmem_shared>>
      %dma_wait3A_150 = arith.constant 0 : i32
      %dma_wait3A_151 = tpu.memref_slice %arg9[%add3A_138, %dma_wait3A_150] : memref<10240x128xf32, #tpu.memory_space<vmem_shared>> -> memref<80x128xf32, #tpu.memory_space<vmem_shared>>
      tpu.wait_dma2 semaphore(%run_scoped3A_143 : memref<!tpu.dma_semaphore, #tpu.memory_space<semaphore_mem>>) src(%dma_wait3A_151 : memref<80x128xf32, #tpu.memory_space<vmem_shared>>) dst(%arg12 : memref<80x128xf32, #tpu.memory_space<vmem>>)
      tpu.yield
    }) : () -> ()
    "tpu.region"() ({
      %run_scoped3A_143 = tpu.sem_alloc : memref<!tpu.dma_semaphore, #tpu.memory_space<semaphore_mem>>
      %dma_start3A_144 = arith.constant 0 : i32
      %dma_start3A_145 = arith.constant 0 : i32
      %dma_start3A_146 = tpu.memref_slice %arg6[%arg0, %dma_start3A_144, %dma_start3A_145] : memref<2x10240x128xf32, #tpu.memory_space<hbm>> -> memref<1x10240x128xf32, #tpu.memory_space<hbm>>
      %dma_start3A_147 = tpu.memref_squeeze %dma_start3A_146 : memref<1x10240x128xf32, #tpu.memory_space<hbm>> -> memref<10240x128xf32, #tpu.memory_space<hbm>>
      %dma_start3A_148 = arith.constant 0 : i32
      %dma_start3A_149 = tpu.memref_slice %dma_start3A_147[%add3A_138, %dma_start3A_148] : memref<10240x128xf32, #tpu.memory_space<hbm>> -> memref<80x128xf32, #tpu.memory_space<hbm>>
      %dma_start3A_150 = arith.constant 0 : i32
      %dma_start3A_151 = arith.constant 0 : i32
      %dma_start3A_152 = tpu.memref_slice %arg6[%arg0, %dma_start3A_150, %dma_start3A_151] : memref<2x10240x128xf32, #tpu.memory_space<hbm>> -> memref<1x10240x128xf32, #tpu.memory_space<hbm>>
      %dma_start3A_153 = tpu.memref_squeeze %dma_start3A_152 : memref<1x10240x128xf32, #tpu.memory_space<hbm>> -> memref<10240x128xf32, #tpu.memory_space<hbm>>
      %dma_start3A_154 = arith.constant 0 : i32
      %dma_start3A_155 = tpu.memref_slice %dma_start3A_153[%add3A_138, %dma_start3A_154] : memref<10240x128xf32, #tpu.memory_space<hbm>> -> memref<80x128xf32, #tpu.memory_space<hbm>>
      tpu.enqueue_dma source(%arg12 : memref<80x128xf32, #tpu.memory_space<vmem>>) target(%dma_start3A_155 : memref<80x128xf32, #tpu.memory_space<hbm>>) target_semaphore(%run_scoped3A_143 : memref<!tpu.dma_semaphore, #tpu.memory_space<semaphore_mem>>)
      %dma_wait3A_156 = arith.constant 0 : i32
      %dma_wait3A_157 = arith.constant 0 : i32
      %dma_wait3A_158 = tpu.memref_slice %arg6[%arg0, %dma_wait3A_156, %dma_wait3A_157] : memref<2x10240x128xf32, #tpu.memory_space<hbm>> -> memref<1x10240x128xf32, #tpu.memory_space<hbm>>
      %dma_wait3A_159 = tpu.memref_squeeze %dma_wait3A_158 : memref<1x10240x128xf32, #tpu.memory_space<hbm>> -> memref<10240x128xf32, #tpu.memory_space<hbm>>
      %dma_wait3A_160 = arith.constant 0 : i32
      %dma_wait3A_161 = tpu.memref_slice %dma_wait3A_159[%add3A_138, %dma_wait3A_160] : memref<10240x128xf32, #tpu.memory_space<hbm>> -> memref<80x128xf32, #tpu.memory_space<hbm>>
      %dma_wait3A_162 = arith.constant 0 : i32
      %dma_wait3A_163 = arith.constant 0 : i32
      %dma_wait3A_164 = tpu.memref_slice %arg6[%arg0, %dma_wait3A_162, %dma_wait3A_163] : memref<2x10240x128xf32, #tpu.memory_space<hbm>> -> memref<1x10240x128xf32, #tpu.memory_space<hbm>>
      %dma_wait3A_165 = tpu.memref_squeeze %dma_wait3A_164 : memref<1x10240x128xf32, #tpu.memory_space<hbm>> -> memref<10240x128xf32, #tpu.memory_space<hbm>>
      %dma_wait3A_166 = arith.constant 0 : i32
      %dma_wait3A_167 = tpu.memref_slice %dma_wait3A_165[%add3A_138, %dma_wait3A_166] : memref<10240x128xf32, #tpu.memory_space<hbm>> -> memref<80x128xf32, #tpu.memory_space<hbm>>
      tpu.wait_dma2 semaphore(%run_scoped3A_143 : memref<!tpu.dma_semaphore, #tpu.memory_space<semaphore_mem>>) src(%arg12 : memref<80x128xf32, #tpu.memory_space<vmem>>) dst(%dma_wait3A_167 : memref<80x128xf32, #tpu.memory_space<hbm>>)
      tpu.yield
    }) : () -> ()
    %add3A_139 = arith.constant 480 : i32
    %add3A_140 = arith.addi %mul3A_0, %add3A_139 : i32
    "tpu.region"() ({
      %run_scoped3A_143 = tpu.sem_alloc : memref<!tpu.dma_semaphore, #tpu.memory_space<semaphore_mem>>
      %dma_start3A_144 = arith.constant 0 : i32
      %dma_start3A_145 = tpu.memref_slice %arg9[%add3A_140, %dma_start3A_144] : memref<10240x128xf32, #tpu.memory_space<vmem_shared>> -> memref<80x128xf32, #tpu.memory_space<vmem_shared>>
      %dma_start3A_146 = arith.constant 0 : i32
      %dma_start3A_147 = tpu.memref_slice %arg9[%add3A_140, %dma_start3A_146] : memref<10240x128xf32, #tpu.memory_space<vmem_shared>> -> memref<80x128xf32, #tpu.memory_space<vmem_shared>>
      tpu.enqueue_dma source(%dma_start3A_147 : memref<80x128xf32, #tpu.memory_space<vmem_shared>>) target(%arg12 : memref<80x128xf32, #tpu.memory_space<vmem>>) target_semaphore(%run_scoped3A_143 : memref<!tpu.dma_semaphore, #tpu.memory_space<semaphore_mem>>)
      %dma_wait3A_148 = arith.constant 0 : i32
      %dma_wait3A_149 = tpu.memref_slice %arg9[%add3A_140, %dma_wait3A_148] : memref<10240x128xf32, #tpu.memory_space<vmem_shared>> -> memref<80x128xf32, #tpu.memory_space<vmem_shared>>
      %dma_wait3A_150 = arith.constant 0 : i32
      %dma_wait3A_151 = tpu.memref_slice %arg9[%add3A_140, %dma_wait3A_150] : memref<10240x128xf32, #tpu.memory_space<vmem_shared>> -> memref<80x128xf32, #tpu.memory_space<vmem_shared>>
      tpu.wait_dma2 semaphore(%run_scoped3A_143 : memref<!tpu.dma_semaphore, #tpu.memory_space<semaphore_mem>>) src(%dma_wait3A_151 : memref<80x128xf32, #tpu.memory_space<vmem_shared>>) dst(%arg12 : memref<80x128xf32, #tpu.memory_space<vmem>>)
      tpu.yield
    }) : () -> ()
    "tpu.region"() ({
      %run_scoped3A_143 = tpu.sem_alloc : memref<!tpu.dma_semaphore, #tpu.memory_space<semaphore_mem>>
      %dma_start3A_144 = arith.constant 0 : i32
      %dma_start3A_145 = arith.constant 0 : i32
      %dma_start3A_146 = tpu.memref_slice %arg6[%arg0, %dma_start3A_144, %dma_start3A_145] : memref<2x10240x128xf32, #tpu.memory_space<hbm>> -> memref<1x10240x128xf32, #tpu.memory_space<hbm>>
      %dma_start3A_147 = tpu.memref_squeeze %dma_start3A_146 : memref<1x10240x128xf32, #tpu.memory_space<hbm>> -> memref<10240x128xf32, #tpu.memory_space<hbm>>
      %dma_start3A_148 = arith.constant 0 : i32
      %dma_start3A_149 = tpu.memref_slice %dma_start3A_147[%add3A_140, %dma_start3A_148] : memref<10240x128xf32, #tpu.memory_space<hbm>> -> memref<80x128xf32, #tpu.memory_space<hbm>>
      %dma_start3A_150 = arith.constant 0 : i32
      %dma_start3A_151 = arith.constant 0 : i32
      %dma_start3A_152 = tpu.memref_slice %arg6[%arg0, %dma_start3A_150, %dma_start3A_151] : memref<2x10240x128xf32, #tpu.memory_space<hbm>> -> memref<1x10240x128xf32, #tpu.memory_space<hbm>>
      %dma_start3A_153 = tpu.memref_squeeze %dma_start3A_152 : memref<1x10240x128xf32, #tpu.memory_space<hbm>> -> memref<10240x128xf32, #tpu.memory_space<hbm>>
      %dma_start3A_154 = arith.constant 0 : i32
      %dma_start3A_155 = tpu.memref_slice %dma_start3A_153[%add3A_140, %dma_start3A_154] : memref<10240x128xf32, #tpu.memory_space<hbm>> -> memref<80x128xf32, #tpu.memory_space<hbm>>
      tpu.enqueue_dma source(%arg12 : memref<80x128xf32, #tpu.memory_space<vmem>>) target(%dma_start3A_155 : memref<80x128xf32, #tpu.memory_space<hbm>>) target_semaphore(%run_scoped3A_143 : memref<!tpu.dma_semaphore, #tpu.memory_space<semaphore_mem>>)
      %dma_wait3A_156 = arith.constant 0 : i32
      %dma_wait3A_157 = arith.constant 0 : i32
      %dma_wait3A_158 = tpu.memref_slice %arg6[%arg0, %dma_wait3A_156, %dma_wait3A_157] : memref<2x10240x128xf32, #tpu.memory_space<hbm>> -> memref<1x10240x128xf32, #tpu.memory_space<hbm>>
      %dma_wait3A_159 = tpu.memref_squeeze %dma_wait3A_158 : memref<1x10240x128xf32, #tpu.memory_space<hbm>> -> memref<10240x128xf32, #tpu.memory_space<hbm>>
      %dma_wait3A_160 = arith.constant 0 : i32
      %dma_wait3A_161 = tpu.memref_slice %dma_wait3A_159[%add3A_140, %dma_wait3A_160] : memref<10240x128xf32, #tpu.memory_space<hbm>> -> memref<80x128xf32, #tpu.memory_space<hbm>>
      %dma_wait3A_162 = arith.constant 0 : i32
      %dma_wait3A_163 = arith.constant 0 : i32
      %dma_wait3A_164 = tpu.memref_slice %arg6[%arg0, %dma_wait3A_162, %dma_wait3A_163] : memref<2x10240x128xf32, #tpu.memory_space<hbm>> -> memref<1x10240x128xf32, #tpu.memory_space<hbm>>
      %dma_wait3A_165 = tpu.memref_squeeze %dma_wait3A_164 : memref<1x10240x128xf32, #tpu.memory_space<hbm>> -> memref<10240x128xf32, #tpu.memory_space<hbm>>
      %dma_wait3A_166 = arith.constant 0 : i32
      %dma_wait3A_167 = tpu.memref_slice %dma_wait3A_165[%add3A_140, %dma_wait3A_166] : memref<10240x128xf32, #tpu.memory_space<hbm>> -> memref<80x128xf32, #tpu.memory_space<hbm>>
      tpu.wait_dma2 semaphore(%run_scoped3A_143 : memref<!tpu.dma_semaphore, #tpu.memory_space<semaphore_mem>>) src(%arg12 : memref<80x128xf32, #tpu.memory_space<vmem>>) dst(%dma_wait3A_167 : memref<80x128xf32, #tpu.memory_space<hbm>>)
      tpu.yield
    }) : () -> ()
    %add3A_141 = arith.constant 560 : i32
    %add3A_142 = arith.addi %mul3A_0, %add3A_141 : i32
    "tpu.region"() ({
      %run_scoped3A_143 = tpu.sem_alloc : memref<!tpu.dma_semaphore, #tpu.memory_space<semaphore_mem>>
      %dma_start3A_144 = arith.constant 0 : i32
      %dma_start3A_145 = tpu.memref_slice %arg9[%add3A_142, %dma_start3A_144] : memref<10240x128xf32, #tpu.memory_space<vmem_shared>> -> memref<80x128xf32, #tpu.memory_space<vmem_shared>>
      %dma_start3A_146 = arith.constant 0 : i32
      %dma_start3A_147 = tpu.memref_slice %arg9[%add3A_142, %dma_start3A_146] : memref<10240x128xf32, #tpu.memory_space<vmem_shared>> -> memref<80x128xf32, #tpu.memory_space<vmem_shared>>
      tpu.enqueue_dma source(%dma_start3A_147 : memref<80x128xf32, #tpu.memory_space<vmem_shared>>) target(%arg12 : memref<80x128xf32, #tpu.memory_space<vmem>>) target_semaphore(%run_scoped3A_143 : memref<!tpu.dma_semaphore, #tpu.memory_space<semaphore_mem>>)
      %dma_wait3A_148 = arith.constant 0 : i32
      %dma_wait3A_149 = tpu.memref_slice %arg9[%add3A_142, %dma_wait3A_148] : memref<10240x128xf32, #tpu.memory_space<vmem_shared>> -> memref<80x128xf32, #tpu.memory_space<vmem_shared>>
      %dma_wait3A_150 = arith.constant 0 : i32
      %dma_wait3A_151 = tpu.memref_slice %arg9[%add3A_142, %dma_wait3A_150] : memref<10240x128xf32, #tpu.memory_space<vmem_shared>> -> memref<80x128xf32, #tpu.memory_space<vmem_shared>>
      tpu.wait_dma2 semaphore(%run_scoped3A_143 : memref<!tpu.dma_semaphore, #tpu.memory_space<semaphore_mem>>) src(%dma_wait3A_151 : memref<80x128xf32, #tpu.memory_space<vmem_shared>>) dst(%arg12 : memref<80x128xf32, #tpu.memory_space<vmem>>)
      tpu.yield
    }) : () -> ()
    "tpu.region"() ({
      %run_scoped3A_143 = tpu.sem_alloc : memref<!tpu.dma_semaphore, #tpu.memory_space<semaphore_mem>>
      %dma_start3A_144 = arith.constant 0 : i32
      %dma_start3A_145 = arith.constant 0 : i32
      %dma_start3A_146 = tpu.memref_slice %arg6[%arg0, %dma_start3A_144, %dma_start3A_145] : memref<2x10240x128xf32, #tpu.memory_space<hbm>> -> memref<1x10240x128xf32, #tpu.memory_space<hbm>>
      %dma_start3A_147 = tpu.memref_squeeze %dma_start3A_146 : memref<1x10240x128xf32, #tpu.memory_space<hbm>> -> memref<10240x128xf32, #tpu.memory_space<hbm>>
      %dma_start3A_148 = arith.constant 0 : i32
      %dma_start3A_149 = tpu.memref_slice %dma_start3A_147[%add3A_142, %dma_start3A_148] : memref<10240x128xf32, #tpu.memory_space<hbm>> -> memref<80x128xf32, #tpu.memory_space<hbm>>
      %dma_start3A_150 = arith.constant 0 : i32
      %dma_start3A_151 = arith.constant 0 : i32
      %dma_start3A_152 = tpu.memref_slice %arg6[%arg0, %dma_start3A_150, %dma_start3A_151] : memref<2x10240x128xf32, #tpu.memory_space<hbm>> -> memref<1x10240x128xf32, #tpu.memory_space<hbm>>
      %dma_start3A_153 = tpu.memref_squeeze %dma_start3A_152 : memref<1x10240x128xf32, #tpu.memory_space<hbm>> -> memref<10240x128xf32, #tpu.memory_space<hbm>>
      %dma_start3A_154 = arith.constant 0 : i32
      %dma_start3A_155 = tpu.memref_slice %dma_start3A_153[%add3A_142, %dma_start3A_154] : memref<10240x128xf32, #tpu.memory_space<hbm>> -> memref<80x128xf32, #tpu.memory_space<hbm>>
      tpu.enqueue_dma source(%arg12 : memref<80x128xf32, #tpu.memory_space<vmem>>) target(%dma_start3A_155 : memref<80x128xf32, #tpu.memory_space<hbm>>) target_semaphore(%run_scoped3A_143 : memref<!tpu.dma_semaphore, #tpu.memory_space<semaphore_mem>>)
      %dma_wait3A_156 = arith.constant 0 : i32
      %dma_wait3A_157 = arith.constant 0 : i32
      %dma_wait3A_158 = tpu.memref_slice %arg6[%arg0, %dma_wait3A_156, %dma_wait3A_157] : memref<2x10240x128xf32, #tpu.memory_space<hbm>> -> memref<1x10240x128xf32, #tpu.memory_space<hbm>>
      %dma_wait3A_159 = tpu.memref_squeeze %dma_wait3A_158 : memref<1x10240x128xf32, #tpu.memory_space<hbm>> -> memref<10240x128xf32, #tpu.memory_space<hbm>>
      %dma_wait3A_160 = arith.constant 0 : i32
      %dma_wait3A_161 = tpu.memref_slice %dma_wait3A_159[%add3A_142, %dma_wait3A_160] : memref<10240x128xf32, #tpu.memory_space<hbm>> -> memref<80x128xf32, #tpu.memory_space<hbm>>
      %dma_wait3A_162 = arith.constant 0 : i32
      %dma_wait3A_163 = arith.constant 0 : i32
      %dma_wait3A_164 = tpu.memref_slice %arg6[%arg0, %dma_wait3A_162, %dma_wait3A_163] : memref<2x10240x128xf32, #tpu.memory_space<hbm>> -> memref<1x10240x128xf32, #tpu.memory_space<hbm>>
      %dma_wait3A_165 = tpu.memref_squeeze %dma_wait3A_164 : memref<1x10240x128xf32, #tpu.memory_space<hbm>> -> memref<10240x128xf32, #tpu.memory_space<hbm>>
      %dma_wait3A_166 = arith.constant 0 : i32
      %dma_wait3A_167 = tpu.memref_slice %dma_wait3A_165[%add3A_142, %dma_wait3A_166] : memref<10240x128xf32, #tpu.memory_space<hbm>> -> memref<80x128xf32, #tpu.memory_space<hbm>>
      tpu.wait_dma2 semaphore(%run_scoped3A_143 : memref<!tpu.dma_semaphore, #tpu.memory_space<semaphore_mem>>) src(%arg12 : memref<80x128xf32, #tpu.memory_space<vmem>>) dst(%dma_wait3A_167 : memref<80x128xf32, #tpu.memory_space<hbm>>)
      tpu.yield
    }) : () -> ()
    return
  }
}

module attributes {stable_mosaic.version = 14 : i64} {
  func.func @_tc_body(%arg0: i32, %arg1: memref<1000x256xf32, #tpu.memory_space<vmem>>, %arg2: memref<2x1000x128xf32, #tpu.memory_space<vmem>>, %arg3: memref<2x1000x128xf32, #tpu.memory_space<vmem>>, %arg4: memref<256x256xf32, #tpu.memory_space<vmem>>, %arg5: memref<256x256xf32, #tpu.memory_space<vmem>>, %arg6: memref<16x256xf32, #tpu.memory_space<vmem>>, %arg7: memref<1x256xf32, #tpu.memory_space<vmem>>, %arg8: memref<1x256xf32, #tpu.memory_space<vmem>>, %arg9: memref<1x256xf32, #tpu.memory_space<vmem>>, %arg10: memref<1000x256xf32, #tpu.memory_space<vmem>>) attributes {dimension_semantics = [#tpu.dimension_semantics<arbitrary>], iteration_bounds = array<i64: 10>, scalar_prefetch = 0 : i64, scratch_operands = 0 : i64, tpu.core_type = #tpu.core_type<tc>, window_params = [{transform_indices = @transform_0, window_bounds = array<i64: 1000, 256>}, {transform_indices = @transform_1, window_bounds = array<i64: 2, 1000, 128>}, {transform_indices = @transform_2, window_bounds = array<i64: 2, 1000, 128>}, {pipeline_mode = #tpu.pipeline_mode<synchronous>, transform_indices = @transform_3, window_bounds = array<i64: 256, 256>}, {pipeline_mode = #tpu.pipeline_mode<synchronous>, transform_indices = @transform_4, window_bounds = array<i64: 256, 256>}, {pipeline_mode = #tpu.pipeline_mode<synchronous>, transform_indices = @transform_5, window_bounds = array<i64: 16, 256>}, {pipeline_mode = #tpu.pipeline_mode<synchronous>, transform_indices = @transform_6, window_bounds = array<i64: 1, 256>}, {pipeline_mode = #tpu.pipeline_mode<synchronous>, transform_indices = @transform_7, window_bounds = array<i64: 1, 256>}, {pipeline_mode = #tpu.pipeline_mode<synchronous>, transform_indices = @transform_8, window_bounds = array<i64: 1, 256>}, {transform_indices = @transform_9, window_bounds = array<i64: 1000, 256>}]} {
    %get3A = arith.constant 0 : index
    %get3A_0 = arith.constant 0 : index
    %get3A_1 = vector.load %arg4[%get3A, %get3A_0] : memref<256x256xf32, #tpu.memory_space<vmem>>, vector<256x256xf32>
    %get3A_2 = arith.constant 0 : index
    %get3A_3 = arith.constant 0 : index
    %get3A_4 = arith.constant 0 : index
    %get3A_5 = vector.load %arg2[%get3A_2, %get3A_3, %get3A_4] : memref<2x1000x128xf32, #tpu.memory_space<vmem>>, vector<1x1000x128xf32>
    %get3A_6 = vector.shape_cast %get3A_5 : vector<1x1000x128xf32> to vector<1000x128xf32>
    %slice3A = vector.extract_strided_slice %get3A_1 {offsets = [0, 0], sizes = [128, 256], strides = [1, 1]} : vector<256x256xf32> to vector<128x256xf32>
    %dot_general3A = arith.constant dense<0.000000e+00> : vector<1000x256xf32>
    %dot_general3A_7 = tpu.matmul %get3A_6, %slice3A, %dot_general3A {dimension_numbers = #tpu.dot_dimension_numbers<[1], [0], [0], [1], [0, 0, 1, 1], [], []>, transpose_lhs_hint = false} : vector<1000x128xf32>, vector<128x256xf32>, vector<1000x256xf32> -> vector<1000x256xf32>
    %get3A_8 = arith.constant 1 : index
    %get3A_9 = arith.constant 0 : index
    %get3A_10 = arith.constant 0 : index
    %get3A_11 = vector.load %arg2[%get3A_8, %get3A_9, %get3A_10] : memref<2x1000x128xf32, #tpu.memory_space<vmem>>, vector<1x1000x128xf32>
    %get3A_12 = vector.shape_cast %get3A_11 : vector<1x1000x128xf32> to vector<1000x128xf32>
    %slice3A_13 = vector.extract_strided_slice %get3A_1 {offsets = [128, 0], sizes = [128, 256], strides = [1, 1]} : vector<256x256xf32> to vector<128x256xf32>
    %dot_general3A_14 = arith.constant dense<0.000000e+00> : vector<1000x256xf32>
    %dot_general3A_15 = tpu.matmul %get3A_12, %slice3A_13, %dot_general3A_14 {dimension_numbers = #tpu.dot_dimension_numbers<[1], [0], [0], [1], [0, 0, 1, 1], [], []>, transpose_lhs_hint = false} : vector<1000x128xf32>, vector<128x256xf32>, vector<1000x256xf32> -> vector<1000x256xf32>
    %add3A = arith.addf %dot_general3A_7, %dot_general3A_15 : vector<1000x256xf32>
    %get3A_16 = arith.constant 0 : index
    %get3A_17 = arith.constant 0 : index
    %get3A_18 = arith.constant 0 : index
    %get3A_19 = vector.load %arg3[%get3A_16, %get3A_17, %get3A_18] : memref<2x1000x128xf32, #tpu.memory_space<vmem>>, vector<1x1000x128xf32>
    %get3A_20 = vector.shape_cast %get3A_19 : vector<1x1000x128xf32> to vector<1000x128xf32>
    %get3A_21 = arith.constant 1 : index
    %get3A_22 = arith.constant 0 : index
    %get3A_23 = arith.constant 0 : index
    %get3A_24 = vector.load %arg3[%get3A_21, %get3A_22, %get3A_23] : memref<2x1000x128xf32, #tpu.memory_space<vmem>>, vector<1x1000x128xf32>
    %get3A_25 = vector.shape_cast %get3A_24 : vector<1x1000x128xf32> to vector<1000x128xf32>
    %add3A_26 = arith.addf %get3A_20, %get3A_25 : vector<1000x128xf32>
    %slice3A_27 = vector.extract_strided_slice %add3A_26 {offsets = [0, 0], sizes = [1000, 16], strides = [1, 1]} : vector<1000x128xf32> to vector<1000x16xf32>
    %get3A_28 = arith.constant 0 : index
    %get3A_29 = arith.constant 0 : index
    %get3A_30 = vector.load %arg6[%get3A_28, %get3A_29] : memref<16x256xf32, #tpu.memory_space<vmem>>, vector<16x256xf32>
    %dot_general3A_31 = arith.constant dense<0.000000e+00> : vector<1000x256xf32>
    %dot_general3A_32 = tpu.matmul %slice3A_27, %get3A_30, %dot_general3A_31 {dimension_numbers = #tpu.dot_dimension_numbers<[1], [0], [0], [1], [0, 0, 1, 1], [], []>, transpose_lhs_hint = false} : vector<1000x16xf32>, vector<16x256xf32>, vector<1000x256xf32> -> vector<1000x256xf32>
    %add3A_33 = arith.addf %add3A, %dot_general3A_32 : vector<1000x256xf32>
    %get3A_34 = arith.constant 0 : index
    %get3A_35 = arith.constant 0 : index
    %get3A_36 = vector.load %arg1[%get3A_34, %get3A_35] : memref<1000x256xf32, #tpu.memory_space<vmem>>, vector<1000x256xf32>
    %get3A_37 = arith.constant 0 : index
    %get3A_38 = arith.constant 0 : index
    %get3A_39 = vector.load %arg5[%get3A_37, %get3A_38] : memref<256x256xf32, #tpu.memory_space<vmem>>, vector<256x256xf32>
    %dot_general3A_40 = arith.constant dense<0.000000e+00> : vector<1000x256xf32>
    %dot_general3A_41 = tpu.matmul %get3A_36, %get3A_39, %dot_general3A_40 {dimension_numbers = #tpu.dot_dimension_numbers<[1], [0], [0], [1], [0, 0, 1, 1], [], []>, transpose_lhs_hint = false} : vector<1000x256xf32>, vector<256x256xf32>, vector<1000x256xf32> -> vector<1000x256xf32>
    %add3A_42 = arith.addf %add3A_33, %dot_general3A_41 : vector<1000x256xf32>
    %get3A_43 = arith.constant 0 : index
    %get3A_44 = arith.constant 0 : index
    %get3A_45 = vector.load %arg7[%get3A_43, %get3A_44] : memref<1x256xf32, #tpu.memory_space<vmem>>, vector<1x256xf32>
    %add3A_46 = vector.broadcast %get3A_45 : vector<1x256xf32> to vector<1000x256xf32>
    %add3A_47 = arith.addf %add3A_42, %add3A_46 : vector<1000x256xf32>
    %reduce_sum3A = arith.constant dense<0.000000e+00> : vector<1000xf32>
    %reduce_sum3A_48 = vector.multi_reduction <add>, %add3A_47, %reduce_sum3A [1] : vector<1000x256xf32> to vector<1000xf32>
    %broadcast_in_dim3A = vector.shape_cast %reduce_sum3A_48 : vector<1000xf32> to vector<1000x1xf32>
    %div3A = arith.constant 2.560000e+02 : f32
    %div3A_49 = vector.broadcast %div3A : f32 to vector<1000x1xf32>
    %div3A_50 = arith.divf %broadcast_in_dim3A, %div3A_49 : vector<1000x1xf32>
    %sub3A = vector.broadcast %div3A_50 : vector<1000x1xf32> to vector<1000x256xf32>
    %sub3A_51 = arith.subf %add3A_47, %sub3A : vector<1000x256xf32>
    %square3A = arith.mulf %sub3A_51, %sub3A_51 : vector<1000x256xf32>
    %reduce_sum3A_52 = arith.constant dense<0.000000e+00> : vector<1000xf32>
    %reduce_sum3A_53 = vector.multi_reduction <add>, %square3A, %reduce_sum3A_52 [1] : vector<1000x256xf32> to vector<1000xf32>
    %broadcast_in_dim3A_54 = vector.shape_cast %reduce_sum3A_53 : vector<1000xf32> to vector<1000x1xf32>
    %div3A_55 = arith.constant 2.560000e+02 : f32
    %div3A_56 = vector.broadcast %div3A_55 : f32 to vector<1000x1xf32>
    %div3A_57 = arith.divf %broadcast_in_dim3A_54, %div3A_56 : vector<1000x1xf32>
    %sub3A_58 = vector.broadcast %div3A_50 : vector<1000x1xf32> to vector<1000x256xf32>
    %sub3A_59 = arith.subf %add3A_47, %sub3A_58 : vector<1000x256xf32>
    %add3A_60 = arith.constant 9.99999974E-6 : f32
    %add3A_61 = vector.broadcast %add3A_60 : f32 to vector<1000x1xf32>
    %add3A_62 = arith.addf %div3A_57, %add3A_61 : vector<1000x1xf32>
    %rsqrt3A = math.rsqrt %add3A_62 : vector<1000x1xf32>
    %mul3A = vector.broadcast %rsqrt3A : vector<1000x1xf32> to vector<1000x256xf32>
    %mul3A_63 = arith.mulf %sub3A_59, %mul3A : vector<1000x256xf32>
    %get3A_64 = arith.constant 0 : index
    %get3A_65 = arith.constant 0 : index
    %get3A_66 = vector.load %arg8[%get3A_64, %get3A_65] : memref<1x256xf32, #tpu.memory_space<vmem>>, vector<1x256xf32>
    %mul3A_67 = vector.broadcast %get3A_66 : vector<1x256xf32> to vector<1000x256xf32>
    %mul3A_68 = arith.mulf %mul3A_63, %mul3A_67 : vector<1000x256xf32>
    %get3A_69 = arith.constant 0 : index
    %get3A_70 = arith.constant 0 : index
    %get3A_71 = vector.load %arg9[%get3A_69, %get3A_70] : memref<1x256xf32, #tpu.memory_space<vmem>>, vector<1x256xf32>
    %add3A_72 = vector.broadcast %get3A_71 : vector<1x256xf32> to vector<1000x256xf32>
    %add3A_73 = arith.addf %mul3A_68, %add3A_72 : vector<1000x256xf32>
    %max3A = arith.constant 0.000000e+00 : f32
    %max3A_74 = vector.broadcast %max3A : f32 to vector<1000x256xf32>
    %max3A_75 = arith.maximumf %add3A_73, %max3A_74 : vector<1000x256xf32>
    %swap3A = arith.constant 0 : index
    %swap3A_76 = arith.constant 0 : index
    %swap3A_77 = vector.load %arg10[%swap3A, %swap3A_76] : memref<1000x256xf32, #tpu.memory_space<vmem>>, vector<1000x256xf32>
    tpu.vector_store %arg10[%swap3A, %swap3A_76], %max3A_75 {strides = array<i32>} : memref<1000x256xf32, #tpu.memory_space<vmem>>, vector<1000x256xf32>,
    return
  }
  func.func @transform_0(%arg0: i32) -> (i32, i32) {
    %c0_i32 = arith.constant 0 : i32
    %c0_i32_0 = arith.constant 0 : i32
    return %arg0, %c0_i32 : i32, i32
  }
  func.func @transform_1(%arg0: i32) -> (i32, i32, i32) {
    %c0_i32 = arith.constant 0 : i32
    %c0_i32_0 = arith.constant 0 : i32
    %c0_i32_1 = arith.constant 0 : i32
    return %c0_i32, %arg0, %c0_i32_0 : i32, i32, i32
  }
  func.func @transform_2(%arg0: i32) -> (i32, i32, i32) {
    %c0_i32 = arith.constant 0 : i32
    %c0_i32_0 = arith.constant 0 : i32
    %c0_i32_1 = arith.constant 0 : i32
    return %c0_i32, %arg0, %c0_i32_0 : i32, i32, i32
  }
  func.func @transform_3(%arg0: i32) -> (i32, i32) {
    %c0_i32 = arith.constant 0 : i32
    %c0_i32_0 = arith.constant 0 : i32
    %c0_i32_1 = arith.constant 0 : i32
    return %c0_i32, %c0_i32_0 : i32, i32
  }
  func.func @transform_4(%arg0: i32) -> (i32, i32) {
    %c0_i32 = arith.constant 0 : i32
    %c0_i32_0 = arith.constant 0 : i32
    %c0_i32_1 = arith.constant 0 : i32
    return %c0_i32, %c0_i32_0 : i32, i32
  }
  func.func @transform_5(%arg0: i32) -> (i32, i32) {
    %c0_i32 = arith.constant 0 : i32
    %c0_i32_0 = arith.constant 0 : i32
    %c0_i32_1 = arith.constant 0 : i32
    return %c0_i32, %c0_i32_0 : i32, i32
  }
  func.func @transform_6(%arg0: i32) -> (i32, i32) {
    %c0_i32 = arith.constant 0 : i32
    %c0_i32_0 = arith.constant 0 : i32
    %c0_i32_1 = arith.constant 0 : i32
    return %c0_i32, %c0_i32_0 : i32, i32
  }
  func.func @transform_7(%arg0: i32) -> (i32, i32) {
    %c0_i32 = arith.constant 0 : i32
    %c0_i32_0 = arith.constant 0 : i32
    %c0_i32_1 = arith.constant 0 : i32
    return %c0_i32, %c0_i32_0 : i32, i32
  }
  func.func @transform_8(%arg0: i32) -> (i32, i32) {
    %c0_i32 = arith.constant 0 : i32
    %c0_i32_0 = arith.constant 0 : i32
    %c0_i32_1 = arith.constant 0 : i32
    return %c0_i32, %c0_i32_0 : i32, i32
  }
  func.func @transform_9(%arg0: i32) -> (i32, i32) {
    %c0_i32 = arith.constant 0 : i32
    %c0_i32_0 = arith.constant 0 : i32
    return %arg0, %c0_i32 : i32, i32
  }
}

</mosaic_0001>

<sc_bundles>
// kernel: kernel.5.cloned.1.call-start
scs
__scs_entry_jumppad:
0x0: {  	(pc) =	sbr.rel $0x88, $3  }
0x1: {  	(tag) =	ssettag $0x0;
	lr =	simm.s32 $0x1  }
0x2: {  	[smem:$0x3F98] =	sst lr;
	_ =	strace $0xD0000000  }
0x3: {  	_ = 	snop  }
0x4: {  	_ = 	snop  }
0x5: {  	_ = 	snop  }
0x6: {  	_ = 	snop  }
0x7: {  	_ = 	snop  }
__scs_overlays_trampoline_lowered:
0x8: {  	[smem:$0x3FA7] =	sst s0  }
0x9: {  	[smem:$0x3FA8] =	sst s1  }
0xa: {  	[smem:$0x3FA9] =	sst s2  }
0xb: {  	[smem:$0x3FAA] =	sst s3  }
0xc: {  	[smem:$0x3FAB] =	sst s4  }
0xd: {  	[smem:$0x3FAC] =	sst s5  }
0xe: {  	[smem:$0x3FAD] =	sst s6  }
0xf: {  	[smem:$0x3FAE] =	sst s7  }
0x10: {  	[smem:$0x3FAF] =	sst s8  }
0x11: {  	[smem:$0x3FB0] =	sst s9;
	s0 =	simm.s32 @!p0 $0x0  }
0x12: {  	s1 =	sld [smem:$0x3F96];
	s0 =	simm.s32 @p0 $0x1  }
0x13: {  	[smem:$0x3FB1] =	sst s0;
	s0 =	simm.s32 @!p1 $0x0  }
0x14: {  	s2 =	sld [smem:$0x3F95];
	s0 =	simm.s32 @p1 $0x1  }
0x15: {  	[smem:$0x3FB2] =	sst s0;
	s0 =	simm.s32 @!p2 $0x0  }
0x16: {  	s3 =	sld [smem:$0x3FDB];
	s0 =	simm.s32 @p2 $0x1  }
0x17: {  	s4 =	simm.s32 $0x1BF5;
	[smem:$0x3FB4] =	sst s0  }
0x18: {  	s0 =	sld [smem:$0x3F97];
	_ =	swait.ge [sflag:s4], $0x0  }
0x19: {  	s7 =	sld [smem:$0x3F98]  }
0x1a: {  	s8 =	sadd.s32 $0xFFFFE003, lr  }
0x1b: {  	s9 =	sadd.s32 $0xFFFFFEF7, lr;
	s5 =	simm.s32 $0xFFFFFFFF;
	p2 =	slt.u32 s8, $0xFFFFF086  }
0x1c: {  	p1 =	slt.u32 s9, $0xF7A;
	s5 =	simm.s32 @!p2 $0x0  }
0x1d: {  	s5 =	simm.s32 @p1 $0x1;
	p0 =	seq.s32 s7, s2  }
0x1e: {  	s7 =	smul.u32 @!p0 $0xF7A, s2;
	p2 =	seq.s32 @!p0 s5, $0x0  }
0x1f: {  	s9 =	smul.u32 $0xF7A, s1;
	s8 =	simm.s32 @!p0 $0x1BF5;
	p2 =	por !p2, p0  }
0x20: {  	[sflag:s8] =	ssyncset.s32 @!p0 $0xFFFFF086;
	s6 =	sadd.s32 @!p0 s3, s7;
	s7 =	simm.s32 @!p0 $0x108  }
0x21: {  	s3 =	sadd.s32 s3, s9;
	s6 =	sadd.s32 @!p0 $0x88, s6;
	s7 =	simm.s32 @p2 $0x1082  }
0x22: {  	[simem:s7], [sflag:s8] =	dma.local @!p0 [hbm:s6], $0xF7A  }
0x23: {  	s9 =	sor.u32 $0xD0000000, s2;
	s6 =	simm.s32 $0x108;
	_ =	swait.ge @!p0 [sflag:s8], $0x0  }
0x24: {  	s3 =	sadd.s32 $0x88, s3;
	s6 =	simm.s32 @!p1 $0x1082;
	[sflag:s4] =	ssyncset.s32 $0xFFFFF086  }
0x25: {  	[simem:s6], [sflag:s4] =	dma.local [hbm:s3], $0xF7A  }
0x26: {  	[smem:$0x3F98] =	sst s1;
	(tag) =	ssettag s2;
	_ =	strace s9  }
0x27: {  	s1 =	sld [smem:$0x3FA8]  }
0x28: {  	s2 =	sld [smem:$0x3FA9]  }
0x29: {  	s4 =	sld [smem:$0x3FAB]  }
0x2a: {  	p0 =	seq.s32 s5, $0x0;
	s5 =	sld [smem:$0x3FAC]  }
0x2b: {  	s6 =	sld [smem:$0x3FAD]  }
0x2c: {  	s7 =	sld [smem:$0x3FAE]  }
0x2d: {  	s3 =	simm.s32 $0x108;
	s8 =	sld [smem:$0x3FAF]  }
0x2e: {  	s3 =	simm.s32 @!p0 $0x1082;
	s9 =	sld [smem:$0x3FB0]  }
0x2f: {  	lr =	sadd.s32 s0, s3;
	s0 =	sld [smem:$0x3FA7]  }
0x30: {  	s3 =	sld [smem:$0x3FAA]  }
0x31: {  	[smem:$0x3FB3] =	sst s10  }
0x32: {  	s10 =	sld [smem:$0x3FB1];
	_ =	sdelay $0x3  }
0x33: {  	p0 =	seq.s32 s10, $0x1;
	s10 =	sld [smem:$0x3FB3];
	_ =	sdelay $0x3  }
0x34: {  	[smem:$0x3FB3] =	sst s10  }
0x35: {  	s10 =	sld [smem:$0x3FB2];
	_ =	sdelay $0x3  }
0x36: {  	p1 =	seq.s32 s10, $0x1;
	s10 =	sld [smem:$0x3FB3];
	_ =	sdelay $0x3  }
0x37: {  	[smem:$0x3FB3] =	sst s10  }
0x38: {  	s10 =	sld [smem:$0x3FB4]  }
0x39: {  	_ = 	snop;
	(pc) =	sbr.ind lr, $3  }
0x3a: {  	_ = 	snop  }
0x3b: {  	_ = 	snop  }
0x3c: {  	p2 =	seq.s32 s10, $0x1;
	s10 =	sld [smem:$0x3FB3]  }
0x3d: {  	_ =	shalt  }
0x3e: {  	_ =	shalt  }
0x3f: {  	_ =	shalt  }
0x40: {  	_ =	shalt  }
0x41: {  	_ =	shalt  }
0x42: {  	_ =	shalt  }
0x43: {  	_ =	shalt  }
0x44: {  	_ =	shalt  }
0x45: {  	_ =	shalt  }
0x46: {  	_ =	shalt  }
0x47: {  	_ =	shalt  }
0x48: {  	_ =	shalt  }
0x49: {  	_ =	shalt  }
0x4a: {  	_ =	shalt  }
0x4b: {  	_ =	shalt  }
0x4c: {  	_ =	shalt  }
0x4d: {  	_ =	shalt  }
0x4e: {  	_ =	shalt  }
0x4f: {  	_ =	shalt  }
0x50: {  	_ =	shalt  }
0x51: {  	_ =	shalt  }
0x52: {  	_ =	shalt  }
0x53: {  	_ =	shalt  }
0x54: {  	_ =	shalt  }
0x55: {  	_ =	shalt  }
0x56: {  	_ =	shalt  }
0x57: {  	_ =	shalt  }
0x58: {  	_ =	shalt  }
0x59: {  	_ =	shalt  }
0x5a: {  	_ =	shalt  }
0x5b: {  	_ =	shalt  }
0x5c: {  	_ =	shalt  }
0x5d: {  	_ =	shalt  }
0x5e: {  	_ =	shalt  }
0x5f: {  	_ =	shalt  }
0x60: {  	_ =	shalt  }
0x61: {  	_ =	shalt  }
0x62: {  	_ =	shalt  }
0x63: {  	_ =	shalt  }
0x64: {  	_ =	shalt  }
0x65: {  	_ =	shalt  }
0x66: {  	_ =	shalt  }
0x67: {  	_ =	shalt  }
0x68: {  	_ =	shalt  }
0x69: {  	_ =	shalt  }
0x6a: {  	_ =	shalt  }
0x6b: {  	_ =	shalt  }
0x6c: {  	_ =	shalt  }
0x6d: {  	_ =	shalt  }
0x6e: {  	_ =	shalt  }
0x6f: {  	_ =	shalt  }
0x70: {  	_ =	shalt  }
0x71: {  	_ =	shalt  }
0x72: {  	_ =	shalt  }
0x73: {  	_ =	shalt  }
0x74: {  	_ =	shalt  }
0x75: {  	_ =	shalt  }
0x76: {  	_ =	shalt  }
0x77: {  	_ =	shalt  }
0x78: {  	_ =	shalt  }
0x79: {  	_ =	shalt  }
0x7a: {  	_ =	shalt  }
0x7b: {  	_ =	shalt  }
0x7c: {  	_ =	shalt  }
0x7d: {  	_ =	shalt  }
0x7e: {  	_ =	shalt  }
0x7f: {  	_ =	shalt  }
0x80: {  	_ =	shalt  }
0x81: {  	_ =	shalt  }
0x82: {  	_ =	shalt  }
0x83: {  	_ =	shalt  }
0x84: {  	_ =	shalt  }
0x85: {  	_ =	shalt  }
0x86: {  	_ =	shalt  }
0x87: {  	_ =	shalt  }
.Lfunc_end0:
.L_simem_size_0:
called_computation_lowered:
.L_overlay_start_0:
0x88: {  	s2 =	sld [smem:$0x3FD9]  }
0x89: {  	s3 =	sld [smem:$0x3FFE];
	_ =	sdelay $0x1  }
0x8a: {  	s1 =	srdreg.scid  }
0x8b: {  	s0 =	sand.u32 $0x1, s1  }
0x8c: {  	s17 =	sshll.u32 s0, $0xA;
	s2 =	sadd.s32 s3, s2  }
0x8d: {  	s2 =	sadd.s32 s2, s17  }
0x8e: {  	[smem:$0x3FBF] =	sst s2  }
0x8f: {  	_ = 	snop  }
0x90: {  	s2 =	sld [smem:$0x3FD0];
	(tm) =	ssettm $0x1  }
0x91: {  	s18 =	sld [smem:$0x3FFB];
	_ =	sdelay $0x3  }
0x92: {  	_ =	strace s18  }
0x93: {  	s3 =	sld [smem:$0x3FFC];
	_ =	sdelay $0x3  }
0x94: {  	_ =	strace s3  }
0x95: {  	s3 =	sld [smem:$0x3FFD];
	_ =	sdelay $0x3  }
0x96: {  	_ =	strace s3  }
0x97: {  	_ =	strace $0x8FFFFFFF  }
0x98: {  	s19 =	sld [smem:$0x3FDB];
	_ =	sdelay $0x1  }
0x99: {  	s4 =	simm.s32 $_scs_section_size  }
0x9a: {  	s5 =	simm.s32 $_size__tile_overlayer_lowered;
	s6 =	simm.s32 $_tile_overlayer_lowered  }
0x9b: {  	s22 =	simm.s32 $0x1BFF;
	s21 =	sshll.u32 s6, $0x1;
	s3 =	sadd.s32 s4, s19  }
0x9c: {  	s7 =	simm.s32 $0x0;
	s20 =	sshll.u32 s5, $0x1;
	s5 =	sadd.s32 s21, s3  }
0x9d: {  	[timem:s7], [sflag:s22] =	dma.local [hbm:s5], s20  }
0x9e: {  	_ =	swait.ge [sflag:s22], s20  }
0x9f: {  	s4 =	ssub.s32 $0x0, s20;
	[sflag:s22] =	ssyncset.done $0x0  }
0xa0: {  	[sflag:s22] =	ssyncadd.s32 s4;
	_ =	sdelay $0x1  }
0xa1: {  	s23 =	simm.s32 $0x1B8B  }
0xa2: {  	_ =	swait.ge [sflag:s23], $0x1  }
0xa3: {  	[sflag:s23] =	ssyncset.done $0x0  }
0xa4: {  	s25 =	simm.s32 $0x1B8E;
	s24 =	sld [smem:$0x3FFE];
	[sflag:s23] =	ssyncadd.s32 $0xFFFFFFFF  }
0xa5: {  	s26 =	simm.s32 $execute0_lowered;
	[smem:$0x3FD2] =	sst s25  }
0xa6: {  	s5 =	sshll.u32 s26, $0x1;
	_ =	strace $0x80000046;
	[dreg:$0x1] =	wrdreg $0xFFFFFFFF  }
0xa7: {  	s28 =	simm.s32 $_size_execute0_lowered;
	s3 =	sadd.s32 s3, s5;
	[dreg:$0x0] =	wrdreg $0x0  }
0xa8: {  	s5 =	sshll.u32 s28, $0x1;
	[dreg:$0x2] =	wrdreg s3  }
0xa9: {  	[dreg:$0x3] =	wrdreg s5  }
0xaa: {  	[dreg:$0x4] =	wrdreg $0xC0  }
0xab: {  	_ =	task [dreg:s7], $0x5FFFF  }
0xac: {  	[dreg:$0x1] =	wrdreg $0xFFFFFFFF  }
0xad: {  	[dreg:$0x0] =	wrdreg $0x60  }
0xae: {  	[dreg:$0x2] =	wrdreg s2  }
0xaf: {  	[dreg:$0x3] =	wrdreg s24  }
0xb0: {  	[dreg:$0x4] =	wrdreg $0x67800  }
0xb1: {  	[dreg:$0x5] =	wrdreg $0x9  }
0xb2: {  	_ =	task.clear_ibuf [dreg:s7], $0x6FFFF;
	_ =	strace $0x90000046  }
0xb3: {  	s29 =	simm.s32 $0x9;
	_ =	strace $0x80000048  }
0xb4: {  	_ =	swait.ge [sflag:s29], $0x1  }
0xb5: {  	[sflag:s29] =	ssyncadd.s32 $0xFFFFFFFF  }
0xb6: {  	_ =	strace $0x90000048  }
0xb7: {  	_ =	sfence  }
0xb8: {  	s30 =	sld [smem:$0x0];
	_ =	sdelay $0x2  }
0xb9: {  	s31 =	sshll.u32 s1, $0xD;
	s1 =	sshrl.u32 s1, $0x2  }
0xba: {  	s3 =	sand.u32 $0x4000, s31;
	s1 =	sadd.s32 s1, s30  }
0xbb: {  	s0 =	sor.u32 s3, s0;
	s1 =	sshll.u32 s1, $0x11  }
0xbc: {  	s0 =	sor.u32 s1, s0  }
0xbd: {  	s0 =	sadd.s32 $0x8F2B, s0  }
0xbe: {  	[sflag:s0] =	ssyncadd.remote.s32 $0x1  }
0xbf: {  	_ =	sfence.sel $0xFFFF  }
0xc0: {  	[dreg:$0x0] =	wrdreg $0xFFFFFFFF;
	(pc) =	sbr.abs _section_cstart, $3  }
0xc1: {  	[dreg:$0x1] =	wrdreg $0xFFFFFFFF  }
0xc2: {  	_ =	task.clear_ibuf [dreg:s7], $0x2FFFF;
	_ =	strace $0x9FFFFFFF  }
0xc3: {  	(tm) =	ssettm $0x7FFFFFFF  }
tec
execute0_lowered:
.L_overlay_start_1:
0x0: {  	(tag) =	ssettag $0x1  }
0x1: {  	s2 =	rddreg [dreg:$0x0]  }
0x2: {  	s0 =	rddreg [dreg:$0x1]  }
0x3: {  	s3 =	rddreg [dreg:$0x2];
	s24 =	stileid.u32;
	s4 =	simm.s32 $0x0  }
0x4: {  	s6 =	srdreg.scid;
	s28 =	simm.s32 $0x3;
	s30 =	simm.s32 $0x1A880  }
0x5: {  	s31 =	simm.s32 $0x50;
	s29 =	simm.s32 $0x2;
	s8 =	smul.u32 $0x280, s24  }
0x6: {  	s1 =	sshrl.u32 s24, $0x3;
	s5 =	sshll.u32 s24, $0x7;
	s26 =	smul.u32 $0x2800, s24  }
0x7: {  	[smem:$0x7FF] =	sst s4;
	s13 =	sshll.u32 s24, $0xB;
	s1 =	smul.u32 $0x13C00, s1  }
0x8: {  	s7 =	sand.u32 $0x380, s5;
	s5 =	sand.u32 $0x1, s6;
	_ =	strace $0x80000047  }
0x9: {  	s6 =	smul.u32 $0x28000, s5;
	s25 =	ssub.s32 $0x2, s5;
	s16 =	sor.u32 $0x50, s8  }
0xa: {  	s18 =	sadd.s32 $0xA0, s8;
	s19 =	sadd.s32 $0xF0, s8;
	s20 =	sadd.s32 $0x140, s8  }
0xb: {  	s21 =	sadd.s32 $0x190, s8;
	s22 =	sadd.s32 $0x1E0, s8;
	s8 =	sadd.s32 $0x230, s8  }
0xc: {  	v0 =	vmov s5;
	s5 =	simm.s32 $0x0;
	s1 =	sor.u32 s7, s1;
	s9 =	sshrl.u32 s25, $0x1  }
0xd: {  	s10 =	sshll.u32 s16, $0x4;
	s11 =	sshll.u32 s18, $0x4;
	s12 =	sshll.u32 s19, $0x4  }
0xe: {  	s14 =	sshll.u32 s20, $0x4;
	s15 =	sshll.u32 s21, $0x4;
	s17 =	sshll.u32 s22, $0x4  }
0xf: {  	s23 =	sshll.u32 s8, $0x4;
	s18 =	sshll.u32 s18, $0x7;
	s19 =	sshll.u32 s19, $0x7  }
0x10: {  	s1 =	sshrl.u32 s1, $0x3;
	s6 =	sadd.s32 s6, s0;
	s7 =	ssub.s32 s25, s9  }
0x11: {  	s25 =	smul.u32 $0x50000, s24;
	s18 =	sadd.s32 s18, s3;
	s6 =	sadd.s32 $0xFE00, s6  }
0x12: {  	s19 =	sadd.s32 s19, s3;
	s24 =	sshll.u32 s21, $0x7;
	s9 =	sadd.s32 s26, s6  }
0x13: {  	s1 =	sadd.s32 s1, s0;
	s10 =	sadd.s32 s10, s6;
	[dreg:$0x4] =	wrdreg s9  }
0x14: {  	s21 =	sadd.s32 s24, s3;
	s11 =	sadd.s32 s11, s6;
	[dreg:$0x5] =	wrdreg s10  }
0x15: {  	s24 =	smax.u32 s7, $0x1;
	s12 =	sadd.s32 s12, s6;
	[dreg:$0x6] =	wrdreg s11  }
0x16: {  	s14 =	sadd.s32 s14, s6;
	s26 =	sadd.s32 s13, s0;
	[dreg:$0x7] =	wrdreg s12  }
0x17: {  	s13 =	sadd.s32 $0xF600, s0;
	s0 =	simm.s32 $0x1A780;
	[dreg:$0x8] =	wrdreg s14  }
0x18: {  	s10 =	sadd.s32 s15, s6;
	s11 =	sadd.s32 s17, s6;
	s12 =	sadd.s32 s23, s6  }
0x19: {  	s14 =	sadd.s32 $0x2600, s1;
	s15 =	sadd.s32 $0x7600, s26;
	s9 =	sshrl.u32 s25, $0x2  }
0x1a: {  	s17 =	sshll.u32 s16, $0x7;
	s23 =	sshll.u32 s20, $0x7;
	s25 =	sshll.u32 s22, $0x7  }
0x1b: {  	s26 =	sshll.u32 s8, $0x7;
	s1 =	simm.s32 $0x1A800;
	s16 =	sadd.s32 s9, s3  }
0x1c: {  	s17 =	sadd.s32 s17, s3;
	s20 =	sadd.s32 s23, s3;
	s22 =	sadd.s32 s25, s3  }
0x1d: {  	s23 =	sadd.s32 s26, s3;
	s25 =	simm.s32 $0x1D080;
	s26 =	simm.s32 $0x1  }
.LBB2_1:
0x1e: {  	s6 =	simm.s32 $0x80;
	s7 =	simm.s32 $0x400  }
0x1f: {  	[tilespmem:s4], [sflag:$0x3] =	stream.strided.gather [hbm4b:s14+s6], $0x2780, s7, s6, $0x38;
	[tilespmem:$0x1F880] =	vst v63  }
0x20: {  	_ =	swait.ge [sflag:s28], $0x2780  }
0x21: {  	[sflag:s28] =	ssyncset.done $0x0  }
0x22: {  	s9 =	simm.s32 $0x2780;
	[sflag:s28] =	ssyncadd.s32 $0xFFFFD880  }
0x23: {  	[tilespmem:s9], [sflag:$0x3] =	stream.linear.gather [hbm4b:s15+s4], $0x3E80, $0x38;
	[tilespmem:$0x1F880] =	vst v63  }
0x24: {  	_ =	swait.ge [sflag:s28], $0x3E80  }
0x25: {  	[sflag:s28] =	ssyncset.done $0x0  }
0x26: {  	[sflag:s28] =	ssyncadd.s32 $0xFFFFC180  }
0x27: {  	[tilespmem:s30], [sflag:$0x3] =	stream.linear.gather [hbm4b:s13+s4], $0x2800, $0x38;
	[tilespmem:$0x1F880] =	vst v63  }
0x28: {  	_ =	swait.ge [sflag:s28], $0x2800  }
0x29: {  	[sflag:s28] =	ssyncset.done $0x0  }
0x2a: {  	[sflag:s28] =	ssyncadd.s32 $0xFFFFD800  }
0x2b: {  	[spmem:s16] =	stream.linear.scatter [tilespmem:s30], [sflag:$0x3], $0x2800, $0x38;
	[tilespmem:$0x1F880] =	vst v63  }
0x2c: {  	_ =	swait.ge [sflag:s28], $0x2800  }
0x2d: {  	[sflag:s28] =	ssyncset.done $0x0  }
0x2e: {  	[sflag:s28] =	ssyncadd.s32 $0xFFFFD800  }
0x2f: {  	[spmem:s17] =	stream.linear.scatter [tilespmem:s30], [sflag:$0x3], $0x2800, $0x38;
	[tilespmem:$0x1F880] =	vst v63  }
0x30: {  	_ =	swait.ge [sflag:s28], $0x2800  }
0x31: {  	[sflag:s28] =	ssyncset.done $0x0  }
0x32: {  	[sflag:s28] =	ssyncadd.s32 $0xFFFFD800  }
0x33: {  	[spmem:s18] =	stream.linear.scatter [tilespmem:s30], [sflag:$0x3], $0x2800, $0x38;
	[tilespmem:$0x1F880] =	vst v63  }
0x34: {  	_ =	swait.ge [sflag:s28], $0x2800  }
0x35: {  	[sflag:s28] =	ssyncset.done $0x0  }
0x36: {  	[sflag:s28] =	ssyncadd.s32 $0xFFFFD800  }
0x37: {  	[spmem:s19] =	stream.linear.scatter [tilespmem:s30], [sflag:$0x3], $0x2800, $0x38;
	[tilespmem:$0x1F880] =	vst v63  }
0x38: {  	_ =	swait.ge [sflag:s28], $0x2800  }
0x39: {  	[sflag:s28] =	ssyncset.done $0x0  }
0x3a: {  	[sflag:s28] =	ssyncadd.s32 $0xFFFFD800  }
0x3b: {  	[spmem:s20] =	stream.linear.scatter [tilespmem:s30], [sflag:$0x3], $0x2800, $0x38;
	[tilespmem:$0x1F880] =	vst v63  }
0x3c: {  	_ =	swait.ge [sflag:s28], $0x2800  }
0x3d: {  	[sflag:s28] =	ssyncset.done $0x0  }
0x3e: {  	[sflag:s28] =	ssyncadd.s32 $0xFFFFD800  }
0x3f: {  	[spmem:s21] =	stream.linear.scatter [tilespmem:s30], [sflag:$0x3], $0x2800, $0x38;
	[tilespmem:$0x1F880] =	vst v63  }
0x40: {  	_ =	swait.ge [sflag:s28], $0x2800  }
0x41: {  	[sflag:s28] =	ssyncset.done $0x0  }
0x42: {  	[sflag:s28] =	ssyncadd.s32 $0xFFFFD800  }
0x43: {  	[spmem:s22] =	stream.linear.scatter [tilespmem:s30], [sflag:$0x3], $0x2800, $0x38;
	[tilespmem:$0x1F880] =	vst v63  }
0x44: {  	_ =	swait.ge [sflag:s28], $0x2800  }
0x45: {  	[sflag:s28] =	ssyncset.done $0x0  }
0x46: {  	[sflag:s28] =	ssyncadd.s32 $0xFFFFD800  }
0x47: {  	[spmem:s23] =	stream.linear.scatter [tilespmem:s30], [sflag:$0x3], $0x2800, $0x38;
	[tilespmem:$0x1F880] =	vst v63  }
0x48: {  	_ =	swait.ge [sflag:s28], $0x2800  }
0x49: {  	[sflag:s28] =	ssyncset.done $0x0  }
0x4a: {  	[sflag:s28] =	ssyncadd.s32 $0xFFFFD800  }
0x4b: {  	[bflag:$0x0] =	sbarrier.arrive $0xFFFF  }
0x4c: {  	v1 =	vld [tilespmem:$0x0]  }
0x4d: {  	v2 =	vld [tilespmem:$0x10]  }
0x4e: {  	v3 =	vld [tilespmem:$0x20]  }
0x4f: {  	v4 =	vld [tilespmem:$0x30]  }
0x50: {  	v5 =	vld [tilespmem:$0x40]  }
0x51: {  	v1 =	vshll.u32 v1, $0x1  }
0x52: {  	v2 =	vshll.u32 v2, $0x1;
	v1 =	vor.u32 v0, v1  }
0x53: {  	[tilespmem:$0x1A780] =	vst v1;
	v1 =	vor.u32 v0, v2;
	v2 =	vshll.u32 v3, $0x1  }
0x54: {  	[tilespmem:$0x1A790] =	vst v1;
	v1 =	vor.u32 v0, v2;
	v2 =	vshll.u32 v4, $0x1  }
0x55: {  	[tilespmem:$0x1A7A0] =	vst v1;
	v1 =	vor.u32 v0, v2;
	v2 =	vshll.u32 v5, $0x1  }
0x56: {  	[tilespmem:$0x1A7B0] =	vst v1;
	v1 =	vor.u32 v0, v2  }
0x57: {  	[tilespmem:$0x1A7C0] =	vst v1  }
0x58: {  	[tilespmem:s30], [sflag:$0x1] =	stream.indirect.gather [hbm4b:s2+s31], $0x80, s0, s31, $0xb8;
	[tilespmem:$0x1F880] =	vst v63  }
0x59: {  	v1 =	vld [tilespmem:$0x50]  }
0x5a: {  	v2 =	vld [tilespmem:$0x60]  }
0x5b: {  	v3 =	vld [tilespmem:$0x70]  }
0x5c: {  	v62 =	vld [tilespmem:$0x80]  }
0x5d: {  	v63 =	vld [tilespmem:$0x90]  }
0x5e: {  	v1 =	vshll.u32 v1, $0x1  }
0x5f: {  	v2 =	vshll.u32 v2, $0x1;
	v1 =	vor.u32 v0, v1  }
0x60: {  	[tilespmem:$0x1A800] =	vst v1;
	v1 =	vor.u32 v0, v2;
	v2 =	vshll.u32 v3, $0x1  }
0x61: {  	[tilespmem:$0x1A810] =	vst v1;
	v1 =	vor.u32 v0, v2;
	v2 =	vshll.u32 v62, $0x1  }
0x62: {  	[tilespmem:$0x1A820] =	vst v1;
	v1 =	vor.u32 v0, v2;
	v2 =	vshll.u32 v63, $0x1  }
0x63: {  	[tilespmem:$0x1A830] =	vst v1;
	v1 =	vor.u32 v0, v2  }
0x64: {  	[tilespmem:$0x1A840] =	vst v1  }
0x65: {  	[tilespmem:s25], [sflag:$0x2] =	stream.indirect.gather [hbm4b:s2+s31], $0x80, s1, s31, $0xb8;
	[tilespmem:$0x1F880] =	vst v63  }
0x66: {  	_ =	swait.ge [sflag:s26], $0x2800  }
0x67: {  	[sflag:s26] =	ssyncset.done $0x0  }
0x68: {  	s7 =	simm.s32 $0x2780;
	[sflag:s26] =	ssyncadd.s32 $0xFFFFD800  }
0x69: {  	[spmem:s3] =	stream.indirect.scatter.add.f32 [tilespmem:s30], [sflag:$0x3], $0x80, s7, s31, $0xb8;
	[tilespmem:$0x1F880] =	vst v63  }
0x6a: {  	_ =	swait.ge [sflag:s28], $0x2800  }
0x6b: {  	[sflag:s28] =	ssyncset.done $0x0  }
0x6c: {  	s8 =	simm.s32 $0x130;
	[sflag:s28] =	ssyncadd.s32 $0xFFFFD800  }
0x6d: {  	v1 =	vld [tilespmem:s8+$0xFFFFFF70];
	_ =	sdelay $0x4  }
0x6e: {  	v1 =	vshll.u32 v1, $0x1  }
0x6f: {  	v1 =	vor.u32 v0, v1  }
0x70: {  	[tilespmem:$0x1A780] =	vst v1  }
0x71: {  	v1 =	vld [tilespmem:s8+$0xFFFFFF80];
	_ =	sdelay $0x4  }
0x72: {  	v1 =	vshll.u32 v1, $0x1  }
0x73: {  	v1 =	vor.u32 v0, v1  }
0x74: {  	[tilespmem:$0x1A790] =	vst v1  }
0x75: {  	v1 =	vld [tilespmem:s8+$0xFFFFFF90];
	_ =	sdelay $0x4  }
0x76: {  	v1 =	vshll.u32 v1, $0x1  }
0x77: {  	v1 =	vor.u32 v0, v1  }
0x78: {  	[tilespmem:$0x1A7A0] =	vst v1  }
0x79: {  	v1 =	vld [tilespmem:s8+$0xFFFFFFA0];
	_ =	sdelay $0x4  }
0x7a: {  	v1 =	vshll.u32 v1, $0x1  }
0x7b: {  	v1 =	vor.u32 v0, v1  }
0x7c: {  	[tilespmem:$0x1A7B0] =	vst v1  }
0x7d: {  	v1 =	vld [tilespmem:s8+$0xFFFFFFB0];
	_ =	sdelay $0x4  }
0x7e: {  	v1 =	vshll.u32 v1, $0x1  }
0x7f: {  	v1 =	vor.u32 v0, v1  }
0x80: {  	[tilespmem:$0x1A7C0] =	vst v1  }
0x81: {  	[tilespmem:s30], [sflag:$0x1] =	stream.indirect.gather [hbm4b:s2+s31], $0x80, s0, s31, $0xb8;
	[tilespmem:$0x1F880] =	vst v63  }
0x82: {  	_ =	swait.ge [sflag:s29], $0x2800  }
0x83: {  	[sflag:s29] =	ssyncset.done $0x0  }
0x84: {  	s9 =	simm.s32 $0x2800;
	[sflag:s29] =	ssyncadd.s32 $0xFFFFD800  }
0x85: {  	[spmem:s3] =	stream.indirect.scatter.add.f32 [tilespmem:s25], [sflag:$0x3], $0x80, s9, s31, $0xb8;
	[tilespmem:$0x1F880] =	vst v63  }
0x86: {  	_ =	swait.ge [sflag:s28], $0x2800  }
0x87: {  	[sflag:s28] =	ssyncset.done $0x0  }
0x88: {  	[sflag:s28] =	ssyncadd.s32 $0xFFFFD800  }
0x89: {  	v1 =	vld [tilespmem:s8+$0xFFFFFFC0];
	_ =	sdelay $0x4  }
0x8a: {  	v1 =	vshll.u32 v1, $0x1  }
0x8b: {  	v1 =	vor.u32 v0, v1  }
0x8c: {  	[tilespmem:$0x1A800] =	vst v1  }
0x8d: {  	v1 =	vld [tilespmem:s8+$0xFFFFFFD0];
	_ =	sdelay $0x4  }
0x8e: {  	v1 =	vshll.u32 v1, $0x1  }
0x8f: {  	v1 =	vor.u32 v0, v1  }
0x90: {  	[tilespmem:$0x1A810] =	vst v1  }
0x91: {  	v1 =	vld [tilespmem:s8+$0xFFFFFFE0];
	_ =	sdelay $0x4  }
0x92: {  	v1 =	vshll.u32 v1, $0x1  }
0x93: {  	v1 =	vor.u32 v0, v1  }
0x94: {  	[tilespmem:$0x1A820] =	vst v1  }
0x95: {  	v1 =	vld [tilespmem:s8+$0xFFFFFFF0];
	_ =	sdelay $0x4  }
0x96: {  	v1 =	vshll.u32 v1, $0x1  }
0x97: {  	v1 =	vor.u32 v0, v1  }
0x98: {  	[tilespmem:$0x1A830] =	vst v1  }
0x99: {  	v1 =	vld [tilespmem:s8+$0x0];
	_ =	sdelay $0x4  }
0x9a: {  	v1 =	vshll.u32 v1, $0x1  }
0x9b: {  	v1 =	vor.u32 v0, v1  }
0x9c: {  	s6 =	simm.s32 $0x400;
	s7 =	simm.s32 $0x1D0;
	[tilespmem:$0x1A840] =	vst v1  }
.LBB2_2:
0x9d: {  	[tilespmem:s25], [sflag:$0x2] =	stream.indirect.gather [hbm4b:s2+s31], $0x80, s1, s31, $0xb8;
	[tilespmem:$0x1F880] =	vst v63  }
0x9e: {  	s8 =	smov.u32 s6  }
0x9f: {  	p0 =	sne.s32 s6, $0xF000;
	s6 =	sadd.s32 $0x400, s6;
	_ =	swait.ge [sflag:s26], $0x2800  }
0xa0: {  	s8 =	sshra.s32 s8, $0x2;
	[sflag:s26] =	ssyncset.done $0x0  }
0xa1: {  	s9 =	sadd.s32 $0x2780, s8;
	[sflag:s26] =	ssyncadd.s32 $0xFFFFD800  }
0xa2: {  	[spmem:s3] =	stream.indirect.scatter.add.f32 [tilespmem:s30], [sflag:$0x3], $0x80, s9, s31, $0xb8;
	[tilespmem:$0x1F880] =	vst v63  }
0xa3: {  	_ =	swait.ge [sflag:s28], $0x2800  }
0xa4: {  	[sflag:s28] =	ssyncset.done $0x0  }
0xa5: {  	[sflag:s28] =	ssyncadd.s32 $0xFFFFD800  }
0xa6: {  	v1 =	vld [tilespmem:s7+$0xFFFFFF70];
	_ =	sdelay $0x4  }
0xa7: {  	v1 =	vshll.u32 v1, $0x1  }
0xa8: {  	v1 =	vor.u32 v0, v1  }
0xa9: {  	[tilespmem:$0x1A780] =	vst v1  }
0xaa: {  	v1 =	vld [tilespmem:s7+$0xFFFFFF80];
	_ =	sdelay $0x4  }
0xab: {  	v1 =	vshll.u32 v1, $0x1  }
0xac: {  	v1 =	vor.u32 v0, v1  }
0xad: {  	[tilespmem:$0x1A790] =	vst v1  }
0xae: {  	v1 =	vld [tilespmem:s7+$0xFFFFFF90];
	_ =	sdelay $0x4  }
0xaf: {  	v1 =	vshll.u32 v1, $0x1  }
0xb0: {  	v1 =	vor.u32 v0, v1  }
0xb1: {  	[tilespmem:$0x1A7A0] =	vst v1  }
0xb2: {  	v1 =	vld [tilespmem:s7+$0xFFFFFFA0];
	_ =	sdelay $0x4  }
0xb3: {  	v1 =	vshll.u32 v1, $0x1  }
0xb4: {  	v1 =	vor.u32 v0, v1  }
0xb5: {  	[tilespmem:$0x1A7B0] =	vst v1  }
0xb6: {  	v1 =	vld [tilespmem:s7+$0xFFFFFFB0];
	_ =	sdelay $0x4  }
0xb7: {  	v1 =	vshll.u32 v1, $0x1  }
0xb8: {  	v1 =	vor.u32 v0, v1  }
0xb9: {  	[tilespmem:$0x1A7C0] =	vst v1  }
0xba: {  	[tilespmem:s30], [sflag:$0x1] =	stream.indirect.gather [hbm4b:s2+s31], $0x80, s0, s31, $0xb8;
	[tilespmem:$0x1F880] =	vst v63  }
0xbb: {  	_ =	swait.ge [sflag:s29], $0x2800  }
0xbc: {  	[sflag:s29] =	ssyncset.done $0x0  }
0xbd: {  	s8 =	sadd.s32 $0x2800, s8;
	[sflag:s29] =	ssyncadd.s32 $0xFFFFD800  }
0xbe: {  	[spmem:s3] =	stream.indirect.scatter.add.f32 [tilespmem:s25], [sflag:$0x3], $0x80, s8, s31, $0xb8;
	[tilespmem:$0x1F880] =	vst v63  }
0xbf: {  	_ =	swait.ge [sflag:s28], $0x2800  }
0xc0: {  	[sflag:s28] =	ssyncset.done $0x0  }
0xc1: {  	[sflag:s28] =	ssyncadd.s32 $0xFFFFD800  }
0xc2: {  	v1 =	vld [tilespmem:s7+$0xFFFFFFC0];
	_ =	sdelay $0x4  }
0xc3: {  	v1 =	vshll.u32 v1, $0x1  }
0xc4: {  	v1 =	vor.u32 v0, v1  }
0xc5: {  	[tilespmem:$0x1A800] =	vst v1  }
0xc6: {  	v1 =	vld [tilespmem:s7+$0xFFFFFFD0];
	_ =	sdelay $0x4  }
0xc7: {  	v1 =	vshll.u32 v1, $0x1  }
0xc8: {  	v1 =	vor.u32 v0, v1  }
0xc9: {  	[tilespmem:$0x1A810] =	vst v1  }
0xca: {  	v1 =	vld [tilespmem:s7+$0xFFFFFFE0];
	_ =	sdelay $0x4  }
0xcb: {  	v1 =	vshll.u32 v1, $0x1  }
0xcc: {  	v1 =	vor.u32 v0, v1  }
0xcd: {  	[tilespmem:$0x1A820] =	vst v1  }
0xce: {  	v1 =	vld [tilespmem:s7+$0xFFFFFFF0];
	_ =	sdelay $0x4  }
0xcf: {  	v1 =	vshll.u32 v1, $0x1  }
0xd0: {  	v1 =	vor.u32 v0, v1  }
0xd1: {  	[tilespmem:$0x1A830] =	vst v1  }
0xd2: {  	v1 =	vld [tilespmem:s7+$0x0];
	_ =	sdelay $0x2  }
.Ltmp0:
0xd3: {  	(pc) =	sbr.rel @p0 .LBB2_2-.Ltmp0, $4  }
0xd4: {  	_ = 	snop  }
0xd5: {  	v1 =	vshll.u32 v1, $0x1  }
0xd6: {  	v1 =	vor.u32 v0, v1  }
0xd7: {  	s7 =	sadd.s32 $0xA0, s7;
	[tilespmem:$0x1A840] =	vst v1  }
0xd8: {  	[tilespmem:s25], [sflag:$0x2] =	stream.indirect.gather [hbm4b:s2+s31], $0x80, s1, s31, $0xb8;
	[tilespmem:$0x1F880] =	vst v63  }
0xd9: {  	_ =	swait.ge [sflag:s26], $0x2800  }
0xda: {  	[sflag:s26] =	ssyncset.done $0x0  }
0xdb: {  	s6 =	simm.s32 $0x6480;
	[sflag:s26] =	ssyncadd.s32 $0xFFFFD800  }
0xdc: {  	[spmem:s3] =	stream.indirect.scatter.add.f32 [tilespmem:s30], [sflag:$0x3], $0x80, s6, s31, $0xb8;
	[tilespmem:$0x1F880] =	vst v63  }
0xdd: {  	_ =	swait.ge [sflag:s28], $0x2800  }
0xde: {  	[sflag:s28] =	ssyncset.done $0x0  }
0xdf: {  	[sflag:s28] =	ssyncadd.s32 $0xFFFFD800  }
0xe0: {  	v1 =	vld [tilespmem:$0x26C0]  }
0xe1: {  	v2 =	vld [tilespmem:$0x26D0]  }
0xe2: {  	v3 =	vld [tilespmem:$0x26E0]  }
0xe3: {  	v4 =	vld [tilespmem:$0x26F0]  }
0xe4: {  	v5 =	vld [tilespmem:$0x2700]  }
0xe5: {  	v1 =	vshll.u32 v1, $0x1  }
0xe6: {  	v2 =	vshll.u32 v2, $0x1;
	v1 =	vor.u32 v0, v1  }
0xe7: {  	[tilespmem:$0x1A780] =	vst v1;
	v1 =	vor.u32 v0, v2;
	v2 =	vshll.u32 v3, $0x1  }
0xe8: {  	[tilespmem:$0x1A790] =	vst v1;
	v1 =	vor.u32 v0, v2;
	v2 =	vshll.u32 v4, $0x1  }
0xe9: {  	[tilespmem:$0x1A7A0] =	vst v1;
	v1 =	vor.u32 v0, v2;
	v2 =	vshll.u32 v5, $0x1  }
0xea: {  	[tilespmem:$0x1A7B0] =	vst v1;
	v1 =	vor.u32 v0, v2  }
0xeb: {  	[tilespmem:$0x1A7C0] =	vst v1  }
0xec: {  	[tilespmem:s30], [sflag:$0x1] =	stream.indirect.gather [hbm4b:s2+s31], $0x80, s0, s31, $0xb8;
	[tilespmem:$0x1F880] =	vst v63  }
0xed: {  	_ =	swait.ge [sflag:s29], $0x2800  }
0xee: {  	[sflag:s29] =	ssyncset.done $0x0  }
0xef: {  	s9 =	simm.s32 $0x6500;
	[sflag:s29] =	ssyncadd.s32 $0xFFFFD800  }
0xf0: {  	[spmem:s3] =	stream.indirect.scatter.add.f32 [tilespmem:s25], [sflag:$0x3], $0x80, s9, s31, $0xb8;
	[tilespmem:$0x1F880] =	vst v63  }
0xf1: {  	_ =	swait.ge [sflag:s28], $0x2800  }
0xf2: {  	[sflag:s28] =	ssyncset.done $0x0  }
0xf3: {  	[sflag:s28] =	ssyncadd.s32 $0xFFFFD800  }
0xf4: {  	_ =	swait.ge [sflag:s26], $0x2800  }
0xf5: {  	[sflag:s26] =	ssyncset.done $0x0  }
0xf6: {  	s7 =	simm.s32 $0x6580;
	[sflag:s26] =	ssyncadd.s32 $0xFFFFD800  }
0xf7: {  	[spmem:s3] =	stream.indirect.scatter.add.f32 [tilespmem:s30], [sflag:$0x3], $0x80, s7, s31, $0xb8;
	[tilespmem:$0x1F880] =	vst v63  }
0xf8: {  	_ =	swait.ge [sflag:s28], $0x2800  }
0xf9: {  	[sflag:s28] =	ssyncset.done $0x0  }
0xfa: {  	[sflag:s28] =	ssyncadd.s32 $0xFFFFD800  }
0xfb: {  	[bflag:$0x0] =	sbarrier.arrive $0xFFFF  }
0xfc: {  	[tilespmem:s30], [sflag:$0x3] =	stream.linear.gather [spmem:s16], $0x2800, $0x38;
	[tilespmem:$0x1F880] =	vst v63  }
0xfd: {  	_ =	swait.ge [sflag:s28], $0x2800  }
0xfe: {  	[sflag:s28] =	ssyncset.done $0x0  }
0xff: {  	s8 =	rddreg [dreg:$0x4];
	[sflag:s28] =	ssyncadd.s32 $0xFFFFD800  }
0x100: {  	[hbm4b:s8+s4] =	stream.linear.scatter [tilespmem:s30], [sflag:$0x3], $0x2800, $0x38;
	[tilespmem:$0x1F880] =	vst v63  }
0x101: {  	_ =	swait.ge [sflag:s28], $0x2800  }
0x102: {  	[sflag:s28] =	ssyncset.done $0x0  }
0x103: {  	[sflag:s28] =	ssyncadd.s32 $0xFFFFD800  }
0x104: {  	[tilespmem:s30], [sflag:$0x3] =	stream.linear.gather [spmem:s17], $0x2800, $0x38;
	[tilespmem:$0x1F880] =	vst v63  }
0x105: {  	_ =	swait.ge [sflag:s28], $0x2800  }
0x106: {  	[sflag:s28] =	ssyncset.done $0x0  }
0x107: {  	s9 =	rddreg [dreg:$0x5];
	[sflag:s28] =	ssyncadd.s32 $0xFFFFD800  }
0x108: {  	[hbm4b:s9+s4] =	stream.linear.scatter [tilespmem:s30], [sflag:$0x3], $0x2800, $0x38;
	[tilespmem:$0x1F880] =	vst v63  }
0x109: {  	_ =	swait.ge [sflag:s28], $0x2800  }
0x10a: {  	[sflag:s28] =	ssyncset.done $0x0  }
0x10b: {  	[sflag:s28] =	ssyncadd.s32 $0xFFFFD800  }
0x10c: {  	[tilespmem:s30], [sflag:$0x3] =	stream.linear.gather [spmem:s18], $0x2800, $0x38;
	[tilespmem:$0x1F880] =	vst v63  }
0x10d: {  	_ =	swait.ge [sflag:s28], $0x2800  }
0x10e: {  	[sflag:s28] =	ssyncset.done $0x0  }
0x10f: {  	s7 =	rddreg [dreg:$0x6];
	[sflag:s28] =	ssyncadd.s32 $0xFFFFD800  }
0x110: {  	[hbm4b:s7+s4] =	stream.linear.scatter [tilespmem:s30], [sflag:$0x3], $0x2800, $0x38;
	[tilespmem:$0x1F880] =	vst v63  }
0x111: {  	_ =	swait.ge [sflag:s28], $0x2800  }
0x112: {  	[sflag:s28] =	ssyncset.done $0x0  }
0x113: {  	[sflag:s28] =	ssyncadd.s32 $0xFFFFD800  }
0x114: {  	[tilespmem:s30], [sflag:$0x3] =	stream.linear.gather [spmem:s19], $0x2800, $0x38;
	[tilespmem:$0x1F880] =	vst v63  }
0x115: {  	_ =	swait.ge [sflag:s28], $0x2800  }
0x116: {  	[sflag:s28] =	ssyncset.done $0x0  }
0x117: {  	s8 =	rddreg [dreg:$0x7];
	[sflag:s28] =	ssyncadd.s32 $0xFFFFD800  }
0x118: {  	[hbm4b:s8+s4] =	stream.linear.scatter [tilespmem:s30], [sflag:$0x3], $0x2800, $0x38;
	[tilespmem:$0x1F880] =	vst v63  }
0x119: {  	_ =	swait.ge [sflag:s28], $0x2800  }
0x11a: {  	[sflag:s28] =	ssyncset.done $0x0  }
0x11b: {  	[sflag:s28] =	ssyncadd.s32 $0xFFFFD800  }
0x11c: {  	[tilespmem:s30], [sflag:$0x3] =	stream.linear.gather [spmem:s20], $0x2800, $0x38;
	[tilespmem:$0x1F880] =	vst v63  }
0x11d: {  	_ =	swait.ge [sflag:s28], $0x2800  }
0x11e: {  	[sflag:s28] =	ssyncset.done $0x0  }
0x11f: {  	s9 =	rddreg [dreg:$0x8];
	[sflag:s28] =	ssyncadd.s32 $0xFFFFD800  }
0x120: {  	[hbm4b:s9+s4] =	stream.linear.scatter [tilespmem:s30], [sflag:$0x3], $0x2800, $0x38;
	[tilespmem:$0x1F880] =	vst v63  }
0x121: {  	_ =	swait.ge [sflag:s28], $0x2800  }
0x122: {  	[sflag:s28] =	ssyncset.done $0x0  }
0x123: {  	[sflag:s28] =	ssyncadd.s32 $0xFFFFD800  }
0x124: {  	[tilespmem:s30], [sflag:$0x3] =	stream.linear.gather [spmem:s21], $0x2800, $0x38;
	[tilespmem:$0x1F880] =	vst v63  }
0x125: {  	_ =	swait.ge [sflag:s28], $0x2800  }
0x126: {  	[sflag:s28] =	ssyncset.done $0x0  }
0x127: {  	[sflag:s28] =	ssyncadd.s32 $0xFFFFD800  }
0x128: {  	[hbm4b:s10+s4] =	stream.linear.scatter [tilespmem:s30], [sflag:$0x3], $0x2800, $0x38;
	[tilespmem:$0x1F880] =	vst v63  }
0x129: {  	_ =	swait.ge [sflag:s28], $0x2800  }
0x12a: {  	[sflag:s28] =	ssyncset.done $0x0  }
0x12b: {  	[sflag:s28] =	ssyncadd.s32 $0xFFFFD800  }
0x12c: {  	[tilespmem:s30], [sflag:$0x3] =	stream.linear.gather [spmem:s22], $0x2800, $0x38;
	[tilespmem:$0x1F880] =	vst v63  }
0x12d: {  	_ =	swait.ge [sflag:s28], $0x2800  }
0x12e: {  	[sflag:s28] =	ssyncset.done $0x0  }
0x12f: {  	[sflag:s28] =	ssyncadd.s32 $0xFFFFD800  }
0x130: {  	[hbm4b:s11+s4] =	stream.linear.scatter [tilespmem:s30], [sflag:$0x3], $0x2800, $0x38;
	[tilespmem:$0x1F880] =	vst v63  }
0x131: {  	_ =	swait.ge [sflag:s28], $0x2800  }
0x132: {  	[sflag:s28] =	ssyncset.done $0x0  }
0x133: {  	[sflag:s28] =	ssyncadd.s32 $0xFFFFD800  }
0x134: {  	[tilespmem:s30], [sflag:$0x3] =	stream.linear.gather [spmem:s23], $0x2800, $0x38;
	[tilespmem:$0x1F880] =	vst v63  }
0x135: {  	s5 =	sadd.s32 $0x1, s5;
	_ =	swait.ge [sflag:s28], $0x2800  }
0x136: {  	p0 =	sne.s32 s5, s24;
	[sflag:s28] =	ssyncset.done $0x0  }
.Ltmp1:
0x137: {  	[sflag:s28] =	ssyncadd.s32 $0xFFFFD800;
	(pc) =	sbr.rel @p0 .LBB2_1-.Ltmp1, $4  }
0x138: {  	[hbm4b:s12+s4] =	stream.linear.scatter [tilespmem:s30], [sflag:$0x3], $0x2800, $0x38;
	[tilespmem:$0x1F880] =	vst v63  }
0x139: {  	_ =	swait.ge [sflag:s28], $0x2800  }
0x13a: {  	[sflag:s28] =	ssyncset.done $0x0  }
0x13b: {  	[sflag:s28] =	ssyncadd.s32 $0xFFFFD800  }
0x13c: {  	_ =	sfence.sel $0x180000  }
0x13d: {  	[bflag:$0x0] =	sbarrier.arrive $0xFFFF  }
0x13e: {  	_ =	strace $0x90000047  }
0x13f: {  	s0 =	stileid.u32;
	[bflag:$0x2] =	sbarrier.arrive $0xFFFF  }
0x140: {  	p0 =	sne.s32 s0, $0x0;
	s0 =	rddreg [dreg:$0x3]  }
0x141: {  	s0 =	sadd.s32 @!p0 $0x100000, s0  }
0x142: {  	[sflag:s0] =	ssyncadd.tile.s32 @!p0 $0x1;
	_ =	shalt  }
.Lfunc_end2:
_tile_overlayer_lowered:
.L_overlay_start_2:
0x143: {  	(tag) =	ssettag $0x2  }
0x144: {  	s0 =	rddreg [dreg:$0x0];
	s2 =	stileid.u32  }
0x145: {  	s1 =	rddreg [dreg:$0x1];
	p0 =	sne.s32 s2, $0x0  }
0x146: {  	s3 =	rddreg [dreg:$0x2];
	[bflag:$0x3] =	sbarrier.arrive $0xFFFF;
	s2 =	simm.s32 @!p0 $0x1C03  }
0x147: {  	[timem:s3], [sflag:s2] =	dma.local @!p0 [hbm:s0], s1  }
0x148: {  	s0 =	simm.s32 @!p0 $0x3  }
0x149: {  	_ =	swait.ge @!p0 [sflag:s0], s1  }
0x14a: {  	s1 =	ssub.s32 @!p0 $0x0, s1;
	[sflag:s0] =	ssyncset.done @!p0 $0x0  }
0x14b: {  	[sflag:s0] =	ssyncadd.s32 @!p0 s1  }
0x14c: {  	[bflag:$0x3] =	sbarrier.arrive $0xFFFF  }
0x14d: {  	_ =	shalt  }

// kernel: kernel.8.cloned.1.call-start
scs
__scs_entry_jumppad:
0x0: {  	(pc) =	sbr.rel $0x88, $3  }
0x1: {  	(tag) =	ssettag $0x0;
	lr =	simm.s32 $0x1  }
0x2: {  	[smem:$0x3F98] =	sst lr;
	_ =	strace $0xD0000000  }
0x3: {  	_ = 	snop  }
0x4: {  	_ = 	snop  }
0x5: {  	_ = 	snop  }
0x6: {  	_ = 	snop  }
0x7: {  	_ = 	snop  }
__scs_overlays_trampoline_lowered:
0x8: {  	[smem:$0x3FA7] =	sst s0  }
0x9: {  	[smem:$0x3FA8] =	sst s1  }
0xa: {  	[smem:$0x3FA9] =	sst s2  }
0xb: {  	[smem:$0x3FAA] =	sst s3  }
0xc: {  	[smem:$0x3FAB] =	sst s4  }
0xd: {  	[smem:$0x3FAC] =	sst s5  }
0xe: {  	[smem:$0x3FAD] =	sst s6  }
0xf: {  	[smem:$0x3FAE] =	sst s7  }
0x10: {  	[smem:$0x3FAF] =	sst s8  }
0x11: {  	[smem:$0x3FB0] =	sst s9;
	s0 =	simm.s32 @!p0 $0x0  }
0x12: {  	s1 =	sld [smem:$0x3F96];
	s0 =	simm.s32 @p0 $0x1  }
0x13: {  	[smem:$0x3FB1] =	sst s0;
	s0 =	simm.s32 @!p1 $0x0  }
0x14: {  	s2 =	sld [smem:$0x3F95];
	s0 =	simm.s32 @p1 $0x1  }
0x15: {  	[smem:$0x3FB2] =	sst s0;
	s0 =	simm.s32 @!p2 $0x0  }
0x16: {  	s3 =	sld [smem:$0x3FDB];
	s0 =	simm.s32 @p2 $0x1  }
0x17: {  	s4 =	simm.s32 $0x1BF5;
	[smem:$0x3FB4] =	sst s0  }
0x18: {  	s0 =	sld [smem:$0x3F97];
	_ =	swait.ge [sflag:s4], $0x0  }
0x19: {  	s7 =	sld [smem:$0x3F98]  }
0x1a: {  	s8 =	sadd.s32 $0xFFFFE003, lr  }
0x1b: {  	s9 =	sadd.s32 $0xFFFFFEF7, lr;
	s5 =	simm.s32 $0xFFFFFFFF;
	p2 =	slt.u32 s8, $0xFFFFF086  }
0x1c: {  	p1 =	slt.u32 s9, $0xF7A;
	s5 =	simm.s32 @!p2 $0x0  }
0x1d: {  	s5 =	simm.s32 @p1 $0x1;
	p0 =	seq.s32 s7, s2  }
0x1e: {  	s7 =	smul.u32 @!p0 $0xF7A, s2;
	p2 =	seq.s32 @!p0 s5, $0x0  }
0x1f: {  	s9 =	smul.u32 $0xF7A, s1;
	s8 =	simm.s32 @!p0 $0x1BF5;
	p2 =	por !p2, p0  }
0x20: {  	[sflag:s8] =	ssyncset.s32 @!p0 $0xFFFFF086;
	s6 =	sadd.s32 @!p0 s3, s7;
	s7 =	simm.s32 @!p0 $0x108  }
0x21: {  	s3 =	sadd.s32 s3, s9;
	s6 =	sadd.s32 @!p0 $0x88, s6;
	s7 =	simm.s32 @p2 $0x1082  }
0x22: {  	[simem:s7], [sflag:s8] =	dma.local @!p0 [hbm:s6], $0xF7A  }
0x23: {  	s9 =	sor.u32 $0xD0000000, s2;
	s6 =	simm.s32 $0x108;
	_ =	swait.ge @!p0 [sflag:s8], $0x0  }
0x24: {  	s3 =	sadd.s32 $0x88, s3;
	s6 =	simm.s32 @!p1 $0x1082;
	[sflag:s4] =	ssyncset.s32 $0xFFFFF086  }
0x25: {  	[simem:s6], [sflag:s4] =	dma.local [hbm:s3], $0xF7A  }
0x26: {  	[smem:$0x3F98] =	sst s1;
	(tag) =	ssettag s2;
	_ =	strace s9  }
0x27: {  	s1 =	sld [smem:$0x3FA8]  }
0x28: {  	s2 =	sld [smem:$0x3FA9]  }
0x29: {  	s4 =	sld [smem:$0x3FAB]  }
0x2a: {  	p0 =	seq.s32 s5, $0x0;
	s5 =	sld [smem:$0x3FAC]  }
0x2b: {  	s6 =	sld [smem:$0x3FAD]  }
0x2c: {  	s7 =	sld [smem:$0x3FAE]  }
0x2d: {  	s3 =	simm.s32 $0x108;
	s8 =	sld [smem:$0x3FAF]  }
0x2e: {  	s3 =	simm.s32 @!p0 $0x1082;
	s9 =	sld [smem:$0x3FB0]  }
0x2f: {  	lr =	sadd.s32 s0, s3;
	s0 =	sld [smem:$0x3FA7]  }
0x30: {  	s3 =	sld [smem:$0x3FAA]  }
0x31: {  	[smem:$0x3FB3] =	sst s10  }
0x32: {  	s10 =	sld [smem:$0x3FB1];
	_ =	sdelay $0x3  }
0x33: {  	p0 =	seq.s32 s10, $0x1;
	s10 =	sld [smem:$0x3FB3];
	_ =	sdelay $0x3  }
0x34: {  	[smem:$0x3FB3] =	sst s10  }
0x35: {  	s10 =	sld [smem:$0x3FB2];
	_ =	sdelay $0x3  }
0x36: {  	p1 =	seq.s32 s10, $0x1;
	s10 =	sld [smem:$0x3FB3];
	_ =	sdelay $0x3  }
0x37: {  	[smem:$0x3FB3] =	sst s10  }
0x38: {  	s10 =	sld [smem:$0x3FB4]  }
0x39: {  	_ = 	snop;
	(pc) =	sbr.ind lr, $3  }
0x3a: {  	_ = 	snop  }
0x3b: {  	_ = 	snop  }
0x3c: {  	p2 =	seq.s32 s10, $0x1;
	s10 =	sld [smem:$0x3FB3]  }
0x3d: {  	_ =	shalt  }
0x3e: {  	_ =	shalt  }
0x3f: {  	_ =	shalt  }
0x40: {  	_ =	shalt  }
0x41: {  	_ =	shalt  }
0x42: {  	_ =	shalt  }
0x43: {  	_ =	shalt  }
0x44: {  	_ =	shalt  }
0x45: {  	_ =	shalt  }
0x46: {  	_ =	shalt  }
0x47: {  	_ =	shalt  }
0x48: {  	_ =	shalt  }
0x49: {  	_ =	shalt  }
0x4a: {  	_ =	shalt  }
0x4b: {  	_ =	shalt  }
0x4c: {  	_ =	shalt  }
0x4d: {  	_ =	shalt  }
0x4e: {  	_ =	shalt  }
0x4f: {  	_ =	shalt  }
0x50: {  	_ =	shalt  }
0x51: {  	_ =	shalt  }
0x52: {  	_ =	shalt  }
0x53: {  	_ =	shalt  }
0x54: {  	_ =	shalt  }
0x55: {  	_ =	shalt  }
0x56: {  	_ =	shalt  }
0x57: {  	_ =	shalt  }
0x58: {  	_ =	shalt  }
0x59: {  	_ =	shalt  }
0x5a: {  	_ =	shalt  }
0x5b: {  	_ =	shalt  }
0x5c: {  	_ =	shalt  }
0x5d: {  	_ =	shalt  }
0x5e: {  	_ =	shalt  }
0x5f: {  	_ =	shalt  }
0x60: {  	_ =	shalt  }
0x61: {  	_ =	shalt  }
0x62: {  	_ =	shalt  }
0x63: {  	_ =	shalt  }
0x64: {  	_ =	shalt  }
0x65: {  	_ =	shalt  }
0x66: {  	_ =	shalt  }
0x67: {  	_ =	shalt  }
0x68: {  	_ =	shalt  }
0x69: {  	_ =	shalt  }
0x6a: {  	_ =	shalt  }
0x6b: {  	_ =	shalt  }
0x6c: {  	_ =	shalt  }
0x6d: {  	_ =	shalt  }
0x6e: {  	_ =	shalt  }
0x6f: {  	_ =	shalt  }
0x70: {  	_ =	shalt  }
0x71: {  	_ =	shalt  }
0x72: {  	_ =	shalt  }
0x73: {  	_ =	shalt  }
0x74: {  	_ =	shalt  }
0x75: {  	_ =	shalt  }
0x76: {  	_ =	shalt  }
0x77: {  	_ =	shalt  }
0x78: {  	_ =	shalt  }
0x79: {  	_ =	shalt  }
0x7a: {  	_ =	shalt  }
0x7b: {  	_ =	shalt  }
0x7c: {  	_ =	shalt  }
0x7d: {  	_ =	shalt  }
0x7e: {  	_ =	shalt  }
0x7f: {  	_ =	shalt  }
0x80: {  	_ =	shalt  }
0x81: {  	_ =	shalt  }
0x82: {  	_ =	shalt  }
0x83: {  	_ =	shalt  }
0x84: {  	_ =	shalt  }
0x85: {  	_ =	shalt  }
0x86: {  	_ =	shalt  }
0x87: {  	_ =	shalt  }
.Lfunc_end0:
.L_simem_size_0:
called_computation.1_lowered:
.L_overlay_start_0:
0x88: {  	s2 =	sld [smem:$0x3FD9]  }
0x89: {  	s3 =	sld [smem:$0x3FFE];
	_ =	sdelay $0x1  }
0x8a: {  	s1 =	srdreg.scid  }
0x8b: {  	s0 =	sand.u32 $0x1, s1  }
0x8c: {  	s17 =	sshll.u32 s0, $0xA;
	s2 =	sadd.s32 s3, s2  }
0x8d: {  	s2 =	sadd.s32 s2, s17  }
0x8e: {  	[smem:$0x3FBF] =	sst s2  }
0x8f: {  	_ = 	snop  }
0x90: {  	(tm) =	ssettm $0x1  }
0x91: {  	s18 =	sld [smem:$0x3FFB];
	_ =	sdelay $0x3  }
0x92: {  	_ =	strace s18  }
0x93: {  	s2 =	sld [smem:$0x3FFC];
	_ =	sdelay $0x3  }
0x94: {  	_ =	strace s2  }
0x95: {  	s2 =	sld [smem:$0x3FFD];
	_ =	sdelay $0x3  }
0x96: {  	_ =	strace s2  }
0x97: {  	_ =	strace $0x8FFFFFFF  }
0x98: {  	s19 =	sld [smem:$0x3FDB];
	_ =	sdelay $0x1  }
0x99: {  	s20 =	simm.s32 $_scs_section_size  }
0x9a: {  	s4 =	simm.s32 $_size__tile_overlayer_lowered;
	s5 =	simm.s32 $_tile_overlayer_lowered  }
0x9b: {  	s6 =	simm.s32 $0x1BFF;
	s21 =	sshll.u32 s5, $0x1;
	s3 =	sadd.s32 s20, s19  }
0x9c: {  	s22 =	simm.s32 $0x0;
	s4 =	sshll.u32 s4, $0x1;
	s5 =	sadd.s32 s21, s3  }
0x9d: {  	[timem:s22], [sflag:s6] =	dma.local [hbm:s5], s4  }
0x9e: {  	_ =	swait.ge [sflag:s6], s4  }
0x9f: {  	s4 =	ssub.s32 $0x0, s4;
	[sflag:s6] =	ssyncset.done $0x0  }
0xa0: {  	[sflag:s6] =	ssyncadd.s32 s4;
	_ =	sdelay $0x1  }
0xa1: {  	s23 =	simm.s32 $0x1B8B  }
0xa2: {  	_ =	swait.ge [sflag:s23], $0x1  }
0xa3: {  	[sflag:s23] =	ssyncset.done $0x0  }
0xa4: {  	[sflag:s23] =	ssyncadd.s32 $0xFFFFFFFF  }
0xa5: {  	s4 =	sld [smem:$0x0]  }
0xa6: {  	s5 =	sand.u32 $0xFFFFFFFE, s1  }
0xa7: {  	p0 =	sne.s32 s1, s5  }
0xa8: {  	s5 =	sshll.u32 @p0 s5, $0xE  }
0xa9: {  	s5 =	sadd.s32 @p0 $0x11B8D, s5;
	s6 =	sshll.u32 @p0 s4, $0x11  }
0xaa: {  	s5 =	sor.u32 @p0 s6, s5  }
0xab: {  	[sflag:s5] =	ssyncadd.remote.s32 @p0 $0x1;
	_ =	sdelay $0x1  }
0xac: {  	s5 =	simm.s32 @p0 $0x1B8D  }
0xad: {  	_ =	swait.eq @p0 [sflag:s5], $0x1  }
0xae: {  	[sflag:s5] =	ssyncadd.s32 @p0 $0xFFFFFFFF  }
0xaf: {  	s6 =	sshll.u32 @!p0 s1, $0xE  }
0xb0: {  	s6 =	sor.u32 @!p0 $0x4000, s6;
	s5 =	simm.s32 @!p0 $0x1B8D  }
0xb1: {  	s4 =	sshll.u32 @!p0 s4, $0x11;
	s6 =	sadd.s32 @!p0 $0x11B8D, s6;
	_ =	swait.eq @!p0 [sflag:s5], $0x1  }
0xb2: {  	s4 =	sor.u32 @!p0 s4, s6;
	[sflag:s5] =	ssyncadd.s32 @!p0 $0xFFFFFFFF  }
0xb3: {  	s25 =	simm.s32 $0x1B8E;
	s24 =	sld [smem:$0x3FFE];
	[sflag:s4] =	ssyncadd.remote.s32 @!p0 $0x1  }
0xb4: {  	s26 =	simm.s32 $execute0_lowered;
	[smem:$0x3FD2] =	sst s25  }
0xb5: {  	s5 =	sshll.u32 s26, $0x1;
	_ =	strace $0x80000049;
	[dreg:$0x1] =	wrdreg $0xFFFFFFFF  }
0xb6: {  	s28 =	simm.s32 $_size_execute0_lowered;
	s3 =	sadd.s32 s3, s5;
	[dreg:$0x0] =	wrdreg $0x0  }
0xb7: {  	s5 =	sshll.u32 s28, $0x1;
	[dreg:$0x2] =	wrdreg s3  }
0xb8: {  	[dreg:$0x3] =	wrdreg s5  }
0xb9: {  	[dreg:$0x4] =	wrdreg $0xC0  }
0xba: {  	_ =	task [dreg:s22], $0x5FFFF  }
0xbb: {  	[dreg:$0x1] =	wrdreg $0xFFFFFFFF  }
0xbc: {  	[dreg:$0x0] =	wrdreg $0x60  }
0xbd: {  	[dreg:$0x2] =	wrdreg s24  }
0xbe: {  	[dreg:$0x3] =	wrdreg $0x90000  }
0xbf: {  	[dreg:$0x4] =	wrdreg $0xA  }
0xc0: {  	_ =	task.clear_ibuf [dreg:s22], $0x5FFFF;
	_ =	strace $0x90000049  }
0xc1: {  	s29 =	simm.s32 $0xA;
	_ =	strace $0x8000004B  }
0xc2: {  	_ =	swait.ge [sflag:s29], $0x1  }
0xc3: {  	[sflag:s29] =	ssyncadd.s32 $0xFFFFFFFF  }
0xc4: {  	_ =	strace $0x9000004B  }
0xc5: {  	_ =	sfence  }
0xc6: {  	s30 =	sld [smem:$0x0];
	_ =	sdelay $0x2  }
0xc7: {  	s31 =	sshll.u32 s1, $0xD;
	s1 =	sshrl.u32 s1, $0x2  }
0xc8: {  	s4 =	sand.u32 $0x4000, s31;
	s1 =	sadd.s32 s1, s30  }
0xc9: {  	s0 =	sor.u32 s4, s0;
	s1 =	sshll.u32 s1, $0x11  }
0xca: {  	s0 =	sor.u32 s1, s0  }
0xcb: {  	s0 =	sadd.s32 $0x8F2B, s0  }
0xcc: {  	[sflag:s0] =	ssyncadd.remote.s32 $0x1  }
0xcd: {  	_ =	sfence.sel $0xFFFF  }
0xce: {  	[dreg:$0x0] =	wrdreg $0xFFFFFFFF;
	(pc) =	sbr.abs _section_cstart, $3  }
0xcf: {  	[dreg:$0x1] =	wrdreg $0xFFFFFFFF  }
0xd0: {  	_ =	task.clear_ibuf [dreg:s22], $0x2FFFF;
	_ =	strace $0x9FFFFFFF  }
0xd1: {  	(tm) =	ssettm $0x7FFFFFFF  }
tec
execute0_lowered:
.L_overlay_start_1:
0x0: {  	(tag) =	ssettag $0x1  }
0x1: {  	s25 =	rddreg [dreg:$0x0];
	s7 =	stileid.u32  }
0x2: {  	s1 =	simm.s32 $0x0;
	s2 =	srdreg.scid;
	s6 =	smul.u32 $0x280, s7  }
0x3: {  	[smem:$0x7FF] =	sst s1;
	s2 =	sand.u32 $0x1, s2;
	s19 =	smul.u32 $0x2800, s7  }
0x4: {  	s3 =	smul.u32 $0x28000, s2;
	s4 =	sshll.u32 s2, $0x4;
	s2 =	ssub.s32 $0x2, s2  }
0x5: {  	s15 =	sor.u32 s7, s4;
	s0 =	sshrl.u32 s2, $0x1;
	s17 =	sor.u32 $0x28, s6  }
0x6: {  	s18 =	sor.u32 $0x50, s6;
	s20 =	sor.u32 $0x78, s6;
	s13 =	sadd.s32 $0xA0, s6  }
0x7: {  	s14 =	sadd.s32 $0xC8, s6;
	s12 =	sadd.s32 $0xF0, s6;
	s10 =	sadd.s32 $0x118, s6  }
0x8: {  	s11 =	sadd.s32 $0x140, s6;
	s9 =	sadd.s32 $0x168, s6;
	s29 =	sadd.s32 $0x208, s6  }
0x9: {  	s5 =	sadd.s32 $0x230, s6;
	s16 =	sadd.s32 s3, s25;
	s8 =	ssub.s32 s2, s0  }
0xa: {  	s2 =	sadd.s32 $0x190, s6;
	s0 =	sadd.s32 $0x1B8, s6;
	s3 =	sadd.s32 $0x1E0, s6  }
0xb: {  	s6 =	sadd.s32 $0x258, s6;
	s21 =	sshll.u32 s17, $0x4;
	s16 =	sadd.s32 $0x2E0E00, s16  }
0xc: {  	s22 =	sshll.u32 s18, $0x4;
	s23 =	sshll.u32 s20, $0x4;
	s19 =	sadd.s32 s19, s16  }
0xd: {  	s24 =	sshll.u32 s13, $0x4;
	s4 =	sadd.s32 s21, s16;
	[dreg:$0x3] =	wrdreg s19  }
0xe: {  	s13 =	sshll.u32 s13, $0x7;
	s21 =	sadd.s32 s22, s16;
	[dreg:$0x4] =	wrdreg s4  }
0xf: {  	s22 =	sadd.s32 s23, s16;
	s23 =	sshll.u32 s14, $0x4;
	[dreg:$0x5] =	wrdreg s21  }
0x10: {  	s26 =	sadd.s32 s24, s16;
	s24 =	sshll.u32 s9, $0x4;
	[dreg:$0x6] =	wrdreg s22  }
0x11: {  	s14 =	sshll.u32 s14, $0x7;
	s9 =	sshll.u32 s9, $0x7;
	[dreg:$0x7] =	wrdreg s26  }
0x12: {  	s19 =	sadd.s32 s23, s16;
	s4 =	sshll.u32 s12, $0x4;
	s21 =	sshll.u32 s10, $0x4  }
0x13: {  	s22 =	sshll.u32 s11, $0x4;
	s26 =	sshll.u32 s2, $0x4;
	s12 =	sshll.u32 s12, $0x7  }
0x14: {  	s10 =	sshll.u32 s10, $0x7;
	s11 =	sshll.u32 s11, $0x7;
	s2 =	sshll.u32 s2, $0x7  }
0x15: {  	[dreg:$0x8] =	wrdreg s19;
	s19 =	sadd.s32 s4, s16;
	s23 =	sadd.s32 s22, s16  }
0x16: {  	s4 =	sshll.u32 s0, $0x4;
	s22 =	sshll.u32 s3, $0x4;
	[dreg:$0x9] =	wrdreg s19  }
0x17: {  	s3 =	sshll.u32 s3, $0x7;
	s19 =	sadd.s32 s21, s16;
	[dreg:$0xb] =	wrdreg s23  }
0x18: {  	s21 =	sadd.s32 s4, s16;
	s23 =	sshll.u32 s29, $0x4;
	s4 =	sshll.u32 s6, $0x4  }
0x19: {  	s6 =	sshll.u32 s6, $0x7;
	[dreg:$0xa] =	wrdreg s19;
	s19 =	sadd.s32 s24, s16  }
0x1a: {  	[dreg:$0xe] =	wrdreg s21;
	s24 =	sshll.u32 s5, $0x4;
	s21 =	smul.u32 $0x13880, s15  }
0x1b: {  	s15 =	sshll.u32 s15, $0xB;
	[dreg:$0xc] =	wrdreg s19;
	s19 =	sadd.s32 s26, s16  }
0x1c: {  	s5 =	sshll.u32 s5, $0x7;
	s26 =	sadd.s32 s24, s16;
	[dreg:$0xd] =	wrdreg s19  }
0x1d: {  	s15 =	sadd.s32 s15, s25;
	s19 =	sadd.s32 s22, s16;
	[dreg:$0x11] =	wrdreg s26  }
0x1e: {  	s22 =	smul.u32 $0x50000, s7;
	s7 =	sadd.s32 s21, s25;
	s15 =	sadd.s32 $0x5FE00, s15  }
0x1f: {  	s26 =	sshll.u32 s18, $0x7;
	s18 =	sshll.u32 s29, $0x7;
	s29 =	smax.u32 s8, $0x1  }
0x20: {  	s8 =	simm.s32 $0x0;
	[dreg:$0xf] =	wrdreg s19;
	s19 =	sadd.s32 s23, s16  }
0x21: {  	s16 =	sadd.s32 s4, s16;
	s23 =	sadd.s32 $0xF600, s25;
	[dreg:$0x10] =	wrdreg s19  }
0x22: {  	s25 =	sshll.u32 s17, $0x7;
	s4 =	sshll.u32 s20, $0x7;
	[dreg:$0x12] =	wrdreg s16  }
0x23: {  	s17 =	sshll.u32 s0, $0x7;
	s7 =	sadd.s32 $0x6FE00, s7;
	s19 =	rddreg [dreg:$0x1]  }
0x24: {  	s24 =	sshrl.u32 s22, $0x2;
	_ =	strace $0x8000004A;
	[dreg:$0x13] =	wrdreg s23  }
0x25: {  	[dreg:$0x14] =	wrdreg s15;
	s21 =	sadd.s32 s24, s19;
	s22 =	sadd.s32 s25, s19  }
0x26: {  	s16 =	sadd.s32 s26, s19;
	s26 =	sadd.s32 s4, s19;
	s28 =	sadd.s32 s13, s19  }
0x27: {  	s30 =	sadd.s32 s14, s19;
	s23 =	sadd.s32 s10, s19;
	s4 =	sadd.s32 s11, s19  }
0x28: {  	s24 =	sadd.s32 s9, s19;
	s25 =	sadd.s32 s2, s19;
	s31 =	sadd.s32 s17, s19  }
0x29: {  	s3 =	sadd.s32 s3, s19;
	s0 =	sadd.s32 s18, s19;
	s5 =	sadd.s32 s5, s19  }
0x2a: {  	s6 =	sadd.s32 s6, s19;
	[dreg:$0x1a] =	wrdreg s29;
	s9 =	simm.s32 $0x5  }
.Ltmp0:
0x2b: {  	s10 =	simm.s32 $0x6800;
	[dreg:$0x15] =	wrdreg s31;
	(pc) =	sbr.rel .LBB2_1-.Ltmp0, $4  }
0x2c: {  	s11 =	simm.s32 $0x7C00;
	s13 =	simm.s32 $0x5400;
	[dreg:$0x16] =	wrdreg s3  }
0x2d: {  	s14 =	simm.s32 $0x1;
	s15 =	simm.s32 $0x28;
	[dreg:$0x17] =	wrdreg s0  }
0x2e: {  	s17 =	simm.s32 $0x2;
	s20 =	smov.u32 s16;
	[dreg:$0x18] =	wrdreg s5  }
0x2f: {  	s16 =	sadd.s32 s12, s19;
	s12 =	simm.s32 $0x4000;
	[dreg:$0x19] =	wrdreg s6  }
.LBB2_4:
0x30: {  	_ =	swait.ge [sflag:s14], $0x1400  }
0x31: {  	[sflag:s14] =	ssyncset.done $0x0  }
0x32: {  	s4 =	simm.s32 $0x3;
	[sflag:s14] =	ssyncadd.s32 $0xFFFFEC00  }
0x33: {  	_ =	swait.ge [sflag:s4], $0x1400  }
0x34: {  	[sflag:s4] =	ssyncset.done $0x0  }
0x35: {  	[sflag:s4] =	ssyncadd.s32 $0xFFFFEC00  }
0x36: {  	v0 =	vld [tilespmem:$0x4000]  }
0x37: {  	v1 =	vld [tilespmem:$0x4080]  }
0x38: {  	v2 =	vld [tilespmem:$0x4100]  }
0x39: {  	v3 =	vld [tilespmem:$0x4180]  }
0x3a: {  	v4 =	vld [tilespmem:$0x4200]  }
0x3b: {  	v29 =	vld [tilespmem:$0x4280];
	[tilespmem:$0x6800] =	vst v0  }
0x3c: {  	v30 =	vld [tilespmem:$0x4300];
	[tilespmem:$0x6880] =	vst v1  }
0x3d: {  	v31 =	vld [tilespmem:$0x4380];
	[tilespmem:$0x6900] =	vst v2  }
0x3e: {  	v32 =	vld [tilespmem:$0x4400];
	[tilespmem:$0x6980] =	vst v3  }
0x3f: {  	v33 =	vld [tilespmem:$0x4480];
	[tilespmem:$0x6A00] =	vst v4  }
0x40: {  	v34 =	vld [tilespmem:$0x4500];
	[tilespmem:$0x6A80] =	vst v29  }
0x41: {  	v35 =	vld [tilespmem:$0x4580];
	[tilespmem:$0x6B00] =	vst v30  }
0x42: {  	v36 =	vld [tilespmem:$0x4600];
	[tilespmem:$0x6B80] =	vst v31  }
0x43: {  	v37 =	vld [tilespmem:$0x4680];
	[tilespmem:$0x6C00] =	vst v32  }
0x44: {  	v38 =	vld [tilespmem:$0x4700];
	[tilespmem:$0x6C80] =	vst v33  }
0x45: {  	v39 =	vld [tilespmem:$0x4780];
	[tilespmem:$0x6D00] =	vst v34  }
0x46: {  	v40 =	vld [tilespmem:$0x4800];
	[tilespmem:$0x6D80] =	vst v35  }
0x47: {  	v41 =	vld [tilespmem:$0x4880];
	[tilespmem:$0x6E00] =	vst v36  }
0x48: {  	v42 =	vld [tilespmem:$0x4900];
	[tilespmem:$0x6E80] =	vst v37  }
0x49: {  	v43 =	vld [tilespmem:$0x4980];
	[tilespmem:$0x6F00] =	vst v38  }
0x4a: {  	v44 =	vld [tilespmem:$0x4A00];
	[tilespmem:$0x6F80] =	vst v39  }
0x4b: {  	v45 =	vld [tilespmem:$0x4A80];
	[tilespmem:$0x7000] =	vst v40  }
0x4c: {  	v46 =	vld [tilespmem:$0x4B00];
	[tilespmem:$0x7080] =	vst v41  }
0x4d: {  	v47 =	vld [tilespmem:$0x4B80];
	[tilespmem:$0x7100] =	vst v42  }
0x4e: {  	v48 =	vld [tilespmem:$0x4C00];
	[tilespmem:$0x7180] =	vst v43  }
0x4f: {  	v49 =	vld [tilespmem:$0x4C80];
	[tilespmem:$0x7200] =	vst v44  }
0x50: {  	v50 =	vld [tilespmem:$0x4D00];
	[tilespmem:$0x7280] =	vst v45  }
0x51: {  	v51 =	vld [tilespmem:$0x4D80];
	[tilespmem:$0x7300] =	vst v46  }
0x52: {  	v52 =	vld [tilespmem:$0x4E00];
	[tilespmem:$0x7380] =	vst v47  }
0x53: {  	v53 =	vld [tilespmem:$0x4E80];
	[tilespmem:$0x7400] =	vst v48  }
0x54: {  	v54 =	vld [tilespmem:$0x4F00];
	[tilespmem:$0x7480] =	vst v49  }
0x55: {  	v55 =	vld [tilespmem:$0x4F80];
	[tilespmem:$0x7500] =	vst v50  }
0x56: {  	v56 =	vld [tilespmem:$0x5000];
	[tilespmem:$0x7580] =	vst v51  }
0x57: {  	v57 =	vld [tilespmem:$0x5080];
	[tilespmem:$0x7600] =	vst v52  }
0x58: {  	v58 =	vld [tilespmem:$0x5100];
	[tilespmem:$0x7680] =	vst v53  }
0x59: {  	v59 =	vld [tilespmem:$0x5180];
	[tilespmem:$0x7700] =	vst v54  }
0x5a: {  	v60 =	vld [tilespmem:$0x5200];
	[tilespmem:$0x7780] =	vst v55  }
0x5b: {  	v61 =	vld [tilespmem:$0x5280];
	[tilespmem:$0x7800] =	vst v56  }
0x5c: {  	v62 =	vld [tilespmem:$0x5300];
	[tilespmem:$0x7880] =	vst v57  }
0x5d: {  	v63 =	vld [tilespmem:$0x5380];
	[tilespmem:$0x7900] =	vst v58  }
0x5e: {  	[tilespmem:$0x7980] =	vst v59  }
0x5f: {  	[tilespmem:$0x7A00] =	vst v60  }
0x60: {  	[tilespmem:$0x7A80] =	vst v61  }
0x61: {  	[tilespmem:$0x7B00] =	vst v62  }
0x62: {  	s21 =	simm.s32 $0x3E00;
	[tilespmem:$0x7B80] =	vst v63  }
0x63: {  	[spmem:s19] =	stream.indirect.scatter.add.f32 [tilespmem:s10], [sflag:$0x5], $0x80, s21, s15, $0xb8;
	[tilespmem:$0x1D000] =	vst v63  }
0x64: {  	_ =	swait.ge [sflag:s9], $0x1400  }
0x65: {  	[sflag:s9] =	ssyncset.done $0x0  }
0x66: {  	s22 =	simm.s32 $0x4;
	[sflag:s9] =	ssyncadd.s32 $0xFFFFEC00  }
0x67: {  	_ =	swait.ge [sflag:s22], $0x1400  }
0x68: {  	[sflag:s22] =	ssyncset.done $0x0  }
0x69: {  	[sflag:s22] =	ssyncadd.s32 $0xFFFFEC00  }
0x6a: {  	[bflag:$0x0] =	sbarrier.arrive $0xFFFF  }
0x6b: {  	[tilespmem:s10], [sflag:$0x5] =	stream.linear.gather [spmem:s23], $0x1400, $0x38;
	[tilespmem:$0x1D000] =	vst v63  }
0x6c: {  	_ =	swait.ge [sflag:s9], $0x1400  }
0x6d: {  	[sflag:s9] =	ssyncset.done $0x0  }
0x6e: {  	s18 =	rddreg [dreg:$0x3];
	[sflag:s9] =	ssyncadd.s32 $0xFFFFEC00  }
0x6f: {  	[hbm4b:s18+s1] =	stream.linear.scatter [tilespmem:s10], [sflag:$0x5], $0x1400, $0x38;
	[tilespmem:$0x1D000] =	vst v63  }
0x70: {  	_ =	swait.ge [sflag:s9], $0x1400  }
0x71: {  	[sflag:s9] =	ssyncset.done $0x0  }
0x72: {  	[sflag:s9] =	ssyncadd.s32 $0xFFFFEC00  }
0x73: {  	[tilespmem:s10], [sflag:$0x5] =	stream.linear.gather [spmem:s24], $0x1400, $0x38;
	[tilespmem:$0x1D000] =	vst v63  }
0x74: {  	_ =	swait.ge [sflag:s9], $0x1400  }
0x75: {  	[sflag:s9] =	ssyncset.done $0x0  }
0x76: {  	s22 =	smov.u32 s24;
	s24 =	rddreg [dreg:$0x4];
	[sflag:s9] =	ssyncadd.s32 $0xFFFFEC00  }
0x77: {  	[hbm4b:s24+s1] =	stream.linear.scatter [tilespmem:s10], [sflag:$0x5], $0x1400, $0x38;
	[tilespmem:$0x1D000] =	vst v63  }
0x78: {  	_ =	swait.ge [sflag:s9], $0x1400  }
0x79: {  	[sflag:s9] =	ssyncset.done $0x0  }
0x7a: {  	[sflag:s9] =	ssyncadd.s32 $0xFFFFEC00  }
0x7b: {  	[tilespmem:s10], [sflag:$0x5] =	stream.linear.gather [spmem:s25], $0x1400, $0x38;
	[tilespmem:$0x1D000] =	vst v63  }
0x7c: {  	_ =	swait.ge [sflag:s9], $0x1400  }
0x7d: {  	[sflag:s9] =	ssyncset.done $0x0  }
0x7e: {  	s20 =	smov.u32 s25;
	s25 =	rddreg [dreg:$0x5];
	[sflag:s9] =	ssyncadd.s32 $0xFFFFEC00  }
0x7f: {  	[hbm4b:s25+s1] =	stream.linear.scatter [tilespmem:s10], [sflag:$0x5], $0x1400, $0x38;
	[tilespmem:$0x1D000] =	vst v63  }
0x80: {  	_ =	swait.ge [sflag:s9], $0x1400  }
0x81: {  	[sflag:s9] =	ssyncset.done $0x0  }
0x82: {  	[sflag:s9] =	ssyncadd.s32 $0xFFFFEC00  }
0x83: {  	[tilespmem:s10], [sflag:$0x5] =	stream.linear.gather [spmem:s26], $0x1400, $0x38;
	[tilespmem:$0x1D000] =	vst v63  }
0x84: {  	_ =	swait.ge [sflag:s9], $0x1400  }
0x85: {  	[sflag:s9] =	ssyncset.done $0x0  }
0x86: {  	s4 =	rddreg [dreg:$0x6];
	[sflag:s9] =	ssyncadd.s32 $0xFFFFEC00  }
0x87: {  	[hbm4b:s4+s1] =	stream.linear.scatter [tilespmem:s10], [sflag:$0x5], $0x1400, $0x38;
	[tilespmem:$0x1D000] =	vst v63  }
0x88: {  	_ =	swait.ge [sflag:s9], $0x1400  }
0x89: {  	[sflag:s9] =	ssyncset.done $0x0  }
0x8a: {  	[sflag:s9] =	ssyncadd.s32 $0xFFFFEC00  }
0x8b: {  	[tilespmem:s10], [sflag:$0x5] =	stream.linear.gather [spmem:s29], $0x1400, $0x38;
	[tilespmem:$0x1D000] =	vst v63  }
0x8c: {  	_ =	swait.ge [sflag:s9], $0x1400  }
0x8d: {  	[sflag:s9] =	ssyncset.done $0x0  }
0x8e: {  	s16 =	rddreg [dreg:$0x7];
	[sflag:s9] =	ssyncadd.s32 $0xFFFFEC00  }
0x8f: {  	[hbm4b:s16+s1] =	stream.linear.scatter [tilespmem:s10], [sflag:$0x5], $0x1400, $0x38;
	[tilespmem:$0x1D000] =	vst v63  }
0x90: {  	_ =	swait.ge [sflag:s9], $0x1400  }
0x91: {  	[sflag:s9] =	ssyncset.done $0x0  }
0x92: {  	[sflag:s9] =	ssyncadd.s32 $0xFFFFEC00  }
0x93: {  	[tilespmem:s10], [sflag:$0x5] =	stream.linear.gather [spmem:s31], $0x1400, $0x38;
	[tilespmem:$0x1D000] =	vst v63  }
0x94: {  	_ =	swait.ge [sflag:s9], $0x1400  }
0x95: {  	[sflag:s9] =	ssyncset.done $0x0  }
0x96: {  	s21 =	smov.u32 s23;
	s23 =	rddreg [dreg:$0x8];
	[sflag:s9] =	ssyncadd.s32 $0xFFFFEC00  }
0x97: {  	[hbm4b:s23+s1] =	stream.linear.scatter [tilespmem:s10], [sflag:$0x5], $0x1400, $0x38;
	[tilespmem:$0x1D000] =	vst v63  }
0x98: {  	_ =	swait.ge [sflag:s9], $0x1400  }
0x99: {  	[sflag:s9] =	ssyncset.done $0x0  }
0x9a: {  	[sflag:s9] =	ssyncadd.s32 $0xFFFFEC00  }
0x9b: {  	[tilespmem:s10], [sflag:$0x5] =	stream.linear.gather [spmem:s0], $0x1400, $0x38;
	[tilespmem:$0x1D000] =	vst v63  }
0x9c: {  	_ =	swait.ge [sflag:s9], $0x1400  }
0x9d: {  	[sflag:s9] =	ssyncset.done $0x0  }
0x9e: {  	s24 =	rddreg [dreg:$0x9];
	[sflag:s9] =	ssyncadd.s32 $0xFFFFEC00  }
0x9f: {  	[hbm4b:s24+s1] =	stream.linear.scatter [tilespmem:s10], [sflag:$0x5], $0x1400, $0x38;
	[tilespmem:$0x1D000] =	vst v63  }
0xa0: {  	_ =	swait.ge [sflag:s9], $0x1400  }
0xa1: {  	[sflag:s9] =	ssyncset.done $0x0  }
0xa2: {  	[sflag:s9] =	ssyncadd.s32 $0xFFFFEC00  }
0xa3: {  	[tilespmem:s10], [sflag:$0x5] =	stream.linear.gather [spmem:s3], $0x1400, $0x38;
	[tilespmem:$0x1D000] =	vst v63  }
0xa4: {  	_ =	swait.ge [sflag:s9], $0x1400  }
0xa5: {  	[sflag:s9] =	ssyncset.done $0x0  }
0xa6: {  	s25 =	rddreg [dreg:$0xa];
	[sflag:s9] =	ssyncadd.s32 $0xFFFFEC00  }
0xa7: {  	[hbm4b:s25+s1] =	stream.linear.scatter [tilespmem:s10], [sflag:$0x5], $0x1400, $0x38;
	[tilespmem:$0x1D000] =	vst v63  }
0xa8: {  	_ =	swait.ge [sflag:s9], $0x1400  }
0xa9: {  	[sflag:s9] =	ssyncset.done $0x0  }
0xaa: {  	[sflag:s9] =	ssyncadd.s32 $0xFFFFEC00  }
0xab: {  	[tilespmem:s10], [sflag:$0x5] =	stream.linear.gather [spmem:s2], $0x1400, $0x38;
	[tilespmem:$0x1D000] =	vst v63  }
0xac: {  	_ =	swait.ge [sflag:s9], $0x1400  }
0xad: {  	[sflag:s9] =	ssyncset.done $0x0  }
0xae: {  	s28 =	smov.u32 s29;
	s29 =	rddreg [dreg:$0xb];
	[sflag:s9] =	ssyncadd.s32 $0xFFFFEC00  }
0xaf: {  	[hbm4b:s29+s1] =	stream.linear.scatter [tilespmem:s10], [sflag:$0x5], $0x1400, $0x38;
	[tilespmem:$0x1D000] =	vst v63  }
0xb0: {  	_ =	swait.ge [sflag:s9], $0x1400  }
0xb1: {  	[sflag:s9] =	ssyncset.done $0x0  }
0xb2: {  	[sflag:s9] =	ssyncadd.s32 $0xFFFFEC00  }
0xb3: {  	[tilespmem:s10], [sflag:$0x5] =	stream.linear.gather [spmem:s5], $0x1400, $0x38;
	[tilespmem:$0x1D000] =	vst v63  }
0xb4: {  	_ =	swait.ge [sflag:s9], $0x1400  }
0xb5: {  	[sflag:s9] =	ssyncset.done $0x0  }
0xb6: {  	s16 =	smov.u32 s0;
	s0 =	rddreg [dreg:$0xc];
	[sflag:s9] =	ssyncadd.s32 $0xFFFFEC00  }
0xb7: {  	[hbm4b:s0+s1] =	stream.linear.scatter [tilespmem:s10], [sflag:$0x5], $0x1400, $0x38;
	[tilespmem:$0x1D000] =	vst v63  }
0xb8: {  	_ =	swait.ge [sflag:s9], $0x1400  }
0xb9: {  	[sflag:s9] =	ssyncset.done $0x0  }
0xba: {  	[sflag:s9] =	ssyncadd.s32 $0xFFFFEC00  }
0xbb: {  	[tilespmem:s10], [sflag:$0x5] =	stream.linear.gather [spmem:s6], $0x1400, $0x38;
	[tilespmem:$0x1D000] =	vst v63  }
0xbc: {  	_ =	swait.ge [sflag:s9], $0x1400  }
0xbd: {  	[sflag:s9] =	ssyncset.done $0x0  }
0xbe: {  	s23 =	smov.u32 s3;
	s3 =	rddreg [dreg:$0xd];
	[sflag:s9] =	ssyncadd.s32 $0xFFFFEC00  }
0xbf: {  	[hbm4b:s3+s1] =	stream.linear.scatter [tilespmem:s10], [sflag:$0x5], $0x1400, $0x38;
	[tilespmem:$0x1D000] =	vst v63  }
0xc0: {  	_ =	swait.ge [sflag:s9], $0x1400  }
0xc1: {  	[sflag:s9] =	ssyncset.done $0x0  }
0xc2: {  	s30 =	smov.u32 s31;
	s31 =	rddreg [dreg:$0x15];
	[sflag:s9] =	ssyncadd.s32 $0xFFFFEC00  }
0xc3: {  	[tilespmem:s10], [sflag:$0x5] =	stream.linear.gather [spmem:s31], $0x1400, $0x38;
	[tilespmem:$0x1D000] =	vst v63  }
0xc4: {  	_ =	swait.ge [sflag:s9], $0x1400  }
0xc5: {  	[sflag:s9] =	ssyncset.done $0x0  }
0xc6: {  	s4 =	rddreg [dreg:$0xe];
	[sflag:s9] =	ssyncadd.s32 $0xFFFFEC00  }
0xc7: {  	[hbm4b:s4+s1] =	stream.linear.scatter [tilespmem:s10], [sflag:$0x5], $0x1400, $0x38;
	[tilespmem:$0x1D000] =	vst v63  }
0xc8: {  	_ =	swait.ge [sflag:s9], $0x1400  }
0xc9: {  	[sflag:s9] =	ssyncset.done $0x0  }
0xca: {  	s3 =	rddreg [dreg:$0x16];
	[sflag:s9] =	ssyncadd.s32 $0xFFFFEC00  }
0xcb: {  	[tilespmem:s10], [sflag:$0x5] =	stream.linear.gather [spmem:s3], $0x1400, $0x38;
	[tilespmem:$0x1D000] =	vst v63  }
0xcc: {  	_ =	swait.ge [sflag:s9], $0x1400  }
0xcd: {  	[sflag:s9] =	ssyncset.done $0x0  }
0xce: {  	s24 =	smov.u32 s5;
	s5 =	rddreg [dreg:$0xf];
	[sflag:s9] =	ssyncadd.s32 $0xFFFFEC00  }
0xcf: {  	[hbm4b:s5+s1] =	stream.linear.scatter [tilespmem:s10], [sflag:$0x5], $0x1400, $0x38;
	[tilespmem:$0x1D000] =	vst v63  }
0xd0: {  	_ =	swait.ge [sflag:s9], $0x1400  }
0xd1: {  	[sflag:s9] =	ssyncset.done $0x0  }
0xd2: {  	s0 =	rddreg [dreg:$0x17];
	[sflag:s9] =	ssyncadd.s32 $0xFFFFEC00  }
0xd3: {  	[tilespmem:s10], [sflag:$0x5] =	stream.linear.gather [spmem:s0], $0x1400, $0x38;
	[tilespmem:$0x1D000] =	vst v63  }
0xd4: {  	_ =	swait.ge [sflag:s9], $0x1400  }
0xd5: {  	[sflag:s9] =	ssyncset.done $0x0  }
0xd6: {  	s25 =	smov.u32 s6;
	s6 =	rddreg [dreg:$0x10];
	[sflag:s9] =	ssyncadd.s32 $0xFFFFEC00  }
0xd7: {  	[hbm4b:s6+s1] =	stream.linear.scatter [tilespmem:s10], [sflag:$0x5], $0x1400, $0x38;
	[tilespmem:$0x1D000] =	vst v63  }
0xd8: {  	_ =	swait.ge [sflag:s9], $0x1400  }
0xd9: {  	[sflag:s9] =	ssyncset.done $0x0  }
0xda: {  	s5 =	rddreg [dreg:$0x18];
	[sflag:s9] =	ssyncadd.s32 $0xFFFFEC00  }
0xdb: {  	[tilespmem:s10], [sflag:$0x5] =	stream.linear.gather [spmem:s5], $0x1400, $0x38;
	[tilespmem:$0x1D000] =	vst v63  }
0xdc: {  	_ =	swait.ge [sflag:s9], $0x1400  }
0xdd: {  	[sflag:s9] =	ssyncset.done $0x0  }
0xde: {  	s29 =	rddreg [dreg:$0x11];
	[sflag:s9] =	ssyncadd.s32 $0xFFFFEC00  }
0xdf: {  	[hbm4b:s29+s1] =	stream.linear.scatter [tilespmem:s10], [sflag:$0x5], $0x1400, $0x38;
	[tilespmem:$0x1D000] =	vst v63  }
0xe0: {  	_ =	swait.ge [sflag:s9], $0x1400  }
0xe1: {  	[sflag:s9] =	ssyncset.done $0x0  }
0xe2: {  	s6 =	rddreg [dreg:$0x19];
	[sflag:s9] =	ssyncadd.s32 $0xFFFFEC00  }
0xe3: {  	[tilespmem:s10], [sflag:$0x5] =	stream.linear.gather [spmem:s6], $0x1400, $0x38;
	[tilespmem:$0x1D000] =	vst v63  }
0xe4: {  	_ =	swait.ge [sflag:s9], $0x1400  }
0xe5: {  	[sflag:s9] =	ssyncset.done $0x0  }
0xe6: {  	s4 =	rddreg [dreg:$0x12];
	[sflag:s9] =	ssyncadd.s32 $0xFFFFEC00  }
0xe7: {  	[hbm4b:s4+s1] =	stream.linear.scatter [tilespmem:s10], [sflag:$0x5], $0x1400, $0x38;
	[tilespmem:$0x1D000] =	vst v63  }
0xe8: {  	_ =	swait.ge [sflag:s9], $0x1400  }
0xe9: {  	s8 =	sadd.s32 $0x1, s8;
	s29 =	rddreg [dreg:$0x1a]  }
0xea: {  	p0 =	sne.s32 s8, s29  }
.Ltmp1:
0xeb: {  	_ = 	snop;
	(pc) =	sbr.rel @!p0 .LBB2_5-.Ltmp1, $3  }
0xec: {  	_ =	sdelay $0x1  }
0xed: {  	[sflag:s9] =	ssyncset.done $0x0  }
0xee: {  	s4 =	smov.u32 s2;
	[sflag:s9] =	ssyncadd.s32 $0xFFFFEC00  }
.LBB2_1:
0xef: {  	s18 =	rddreg [dreg:$0x14]  }
0xf0: {  	[tilespmem:s1], [sflag:$0x5] =	stream.linear.gather [hbm4b:s18+s1], $0x3E80, $0x38;
	[tilespmem:$0x1D000] =	vst v63  }
0xf1: {  	_ =	swait.ge [sflag:s9], $0x3E80  }
0xf2: {  	[sflag:s9] =	ssyncset.done $0x0  }
0xf3: {  	s2 =	rddreg [dreg:$0x13];
	[sflag:s9] =	ssyncadd.s32 $0xFFFFC180  }
0xf4: {  	[tilespmem:s10], [sflag:$0x5] =	stream.linear.gather [hbm4b:s2+s1], $0x1400, $0x38;
	[tilespmem:$0x1D000] =	vst v63  }
0xf5: {  	_ =	swait.ge [sflag:s9], $0x1400  }
0xf6: {  	[sflag:s9] =	ssyncset.done $0x0  }
0xf7: {  	[sflag:s9] =	ssyncadd.s32 $0xFFFFEC00  }
0xf8: {  	[tilespmem:s11], [sflag:$0x5] =	stream.linear.gather [hbm4b:s2+s1], $0x1400, $0x38;
	[tilespmem:$0x1D000] =	vst v63  }
0xf9: {  	_ =	swait.ge [sflag:s9], $0x1400  }
0xfa: {  	[sflag:s9] =	ssyncset.done $0x0  }
0xfb: {  	[sflag:s9] =	ssyncadd.s32 $0xFFFFEC00  }
0xfc: {  	[spmem:s21] =	stream.linear.scatter [tilespmem:s10], [sflag:$0x5], $0x1400, $0x38;
	[tilespmem:$0x1D000] =	vst v63  }
0xfd: {  	_ =	swait.ge [sflag:s9], $0x1400  }
0xfe: {  	[sflag:s9] =	ssyncset.done $0x0  }
0xff: {  	[sflag:s9] =	ssyncadd.s32 $0xFFFFEC00  }
0x100: {  	[spmem:s22] =	stream.linear.scatter [tilespmem:s10], [sflag:$0x5], $0x1400, $0x38;
	[tilespmem:$0x1D000] =	vst v63  }
0x101: {  	_ =	swait.ge [sflag:s9], $0x1400  }
0x102: {  	[sflag:s9] =	ssyncset.done $0x0  }
0x103: {  	[sflag:s9] =	ssyncadd.s32 $0xFFFFEC00  }
0x104: {  	[spmem:s20] =	stream.linear.scatter [tilespmem:s10], [sflag:$0x5], $0x1400, $0x38;
	[tilespmem:$0x1D000] =	vst v63  }
0x105: {  	_ =	swait.ge [sflag:s9], $0x1400  }
0x106: {  	[sflag:s9] =	ssyncset.done $0x0  }
0x107: {  	[sflag:s9] =	ssyncadd.s32 $0xFFFFEC00  }
0x108: {  	[spmem:s26] =	stream.linear.scatter [tilespmem:s10], [sflag:$0x5], $0x1400, $0x38;
	[tilespmem:$0x1D000] =	vst v63  }
0x109: {  	_ =	swait.ge [sflag:s9], $0x1400  }
0x10a: {  	[sflag:s9] =	ssyncset.done $0x0  }
0x10b: {  	[sflag:s9] =	ssyncadd.s32 $0xFFFFEC00  }
0x10c: {  	[spmem:s28] =	stream.linear.scatter [tilespmem:s10], [sflag:$0x5], $0x1400, $0x38;
	[tilespmem:$0x1D000] =	vst v63  }
0x10d: {  	_ =	swait.ge [sflag:s9], $0x1400  }
0x10e: {  	[sflag:s9] =	ssyncset.done $0x0  }
0x10f: {  	[sflag:s9] =	ssyncadd.s32 $0xFFFFEC00  }
0x110: {  	[spmem:s30] =	stream.linear.scatter [tilespmem:s10], [sflag:$0x5], $0x1400, $0x38;
	[tilespmem:$0x1D000] =	vst v63  }
0x111: {  	_ =	swait.ge [sflag:s9], $0x1400  }
0x112: {  	[sflag:s9] =	ssyncset.done $0x0  }
0x113: {  	[sflag:s9] =	ssyncadd.s32 $0xFFFFEC00  }
0x114: {  	[spmem:s16] =	stream.linear.scatter [tilespmem:s10], [sflag:$0x5], $0x1400, $0x38;
	[tilespmem:$0x1D000] =	vst v63  }
0x115: {  	_ =	swait.ge [sflag:s9], $0x1400  }
0x116: {  	[sflag:s9] =	ssyncset.done $0x0  }
0x117: {  	s2 =	smov.u32 s23;
	[sflag:s9] =	ssyncadd.s32 $0xFFFFEC00  }
0x118: {  	[spmem:s2] =	stream.linear.scatter [tilespmem:s10], [sflag:$0x5], $0x1400, $0x38;
	[tilespmem:$0x1D000] =	vst v63  }
0x119: {  	_ =	swait.ge [sflag:s9], $0x1400  }
0x11a: {  	[sflag:s9] =	ssyncset.done $0x0  }
0x11b: {  	[sflag:s9] =	ssyncadd.s32 $0xFFFFEC00  }
0x11c: {  	[spmem:s4] =	stream.linear.scatter [tilespmem:s10], [sflag:$0x5], $0x1400, $0x38;
	[tilespmem:$0x1D000] =	vst v63  }
0x11d: {  	_ =	swait.ge [sflag:s9], $0x1400  }
0x11e: {  	[sflag:s9] =	ssyncset.done $0x0  }
0x11f: {  	s23 =	smov.u32 s21;
	s21 =	smov.u32 s24;
	[sflag:s9] =	ssyncadd.s32 $0xFFFFEC00  }
0x120: {  	[spmem:s21] =	stream.linear.scatter [tilespmem:s10], [sflag:$0x5], $0x1400, $0x38;
	[tilespmem:$0x1D000] =	vst v63  }
0x121: {  	_ =	swait.ge [sflag:s9], $0x1400  }
0x122: {  	[sflag:s9] =	ssyncset.done $0x0  }
0x123: {  	s24 =	smov.u32 s22;
	s22 =	smov.u32 s25;
	[sflag:s9] =	ssyncadd.s32 $0xFFFFEC00  }
0x124: {  	[spmem:s22] =	stream.linear.scatter [tilespmem:s10], [sflag:$0x5], $0x1400, $0x38;
	[tilespmem:$0x1D000] =	vst v63  }
0x125: {  	_ =	swait.ge [sflag:s9], $0x1400  }
0x126: {  	[sflag:s9] =	ssyncset.done $0x0  }
0x127: {  	s18 =	smov.u32 s31;
	[sflag:s9] =	ssyncadd.s32 $0xFFFFEC00  }
0x128: {  	[spmem:s18] =	stream.linear.scatter [tilespmem:s10], [sflag:$0x5], $0x1400, $0x38;
	[tilespmem:$0x1D000] =	vst v63  }
0x129: {  	_ =	swait.ge [sflag:s9], $0x1400  }
0x12a: {  	s25 =	smov.u32 s20;
	s20 =	smov.u32 s0;
	[sflag:s9] =	ssyncset.done $0x0  }
0x12b: {  	s0 =	smov.u32 s16;
	s16 =	smov.u32 s3;
	[sflag:s9] =	ssyncadd.s32 $0xFFFFEC00  }
0x12c: {  	[spmem:s16] =	stream.linear.scatter [tilespmem:s10], [sflag:$0x5], $0x1400, $0x38;
	[tilespmem:$0x1D000] =	vst v63  }
0x12d: {  	_ =	swait.ge [sflag:s9], $0x1400  }
0x12e: {  	[sflag:s9] =	ssyncset.done $0x0  }
0x12f: {  	[sflag:s9] =	ssyncadd.s32 $0xFFFFEC00  }
0x130: {  	[spmem:s20] =	stream.linear.scatter [tilespmem:s10], [sflag:$0x5], $0x1400, $0x38;
	[tilespmem:$0x1D000] =	vst v63  }
0x131: {  	_ =	swait.ge [sflag:s9], $0x1400  }
0x132: {  	[sflag:s9] =	ssyncset.done $0x0  }
0x133: {  	s31 =	smov.u32 s30;
	s30 =	smov.u32 s5;
	[sflag:s9] =	ssyncadd.s32 $0xFFFFEC00  }
0x134: {  	[spmem:s30] =	stream.linear.scatter [tilespmem:s10], [sflag:$0x5], $0x1400, $0x38;
	[tilespmem:$0x1D000] =	vst v63  }
0x135: {  	_ =	swait.ge [sflag:s9], $0x1400  }
0x136: {  	[sflag:s9] =	ssyncset.done $0x0  }
0x137: {  	s29 =	smov.u32 s28;
	s28 =	smov.u32 s6;
	[sflag:s9] =	ssyncadd.s32 $0xFFFFEC00  }
0x138: {  	[spmem:s28] =	stream.linear.scatter [tilespmem:s10], [sflag:$0x5], $0x1400, $0x38;
	[tilespmem:$0x1D000] =	vst v63  }
0x139: {  	_ =	swait.ge [sflag:s9], $0x1400  }
0x13a: {  	[sflag:s9] =	ssyncset.done $0x0  }
0x13b: {  	s6 =	smov.u32 s22;
	s5 =	smov.u32 s21;
	[sflag:s9] =	ssyncadd.s32 $0xFFFFEC00  }
0x13c: {  	s3 =	smov.u32 s2;
	s2 =	smov.u32 s4;
	[bflag:$0x0] =	sbarrier.arrive $0xFFFF  }
0x13d: {  	[tilespmem:s12], [sflag:$0x1] =	stream.linear.gather [hbm4b:s7+s1], $0x1400, $0x38;
	[tilespmem:$0x1D000] =	vst v63  }
0x13e: {  	s21 =	simm.s32 $0x0;
	s18 =	sadd.s32 $0x780, s7;
	s30 =	sadd.s32 $0x280, s7  }
0x13f: {  	[tilespmem:s13], [sflag:$0x2] =	stream.linear.gather [hbm4b:s30+s1], $0x1400, $0x38;
	[tilespmem:$0x1D000] =	vst v63  }
.LBB2_2:
0x140: {  	_ =	swait.ge [sflag:s14], $0x1400  }
0x141: {  	p0 =	seq.s32 s21, $0x0;
	[sflag:s14] =	ssyncset.done $0x0  }
0x142: {  	s20 =	simm.s32 @!p0 $0x3;
	[sflag:s14] =	ssyncadd.s32 $0xFFFFEC00  }
0x143: {  	_ =	swait.ge @!p0 [sflag:s20], $0x1400  }
0x144: {  	[sflag:s20] =	ssyncset.done @!p0 $0x0  }
0x145: {  	[sflag:s20] =	ssyncadd.s32 @!p0 $0xFFFFEC00  }
0x146: {  	v0 =	vld [tilespmem:$0x4000]  }
0x147: {  	v1 =	vld [tilespmem:$0x4080]  }
0x148: {  	v2 =	vld [tilespmem:$0x4100]  }
0x149: {  	v3 =	vld [tilespmem:$0x4180]  }
0x14a: {  	v4 =	vld [tilespmem:$0x4200]  }
0x14b: {  	v45 =	vld [tilespmem:$0x4280];
	[tilespmem:$0x6800] =	vst v0  }
0x14c: {  	v46 =	vld [tilespmem:$0x4300];
	[tilespmem:$0x6880] =	vst v1  }
0x14d: {  	v47 =	vld [tilespmem:$0x4380];
	[tilespmem:$0x6900] =	vst v2  }
0x14e: {  	v48 =	vld [tilespmem:$0x4400];
	[tilespmem:$0x6980] =	vst v3  }
0x14f: {  	v49 =	vld [tilespmem:$0x4480];
	[tilespmem:$0x6A00] =	vst v4  }
0x150: {  	v50 =	vld [tilespmem:$0x4500];
	[tilespmem:$0x6A80] =	vst v45  }
0x151: {  	v51 =	vld [tilespmem:$0x4580];
	[tilespmem:$0x6B00] =	vst v46  }
0x152: {  	v52 =	vld [tilespmem:$0x4600];
	[tilespmem:$0x6B80] =	vst v47  }
0x153: {  	v53 =	vld [tilespmem:$0x4680];
	[tilespmem:$0x6C00] =	vst v48  }
0x154: {  	v54 =	vld [tilespmem:$0x4700];
	[tilespmem:$0x6C80] =	vst v49  }
0x155: {  	v55 =	vld [tilespmem:$0x4780];
	[tilespmem:$0x6D00] =	vst v50  }
0x156: {  	v56 =	vld [tilespmem:$0x4800];
	[tilespmem:$0x6D80] =	vst v51  }
0x157: {  	v57 =	vld [tilespmem:$0x4880];
	[tilespmem:$0x6E00] =	vst v52  }
0x158: {  	v58 =	vld [tilespmem:$0x4900];
	[tilespmem:$0x6E80] =	vst v53  }
0x159: {  	v59 =	vld [tilespmem:$0x4980];
	[tilespmem:$0x6F00] =	vst v54  }
0x15a: {  	v60 =	vld [tilespmem:$0x4A00];
	[tilespmem:$0x6F80] =	vst v55  }
0x15b: {  	v61 =	vld [tilespmem:$0x4A80];
	[tilespmem:$0x7000] =	vst v56  }
0x15c: {  	v62 =	vld [tilespmem:$0x4B00];
	[tilespmem:$0x7080] =	vst v57  }
0x15d: {  	v63 =	vld [tilespmem:$0x4B80];
	[tilespmem:$0x7100] =	vst v58  }
0x15e: {  	v8 =	vld [tilespmem:$0x4C00];
	[tilespmem:$0x7180] =	vst v59  }
0x15f: {  	v9 =	vld [tilespmem:$0x4C80];
	[tilespmem:$0x7200] =	vst v60  }
0x160: {  	v10 =	vld [tilespmem:$0x4D00];
	[tilespmem:$0x7280] =	vst v61  }
0x161: {  	v11 =	vld [tilespmem:$0x4D80];
	[tilespmem:$0x7300] =	vst v62  }
0x162: {  	v12 =	vld [tilespmem:$0x4E00];
	[tilespmem:$0x7380] =	vst v63  }
0x163: {  	v13 =	vld [tilespmem:$0x4E80];
	[tilespmem:$0x7400] =	vst v8  }
0x164: {  	v14 =	vld [tilespmem:$0x4F00];
	[tilespmem:$0x7480] =	vst v9  }
0x165: {  	v15 =	vld [tilespmem:$0x4F80];
	[tilespmem:$0x7500] =	vst v10  }
0x166: {  	v16 =	vld [tilespmem:$0x5000];
	[tilespmem:$0x7580] =	vst v11  }
0x167: {  	v17 =	vld [tilespmem:$0x5080];
	[tilespmem:$0x7600] =	vst v12  }
0x168: {  	v18 =	vld [tilespmem:$0x5100];
	[tilespmem:$0x7680] =	vst v13  }
0x169: {  	v19 =	vld [tilespmem:$0x5180];
	[tilespmem:$0x7700] =	vst v14  }
0x16a: {  	v20 =	vld [tilespmem:$0x5200];
	[tilespmem:$0x7780] =	vst v15  }
0x16b: {  	v21 =	vld [tilespmem:$0x5280];
	[tilespmem:$0x7800] =	vst v16  }
0x16c: {  	v22 =	vld [tilespmem:$0x5300];
	[tilespmem:$0x7880] =	vst v17  }
0x16d: {  	v23 =	vld [tilespmem:$0x5380];
	[tilespmem:$0x7900] =	vst v18  }
0x16e: {  	[tilespmem:$0x7980] =	vst v19  }
0x16f: {  	[tilespmem:$0x7A00] =	vst v20  }
0x170: {  	[tilespmem:$0x7A80] =	vst v21  }
0x171: {  	[tilespmem:$0x7B00] =	vst v22  }
0x172: {  	s30 =	sshra.s32 s21, $0x2;
	[tilespmem:$0x7B80] =	vst v23  }
0x173: {  	[spmem:s19] =	stream.indirect.scatter.add.f32 [tilespmem:s10], [sflag:$0x3], $0x80, s30, s15, $0xb8;
	[tilespmem:$0x1D000] =	vst v63  }
0x174: {  	s22 =	sadd.s32 $0xFFFFFD80, s18  }
0x175: {  	[tilespmem:s12], [sflag:$0x1] =	stream.linear.gather [hbm4b:s22+s1], $0x1400, $0x38;
	[tilespmem:$0x1D000] =	vst v63  }
0x176: {  	_ =	swait.ge [sflag:s17], $0x1400  }
0x177: {  	[sflag:s17] =	ssyncset.done $0x0  }
0x178: {  	s22 =	simm.s32 @!p0 $0x4;
	[sflag:s17] =	ssyncadd.s32 $0xFFFFEC00  }
0x179: {  	_ =	swait.ge @!p0 [sflag:s22], $0x1400  }
0x17a: {  	[sflag:s22] =	ssyncset.done @!p0 $0x0  }
0x17b: {  	[sflag:s22] =	ssyncadd.s32 @!p0 $0xFFFFEC00  }
0x17c: {  	v24 =	vld [tilespmem:$0x5400]  }
0x17d: {  	v25 =	vld [tilespmem:$0x5480]  }
0x17e: {  	v26 =	vld [tilespmem:$0x5500]  }
0x17f: {  	v27 =	vld [tilespmem:$0x5580]  }
0x180: {  	v28 =	vld [tilespmem:$0x5600]  }
0x181: {  	v29 =	vld [tilespmem:$0x5680];
	[tilespmem:$0x7C00] =	vst v24  }
0x182: {  	v30 =	vld [tilespmem:$0x5700];
	[tilespmem:$0x7C80] =	vst v25  }
0x183: {  	v31 =	vld [tilespmem:$0x5780];
	[tilespmem:$0x7D00] =	vst v26  }
0x184: {  	v32 =	vld [tilespmem:$0x5800];
	[tilespmem:$0x7D80] =	vst v27  }
0x185: {  	v33 =	vld [tilespmem:$0x5880];
	[tilespmem:$0x7E00] =	vst v28  }
0x186: {  	v34 =	vld [tilespmem:$0x5900];
	[tilespmem:$0x7E80] =	vst v29  }
0x187: {  	v35 =	vld [tilespmem:$0x5980];
	[tilespmem:$0x7F00] =	vst v30  }
0x188: {  	v36 =	vld [tilespmem:$0x5A00];
	[tilespmem:$0x7F80] =	vst v31  }
0x189: {  	v37 =	vld [tilespmem:$0x5A80];
	[tilespmem:$0x8000] =	vst v32  }
0x18a: {  	v38 =	vld [tilespmem:$0x5B00];
	[tilespmem:$0x8080] =	vst v33  }
0x18b: {  	v39 =	vld [tilespmem:$0x5B80];
	[tilespmem:$0x8100] =	vst v34  }
0x18c: {  	v40 =	vld [tilespmem:$0x5C00];
	[tilespmem:$0x8180] =	vst v35  }
0x18d: {  	v41 =	vld [tilespmem:$0x5C80];
	[tilespmem:$0x8200] =	vst v36  }
0x18e: {  	v42 =	vld [tilespmem:$0x5D00];
	[tilespmem:$0x8280] =	vst v37  }
0x18f: {  	v43 =	vld [tilespmem:$0x5D80];
	[tilespmem:$0x8300] =	vst v38  }
0x190: {  	v44 =	vld [tilespmem:$0x5E00];
	[tilespmem:$0x8380] =	vst v39  }
0x191: {  	v45 =	vld [tilespmem:$0x5E80];
	[tilespmem:$0x8400] =	vst v40  }
0x192: {  	v46 =	vld [tilespmem:$0x5F00];
	[tilespmem:$0x8480] =	vst v41  }
0x193: {  	v47 =	vld [tilespmem:$0x5F80];
	[tilespmem:$0x8500] =	vst v42  }
0x194: {  	v48 =	vld [tilespmem:$0x6000];
	[tilespmem:$0x8580] =	vst v43  }
0x195: {  	v49 =	vld [tilespmem:$0x6080];
	[tilespmem:$0x8600] =	vst v44  }
0x196: {  	v50 =	vld [tilespmem:$0x6100];
	[tilespmem:$0x8680] =	vst v45  }
0x197: {  	v51 =	vld [tilespmem:$0x6180];
	[tilespmem:$0x8700] =	vst v46  }
0x198: {  	v52 =	vld [tilespmem:$0x6200];
	[tilespmem:$0x8780] =	vst v47  }
0x199: {  	v53 =	vld [tilespmem:$0x6280];
	[tilespmem:$0x8800] =	vst v48  }
0x19a: {  	v54 =	vld [tilespmem:$0x6300];
	[tilespmem:$0x8880] =	vst v49  }
0x19b: {  	v55 =	vld [tilespmem:$0x6380];
	[tilespmem:$0x8900] =	vst v50  }
0x19c: {  	v56 =	vld [tilespmem:$0x6400];
	[tilespmem:$0x8980] =	vst v51  }
0x19d: {  	v57 =	vld [tilespmem:$0x6480];
	[tilespmem:$0x8A00] =	vst v52  }
0x19e: {  	v58 =	vld [tilespmem:$0x6500];
	[tilespmem:$0x8A80] =	vst v53  }
0x19f: {  	v59 =	vld [tilespmem:$0x6580];
	[tilespmem:$0x8B00] =	vst v54  }
0x1a0: {  	v60 =	vld [tilespmem:$0x6600];
	[tilespmem:$0x8B80] =	vst v55  }
0x1a1: {  	v61 =	vld [tilespmem:$0x6680];
	[tilespmem:$0x8C00] =	vst v56  }
0x1a2: {  	v62 =	vld [tilespmem:$0x6700];
	[tilespmem:$0x8C80] =	vst v57  }
0x1a3: {  	v63 =	vld [tilespmem:$0x6780];
	[tilespmem:$0x8D00] =	vst v58  }
0x1a4: {  	p0 =	seq.s32 s21, $0xF400;
	[tilespmem:$0x8D80] =	vst v59  }
.Ltmp2:
0x1a5: {  	[tilespmem:$0x8E00] =	vst v60;
	(pc) =	sbr.rel @p0 .LBB2_4-.Ltmp2, $4  }
0x1a6: {  	[tilespmem:$0x8E80] =	vst v61  }
0x1a7: {  	[tilespmem:$0x8F00] =	vst v62  }
0x1a8: {  	s20 =	sadd.s32 $0x80, s30;
	[tilespmem:$0x8F80] =	vst v63  }
0x1a9: {  	[spmem:s19] =	stream.indirect.scatter.add.f32 [tilespmem:s11], [sflag:$0x4], $0x80, s20, s15, $0xb8;
	[tilespmem:$0x1D000] =	vst v63  }
.Ltmp3:
0x1aa: {  	(pc) =	sbr.rel .LBB2_2-.Ltmp3, $3  }
0x1ab: {  	_ =	sdelay $0x1  }
0x1ac: {  	[tilespmem:s13], [sflag:$0x2] =	stream.linear.gather [hbm4b:s18+s1], $0x1400, $0x38;
	[tilespmem:$0x1D000] =	vst v63  }
0x1ad: {  	s21 =	sadd.s32 $0x400, s21;
	s18 =	sadd.s32 $0x500, s18  }
.LBB2_5:
0x1ae: {  	_ =	sfence.sel $0x180000  }
0x1af: {  	[bflag:$0x0] =	sbarrier.arrive $0xFFFF  }
0x1b0: {  	_ =	strace $0x9000004A  }
0x1b1: {  	s0 =	stileid.u32;
	[bflag:$0x2] =	sbarrier.arrive $0xFFFF  }
0x1b2: {  	p0 =	sne.s32 s0, $0x0;
	s0 =	rddreg [dreg:$0x2]  }
0x1b3: {  	s0 =	sadd.s32 @!p0 $0x100000, s0  }
0x1b4: {  	[sflag:s0] =	ssyncadd.tile.s32 @!p0 $0x1;
	_ =	shalt  }
.Lfunc_end2:
_tile_overlayer_lowered:
.L_overlay_start_2:
0x1b5: {  	(tag) =	ssettag $0x2  }
0x1b6: {  	s0 =	rddreg [dreg:$0x0];
	s2 =	stileid.u32  }
0x1b7: {  	s1 =	rddreg [dreg:$0x1];
	p0 =	sne.s32 s2, $0x0  }
0x1b8: {  	s3 =	rddreg [dreg:$0x2];
	[bflag:$0x3] =	sbarrier.arrive $0xFFFF;
	s2 =	simm.s32 @!p0 $0x1C05  }
0x1b9: {  	[timem:s3], [sflag:s2] =	dma.local @!p0 [hbm:s0], s1  }
0x1ba: {  	s0 =	simm.s32 @!p0 $0x5  }
0x1bb: {  	_ =	swait.ge @!p0 [sflag:s0], s1  }
0x1bc: {  	s1 =	ssub.s32 @!p0 $0x0, s1;
	[sflag:s0] =	ssyncset.done @!p0 $0x0  }
0x1bd: {  	[sflag:s0] =	ssyncadd.s32 @!p0 s1  }
0x1be: {  	[bflag:$0x3] =	sbarrier.arrive $0xFFFF  }
0x1bf: {  	_ =	shalt  }

</sc_bundles>
